<compile_context>
chip_gen: v7x
topology: tpu7x:2x2x1
jax: 0.10.2.dev20260603
libtpu: 0.0.44.dev20260713+nightly
codegen_flags: <defaults>
</compile_context>

<pallas_src>
import functools

import jax
import jax.numpy as jnp
from jax import lax
from jax.experimental import pallas as pl
from jax.experimental.pallas import tpu as pltpu
from jax.experimental.pallas import tpu_sc as plsc

LATENT = 128
N_NODES = 10000
N_EDGES = 320000
N_GRAPHS = 64
MAX_LV = 3

NC, NS = 2, 16
HALF = LATENT // NC
E_PER_SUB = N_EDGES // NS
CHUNK = 80
N_CHUNKS = E_PER_SUB // CHUNK
NBUF = 5
ROWS_PER_SUB = N_NODES // NS
ZROWS = 25

BLK = 2000
N_BLK = N_NODES // BLK


def _spmm_body(cur_hbm, src_hbm, dst_hbm, agg_hbm,
               agg_sh, src_v, dst_v, rows, zbuf, sems, isem):
    c = lax.axis_index("c")
    s = lax.axis_index("s")

    i0 = pltpu.async_copy(src_hbm.at[pl.ds(s * E_PER_SUB, E_PER_SUB)], src_v, isem)
    i1 = pltpu.async_copy(dst_hbm.at[pl.ds(s * E_PER_SUB, E_PER_SUB)], dst_v, isem)

    zero = jnp.zeros((16,), jnp.float32)
    for r in range(ZROWS):
        for q in range(HALF // 16):
            zbuf[r, pl.ds(q * 16, 16)] = zero
    base_row = s * ROWS_PER_SUB

    def zbody(i, carry):
        pltpu.sync_copy(zbuf, agg_sh.at[pl.ds(base_row + i * ZROWS, ZROWS)])
        return carry

    lax.fori_loop(0, ROWS_PER_SUB // ZROWS, zbody, 0)
    i0.wait()
    i1.wait()
    plsc.subcore_barrier()

    cur_c = cur_hbm.at[c]

    def start(j, q):
        pltpu.async_copy(cur_c.at[src_v.at[pl.ds(j * CHUNK, CHUNK)]],
                         rows[q], sems[q])

    def finish(j, q):
        pltpu.make_async_copy(cur_c.at[src_v.at[pl.ds(j * CHUNK, CHUNK)]],
                              rows[q], sems[q]).wait()
        pltpu.sync_copy(rows[q], agg_sh.at[dst_v.at[pl.ds(j * CHUNK, CHUNK)]],
                        add=True)

    for q in range(NBUF - 1):
        start(q, q)

    def body(t, carry):
        j0 = NBUF * t
        for q in range(NBUF):
            finish(j0 + q, q)
            start(j0 + q + NBUF - 1, (q + NBUF - 1) % NBUF)
        return carry

    lax.fori_loop(0, N_CHUNKS // NBUF - 1, body, 0)
    j0 = N_CHUNKS - NBUF
    finish(j0, 0)
    start(N_CHUNKS - 1, NBUF - 1)
    for q in range(1, NBUF):
        finish(j0 + q, q)

    plsc.subcore_barrier()
    pltpu.sync_copy(agg_sh.at[pl.ds(base_row, ROWS_PER_SUB)],
                    agg_hbm.at[pl.ds(base_row, ROWS_PER_SUB),
                               pl.ds(c * HALF, HALF)])


@functools.lru_cache(maxsize=1)
def _get_spmm():
    return pl.kernel(
        _spmm_body,
        out_type=jax.ShapeDtypeStruct((N_NODES, LATENT), jnp.float32),
        mesh=plsc.VectorSubcoreMesh(core_axis_name="c", subcore_axis_name="s",
                                    num_cores=NC, num_subcores=NS),
        scratch_types=[
            pltpu.VMEM_SHARED((N_NODES, HALF), jnp.float32),
            pltpu.VMEM((E_PER_SUB,), jnp.int32),
            pltpu.VMEM((E_PER_SUB,), jnp.int32),
            [pltpu.VMEM((CHUNK, HALF), jnp.float32) for _ in range(NBUF)],
            pltpu.VMEM((ZROWS, HALF), jnp.float32),
            [pltpu.SemaphoreType.DMA for _ in range(NBUF)],
            pltpu.SemaphoreType.DMA,
        ],
        compiler_params=pltpu.CompilerParams(use_tc_tiling_on_sc=False),
    )


def _spmm(cur2, src, dst):
    return _get_spmm()(cur2, src, dst)


def _split(cur_ref, h):
    cur_ref[0] = h[:, :HALF]
    cur_ref[1] = h[:, HALF:]


_CUR2_SPEC = pl.BlockSpec((NC, BLK, HALF), lambda i: (0, i, 0))
_CUR2_SHAPE = jax.ShapeDtypeStruct((NC, N_NODES, HALF), jnp.float32)


def _proj_body(x_ref, w_ref, im_ref, cur_ref):
    im = jnp.dot(x_ref[...], w_ref[...], preferred_element_type=jnp.float32)
    im_ref[...] = im
    _split(cur_ref, jnp.maximum(im, 0.0))


def _proj(x, w):
    return pl.pallas_call(
        _proj_body,
        grid=(N_BLK,),
        in_specs=[
            pl.BlockSpec((BLK, LATENT), lambda i: (i, 0)),
            pl.BlockSpec((LATENT, LATENT), lambda i: (0, 0)),
        ],
        out_specs=[
            pl.BlockSpec((BLK, LATENT), lambda i: (i, 0)),
            _CUR2_SPEC,
        ],
        out_shape=[
            jax.ShapeDtypeStruct((N_NODES, LATENT), jnp.float32),
            _CUR2_SHAPE,
        ],
    )(x, w)


def _upd_body(agg_ref, im_ref, w_ref, cur_ref):
    h = jnp.dot(agg_ref[...], w_ref[...], preferred_element_type=jnp.float32)
    _split(cur_ref, jnp.maximum(h + im_ref[...], 0.0))


def _upd(agg, im, w):
    return pl.pallas_call(
        _upd_body,
        grid=(N_BLK,),
        in_specs=[
            pl.BlockSpec((BLK, LATENT), lambda i: (i, 0)),
            pl.BlockSpec((BLK, LATENT), lambda i: (i, 0)),
            pl.BlockSpec((LATENT, LATENT), lambda i: (0, 0)),
        ],
        out_specs=_CUR2_SPEC,
        out_shape=_CUR2_SHAPE,
    )(agg, im, w)


def _fin_body(agg_ref, im_ref, gid_ref, wc_ref, wo_ref, out_ref, pooled):
    i = pl.program_id(0)

    @pl.when(i == 0)
    def _():
        pooled[...] = jnp.zeros_like(pooled)

    h = jnp.dot(agg_ref[...], wc_ref[...], preferred_element_type=jnp.float32)
    cur = jnp.maximum(h + im_ref[...], 0.0)
    ids = gid_ref[0, 0, :]
    onehot = (ids[None, :] == lax.broadcasted_iota(jnp.int32, (N_GRAPHS, BLK), 0)
              ).astype(jnp.float32)
    pooled[...] += jnp.dot(onehot, cur, preferred_element_type=jnp.float32)

    @pl.when(i == N_BLK - 1)
    def _():
        out_ref[...] = jnp.maximum(
            jnp.dot(pooled[...], wo_ref[...], preferred_element_type=jnp.float32), 0.0)


def _fin(agg, im, gid, wc, wo):
    return pl.pallas_call(
        _fin_body,
        grid=(N_BLK,),
        in_specs=[
            pl.BlockSpec((BLK, LATENT), lambda i: (i, 0)),
            pl.BlockSpec((BLK, LATENT), lambda i: (i, 0)),
            pl.BlockSpec((1, 1, BLK), lambda i: (i, 0, 0)),
            pl.BlockSpec((LATENT, LATENT), lambda i: (0, 0)),
            pl.BlockSpec((LATENT, LATENT), lambda i: (0, 0)),
        ],
        out_specs=pl.BlockSpec((N_GRAPHS, LATENT), lambda i: (0, 0)),
        out_shape=jax.ShapeDtypeStruct((N_GRAPHS, LATENT), jnp.float32),
        scratch_shapes=[pltpu.VMEM((N_GRAPHS, LATENT), jnp.float32)],
    )(agg, im, gid, wc, wo)


@jax.jit
def _run(x, edge_index, graph_ids, W_n2l, W_conv, W_out):
    ei = edge_index.astype(jnp.int32)
    src = ei[0]
    dst = ei[1]
    gid = graph_ids.astype(jnp.int32).reshape(N_BLK, 1, BLK)
    im, cur2 = _proj(x, W_n2l)
    for _ in range(MAX_LV - 1):
        agg = _spmm(cur2, src, dst)
        cur2 = _upd(agg, im, W_conv)
    agg = _spmm(cur2, src, dst)
    return _fin(agg, im, gid, W_conv, W_out)


def kernel(x, edge_index, graph_ids, W_n2l, W_conv, W_out):
    return _run(x, edge_index, graph_ids, W_n2l, W_conv, W_out)

# --- scband reference (transcript-rebuilt; emitter-appended) ---
"""Pipeline reference for scband-graph-ebd-75909251989656 (READ-ONLY COPY).

The authoritative reference and input builder live on the scoring server;
editing this copy changes nothing except your own understanding.
"""

import jax, jax.numpy as jnp
import numpy as np

LATENT_DIM = 128
OUT_DIM = 128
FEAT_DIM = 128
MAX_LV = 3
N_NODES = 10000
N_EDGES = 320000
N_GRAPHS = 64


def setup_inputs(seed: int = 0) -> dict:
    key = jax.random.key(seed)
    k1, k2, k3, k4, k5, k6 = jax.random.split(key, 6)
    x = jax.random.normal(k1, (N_NODES, FEAT_DIM), dtype=jnp.float32)
    edge_index = jax.random.randint(k2, (2, N_EDGES), 0, N_NODES, dtype=jnp.int64)
    graph_ids = jnp.sort(jax.random.randint(k3, (N_NODES,), 0, N_GRAPHS, dtype=jnp.int64))
    # learned parameters of EmbedMeanField (structure2vec, mean_field variant)
    W_n2l = jax.random.normal(k4, (FEAT_DIM, LATENT_DIM), dtype=jnp.float32) * (1.0 / np.sqrt(FEAT_DIM))
    W_conv = jax.random.normal(k5, (LATENT_DIM, LATENT_DIM), dtype=jnp.float32) * (1.0 / np.sqrt(LATENT_DIM))
    W_out = jax.random.normal(k6, (LATENT_DIM, OUT_DIM), dtype=jnp.float32) * (1.0 / np.sqrt(LATENT_DIM))
    return {"x": x, "edge_index": edge_index, "graph_ids": graph_ids,
            "W_n2l": W_n2l, "W_conv": W_conv, "W_out": W_out}


def reference(x, edge_index, graph_ids, W_n2l, W_conv, W_out):
    # GraphEbd.forward: concat node feats across batch, then s2v = EmbedMeanField
    n = x.shape[0]
    src = edge_index[0]
    dst = edge_index[1]
    # input node linear (w_n2l), num_edge_feats=0 so no edge term
    input_message = x @ W_n2l
    cur = jax.nn.relu(input_message)
    # mean-field message passing for max_lv rounds: n2npool = spmm(n2n_sp, cur)
    for _ in range(MAX_LV):
        gathered = jnp.take(cur, src, axis=0)            # gather neighbor messages
        agg = jax.ops.segment_sum(gathered, dst, num_segments=n)  # scatter-add to dst
        node_linear = agg @ W_conv
        cur = jax.nn.relu(node_linear + input_message)
    # graph-level pooling: y_potential = spmm(subg_sp, cur)
    pooled = jax.ops.segment_sum(cur, graph_ids, num_segments=N_GRAPHS)
    # output layer: relu(out_params(y_potential))
    embed = jax.nn.relu(pooled @ W_out)
    return embed

if __name__ == "__main__":
    import jax
    _d = setup_inputs()
    print(jax.jit(kernel)(*tuple(_d.values())))

</pallas_src>

<mosaic_0001>
#map = affine_map<(d0, d1) -> (0, 0, 0)>
#map1 = affine_map<(d0, d1) -> (0)>
#map2 = affine_map<(d0, d1) -> (0, 0)>
module attributes {stable_mosaic.version = 14 : i64} {
  func.func @_spmm_body(%arg0: i32, %arg1: i32, %arg2: memref<2x10000x64xf32, #tpu.memory_space<hbm>>, %arg3: memref<320000xi32, #tpu.memory_space<hbm>>, %arg4: memref<320000xi32, #tpu.memory_space<hbm>>, %arg5: memref<10000x128xf32, #tpu.memory_space<hbm>>, %arg6: memref<10000x64xf32, #tpu.memory_space<vmem_shared>>, %arg7: memref<20000xi32, #tpu.memory_space<vmem>>, %arg8: memref<20000xi32, #tpu.memory_space<vmem>>, %arg9: memref<80x64xf32, #tpu.memory_space<vmem>>, %arg10: memref<80x64xf32, #tpu.memory_space<vmem>>, %arg11: memref<80x64xf32, #tpu.memory_space<vmem>>, %arg12: memref<80x64xf32, #tpu.memory_space<vmem>>, %arg13: memref<80x64xf32, #tpu.memory_space<vmem>>, %arg14: memref<25x64xf32, #tpu.memory_space<vmem>>, %arg15: memref<!tpu.dma_semaphore, #tpu.memory_space<semaphore_mem>>, %arg16: memref<!tpu.dma_semaphore, #tpu.memory_space<semaphore_mem>>, %arg17: memref<!tpu.dma_semaphore, #tpu.memory_space<semaphore_mem>>, %arg18: memref<!tpu.dma_semaphore, #tpu.memory_space<semaphore_mem>>, %arg19: memref<!tpu.dma_semaphore, #tpu.memory_space<semaphore_mem>>, %arg20: memref<!tpu.dma_semaphore, #tpu.memory_space<semaphore_mem>>) attributes {dimension_semantics = [#tpu.dimension_semantics<core_parallel>, #tpu.dimension_semantics<subcore_parallel>], iteration_bounds = array<i64: 2, 16>, scalar_prefetch = 0 : i64, scratch_operands = 15 : i64, tpu.core_type = #tpu.core_type<sc_vector_subcore>, window_params = [{transform_indices = #map}, {transform_indices = #map1}, {transform_indices = #map1}, {transform_indices = #map2}]} {
    %mul3A = arith.constant 20000 : i32
    %mul3A_0 = arith.muli %arg1, %mul3A : i32
    %dma_start3A = tpu.memref_slice %arg3[%mul3A_0] : memref<320000xi32, #tpu.memory_space<hbm>> -> memref<20000xi32, #tpu.memory_space<hbm>>
    %dma_start3A_1 = tpu.memref_slice %arg3[%mul3A_0] : memref<320000xi32, #tpu.memory_space<hbm>> -> memref<20000xi32, #tpu.memory_space<hbm>>
    tpu.enqueue_dma source(%dma_start3A_1 : memref<20000xi32, #tpu.memory_space<hbm>>) target(%arg7 : memref<20000xi32, #tpu.memory_space<vmem>>) target_semaphore(%arg20 : memref<!tpu.dma_semaphore, #tpu.memory_space<semaphore_mem>>)
    %mul3A_2 = arith.constant 20000 : i32
    %mul3A_3 = arith.muli %arg1, %mul3A_2 : i32
    %dma_start3A_4 = tpu.memref_slice %arg4[%mul3A_3] : memref<320000xi32, #tpu.memory_space<hbm>> -> memref<20000xi32, #tpu.memory_space<hbm>>
    %dma_start3A_5 = tpu.memref_slice %arg4[%mul3A_3] : memref<320000xi32, #tpu.memory_space<hbm>> -> memref<20000xi32, #tpu.memory_space<hbm>>
    tpu.enqueue_dma source(%dma_start3A_5 : memref<20000xi32, #tpu.memory_space<hbm>>) target(%arg8 : memref<20000xi32, #tpu.memory_space<vmem>>) target_semaphore(%arg20 : memref<!tpu.dma_semaphore, #tpu.memory_space<semaphore_mem>>)
    %broadcast_in_dim3A = arith.constant 0.000000e+00 : f32
    %broadcast_in_dim3A_6 = vector.broadcast %broadcast_in_dim3A : f32 to vector<16xf32>
    %swap3A = arith.constant 0 : i32
    %swap3A_7 = arith.index_cast %swap3A : i32 to index
    %swap3A_8 = arith.constant 0 : index
    %swap3A_9 = tpu.vector_load %arg14[%swap3A_7, %swap3A_8] {strides = array<i32>} : memref<25x64xf32, #tpu.memory_space<vmem>>, vector<1x16xf32>,
    %swap3A_10 = vector.shape_cast %swap3A_9 : vector<1x16xf32> to vector<16xf32>
    %swap3A_11 = vector.shape_cast %broadcast_in_dim3A_6 : vector<16xf32> to vector<1x16xf32>
    tpu.vector_store %arg14[%swap3A_7, %swap3A_8], %swap3A_11 {strides = array<i32>} : memref<25x64xf32, #tpu.memory_space<vmem>>, vector<1x16xf32>,
    %swap3A_12 = arith.constant 0 : i32
    %swap3A_13 = arith.index_cast %swap3A_12 : i32 to index
    %swap3A_14 = arith.constant 16 : index
    %swap3A_15 = tpu.vector_load %arg14[%swap3A_13, %swap3A_14] {strides = array<i32>} : memref<25x64xf32, #tpu.memory_space<vmem>>, vector<1x16xf32>,
    %swap3A_16 = vector.shape_cast %swap3A_15 : vector<1x16xf32> to vector<16xf32>
    %swap3A_17 = vector.shape_cast %broadcast_in_dim3A_6 : vector<16xf32> to vector<1x16xf32>
    tpu.vector_store %arg14[%swap3A_13, %swap3A_14], %swap3A_17 {strides = array<i32>} : memref<25x64xf32, #tpu.memory_space<vmem>>, vector<1x16xf32>,
    %swap3A_18 = arith.constant 0 : i32
    %swap3A_19 = arith.index_cast %swap3A_18 : i32 to index
    %swap3A_20 = arith.constant 32 : index
    %swap3A_21 = tpu.vector_load %arg14[%swap3A_19, %swap3A_20] {strides = array<i32>} : memref<25x64xf32, #tpu.memory_space<vmem>>, vector<1x16xf32>,
    %swap3A_22 = vector.shape_cast %swap3A_21 : vector<1x16xf32> to vector<16xf32>
    %swap3A_23 = vector.shape_cast %broadcast_in_dim3A_6 : vector<16xf32> to vector<1x16xf32>
    tpu.vector_store %arg14[%swap3A_19, %swap3A_20], %swap3A_23 {strides = array<i32>} : memref<25x64xf32, #tpu.memory_space<vmem>>, vector<1x16xf32>,
    %swap3A_24 = arith.constant 0 : i32
    %swap3A_25 = arith.index_cast %swap3A_24 : i32 to index
    %swap3A_26 = arith.constant 48 : index
    %swap3A_27 = tpu.vector_load %arg14[%swap3A_25, %swap3A_26] {strides = array<i32>} : memref<25x64xf32, #tpu.memory_space<vmem>>, vector<1x16xf32>,
    %swap3A_28 = vector.shape_cast %swap3A_27 : vector<1x16xf32> to vector<16xf32>
    %swap3A_29 = vector.shape_cast %broadcast_in_dim3A_6 : vector<16xf32> to vector<1x16xf32>
    tpu.vector_store %arg14[%swap3A_25, %swap3A_26], %swap3A_29 {strides = array<i32>} : memref<25x64xf32, #tpu.memory_space<vmem>>, vector<1x16xf32>,
    %swap3A_30 = arith.constant 1 : i32
    %swap3A_31 = arith.index_cast %swap3A_30 : i32 to index
    %swap3A_32 = arith.constant 0 : index
    %swap3A_33 = tpu.vector_load %arg14[%swap3A_31, %swap3A_32] {strides = array<i32>} : memref<25x64xf32, #tpu.memory_space<vmem>>, vector<1x16xf32>,
    %swap3A_34 = vector.shape_cast %swap3A_33 : vector<1x16xf32> to vector<16xf32>
    %swap3A_35 = vector.shape_cast %broadcast_in_dim3A_6 : vector<16xf32> to vector<1x16xf32>
    tpu.vector_store %arg14[%swap3A_31, %swap3A_32], %swap3A_35 {strides = array<i32>} : memref<25x64xf32, #tpu.memory_space<vmem>>, vector<1x16xf32>,
    %swap3A_36 = arith.constant 1 : i32
    %swap3A_37 = arith.index_cast %swap3A_36 : i32 to index
    %swap3A_38 = arith.constant 16 : index
    %swap3A_39 = tpu.vector_load %arg14[%swap3A_37, %swap3A_38] {strides = array<i32>} : memref<25x64xf32, #tpu.memory_space<vmem>>, vector<1x16xf32>,
    %swap3A_40 = vector.shape_cast %swap3A_39 : vector<1x16xf32> to vector<16xf32>
    %swap3A_41 = vector.shape_cast %broadcast_in_dim3A_6 : vector<16xf32> to vector<1x16xf32>
    tpu.vector_store %arg14[%swap3A_37, %swap3A_38], %swap3A_41 {strides = array<i32>} : memref<25x64xf32, #tpu.memory_space<vmem>>, vector<1x16xf32>,
    %swap3A_42 = arith.constant 1 : i32
    %swap3A_43 = arith.index_cast %swap3A_42 : i32 to index
    %swap3A_44 = arith.constant 32 : index
    %swap3A_45 = tpu.vector_load %arg14[%swap3A_43, %swap3A_44] {strides = array<i32>} : memref<25x64xf32, #tpu.memory_space<vmem>>, vector<1x16xf32>,
    %swap3A_46 = vector.shape_cast %swap3A_45 : vector<1x16xf32> to vector<16xf32>
    %swap3A_47 = vector.shape_cast %broadcast_in_dim3A_6 : vector<16xf32> to vector<1x16xf32>
    tpu.vector_store %arg14[%swap3A_43, %swap3A_44], %swap3A_47 {strides = array<i32>} : memref<25x64xf32, #tpu.memory_space<vmem>>, vector<1x16xf32>,
    %swap3A_48 = arith.constant 1 : i32
    %swap3A_49 = arith.index_cast %swap3A_48 : i32 to index
    %swap3A_50 = arith.constant 48 : index
    %swap3A_51 = tpu.vector_load %arg14[%swap3A_49, %swap3A_50] {strides = array<i32>} : memref<25x64xf32, #tpu.memory_space<vmem>>, vector<1x16xf32>,
    %swap3A_52 = vector.shape_cast %swap3A_51 : vector<1x16xf32> to vector<16xf32>
    %swap3A_53 = vector.shape_cast %broadcast_in_dim3A_6 : vector<16xf32> to vector<1x16xf32>
    tpu.vector_store %arg14[%swap3A_49, %swap3A_50], %swap3A_53 {strides = array<i32>} : memref<25x64xf32, #tpu.memory_space<vmem>>, vector<1x16xf32>,
    %swap3A_54 = arith.constant 2 : i32
    %swap3A_55 = arith.index_cast %swap3A_54 : i32 to index
    %swap3A_56 = arith.constant 0 : index
    %swap3A_57 = tpu.vector_load %arg14[%swap3A_55, %swap3A_56] {strides = array<i32>} : memref<25x64xf32, #tpu.memory_space<vmem>>, vector<1x16xf32>,
    %swap3A_58 = vector.shape_cast %swap3A_57 : vector<1x16xf32> to vector<16xf32>
    %swap3A_59 = vector.shape_cast %broadcast_in_dim3A_6 : vector<16xf32> to vector<1x16xf32>
    tpu.vector_store %arg14[%swap3A_55, %swap3A_56], %swap3A_59 {strides = array<i32>} : memref<25x64xf32, #tpu.memory_space<vmem>>, vector<1x16xf32>,
    %swap3A_60 = arith.constant 2 : i32
    %swap3A_61 = arith.index_cast %swap3A_60 : i32 to index
    %swap3A_62 = arith.constant 16 : index
    %swap3A_63 = tpu.vector_load %arg14[%swap3A_61, %swap3A_62] {strides = array<i32>} : memref<25x64xf32, #tpu.memory_space<vmem>>, vector<1x16xf32>,
    %swap3A_64 = vector.shape_cast %swap3A_63 : vector<1x16xf32> to vector<16xf32>
    %swap3A_65 = vector.shape_cast %broadcast_in_dim3A_6 : vector<16xf32> to vector<1x16xf32>
    tpu.vector_store %arg14[%swap3A_61, %swap3A_62], %swap3A_65 {strides = array<i32>} : memref<25x64xf32, #tpu.memory_space<vmem>>, vector<1x16xf32>,
    %swap3A_66 = arith.constant 2 : i32
    %swap3A_67 = arith.index_cast %swap3A_66 : i32 to index
    %swap3A_68 = arith.constant 32 : index
    %swap3A_69 = tpu.vector_load %arg14[%swap3A_67, %swap3A_68] {strides = array<i32>} : memref<25x64xf32, #tpu.memory_space<vmem>>, vector<1x16xf32>,
    %swap3A_70 = vector.shape_cast %swap3A_69 : vector<1x16xf32> to vector<16xf32>
    %swap3A_71 = vector.shape_cast %broadcast_in_dim3A_6 : vector<16xf32> to vector<1x16xf32>
    tpu.vector_store %arg14[%swap3A_67, %swap3A_68], %swap3A_71 {strides = array<i32>} : memref<25x64xf32, #tpu.memory_space<vmem>>, vector<1x16xf32>,
    %swap3A_72 = arith.constant 2 : i32
    %swap3A_73 = arith.index_cast %swap3A_72 : i32 to index
    %swap3A_74 = arith.constant 48 : index
    %swap3A_75 = tpu.vector_load %arg14[%swap3A_73, %swap3A_74] {strides = array<i32>} : memref<25x64xf32, #tpu.memory_space<vmem>>, vector<1x16xf32>,
    %swap3A_76 = vector.shape_cast %swap3A_75 : vector<1x16xf32> to vector<16xf32>
    %swap3A_77 = vector.shape_cast %broadcast_in_dim3A_6 : vector<16xf32> to vector<1x16xf32>
    tpu.vector_store %arg14[%swap3A_73, %swap3A_74], %swap3A_77 {strides = array<i32>} : memref<25x64xf32, #tpu.memory_space<vmem>>, vector<1x16xf32>,
    %swap3A_78 = arith.constant 3 : i32
    %swap3A_79 = arith.index_cast %swap3A_78 : i32 to index
    %swap3A_80 = arith.constant 0 : index
    %swap3A_81 = tpu.vector_load %arg14[%swap3A_79, %swap3A_80] {strides = array<i32>} : memref<25x64xf32, #tpu.memory_space<vmem>>, vector<1x16xf32>,
    %swap3A_82 = vector.shape_cast %swap3A_81 : vector<1x16xf32> to vector<16xf32>
    %swap3A_83 = vector.shape_cast %broadcast_in_dim3A_6 : vector<16xf32> to vector<1x16xf32>
    tpu.vector_store %arg14[%swap3A_79, %swap3A_80], %swap3A_83 {strides = array<i32>} : memref<25x64xf32, #tpu.memory_space<vmem>>, vector<1x16xf32>,
    %swap3A_84 = arith.constant 3 : i32
    %swap3A_85 = arith.index_cast %swap3A_84 : i32 to index
    %swap3A_86 = arith.constant 16 : index
    %swap3A_87 = tpu.vector_load %arg14[%swap3A_85, %swap3A_86] {strides = array<i32>} : memref<25x64xf32, #tpu.memory_space<vmem>>, vector<1x16xf32>,
    %swap3A_88 = vector.shape_cast %swap3A_87 : vector<1x16xf32> to vector<16xf32>
    %swap3A_89 = vector.shape_cast %broadcast_in_dim3A_6 : vector<16xf32> to vector<1x16xf32>
    tpu.vector_store %arg14[%swap3A_85, %swap3A_86], %swap3A_89 {strides = array<i32>} : memref<25x64xf32, #tpu.memory_space<vmem>>, vector<1x16xf32>,
    %swap3A_90 = arith.constant 3 : i32
    %swap3A_91 = arith.index_cast %swap3A_90 : i32 to index
    %swap3A_92 = arith.constant 32 : index
    %swap3A_93 = tpu.vector_load %arg14[%swap3A_91, %swap3A_92] {strides = array<i32>} : memref<25x64xf32, #tpu.memory_space<vmem>>, vector<1x16xf32>,
    %swap3A_94 = vector.shape_cast %swap3A_93 : vector<1x16xf32> to vector<16xf32>
    %swap3A_95 = vector.shape_cast %broadcast_in_dim3A_6 : vector<16xf32> to vector<1x16xf32>
    tpu.vector_store %arg14[%swap3A_91, %swap3A_92], %swap3A_95 {strides = array<i32>} : memref<25x64xf32, #tpu.memory_space<vmem>>, vector<1x16xf32>,
    %swap3A_96 = arith.constant 3 : i32
    %swap3A_97 = arith.index_cast %swap3A_96 : i32 to index
    %swap3A_98 = arith.constant 48 : index
    %swap3A_99 = tpu.vector_load %arg14[%swap3A_97, %swap3A_98] {strides = array<i32>} : memref<25x64xf32, #tpu.memory_space<vmem>>, vector<1x16xf32>,
    %swap3A_100 = vector.shape_cast %swap3A_99 : vector<1x16xf32> to vector<16xf32>
    %swap3A_101 = vector.shape_cast %broadcast_in_dim3A_6 : vector<16xf32> to vector<1x16xf32>
    tpu.vector_store %arg14[%swap3A_97, %swap3A_98], %swap3A_101 {strides = array<i32>} : memref<25x64xf32, #tpu.memory_space<vmem>>, vector<1x16xf32>,
    %swap3A_102 = arith.constant 4 : i32
    %swap3A_103 = arith.index_cast %swap3A_102 : i32 to index
    %swap3A_104 = arith.constant 0 : index
    %swap3A_105 = tpu.vector_load %arg14[%swap3A_103, %swap3A_104] {strides = array<i32>} : memref<25x64xf32, #tpu.memory_space<vmem>>, vector<1x16xf32>,
    %swap3A_106 = vector.shape_cast %swap3A_105 : vector<1x16xf32> to vector<16xf32>
    %swap3A_107 = vector.shape_cast %broadcast_in_dim3A_6 : vector<16xf32> to vector<1x16xf32>
    tpu.vector_store %arg14[%swap3A_103, %swap3A_104], %swap3A_107 {strides = array<i32>} : memref<25x64xf32, #tpu.memory_space<vmem>>, vector<1x16xf32>,
    %swap3A_108 = arith.constant 4 : i32
    %swap3A_109 = arith.index_cast %swap3A_108 : i32 to index
    %swap3A_110 = arith.constant 16 : index
    %swap3A_111 = tpu.vector_load %arg14[%swap3A_109, %swap3A_110] {strides = array<i32>} : memref<25x64xf32, #tpu.memory_space<vmem>>, vector<1x16xf32>,
    %swap3A_112 = vector.shape_cast %swap3A_111 : vector<1x16xf32> to vector<16xf32>
    %swap3A_113 = vector.shape_cast %broadcast_in_dim3A_6 : vector<16xf32> to vector<1x16xf32>
    tpu.vector_store %arg14[%swap3A_109, %swap3A_110], %swap3A_113 {strides = array<i32>} : memref<25x64xf32, #tpu.memory_space<vmem>>, vector<1x16xf32>,
    %swap3A_114 = arith.constant 4 : i32
    %swap3A_115 = arith.index_cast %swap3A_114 : i32 to index
    %swap3A_116 = arith.constant 32 : index
    %swap3A_117 = tpu.vector_load %arg14[%swap3A_115, %swap3A_116] {strides = array<i32>} : memref<25x64xf32, #tpu.memory_space<vmem>>, vector<1x16xf32>,
    %swap3A_118 = vector.shape_cast %swap3A_117 : vector<1x16xf32> to vector<16xf32>
    %swap3A_119 = vector.shape_cast %broadcast_in_dim3A_6 : vector<16xf32> to vector<1x16xf32>
    tpu.vector_store %arg14[%swap3A_115, %swap3A_116], %swap3A_119 {strides = array<i32>} : memref<25x64xf32, #tpu.memory_space<vmem>>, vector<1x16xf32>,
    %swap3A_120 = arith.constant 4 : i32
    %swap3A_121 = arith.index_cast %swap3A_120 : i32 to index
    %swap3A_122 = arith.constant 48 : index
    %swap3A_123 = tpu.vector_load %arg14[%swap3A_121, %swap3A_122] {strides = array<i32>} : memref<25x64xf32, #tpu.memory_space<vmem>>, vector<1x16xf32>,
    %swap3A_124 = vector.shape_cast %swap3A_123 : vector<1x16xf32> to vector<16xf32>
    %swap3A_125 = vector.shape_cast %broadcast_in_dim3A_6 : vector<16xf32> to vector<1x16xf32>
    tpu.vector_store %arg14[%swap3A_121, %swap3A_122], %swap3A_125 {strides = array<i32>} : memref<25x64xf32, #tpu.memory_space<vmem>>, vector<1x16xf32>,
    %swap3A_126 = arith.constant 5 : i32
    %swap3A_127 = arith.index_cast %swap3A_126 : i32 to index
    %swap3A_128 = arith.constant 0 : index
    %swap3A_129 = tpu.vector_load %arg14[%swap3A_127, %swap3A_128] {strides = array<i32>} : memref<25x64xf32, #tpu.memory_space<vmem>>, vector<1x16xf32>,
    %swap3A_130 = vector.shape_cast %swap3A_129 : vector<1x16xf32> to vector<16xf32>
    %swap3A_131 = vector.shape_cast %broadcast_in_dim3A_6 : vector<16xf32> to vector<1x16xf32>
    tpu.vector_store %arg14[%swap3A_127, %swap3A_128], %swap3A_131 {strides = array<i32>} : memref<25x64xf32, #tpu.memory_space<vmem>>, vector<1x16xf32>,
    %swap3A_132 = arith.constant 5 : i32
    %swap3A_133 = arith.index_cast %swap3A_132 : i32 to index
    %swap3A_134 = arith.constant 16 : index
    %swap3A_135 = tpu.vector_load %arg14[%swap3A_133, %swap3A_134] {strides = array<i32>} : memref<25x64xf32, #tpu.memory_space<vmem>>, vector<1x16xf32>,
    %swap3A_136 = vector.shape_cast %swap3A_135 : vector<1x16xf32> to vector<16xf32>
    %swap3A_137 = vector.shape_cast %broadcast_in_dim3A_6 : vector<16xf32> to vector<1x16xf32>
    tpu.vector_store %arg14[%swap3A_133, %swap3A_134], %swap3A_137 {strides = array<i32>} : memref<25x64xf32, #tpu.memory_space<vmem>>, vector<1x16xf32>,
    %swap3A_138 = arith.constant 5 : i32
    %swap3A_139 = arith.index_cast %swap3A_138 : i32 to index
    %swap3A_140 = arith.constant 32 : index
    %swap3A_141 = tpu.vector_load %arg14[%swap3A_139, %swap3A_140] {strides = array<i32>} : memref<25x64xf32, #tpu.memory_space<vmem>>, vector<1x16xf32>,
    %swap3A_142 = vector.shape_cast %swap3A_141 : vector<1x16xf32> to vector<16xf32>
    %swap3A_143 = vector.shape_cast %broadcast_in_dim3A_6 : vector<16xf32> to vector<1x16xf32>
    tpu.vector_store %arg14[%swap3A_139, %swap3A_140], %swap3A_143 {strides = array<i32>} : memref<25x64xf32, #tpu.memory_space<vmem>>, vector<1x16xf32>,
    %swap3A_144 = arith.constant 5 : i32
    %swap3A_145 = arith.index_cast %swap3A_144 : i32 to index
    %swap3A_146 = arith.constant 48 : index
    %swap3A_147 = tpu.vector_load %arg14[%swap3A_145, %swap3A_146] {strides = array<i32>} : memref<25x64xf32, #tpu.memory_space<vmem>>, vector<1x16xf32>,
    %swap3A_148 = vector.shape_cast %swap3A_147 : vector<1x16xf32> to vector<16xf32>
    %swap3A_149 = vector.shape_cast %broadcast_in_dim3A_6 : vector<16xf32> to vector<1x16xf32>
    tpu.vector_store %arg14[%swap3A_145, %swap3A_146], %swap3A_149 {strides = array<i32>} : memref<25x64xf32, #tpu.memory_space<vmem>>, vector<1x16xf32>,
    %swap3A_150 = arith.constant 6 : i32
    %swap3A_151 = arith.index_cast %swap3A_150 : i32 to index
    %swap3A_152 = arith.constant 0 : index
    %swap3A_153 = tpu.vector_load %arg14[%swap3A_151, %swap3A_152] {strides = array<i32>} : memref<25x64xf32, #tpu.memory_space<vmem>>, vector<1x16xf32>,
    %swap3A_154 = vector.shape_cast %swap3A_153 : vector<1x16xf32> to vector<16xf32>
    %swap3A_155 = vector.shape_cast %broadcast_in_dim3A_6 : vector<16xf32> to vector<1x16xf32>
    tpu.vector_store %arg14[%swap3A_151, %swap3A_152], %swap3A_155 {strides = array<i32>} : memref<25x64xf32, #tpu.memory_space<vmem>>, vector<1x16xf32>,
    %swap3A_156 = arith.constant 6 : i32
    %swap3A_157 = arith.index_cast %swap3A_156 : i32 to index
    %swap3A_158 = arith.constant 16 : index
    %swap3A_159 = tpu.vector_load %arg14[%swap3A_157, %swap3A_158] {strides = array<i32>} : memref<25x64xf32, #tpu.memory_space<vmem>>, vector<1x16xf32>,
    %swap3A_160 = vector.shape_cast %swap3A_159 : vector<1x16xf32> to vector<16xf32>
    %swap3A_161 = vector.shape_cast %broadcast_in_dim3A_6 : vector<16xf32> to vector<1x16xf32>
    tpu.vector_store %arg14[%swap3A_157, %swap3A_158], %swap3A_161 {strides = array<i32>} : memref<25x64xf32, #tpu.memory_space<vmem>>, vector<1x16xf32>,
    %swap3A_162 = arith.constant 6 : i32
    %swap3A_163 = arith.index_cast %swap3A_162 : i32 to index
    %swap3A_164 = arith.constant 32 : index
    %swap3A_165 = tpu.vector_load %arg14[%swap3A_163, %swap3A_164] {strides = array<i32>} : memref<25x64xf32, #tpu.memory_space<vmem>>, vector<1x16xf32>,
    %swap3A_166 = vector.shape_cast %swap3A_165 : vector<1x16xf32> to vector<16xf32>
    %swap3A_167 = vector.shape_cast %broadcast_in_dim3A_6 : vector<16xf32> to vector<1x16xf32>
    tpu.vector_store %arg14[%swap3A_163, %swap3A_164], %swap3A_167 {strides = array<i32>} : memref<25x64xf32, #tpu.memory_space<vmem>>, vector<1x16xf32>,
    %swap3A_168 = arith.constant 6 : i32
    %swap3A_169 = arith.index_cast %swap3A_168 : i32 to index
    %swap3A_170 = arith.constant 48 : index
    %swap3A_171 = tpu.vector_load %arg14[%swap3A_169, %swap3A_170] {strides = array<i32>} : memref<25x64xf32, #tpu.memory_space<vmem>>, vector<1x16xf32>,
    %swap3A_172 = vector.shape_cast %swap3A_171 : vector<1x16xf32> to vector<16xf32>
    %swap3A_173 = vector.shape_cast %broadcast_in_dim3A_6 : vector<16xf32> to vector<1x16xf32>
    tpu.vector_store %arg14[%swap3A_169, %swap3A_170], %swap3A_173 {strides = array<i32>} : memref<25x64xf32, #tpu.memory_space<vmem>>, vector<1x16xf32>,
    %swap3A_174 = arith.constant 7 : i32
    %swap3A_175 = arith.index_cast %swap3A_174 : i32 to index
    %swap3A_176 = arith.constant 0 : index
    %swap3A_177 = tpu.vector_load %arg14[%swap3A_175, %swap3A_176] {strides = array<i32>} : memref<25x64xf32, #tpu.memory_space<vmem>>, vector<1x16xf32>,
    %swap3A_178 = vector.shape_cast %swap3A_177 : vector<1x16xf32> to vector<16xf32>
    %swap3A_179 = vector.shape_cast %broadcast_in_dim3A_6 : vector<16xf32> to vector<1x16xf32>
    tpu.vector_store %arg14[%swap3A_175, %swap3A_176], %swap3A_179 {strides = array<i32>} : memref<25x64xf32, #tpu.memory_space<vmem>>, vector<1x16xf32>,
    %swap3A_180 = arith.constant 7 : i32
    %swap3A_181 = arith.index_cast %swap3A_180 : i32 to index
    %swap3A_182 = arith.constant 16 : index
    %swap3A_183 = tpu.vector_load %arg14[%swap3A_181, %swap3A_182] {strides = array<i32>} : memref<25x64xf32, #tpu.memory_space<vmem>>, vector<1x16xf32>,
    %swap3A_184 = vector.shape_cast %swap3A_183 : vector<1x16xf32> to vector<16xf32>
    %swap3A_185 = vector.shape_cast %broadcast_in_dim3A_6 : vector<16xf32> to vector<1x16xf32>
    tpu.vector_store %arg14[%swap3A_181, %swap3A_182], %swap3A_185 {strides = array<i32>} : memref<25x64xf32, #tpu.memory_space<vmem>>, vector<1x16xf32>,
    %swap3A_186 = arith.constant 7 : i32
    %swap3A_187 = arith.index_cast %swap3A_186 : i32 to index
    %swap3A_188 = arith.constant 32 : index
    %swap3A_189 = tpu.vector_load %arg14[%swap3A_187, %swap3A_188] {strides = array<i32>} : memref<25x64xf32, #tpu.memory_space<vmem>>, vector<1x16xf32>,
    %swap3A_190 = vector.shape_cast %swap3A_189 : vector<1x16xf32> to vector<16xf32>
    %swap3A_191 = vector.shape_cast %broadcast_in_dim3A_6 : vector<16xf32> to vector<1x16xf32>
    tpu.vector_store %arg14[%swap3A_187, %swap3A_188], %swap3A_191 {strides = array<i32>} : memref<25x64xf32, #tpu.memory_space<vmem>>, vector<1x16xf32>,
    %swap3A_192 = arith.constant 7 : i32
    %swap3A_193 = arith.index_cast %swap3A_192 : i32 to index
    %swap3A_194 = arith.constant 48 : index
    %swap3A_195 = tpu.vector_load %arg14[%swap3A_193, %swap3A_194] {strides = array<i32>} : memref<25x64xf32, #tpu.memory_space<vmem>>, vector<1x16xf32>,
    %swap3A_196 = vector.shape_cast %swap3A_195 : vector<1x16xf32> to vector<16xf32>
    %swap3A_197 = vector.shape_cast %broadcast_in_dim3A_6 : vector<16xf32> to vector<1x16xf32>
    tpu.vector_store %arg14[%swap3A_193, %swap3A_194], %swap3A_197 {strides = array<i32>} : memref<25x64xf32, #tpu.memory_space<vmem>>, vector<1x16xf32>,
    %swap3A_198 = arith.constant 8 : i32
    %swap3A_199 = arith.index_cast %swap3A_198 : i32 to index
    %swap3A_200 = arith.constant 0 : index
    %swap3A_201 = tpu.vector_load %arg14[%swap3A_199, %swap3A_200] {strides = array<i32>} : memref<25x64xf32, #tpu.memory_space<vmem>>, vector<1x16xf32>,
    %swap3A_202 = vector.shape_cast %swap3A_201 : vector<1x16xf32> to vector<16xf32>
    %swap3A_203 = vector.shape_cast %broadcast_in_dim3A_6 : vector<16xf32> to vector<1x16xf32>
    tpu.vector_store %arg14[%swap3A_199, %swap3A_200], %swap3A_203 {strides = array<i32>} : memref<25x64xf32, #tpu.memory_space<vmem>>, vector<1x16xf32>,
    %swap3A_204 = arith.constant 8 : i32
    %swap3A_205 = arith.index_cast %swap3A_204 : i32 to index
    %swap3A_206 = arith.constant 16 : index
    %swap3A_207 = tpu.vector_load %arg14[%swap3A_205, %swap3A_206] {strides = array<i32>} : memref<25x64xf32, #tpu.memory_space<vmem>>, vector<1x16xf32>,
    %swap3A_208 = vector.shape_cast %swap3A_207 : vector<1x16xf32> to vector<16xf32>
    %swap3A_209 = vector.shape_cast %broadcast_in_dim3A_6 : vector<16xf32> to vector<1x16xf32>
    tpu.vector_store %arg14[%swap3A_205, %swap3A_206], %swap3A_209 {strides = array<i32>} : memref<25x64xf32, #tpu.memory_space<vmem>>, vector<1x16xf32>,
    %swap3A_210 = arith.constant 8 : i32
    %swap3A_211 = arith.index_cast %swap3A_210 : i32 to index
    %swap3A_212 = arith.constant 32 : index
    %swap3A_213 = tpu.vector_load %arg14[%swap3A_211, %swap3A_212] {strides = array<i32>} : memref<25x64xf32, #tpu.memory_space<vmem>>, vector<1x16xf32>,
    %swap3A_214 = vector.shape_cast %swap3A_213 : vector<1x16xf32> to vector<16xf32>
    %swap3A_215 = vector.shape_cast %broadcast_in_dim3A_6 : vector<16xf32> to vector<1x16xf32>
    tpu.vector_store %arg14[%swap3A_211, %swap3A_212], %swap3A_215 {strides = array<i32>} : memref<25x64xf32, #tpu.memory_space<vmem>>, vector<1x16xf32>,
    %swap3A_216 = arith.constant 8 : i32
    %swap3A_217 = arith.index_cast %swap3A_216 : i32 to index
    %swap3A_218 = arith.constant 48 : index
    %swap3A_219 = tpu.vector_load %arg14[%swap3A_217, %swap3A_218] {strides = array<i32>} : memref<25x64xf32, #tpu.memory_space<vmem>>, vector<1x16xf32>,
    %swap3A_220 = vector.shape_cast %swap3A_219 : vector<1x16xf32> to vector<16xf32>
    %swap3A_221 = vector.shape_cast %broadcast_in_dim3A_6 : vector<16xf32> to vector<1x16xf32>
    tpu.vector_store %arg14[%swap3A_217, %swap3A_218], %swap3A_221 {strides = array<i32>} : memref<25x64xf32, #tpu.memory_space<vmem>>, vector<1x16xf32>,
    %swap3A_222 = arith.constant 9 : i32
    %swap3A_223 = arith.index_cast %swap3A_222 : i32 to index
    %swap3A_224 = arith.constant 0 : index
    %swap3A_225 = tpu.vector_load %arg14[%swap3A_223, %swap3A_224] {strides = array<i32>} : memref<25x64xf32, #tpu.memory_space<vmem>>, vector<1x16xf32>,
    %swap3A_226 = vector.shape_cast %swap3A_225 : vector<1x16xf32> to vector<16xf32>
    %swap3A_227 = vector.shape_cast %broadcast_in_dim3A_6 : vector<16xf32> to vector<1x16xf32>
    tpu.vector_store %arg14[%swap3A_223, %swap3A_224], %swap3A_227 {strides = array<i32>} : memref<25x64xf32, #tpu.memory_space<vmem>>, vector<1x16xf32>,
    %swap3A_228 = arith.constant 9 : i32
    %swap3A_229 = arith.index_cast %swap3A_228 : i32 to index
    %swap3A_230 = arith.constant 16 : index
    %swap3A_231 = tpu.vector_load %arg14[%swap3A_229, %swap3A_230] {strides = array<i32>} : memref<25x64xf32, #tpu.memory_space<vmem>>, vector<1x16xf32>,
    %swap3A_232 = vector.shape_cast %swap3A_231 : vector<1x16xf32> to vector<16xf32>
    %swap3A_233 = vector.shape_cast %broadcast_in_dim3A_6 : vector<16xf32> to vector<1x16xf32>
    tpu.vector_store %arg14[%swap3A_229, %swap3A_230], %swap3A_233 {strides = array<i32>} : memref<25x64xf32, #tpu.memory_space<vmem>>, vector<1x16xf32>,
    %swap3A_234 = arith.constant 9 : i32
    %swap3A_235 = arith.index_cast %swap3A_234 : i32 to index
    %swap3A_236 = arith.constant 32 : index
    %swap3A_237 = tpu.vector_load %arg14[%swap3A_235, %swap3A_236] {strides = array<i32>} : memref<25x64xf32, #tpu.memory_space<vmem>>, vector<1x16xf32>,
    %swap3A_238 = vector.shape_cast %swap3A_237 : vector<1x16xf32> to vector<16xf32>
    %swap3A_239 = vector.shape_cast %broadcast_in_dim3A_6 : vector<16xf32> to vector<1x16xf32>
    tpu.vector_store %arg14[%swap3A_235, %swap3A_236], %swap3A_239 {strides = array<i32>} : memref<25x64xf32, #tpu.memory_space<vmem>>, vector<1x16xf32>,
    %swap3A_240 = arith.constant 9 : i32
    %swap3A_241 = arith.index_cast %swap3A_240 : i32 to index
    %swap3A_242 = arith.constant 48 : index
    %swap3A_243 = tpu.vector_load %arg14[%swap3A_241, %swap3A_242] {strides = array<i32>} : memref<25x64xf32, #tpu.memory_space<vmem>>, vector<1x16xf32>,
    %swap3A_244 = vector.shape_cast %swap3A_243 : vector<1x16xf32> to vector<16xf32>
    %swap3A_245 = vector.shape_cast %broadcast_in_dim3A_6 : vector<16xf32> to vector<1x16xf32>
    tpu.vector_store %arg14[%swap3A_241, %swap3A_242], %swap3A_245 {strides = array<i32>} : memref<25x64xf32, #tpu.memory_space<vmem>>, vector<1x16xf32>,
    %swap3A_246 = arith.constant 10 : i32
    %swap3A_247 = arith.index_cast %swap3A_246 : i32 to index
    %swap3A_248 = arith.constant 0 : index
    %swap3A_249 = tpu.vector_load %arg14[%swap3A_247, %swap3A_248] {strides = array<i32>} : memref<25x64xf32, #tpu.memory_space<vmem>>, vector<1x16xf32>,
    %swap3A_250 = vector.shape_cast %swap3A_249 : vector<1x16xf32> to vector<16xf32>
    %swap3A_251 = vector.shape_cast %broadcast_in_dim3A_6 : vector<16xf32> to vector<1x16xf32>
    tpu.vector_store %arg14[%swap3A_247, %swap3A_248], %swap3A_251 {strides = array<i32>} : memref<25x64xf32, #tpu.memory_space<vmem>>, vector<1x16xf32>,
    %swap3A_252 = arith.constant 10 : i32
    %swap3A_253 = arith.index_cast %swap3A_252 : i32 to index
    %swap3A_254 = arith.constant 16 : index
    %swap3A_255 = tpu.vector_load %arg14[%swap3A_253, %swap3A_254] {strides = array<i32>} : memref<25x64xf32, #tpu.memory_space<vmem>>, vector<1x16xf32>,
    %swap3A_256 = vector.shape_cast %swap3A_255 : vector<1x16xf32> to vector<16xf32>
    %swap3A_257 = vector.shape_cast %broadcast_in_dim3A_6 : vector<16xf32> to vector<1x16xf32>
    tpu.vector_store %arg14[%swap3A_253, %swap3A_254], %swap3A_257 {strides = array<i32>} : memref<25x64xf32, #tpu.memory_space<vmem>>, vector<1x16xf32>,
    %swap3A_258 = arith.constant 10 : i32
    %swap3A_259 = arith.index_cast %swap3A_258 : i32 to index
    %swap3A_260 = arith.constant 32 : index
    %swap3A_261 = tpu.vector_load %arg14[%swap3A_259, %swap3A_260] {strides = array<i32>} : memref<25x64xf32, #tpu.memory_space<vmem>>, vector<1x16xf32>,
    %swap3A_262 = vector.shape_cast %swap3A_261 : vector<1x16xf32> to vector<16xf32>
    %swap3A_263 = vector.shape_cast %broadcast_in_dim3A_6 : vector<16xf32> to vector<1x16xf32>
    tpu.vector_store %arg14[%swap3A_259, %swap3A_260], %swap3A_263 {strides = array<i32>} : memref<25x64xf32, #tpu.memory_space<vmem>>, vector<1x16xf32>,
    %swap3A_264 = arith.constant 10 : i32
    %swap3A_265 = arith.index_cast %swap3A_264 : i32 to index
    %swap3A_266 = arith.constant 48 : index
    %swap3A_267 = tpu.vector_load %arg14[%swap3A_265, %swap3A_266] {strides = array<i32>} : memref<25x64xf32, #tpu.memory_space<vmem>>, vector<1x16xf32>,
    %swap3A_268 = vector.shape_cast %swap3A_267 : vector<1x16xf32> to vector<16xf32>
    %swap3A_269 = vector.shape_cast %broadcast_in_dim3A_6 : vector<16xf32> to vector<1x16xf32>
    tpu.vector_store %arg14[%swap3A_265, %swap3A_266], %swap3A_269 {strides = array<i32>} : memref<25x64xf32, #tpu.memory_space<vmem>>, vector<1x16xf32>,
    %swap3A_270 = arith.constant 11 : i32
    %swap3A_271 = arith.index_cast %swap3A_270 : i32 to index
    %swap3A_272 = arith.constant 0 : index
    %swap3A_273 = tpu.vector_load %arg14[%swap3A_271, %swap3A_272] {strides = array<i32>} : memref<25x64xf32, #tpu.memory_space<vmem>>, vector<1x16xf32>,
    %swap3A_274 = vector.shape_cast %swap3A_273 : vector<1x16xf32> to vector<16xf32>
    %swap3A_275 = vector.shape_cast %broadcast_in_dim3A_6 : vector<16xf32> to vector<1x16xf32>
    tpu.vector_store %arg14[%swap3A_271, %swap3A_272], %swap3A_275 {strides = array<i32>} : memref<25x64xf32, #tpu.memory_space<vmem>>, vector<1x16xf32>,
    %swap3A_276 = arith.constant 11 : i32
    %swap3A_277 = arith.index_cast %swap3A_276 : i32 to index
    %swap3A_278 = arith.constant 16 : index
    %swap3A_279 = tpu.vector_load %arg14[%swap3A_277, %swap3A_278] {strides = array<i32>} : memref<25x64xf32, #tpu.memory_space<vmem>>, vector<1x16xf32>,
    %swap3A_280 = vector.shape_cast %swap3A_279 : vector<1x16xf32> to vector<16xf32>
    %swap3A_281 = vector.shape_cast %broadcast_in_dim3A_6 : vector<16xf32> to vector<1x16xf32>
    tpu.vector_store %arg14[%swap3A_277, %swap3A_278], %swap3A_281 {strides = array<i32>} : memref<25x64xf32, #tpu.memory_space<vmem>>, vector<1x16xf32>,
    %swap3A_282 = arith.constant 11 : i32
    %swap3A_283 = arith.index_cast %swap3A_282 : i32 to index
    %swap3A_284 = arith.constant 32 : index
    %swap3A_285 = tpu.vector_load %arg14[%swap3A_283, %swap3A_284] {strides = array<i32>} : memref<25x64xf32, #tpu.memory_space<vmem>>, vector<1x16xf32>,
    %swap3A_286 = vector.shape_cast %swap3A_285 : vector<1x16xf32> to vector<16xf32>
    %swap3A_287 = vector.shape_cast %broadcast_in_dim3A_6 : vector<16xf32> to vector<1x16xf32>
    tpu.vector_store %arg14[%swap3A_283, %swap3A_284], %swap3A_287 {strides = array<i32>} : memref<25x64xf32, #tpu.memory_space<vmem>>, vector<1x16xf32>,
    %swap3A_288 = arith.constant 11 : i32
    %swap3A_289 = arith.index_cast %swap3A_288 : i32 to index
    %swap3A_290 = arith.constant 48 : index
    %swap3A_291 = tpu.vector_load %arg14[%swap3A_289, %swap3A_290] {strides = array<i32>} : memref<25x64xf32, #tpu.memory_space<vmem>>, vector<1x16xf32>,
    %swap3A_292 = vector.shape_cast %swap3A_291 : vector<1x16xf32> to vector<16xf32>
    %swap3A_293 = vector.shape_cast %broadcast_in_dim3A_6 : vector<16xf32> to vector<1x16xf32>
    tpu.vector_store %arg14[%swap3A_289, %swap3A_290], %swap3A_293 {strides = array<i32>} : memref<25x64xf32, #tpu.memory_space<vmem>>, vector<1x16xf32>,
    %swap3A_294 = arith.constant 12 : i32
    %swap3A_295 = arith.index_cast %swap3A_294 : i32 to index
    %swap3A_296 = arith.constant 0 : index
    %swap3A_297 = tpu.vector_load %arg14[%swap3A_295, %swap3A_296] {strides = array<i32>} : memref<25x64xf32, #tpu.memory_space<vmem>>, vector<1x16xf32>,
    %swap3A_298 = vector.shape_cast %swap3A_297 : vector<1x16xf32> to vector<16xf32>
    %swap3A_299 = vector.shape_cast %broadcast_in_dim3A_6 : vector<16xf32> to vector<1x16xf32>
    tpu.vector_store %arg14[%swap3A_295, %swap3A_296], %swap3A_299 {strides = array<i32>} : memref<25x64xf32, #tpu.memory_space<vmem>>, vector<1x16xf32>,
    %swap3A_300 = arith.constant 12 : i32
    %swap3A_301 = arith.index_cast %swap3A_300 : i32 to index
    %swap3A_302 = arith.constant 16 : index
    %swap3A_303 = tpu.vector_load %arg14[%swap3A_301, %swap3A_302] {strides = array<i32>} : memref<25x64xf32, #tpu.memory_space<vmem>>, vector<1x16xf32>,
    %swap3A_304 = vector.shape_cast %swap3A_303 : vector<1x16xf32> to vector<16xf32>
    %swap3A_305 = vector.shape_cast %broadcast_in_dim3A_6 : vector<16xf32> to vector<1x16xf32>
    tpu.vector_store %arg14[%swap3A_301, %swap3A_302], %swap3A_305 {strides = array<i32>} : memref<25x64xf32, #tpu.memory_space<vmem>>, vector<1x16xf32>,
    %swap3A_306 = arith.constant 12 : i32
    %swap3A_307 = arith.index_cast %swap3A_306 : i32 to index
    %swap3A_308 = arith.constant 32 : index
    %swap3A_309 = tpu.vector_load %arg14[%swap3A_307, %swap3A_308] {strides = array<i32>} : memref<25x64xf32, #tpu.memory_space<vmem>>, vector<1x16xf32>,
    %swap3A_310 = vector.shape_cast %swap3A_309 : vector<1x16xf32> to vector<16xf32>
    %swap3A_311 = vector.shape_cast %broadcast_in_dim3A_6 : vector<16xf32> to vector<1x16xf32>
    tpu.vector_store %arg14[%swap3A_307, %swap3A_308], %swap3A_311 {strides = array<i32>} : memref<25x64xf32, #tpu.memory_space<vmem>>, vector<1x16xf32>,
    %swap3A_312 = arith.constant 12 : i32
    %swap3A_313 = arith.index_cast %swap3A_312 : i32 to index
    %swap3A_314 = arith.constant 48 : index
    %swap3A_315 = tpu.vector_load %arg14[%swap3A_313, %swap3A_314] {strides = array<i32>} : memref<25x64xf32, #tpu.memory_space<vmem>>, vector<1x16xf32>,
    %swap3A_316 = vector.shape_cast %swap3A_315 : vector<1x16xf32> to vector<16xf32>
    %swap3A_317 = vector.shape_cast %broadcast_in_dim3A_6 : vector<16xf32> to vector<1x16xf32>
    tpu.vector_store %arg14[%swap3A_313, %swap3A_314], %swap3A_317 {strides = array<i32>} : memref<25x64xf32, #tpu.memory_space<vmem>>, vector<1x16xf32>,
    %swap3A_318 = arith.constant 13 : i32
    %swap3A_319 = arith.index_cast %swap3A_318 : i32 to index
    %swap3A_320 = arith.constant 0 : index
    %swap3A_321 = tpu.vector_load %arg14[%swap3A_319, %swap3A_320] {strides = array<i32>} : memref<25x64xf32, #tpu.memory_space<vmem>>, vector<1x16xf32>,
    %swap3A_322 = vector.shape_cast %swap3A_321 : vector<1x16xf32> to vector<16xf32>
    %swap3A_323 = vector.shape_cast %broadcast_in_dim3A_6 : vector<16xf32> to vector<1x16xf32>
    tpu.vector_store %arg14[%swap3A_319, %swap3A_320], %swap3A_323 {strides = array<i32>} : memref<25x64xf32, #tpu.memory_space<vmem>>, vector<1x16xf32>,
    %swap3A_324 = arith.constant 13 : i32
    %swap3A_325 = arith.index_cast %swap3A_324 : i32 to index
    %swap3A_326 = arith.constant 16 : index
    %swap3A_327 = tpu.vector_load %arg14[%swap3A_325, %swap3A_326] {strides = array<i32>} : memref<25x64xf32, #tpu.memory_space<vmem>>, vector<1x16xf32>,
    %swap3A_328 = vector.shape_cast %swap3A_327 : vector<1x16xf32> to vector<16xf32>
    %swap3A_329 = vector.shape_cast %broadcast_in_dim3A_6 : vector<16xf32> to vector<1x16xf32>
    tpu.vector_store %arg14[%swap3A_325, %swap3A_326], %swap3A_329 {strides = array<i32>} : memref<25x64xf32, #tpu.memory_space<vmem>>, vector<1x16xf32>,
    %swap3A_330 = arith.constant 13 : i32
    %swap3A_331 = arith.index_cast %swap3A_330 : i32 to index
    %swap3A_332 = arith.constant 32 : index
    %swap3A_333 = tpu.vector_load %arg14[%swap3A_331, %swap3A_332] {strides = array<i32>} : memref<25x64xf32, #tpu.memory_space<vmem>>, vector<1x16xf32>,
    %swap3A_334 = vector.shape_cast %swap3A_333 : vector<1x16xf32> to vector<16xf32>
    %swap3A_335 = vector.shape_cast %broadcast_in_dim3A_6 : vector<16xf32> to vector<1x16xf32>
    tpu.vector_store %arg14[%swap3A_331, %swap3A_332], %swap3A_335 {strides = array<i32>} : memref<25x64xf32, #tpu.memory_space<vmem>>, vector<1x16xf32>,
    %swap3A_336 = arith.constant 13 : i32
    %swap3A_337 = arith.index_cast %swap3A_336 : i32 to index
    %swap3A_338 = arith.constant 48 : index
    %swap3A_339 = tpu.vector_load %arg14[%swap3A_337, %swap3A_338] {strides = array<i32>} : memref<25x64xf32, #tpu.memory_space<vmem>>, vector<1x16xf32>,
    %swap3A_340 = vector.shape_cast %swap3A_339 : vector<1x16xf32> to vector<16xf32>
    %swap3A_341 = vector.shape_cast %broadcast_in_dim3A_6 : vector<16xf32> to vector<1x16xf32>
    tpu.vector_store %arg14[%swap3A_337, %swap3A_338], %swap3A_341 {strides = array<i32>} : memref<25x64xf32, #tpu.memory_space<vmem>>, vector<1x16xf32>,
    %swap3A_342 = arith.constant 14 : i32
    %swap3A_343 = arith.index_cast %swap3A_342 : i32 to index
    %swap3A_344 = arith.constant 0 : index
    %swap3A_345 = tpu.vector_load %arg14[%swap3A_343, %swap3A_344] {strides = array<i32>} : memref<25x64xf32, #tpu.memory_space<vmem>>, vector<1x16xf32>,
    %swap3A_346 = vector.shape_cast %swap3A_345 : vector<1x16xf32> to vector<16xf32>
    %swap3A_347 = vector.shape_cast %broadcast_in_dim3A_6 : vector<16xf32> to vector<1x16xf32>
    tpu.vector_store %arg14[%swap3A_343, %swap3A_344], %swap3A_347 {strides = array<i32>} : memref<25x64xf32, #tpu.memory_space<vmem>>, vector<1x16xf32>,
    %swap3A_348 = arith.constant 14 : i32
    %swap3A_349 = arith.index_cast %swap3A_348 : i32 to index
    %swap3A_350 = arith.constant 16 : index
    %swap3A_351 = tpu.vector_load %arg14[%swap3A_349, %swap3A_350] {strides = array<i32>} : memref<25x64xf32, #tpu.memory_space<vmem>>, vector<1x16xf32>,
    %swap3A_352 = vector.shape_cast %swap3A_351 : vector<1x16xf32> to vector<16xf32>
    %swap3A_353 = vector.shape_cast %broadcast_in_dim3A_6 : vector<16xf32> to vector<1x16xf32>
    tpu.vector_store %arg14[%swap3A_349, %swap3A_350], %swap3A_353 {strides = array<i32>} : memref<25x64xf32, #tpu.memory_space<vmem>>, vector<1x16xf32>,
    %swap3A_354 = arith.constant 14 : i32
    %swap3A_355 = arith.index_cast %swap3A_354 : i32 to index
    %swap3A_356 = arith.constant 32 : index
    %swap3A_357 = tpu.vector_load %arg14[%swap3A_355, %swap3A_356] {strides = array<i32>} : memref<25x64xf32, #tpu.memory_space<vmem>>, vector<1x16xf32>,
    %swap3A_358 = vector.shape_cast %swap3A_357 : vector<1x16xf32> to vector<16xf32>
    %swap3A_359 = vector.shape_cast %broadcast_in_dim3A_6 : vector<16xf32> to vector<1x16xf32>
    tpu.vector_store %arg14[%swap3A_355, %swap3A_356], %swap3A_359 {strides = array<i32>} : memref<25x64xf32, #tpu.memory_space<vmem>>, vector<1x16xf32>,
    %swap3A_360 = arith.constant 14 : i32
    %swap3A_361 = arith.index_cast %swap3A_360 : i32 to index
    %swap3A_362 = arith.constant 48 : index
    %swap3A_363 = tpu.vector_load %arg14[%swap3A_361, %swap3A_362] {strides = array<i32>} : memref<25x64xf32, #tpu.memory_space<vmem>>, vector<1x16xf32>,
    %swap3A_364 = vector.shape_cast %swap3A_363 : vector<1x16xf32> to vector<16xf32>
    %swap3A_365 = vector.shape_cast %broadcast_in_dim3A_6 : vector<16xf32> to vector<1x16xf32>
    tpu.vector_store %arg14[%swap3A_361, %swap3A_362], %swap3A_365 {strides = array<i32>} : memref<25x64xf32, #tpu.memory_space<vmem>>, vector<1x16xf32>,
    %swap3A_366 = arith.constant 15 : i32
    %swap3A_367 = arith.index_cast %swap3A_366 : i32 to index
    %swap3A_368 = arith.constant 0 : index
    %swap3A_369 = tpu.vector_load %arg14[%swap3A_367, %swap3A_368] {strides = array<i32>} : memref<25x64xf32, #tpu.memory_space<vmem>>, vector<1x16xf32>,
    %swap3A_370 = vector.shape_cast %swap3A_369 : vector<1x16xf32> to vector<16xf32>
    %swap3A_371 = vector.shape_cast %broadcast_in_dim3A_6 : vector<16xf32> to vector<1x16xf32>
    tpu.vector_store %arg14[%swap3A_367, %swap3A_368], %swap3A_371 {strides = array<i32>} : memref<25x64xf32, #tpu.memory_space<vmem>>, vector<1x16xf32>,
    %swap3A_372 = arith.constant 15 : i32
    %swap3A_373 = arith.index_cast %swap3A_372 : i32 to index
    %swap3A_374 = arith.constant 16 : index
    %swap3A_375 = tpu.vector_load %arg14[%swap3A_373, %swap3A_374] {strides = array<i32>} : memref<25x64xf32, #tpu.memory_space<vmem>>, vector<1x16xf32>,
    %swap3A_376 = vector.shape_cast %swap3A_375 : vector<1x16xf32> to vector<16xf32>
    %swap3A_377 = vector.shape_cast %broadcast_in_dim3A_6 : vector<16xf32> to vector<1x16xf32>
    tpu.vector_store %arg14[%swap3A_373, %swap3A_374], %swap3A_377 {strides = array<i32>} : memref<25x64xf32, #tpu.memory_space<vmem>>, vector<1x16xf32>,
    %swap3A_378 = arith.constant 15 : i32
    %swap3A_379 = arith.index_cast %swap3A_378 : i32 to index
    %swap3A_380 = arith.constant 32 : index
    %swap3A_381 = tpu.vector_load %arg14[%swap3A_379, %swap3A_380] {strides = array<i32>} : memref<25x64xf32, #tpu.memory_space<vmem>>, vector<1x16xf32>,
    %swap3A_382 = vector.shape_cast %swap3A_381 : vector<1x16xf32> to vector<16xf32>
    %swap3A_383 = vector.shape_cast %broadcast_in_dim3A_6 : vector<16xf32> to vector<1x16xf32>
    tpu.vector_store %arg14[%swap3A_379, %swap3A_380], %swap3A_383 {strides = array<i32>} : memref<25x64xf32, #tpu.memory_space<vmem>>, vector<1x16xf32>,
    %swap3A_384 = arith.constant 15 : i32
    %swap3A_385 = arith.index_cast %swap3A_384 : i32 to index
    %swap3A_386 = arith.constant 48 : index
    %swap3A_387 = tpu.vector_load %arg14[%swap3A_385, %swap3A_386] {strides = array<i32>} : memref<25x64xf32, #tpu.memory_space<vmem>>, vector<1x16xf32>,
    %swap3A_388 = vector.shape_cast %swap3A_387 : vector<1x16xf32> to vector<16xf32>
    %swap3A_389 = vector.shape_cast %broadcast_in_dim3A_6 : vector<16xf32> to vector<1x16xf32>
    tpu.vector_store %arg14[%swap3A_385, %swap3A_386], %swap3A_389 {strides = array<i32>} : memref<25x64xf32, #tpu.memory_space<vmem>>, vector<1x16xf32>,
    %swap3A_390 = arith.constant 16 : i32
    %swap3A_391 = arith.index_cast %swap3A_390 : i32 to index
    %swap3A_392 = arith.constant 0 : index
    %swap3A_393 = tpu.vector_load %arg14[%swap3A_391, %swap3A_392] {strides = array<i32>} : memref<25x64xf32, #tpu.memory_space<vmem>>, vector<1x16xf32>,
    %swap3A_394 = vector.shape_cast %swap3A_393 : vector<1x16xf32> to vector<16xf32>
    %swap3A_395 = vector.shape_cast %broadcast_in_dim3A_6 : vector<16xf32> to vector<1x16xf32>
    tpu.vector_store %arg14[%swap3A_391, %swap3A_392], %swap3A_395 {strides = array<i32>} : memref<25x64xf32, #tpu.memory_space<vmem>>, vector<1x16xf32>,
    %swap3A_396 = arith.constant 16 : i32
    %swap3A_397 = arith.index_cast %swap3A_396 : i32 to index
    %swap3A_398 = arith.constant 16 : index
    %swap3A_399 = tpu.vector_load %arg14[%swap3A_397, %swap3A_398] {strides = array<i32>} : memref<25x64xf32, #tpu.memory_space<vmem>>, vector<1x16xf32>,
    %swap3A_400 = vector.shape_cast %swap3A_399 : vector<1x16xf32> to vector<16xf32>
    %swap3A_401 = vector.shape_cast %broadcast_in_dim3A_6 : vector<16xf32> to vector<1x16xf32>
    tpu.vector_store %arg14[%swap3A_397, %swap3A_398], %swap3A_401 {strides = array<i32>} : memref<25x64xf32, #tpu.memory_space<vmem>>, vector<1x16xf32>,
    %swap3A_402 = arith.constant 16 : i32
    %swap3A_403 = arith.index_cast %swap3A_402 : i32 to index
    %swap3A_404 = arith.constant 32 : index
    %swap3A_405 = tpu.vector_load %arg14[%swap3A_403, %swap3A_404] {strides = array<i32>} : memref<25x64xf32, #tpu.memory_space<vmem>>, vector<1x16xf32>,
    %swap3A_406 = vector.shape_cast %swap3A_405 : vector<1x16xf32> to vector<16xf32>
    %swap3A_407 = vector.shape_cast %broadcast_in_dim3A_6 : vector<16xf32> to vector<1x16xf32>
    tpu.vector_store %arg14[%swap3A_403, %swap3A_404], %swap3A_407 {strides = array<i32>} : memref<25x64xf32, #tpu.memory_space<vmem>>, vector<1x16xf32>,
    %swap3A_408 = arith.constant 16 : i32
    %swap3A_409 = arith.index_cast %swap3A_408 : i32 to index
    %swap3A_410 = arith.constant 48 : index
    %swap3A_411 = tpu.vector_load %arg14[%swap3A_409, %swap3A_410] {strides = array<i32>} : memref<25x64xf32, #tpu.memory_space<vmem>>, vector<1x16xf32>,
    %swap3A_412 = vector.shape_cast %swap3A_411 : vector<1x16xf32> to vector<16xf32>
    %swap3A_413 = vector.shape_cast %broadcast_in_dim3A_6 : vector<16xf32> to vector<1x16xf32>
    tpu.vector_store %arg14[%swap3A_409, %swap3A_410], %swap3A_413 {strides = array<i32>} : memref<25x64xf32, #tpu.memory_space<vmem>>, vector<1x16xf32>,
    %swap3A_414 = arith.constant 17 : i32
    %swap3A_415 = arith.index_cast %swap3A_414 : i32 to index
    %swap3A_416 = arith.constant 0 : index
    %swap3A_417 = tpu.vector_load %arg14[%swap3A_415, %swap3A_416] {strides = array<i32>} : memref<25x64xf32, #tpu.memory_space<vmem>>, vector<1x16xf32>,
    %swap3A_418 = vector.shape_cast %swap3A_417 : vector<1x16xf32> to vector<16xf32>
    %swap3A_419 = vector.shape_cast %broadcast_in_dim3A_6 : vector<16xf32> to vector<1x16xf32>
    tpu.vector_store %arg14[%swap3A_415, %swap3A_416], %swap3A_419 {strides = array<i32>} : memref<25x64xf32, #tpu.memory_space<vmem>>, vector<1x16xf32>,
    %swap3A_420 = arith.constant 17 : i32
    %swap3A_421 = arith.index_cast %swap3A_420 : i32 to index
    %swap3A_422 = arith.constant 16 : index
    %swap3A_423 = tpu.vector_load %arg14[%swap3A_421, %swap3A_422] {strides = array<i32>} : memref<25x64xf32, #tpu.memory_space<vmem>>, vector<1x16xf32>,
    %swap3A_424 = vector.shape_cast %swap3A_423 : vector<1x16xf32> to vector<16xf32>
    %swap3A_425 = vector.shape_cast %broadcast_in_dim3A_6 : vector<16xf32> to vector<1x16xf32>
    tpu.vector_store %arg14[%swap3A_421, %swap3A_422], %swap3A_425 {strides = array<i32>} : memref<25x64xf32, #tpu.memory_space<vmem>>, vector<1x16xf32>,
    %swap3A_426 = arith.constant 17 : i32
    %swap3A_427 = arith.index_cast %swap3A_426 : i32 to index
    %swap3A_428 = arith.constant 32 : index
    %swap3A_429 = tpu.vector_load %arg14[%swap3A_427, %swap3A_428] {strides = array<i32>} : memref<25x64xf32, #tpu.memory_space<vmem>>, vector<1x16xf32>,
    %swap3A_430 = vector.shape_cast %swap3A_429 : vector<1x16xf32> to vector<16xf32>
    %swap3A_431 = vector.shape_cast %broadcast_in_dim3A_6 : vector<16xf32> to vector<1x16xf32>
    tpu.vector_store %arg14[%swap3A_427, %swap3A_428], %swap3A_431 {strides = array<i32>} : memref<25x64xf32, #tpu.memory_space<vmem>>, vector<1x16xf32>,
    %swap3A_432 = arith.constant 17 : i32
    %swap3A_433 = arith.index_cast %swap3A_432 : i32 to index
    %swap3A_434 = arith.constant 48 : index
    %swap3A_435 = tpu.vector_load %arg14[%swap3A_433, %swap3A_434] {strides = array<i32>} : memref<25x64xf32, #tpu.memory_space<vmem>>, vector<1x16xf32>,
    %swap3A_436 = vector.shape_cast %swap3A_435 : vector<1x16xf32> to vector<16xf32>
    %swap3A_437 = vector.shape_cast %broadcast_in_dim3A_6 : vector<16xf32> to vector<1x16xf32>
    tpu.vector_store %arg14[%swap3A_433, %swap3A_434], %swap3A_437 {strides = array<i32>} : memref<25x64xf32, #tpu.memory_space<vmem>>, vector<1x16xf32>,
    %swap3A_438 = arith.constant 18 : i32
    %swap3A_439 = arith.index_cast %swap3A_438 : i32 to index
    %swap3A_440 = arith.constant 0 : index
    %swap3A_441 = tpu.vector_load %arg14[%swap3A_439, %swap3A_440] {strides = array<i32>} : memref<25x64xf32, #tpu.memory_space<vmem>>, vector<1x16xf32>,
    %swap3A_442 = vector.shape_cast %swap3A_441 : vector<1x16xf32> to vector<16xf32>
    %swap3A_443 = vector.shape_cast %broadcast_in_dim3A_6 : vector<16xf32> to vector<1x16xf32>
    tpu.vector_store %arg14[%swap3A_439, %swap3A_440], %swap3A_443 {strides = array<i32>} : memref<25x64xf32, #tpu.memory_space<vmem>>, vector<1x16xf32>,
    %swap3A_444 = arith.constant 18 : i32
    %swap3A_445 = arith.index_cast %swap3A_444 : i32 to index
    %swap3A_446 = arith.constant 16 : index
    %swap3A_447 = tpu.vector_load %arg14[%swap3A_445, %swap3A_446] {strides = array<i32>} : memref<25x64xf32, #tpu.memory_space<vmem>>, vector<1x16xf32>,
    %swap3A_448 = vector.shape_cast %swap3A_447 : vector<1x16xf32> to vector<16xf32>
    %swap3A_449 = vector.shape_cast %broadcast_in_dim3A_6 : vector<16xf32> to vector<1x16xf32>
    tpu.vector_store %arg14[%swap3A_445, %swap3A_446], %swap3A_449 {strides = array<i32>} : memref<25x64xf32, #tpu.memory_space<vmem>>, vector<1x16xf32>,
    %swap3A_450 = arith.constant 18 : i32
    %swap3A_451 = arith.index_cast %swap3A_450 : i32 to index
    %swap3A_452 = arith.constant 32 : index
    %swap3A_453 = tpu.vector_load %arg14[%swap3A_451, %swap3A_452] {strides = array<i32>} : memref<25x64xf32, #tpu.memory_space<vmem>>, vector<1x16xf32>,
    %swap3A_454 = vector.shape_cast %swap3A_453 : vector<1x16xf32> to vector<16xf32>
    %swap3A_455 = vector.shape_cast %broadcast_in_dim3A_6 : vector<16xf32> to vector<1x16xf32>
    tpu.vector_store %arg14[%swap3A_451, %swap3A_452], %swap3A_455 {strides = array<i32>} : memref<25x64xf32, #tpu.memory_space<vmem>>, vector<1x16xf32>,
    %swap3A_456 = arith.constant 18 : i32
    %swap3A_457 = arith.index_cast %swap3A_456 : i32 to index
    %swap3A_458 = arith.constant 48 : index
    %swap3A_459 = tpu.vector_load %arg14[%swap3A_457, %swap3A_458] {strides = array<i32>} : memref<25x64xf32, #tpu.memory_space<vmem>>, vector<1x16xf32>,
    %swap3A_460 = vector.shape_cast %swap3A_459 : vector<1x16xf32> to vector<16xf32>
    %swap3A_461 = vector.shape_cast %broadcast_in_dim3A_6 : vector<16xf32> to vector<1x16xf32>
    tpu.vector_store %arg14[%swap3A_457, %swap3A_458], %swap3A_461 {strides = array<i32>} : memref<25x64xf32, #tpu.memory_space<vmem>>, vector<1x16xf32>,
    %swap3A_462 = arith.constant 19 : i32
    %swap3A_463 = arith.index_cast %swap3A_462 : i32 to index
    %swap3A_464 = arith.constant 0 : index
    %swap3A_465 = tpu.vector_load %arg14[%swap3A_463, %swap3A_464] {strides = array<i32>} : memref<25x64xf32, #tpu.memory_space<vmem>>, vector<1x16xf32>,
    %swap3A_466 = vector.shape_cast %swap3A_465 : vector<1x16xf32> to vector<16xf32>
    %swap3A_467 = vector.shape_cast %broadcast_in_dim3A_6 : vector<16xf32> to vector<1x16xf32>
    tpu.vector_store %arg14[%swap3A_463, %swap3A_464], %swap3A_467 {strides = array<i32>} : memref<25x64xf32, #tpu.memory_space<vmem>>, vector<1x16xf32>,
    %swap3A_468 = arith.constant 19 : i32
    %swap3A_469 = arith.index_cast %swap3A_468 : i32 to index
    %swap3A_470 = arith.constant 16 : index
    %swap3A_471 = tpu.vector_load %arg14[%swap3A_469, %swap3A_470] {strides = array<i32>} : memref<25x64xf32, #tpu.memory_space<vmem>>, vector<1x16xf32>,
    %swap3A_472 = vector.shape_cast %swap3A_471 : vector<1x16xf32> to vector<16xf32>
    %swap3A_473 = vector.shape_cast %broadcast_in_dim3A_6 : vector<16xf32> to vector<1x16xf32>
    tpu.vector_store %arg14[%swap3A_469, %swap3A_470], %swap3A_473 {strides = array<i32>} : memref<25x64xf32, #tpu.memory_space<vmem>>, vector<1x16xf32>,
    %swap3A_474 = arith.constant 19 : i32
    %swap3A_475 = arith.index_cast %swap3A_474 : i32 to index
    %swap3A_476 = arith.constant 32 : index
    %swap3A_477 = tpu.vector_load %arg14[%swap3A_475, %swap3A_476] {strides = array<i32>} : memref<25x64xf32, #tpu.memory_space<vmem>>, vector<1x16xf32>,
    %swap3A_478 = vector.shape_cast %swap3A_477 : vector<1x16xf32> to vector<16xf32>
    %swap3A_479 = vector.shape_cast %broadcast_in_dim3A_6 : vector<16xf32> to vector<1x16xf32>
    tpu.vector_store %arg14[%swap3A_475, %swap3A_476], %swap3A_479 {strides = array<i32>} : memref<25x64xf32, #tpu.memory_space<vmem>>, vector<1x16xf32>,
    %swap3A_480 = arith.constant 19 : i32
    %swap3A_481 = arith.index_cast %swap3A_480 : i32 to index
    %swap3A_482 = arith.constant 48 : index
    %swap3A_483 = tpu.vector_load %arg14[%swap3A_481, %swap3A_482] {strides = array<i32>} : memref<25x64xf32, #tpu.memory_space<vmem>>, vector<1x16xf32>,
    %swap3A_484 = vector.shape_cast %swap3A_483 : vector<1x16xf32> to vector<16xf32>
    %swap3A_485 = vector.shape_cast %broadcast_in_dim3A_6 : vector<16xf32> to vector<1x16xf32>
    tpu.vector_store %arg14[%swap3A_481, %swap3A_482], %swap3A_485 {strides = array<i32>} : memref<25x64xf32, #tpu.memory_space<vmem>>, vector<1x16xf32>,
    %swap3A_486 = arith.constant 20 : i32
    %swap3A_487 = arith.index_cast %swap3A_486 : i32 to index
    %swap3A_488 = arith.constant 0 : index
    %swap3A_489 = tpu.vector_load %arg14[%swap3A_487, %swap3A_488] {strides = array<i32>} : memref<25x64xf32, #tpu.memory_space<vmem>>, vector<1x16xf32>,
    %swap3A_490 = vector.shape_cast %swap3A_489 : vector<1x16xf32> to vector<16xf32>
    %swap3A_491 = vector.shape_cast %broadcast_in_dim3A_6 : vector<16xf32> to vector<1x16xf32>
    tpu.vector_store %arg14[%swap3A_487, %swap3A_488], %swap3A_491 {strides = array<i32>} : memref<25x64xf32, #tpu.memory_space<vmem>>, vector<1x16xf32>,
    %swap3A_492 = arith.constant 20 : i32
    %swap3A_493 = arith.index_cast %swap3A_492 : i32 to index
    %swap3A_494 = arith.constant 16 : index
    %swap3A_495 = tpu.vector_load %arg14[%swap3A_493, %swap3A_494] {strides = array<i32>} : memref<25x64xf32, #tpu.memory_space<vmem>>, vector<1x16xf32>,
    %swap3A_496 = vector.shape_cast %swap3A_495 : vector<1x16xf32> to vector<16xf32>
    %swap3A_497 = vector.shape_cast %broadcast_in_dim3A_6 : vector<16xf32> to vector<1x16xf32>
    tpu.vector_store %arg14[%swap3A_493, %swap3A_494], %swap3A_497 {strides = array<i32>} : memref<25x64xf32, #tpu.memory_space<vmem>>, vector<1x16xf32>,
    %swap3A_498 = arith.constant 20 : i32
    %swap3A_499 = arith.index_cast %swap3A_498 : i32 to index
    %swap3A_500 = arith.constant 32 : index
    %swap3A_501 = tpu.vector_load %arg14[%swap3A_499, %swap3A_500] {strides = array<i32>} : memref<25x64xf32, #tpu.memory_space<vmem>>, vector<1x16xf32>,
    %swap3A_502 = vector.shape_cast %swap3A_501 : vector<1x16xf32> to vector<16xf32>
    %swap3A_503 = vector.shape_cast %broadcast_in_dim3A_6 : vector<16xf32> to vector<1x16xf32>
    tpu.vector_store %arg14[%swap3A_499, %swap3A_500], %swap3A_503 {strides = array<i32>} : memref<25x64xf32, #tpu.memory_space<vmem>>, vector<1x16xf32>,
    %swap3A_504 = arith.constant 20 : i32
    %swap3A_505 = arith.index_cast %swap3A_504 : i32 to index
    %swap3A_506 = arith.constant 48 : index
    %swap3A_507 = tpu.vector_load %arg14[%swap3A_505, %swap3A_506] {strides = array<i32>} : memref<25x64xf32, #tpu.memory_space<vmem>>, vector<1x16xf32>,
    %swap3A_508 = vector.shape_cast %swap3A_507 : vector<1x16xf32> to vector<16xf32>
    %swap3A_509 = vector.shape_cast %broadcast_in_dim3A_6 : vector<16xf32> to vector<1x16xf32>
    tpu.vector_store %arg14[%swap3A_505, %swap3A_506], %swap3A_509 {strides = array<i32>} : memref<25x64xf32, #tpu.memory_space<vmem>>, vector<1x16xf32>,
    %swap3A_510 = arith.constant 21 : i32
    %swap3A_511 = arith.index_cast %swap3A_510 : i32 to index
    %swap3A_512 = arith.constant 0 : index
    %swap3A_513 = tpu.vector_load %arg14[%swap3A_511, %swap3A_512] {strides = array<i32>} : memref<25x64xf32, #tpu.memory_space<vmem>>, vector<1x16xf32>,
    %swap3A_514 = vector.shape_cast %swap3A_513 : vector<1x16xf32> to vector<16xf32>
    %swap3A_515 = vector.shape_cast %broadcast_in_dim3A_6 : vector<16xf32> to vector<1x16xf32>
    tpu.vector_store %arg14[%swap3A_511, %swap3A_512], %swap3A_515 {strides = array<i32>} : memref<25x64xf32, #tpu.memory_space<vmem>>, vector<1x16xf32>,
    %swap3A_516 = arith.constant 21 : i32
    %swap3A_517 = arith.index_cast %swap3A_516 : i32 to index
    %swap3A_518 = arith.constant 16 : index
    %swap3A_519 = tpu.vector_load %arg14[%swap3A_517, %swap3A_518] {strides = array<i32>} : memref<25x64xf32, #tpu.memory_space<vmem>>, vector<1x16xf32>,
    %swap3A_520 = vector.shape_cast %swap3A_519 : vector<1x16xf32> to vector<16xf32>
    %swap3A_521 = vector.shape_cast %broadcast_in_dim3A_6 : vector<16xf32> to vector<1x16xf32>
    tpu.vector_store %arg14[%swap3A_517, %swap3A_518], %swap3A_521 {strides = array<i32>} : memref<25x64xf32, #tpu.memory_space<vmem>>, vector<1x16xf32>,
    %swap3A_522 = arith.constant 21 : i32
    %swap3A_523 = arith.index_cast %swap3A_522 : i32 to index
    %swap3A_524 = arith.constant 32 : index
    %swap3A_525 = tpu.vector_load %arg14[%swap3A_523, %swap3A_524] {strides = array<i32>} : memref<25x64xf32, #tpu.memory_space<vmem>>, vector<1x16xf32>,
    %swap3A_526 = vector.shape_cast %swap3A_525 : vector<1x16xf32> to vector<16xf32>
    %swap3A_527 = vector.shape_cast %broadcast_in_dim3A_6 : vector<16xf32> to vector<1x16xf32>
    tpu.vector_store %arg14[%swap3A_523, %swap3A_524], %swap3A_527 {strides = array<i32>} : memref<25x64xf32, #tpu.memory_space<vmem>>, vector<1x16xf32>,
    %swap3A_528 = arith.constant 21 : i32
    %swap3A_529 = arith.index_cast %swap3A_528 : i32 to index
    %swap3A_530 = arith.constant 48 : index
    %swap3A_531 = tpu.vector_load %arg14[%swap3A_529, %swap3A_530] {strides = array<i32>} : memref<25x64xf32, #tpu.memory_space<vmem>>, vector<1x16xf32>,
    %swap3A_532 = vector.shape_cast %swap3A_531 : vector<1x16xf32> to vector<16xf32>
    %swap3A_533 = vector.shape_cast %broadcast_in_dim3A_6 : vector<16xf32> to vector<1x16xf32>
    tpu.vector_store %arg14[%swap3A_529, %swap3A_530], %swap3A_533 {strides = array<i32>} : memref<25x64xf32, #tpu.memory_space<vmem>>, vector<1x16xf32>,
    %swap3A_534 = arith.constant 22 : i32
    %swap3A_535 = arith.index_cast %swap3A_534 : i32 to index
    %swap3A_536 = arith.constant 0 : index
    %swap3A_537 = tpu.vector_load %arg14[%swap3A_535, %swap3A_536] {strides = array<i32>} : memref<25x64xf32, #tpu.memory_space<vmem>>, vector<1x16xf32>,
    %swap3A_538 = vector.shape_cast %swap3A_537 : vector<1x16xf32> to vector<16xf32>
    %swap3A_539 = vector.shape_cast %broadcast_in_dim3A_6 : vector<16xf32> to vector<1x16xf32>
    tpu.vector_store %arg14[%swap3A_535, %swap3A_536], %swap3A_539 {strides = array<i32>} : memref<25x64xf32, #tpu.memory_space<vmem>>, vector<1x16xf32>,
    %swap3A_540 = arith.constant 22 : i32
    %swap3A_541 = arith.index_cast %swap3A_540 : i32 to index
    %swap3A_542 = arith.constant 16 : index
    %swap3A_543 = tpu.vector_load %arg14[%swap3A_541, %swap3A_542] {strides = array<i32>} : memref<25x64xf32, #tpu.memory_space<vmem>>, vector<1x16xf32>,
    %swap3A_544 = vector.shape_cast %swap3A_543 : vector<1x16xf32> to vector<16xf32>
    %swap3A_545 = vector.shape_cast %broadcast_in_dim3A_6 : vector<16xf32> to vector<1x16xf32>
    tpu.vector_store %arg14[%swap3A_541, %swap3A_542], %swap3A_545 {strides = array<i32>} : memref<25x64xf32, #tpu.memory_space<vmem>>, vector<1x16xf32>,
    %swap3A_546 = arith.constant 22 : i32
    %swap3A_547 = arith.index_cast %swap3A_546 : i32 to index
    %swap3A_548 = arith.constant 32 : index
    %swap3A_549 = tpu.vector_load %arg14[%swap3A_547, %swap3A_548] {strides = array<i32>} : memref<25x64xf32, #tpu.memory_space<vmem>>, vector<1x16xf32>,
    %swap3A_550 = vector.shape_cast %swap3A_549 : vector<1x16xf32> to vector<16xf32>
    %swap3A_551 = vector.shape_cast %broadcast_in_dim3A_6 : vector<16xf32> to vector<1x16xf32>
    tpu.vector_store %arg14[%swap3A_547, %swap3A_548], %swap3A_551 {strides = array<i32>} : memref<25x64xf32, #tpu.memory_space<vmem>>, vector<1x16xf32>,
    %swap3A_552 = arith.constant 22 : i32
    %swap3A_553 = arith.index_cast %swap3A_552 : i32 to index
    %swap3A_554 = arith.constant 48 : index
    %swap3A_555 = tpu.vector_load %arg14[%swap3A_553, %swap3A_554] {strides = array<i32>} : memref<25x64xf32, #tpu.memory_space<vmem>>, vector<1x16xf32>,
    %swap3A_556 = vector.shape_cast %swap3A_555 : vector<1x16xf32> to vector<16xf32>
    %swap3A_557 = vector.shape_cast %broadcast_in_dim3A_6 : vector<16xf32> to vector<1x16xf32>
    tpu.vector_store %arg14[%swap3A_553, %swap3A_554], %swap3A_557 {strides = array<i32>} : memref<25x64xf32, #tpu.memory_space<vmem>>, vector<1x16xf32>,
    %swap3A_558 = arith.constant 23 : i32
    %swap3A_559 = arith.index_cast %swap3A_558 : i32 to index
    %swap3A_560 = arith.constant 0 : index
    %swap3A_561 = tpu.vector_load %arg14[%swap3A_559, %swap3A_560] {strides = array<i32>} : memref<25x64xf32, #tpu.memory_space<vmem>>, vector<1x16xf32>,
    %swap3A_562 = vector.shape_cast %swap3A_561 : vector<1x16xf32> to vector<16xf32>
    %swap3A_563 = vector.shape_cast %broadcast_in_dim3A_6 : vector<16xf32> to vector<1x16xf32>
    tpu.vector_store %arg14[%swap3A_559, %swap3A_560], %swap3A_563 {strides = array<i32>} : memref<25x64xf32, #tpu.memory_space<vmem>>, vector<1x16xf32>,
    %swap3A_564 = arith.constant 23 : i32
    %swap3A_565 = arith.index_cast %swap3A_564 : i32 to index
    %swap3A_566 = arith.constant 16 : index
    %swap3A_567 = tpu.vector_load %arg14[%swap3A_565, %swap3A_566] {strides = array<i32>} : memref<25x64xf32, #tpu.memory_space<vmem>>, vector<1x16xf32>,
    %swap3A_568 = vector.shape_cast %swap3A_567 : vector<1x16xf32> to vector<16xf32>
    %swap3A_569 = vector.shape_cast %broadcast_in_dim3A_6 : vector<16xf32> to vector<1x16xf32>
    tpu.vector_store %arg14[%swap3A_565, %swap3A_566], %swap3A_569 {strides = array<i32>} : memref<25x64xf32, #tpu.memory_space<vmem>>, vector<1x16xf32>,
    %swap3A_570 = arith.constant 23 : i32
    %swap3A_571 = arith.index_cast %swap3A_570 : i32 to index
    %swap3A_572 = arith.constant 32 : index
    %swap3A_573 = tpu.vector_load %arg14[%swap3A_571, %swap3A_572] {strides = array<i32>} : memref<25x64xf32, #tpu.memory_space<vmem>>, vector<1x16xf32>,
    %swap3A_574 = vector.shape_cast %swap3A_573 : vector<1x16xf32> to vector<16xf32>
    %swap3A_575 = vector.shape_cast %broadcast_in_dim3A_6 : vector<16xf32> to vector<1x16xf32>
    tpu.vector_store %arg14[%swap3A_571, %swap3A_572], %swap3A_575 {strides = array<i32>} : memref<25x64xf32, #tpu.memory_space<vmem>>, vector<1x16xf32>,
    %swap3A_576 = arith.constant 23 : i32
    %swap3A_577 = arith.index_cast %swap3A_576 : i32 to index
    %swap3A_578 = arith.constant 48 : index
    %swap3A_579 = tpu.vector_load %arg14[%swap3A_577, %swap3A_578] {strides = array<i32>} : memref<25x64xf32, #tpu.memory_space<vmem>>, vector<1x16xf32>,
    %swap3A_580 = vector.shape_cast %swap3A_579 : vector<1x16xf32> to vector<16xf32>
    %swap3A_581 = vector.shape_cast %broadcast_in_dim3A_6 : vector<16xf32> to vector<1x16xf32>
    tpu.vector_store %arg14[%swap3A_577, %swap3A_578], %swap3A_581 {strides = array<i32>} : memref<25x64xf32, #tpu.memory_space<vmem>>, vector<1x16xf32>,
    %swap3A_582 = arith.constant 24 : i32
    %swap3A_583 = arith.index_cast %swap3A_582 : i32 to index
    %swap3A_584 = arith.constant 0 : index
    %swap3A_585 = tpu.vector_load %arg14[%swap3A_583, %swap3A_584] {strides = array<i32>} : memref<25x64xf32, #tpu.memory_space<vmem>>, vector<1x16xf32>,
    %swap3A_586 = vector.shape_cast %swap3A_585 : vector<1x16xf32> to vector<16xf32>
    %swap3A_587 = vector.shape_cast %broadcast_in_dim3A_6 : vector<16xf32> to vector<1x16xf32>
    tpu.vector_store %arg14[%swap3A_583, %swap3A_584], %swap3A_587 {strides = array<i32>} : memref<25x64xf32, #tpu.memory_space<vmem>>, vector<1x16xf32>,
    %swap3A_588 = arith.constant 24 : i32
    %swap3A_589 = arith.index_cast %swap3A_588 : i32 to index
    %swap3A_590 = arith.constant 16 : index
    %swap3A_591 = tpu.vector_load %arg14[%swap3A_589, %swap3A_590] {strides = array<i32>} : memref<25x64xf32, #tpu.memory_space<vmem>>, vector<1x16xf32>,
    %swap3A_592 = vector.shape_cast %swap3A_591 : vector<1x16xf32> to vector<16xf32>
    %swap3A_593 = vector.shape_cast %broadcast_in_dim3A_6 : vector<16xf32> to vector<1x16xf32>
    tpu.vector_store %arg14[%swap3A_589, %swap3A_590], %swap3A_593 {strides = array<i32>} : memref<25x64xf32, #tpu.memory_space<vmem>>, vector<1x16xf32>,
    %swap3A_594 = arith.constant 24 : i32
    %swap3A_595 = arith.index_cast %swap3A_594 : i32 to index
    %swap3A_596 = arith.constant 32 : index
    %swap3A_597 = tpu.vector_load %arg14[%swap3A_595, %swap3A_596] {strides = array<i32>} : memref<25x64xf32, #tpu.memory_space<vmem>>, vector<1x16xf32>,
    %swap3A_598 = vector.shape_cast %swap3A_597 : vector<1x16xf32> to vector<16xf32>
    %swap3A_599 = vector.shape_cast %broadcast_in_dim3A_6 : vector<16xf32> to vector<1x16xf32>
    tpu.vector_store %arg14[%swap3A_595, %swap3A_596], %swap3A_599 {strides = array<i32>} : memref<25x64xf32, #tpu.memory_space<vmem>>, vector<1x16xf32>,
    %swap3A_600 = arith.constant 24 : i32
    %swap3A_601 = arith.index_cast %swap3A_600 : i32 to index
    %swap3A_602 = arith.constant 48 : index
    %swap3A_603 = tpu.vector_load %arg14[%swap3A_601, %swap3A_602] {strides = array<i32>} : memref<25x64xf32, #tpu.memory_space<vmem>>, vector<1x16xf32>,
    %swap3A_604 = vector.shape_cast %swap3A_603 : vector<1x16xf32> to vector<16xf32>
    %swap3A_605 = vector.shape_cast %broadcast_in_dim3A_6 : vector<16xf32> to vector<1x16xf32>
    tpu.vector_store %arg14[%swap3A_601, %swap3A_602], %swap3A_605 {strides = array<i32>} : memref<25x64xf32, #tpu.memory_space<vmem>>, vector<1x16xf32>,
    %mul3A_606 = arith.constant 625 : i32
    %mul3A_607 = arith.muli %arg1, %mul3A_606 : i32
    %scan3A = arith.constant 0 : i32
    %scan3A_608 = arith.constant 0 : i32
    %scan3A_609 = arith.constant 25 : i32
    %scan3A_610 = arith.addi %scan3A_608, %scan3A_609 : i32
    %scan3A_611 = arith.constant 1 : i32
    scf.for %scan3A_715 = %scan3A_608 to %scan3A_610 step %scan3A_611  : i32 {
      %mul3A_716 = arith.constant 25 : i32
      %mul3A_717 = arith.muli %scan3A_715, %mul3A_716 : i32
      %add3A = arith.addi %mul3A_607, %mul3A_717 : i32
      "tpu.region"() ({
        %run_scoped3A = tpu.sem_alloc : memref<!tpu.dma_semaphore, #tpu.memory_space<semaphore_mem>>
        %dma_start3A_718 = arith.constant 0 : i32
        %dma_start3A_719 = tpu.memref_slice %arg6[%add3A, %dma_start3A_718] : memref<10000x64xf32, #tpu.memory_space<vmem_shared>> -> memref<25x64xf32, #tpu.memory_space<vmem_shared>>
        %dma_start3A_720 = arith.constant 0 : i32
        %dma_start3A_721 = tpu.memref_slice %arg6[%add3A, %dma_start3A_720] : memref<10000x64xf32, #tpu.memory_space<vmem_shared>> -> memref<25x64xf32, #tpu.memory_space<vmem_shared>>
        tpu.enqueue_dma source(%arg14 : memref<25x64xf32, #tpu.memory_space<vmem>>) target(%dma_start3A_721 : memref<25x64xf32, #tpu.memory_space<vmem_shared>>) target_semaphore(%run_scoped3A : memref<!tpu.dma_semaphore, #tpu.memory_space<semaphore_mem>>)
        %dma_wait3A_722 = arith.constant 0 : i32
        %dma_wait3A_723 = tpu.memref_slice %arg6[%add3A, %dma_wait3A_722] : memref<10000x64xf32, #tpu.memory_space<vmem_shared>> -> memref<25x64xf32, #tpu.memory_space<vmem_shared>>
        %dma_wait3A_724 = arith.constant 0 : i32
        %dma_wait3A_725 = tpu.memref_slice %arg6[%add3A, %dma_wait3A_724] : memref<10000x64xf32, #tpu.memory_space<vmem_shared>> -> memref<25x64xf32, #tpu.memory_space<vmem_shared>>
        tpu.wait_dma2 semaphore(%run_scoped3A : memref<!tpu.dma_semaphore, #tpu.memory_space<semaphore_mem>>) src(%arg14 : memref<25x64xf32, #tpu.memory_space<vmem>>) dst(%dma_wait3A_725 : memref<25x64xf32, #tpu.memory_space<vmem_shared>>)
        tpu.yield
      }) : () -> ()
    }
    %scan3A_612 = arith.constant 25 : i32
    %dma_wait3A = tpu.memref_slice %arg3[%mul3A_0] : memref<320000xi32, #tpu.memory_space<hbm>> -> memref<20000xi32, #tpu.memory_space<hbm>>
    %dma_wait3A_613 = tpu.memref_slice %arg3[%mul3A_0] : memref<320000xi32, #tpu.memory_space<hbm>> -> memref<20000xi32, #tpu.memory_space<hbm>>
    tpu.wait_dma2 semaphore(%arg20 : memref<!tpu.dma_semaphore, #tpu.memory_space<semaphore_mem>>) src(%dma_wait3A_613 : memref<20000xi32, #tpu.memory_space<hbm>>) dst(%arg7 : memref<20000xi32, #tpu.memory_space<vmem>>)
    %dma_wait3A_614 = tpu.memref_slice %arg4[%mul3A_3] : memref<320000xi32, #tpu.memory_space<hbm>> -> memref<20000xi32, #tpu.memory_space<hbm>>
    %dma_wait3A_615 = tpu.memref_slice %arg4[%mul3A_3] : memref<320000xi32, #tpu.memory_space<hbm>> -> memref<20000xi32, #tpu.memory_space<hbm>>
    tpu.wait_dma2 semaphore(%arg20 : memref<!tpu.dma_semaphore, #tpu.memory_space<semaphore_mem>>) src(%dma_wait3A_615 : memref<20000xi32, #tpu.memory_space<hbm>>) dst(%arg8 : memref<20000xi32, #tpu.memory_space<vmem>>)
    %barrier3A = arith.constant 0 : index
    tpu.barrier barrier_id(%barrier3A)
    %dma_start3A_616 = arith.constant 0 : i32
    %dma_start3A_617 = tpu.memref_slice %arg7[%dma_start3A_616] : memref<20000xi32, #tpu.memory_space<vmem>> -> memref<80xi32, #tpu.memory_space<vmem>>
    %dma_start3A_618 = arith.constant 0 : i32
    %dma_start3A_619 = arith.constant 0 : i32
    %dma_start3A_620 = tpu.memref_slice %arg2[%arg0, %dma_start3A_618, %dma_start3A_619] : memref<2x10000x64xf32, #tpu.memory_space<hbm>> -> memref<1x10000x64xf32, #tpu.memory_space<hbm>>
    %dma_start3A_621 = tpu.memref_squeeze %dma_start3A_620 : memref<1x10000x64xf32, #tpu.memory_space<hbm>> -> memref<10000x64xf32, #tpu.memory_space<hbm>>
    %dma_start3A_622 = arith.constant 0 : i32
    %dma_start3A_623 = arith.constant 0 : i32
    %dma_start3A_624 = tpu.memref_slice %dma_start3A_621[%dma_start3A_622, %dma_start3A_623] : memref<10000x64xf32, #tpu.memory_space<hbm>> -> memref<10000x64xf32, #tpu.memory_space<hbm>>
    tpu.enqueue_indirect_dma source(%dma_start3A_624 : memref<10000x64xf32, #tpu.memory_space<hbm>>) target(%arg9 : memref<80x64xf32, #tpu.memory_space<vmem>>) offsets(%dma_start3A_617 : memref<80xi32, #tpu.memory_space<vmem>>) semaphore(%arg15 : memref<!tpu.dma_semaphore, #tpu.memory_space<semaphore_mem>>)
    %dma_start3A_625 = arith.constant 80 : i32
    %dma_start3A_626 = tpu.memref_slice %arg7[%dma_start3A_625] : memref<20000xi32, #tpu.memory_space<vmem>> -> memref<80xi32, #tpu.memory_space<vmem>>
    %dma_start3A_627 = arith.constant 0 : i32
    %dma_start3A_628 = arith.constant 0 : i32
    %dma_start3A_629 = tpu.memref_slice %arg2[%arg0, %dma_start3A_627, %dma_start3A_628] : memref<2x10000x64xf32, #tpu.memory_space<hbm>> -> memref<1x10000x64xf32, #tpu.memory_space<hbm>>
    %dma_start3A_630 = tpu.memref_squeeze %dma_start3A_629 : memref<1x10000x64xf32, #tpu.memory_space<hbm>> -> memref<10000x64xf32, #tpu.memory_space<hbm>>
    %dma_start3A_631 = arith.constant 0 : i32
    %dma_start3A_632 = arith.constant 0 : i32
    %dma_start3A_633 = tpu.memref_slice %dma_start3A_630[%dma_start3A_631, %dma_start3A_632] : memref<10000x64xf32, #tpu.memory_space<hbm>> -> memref<10000x64xf32, #tpu.memory_space<hbm>>
    tpu.enqueue_indirect_dma source(%dma_start3A_633 : memref<10000x64xf32, #tpu.memory_space<hbm>>) target(%arg10 : memref<80x64xf32, #tpu.memory_space<vmem>>) offsets(%dma_start3A_626 : memref<80xi32, #tpu.memory_space<vmem>>) semaphore(%arg16 : memref<!tpu.dma_semaphore, #tpu.memory_space<semaphore_mem>>)
    %dma_start3A_634 = arith.constant 160 : i32
    %dma_start3A_635 = tpu.memref_slice %arg7[%dma_start3A_634] : memref<20000xi32, #tpu.memory_space<vmem>> -> memref<80xi32, #tpu.memory_space<vmem>>
    %dma_start3A_636 = arith.constant 0 : i32
    %dma_start3A_637 = arith.constant 0 : i32
    %dma_start3A_638 = tpu.memref_slice %arg2[%arg0, %dma_start3A_636, %dma_start3A_637] : memref<2x10000x64xf32, #tpu.memory_space<hbm>> -> memref<1x10000x64xf32, #tpu.memory_space<hbm>>
    %dma_start3A_639 = tpu.memref_squeeze %dma_start3A_638 : memref<1x10000x64xf32, #tpu.memory_space<hbm>> -> memref<10000x64xf32, #tpu.memory_space<hbm>>
    %dma_start3A_640 = arith.constant 0 : i32
    %dma_start3A_641 = arith.constant 0 : i32
    %dma_start3A_642 = tpu.memref_slice %dma_start3A_639[%dma_start3A_640, %dma_start3A_641] : memref<10000x64xf32, #tpu.memory_space<hbm>> -> memref<10000x64xf32, #tpu.memory_space<hbm>>
    tpu.enqueue_indirect_dma source(%dma_start3A_642 : memref<10000x64xf32, #tpu.memory_space<hbm>>) target(%arg11 : memref<80x64xf32, #tpu.memory_space<vmem>>) offsets(%dma_start3A_635 : memref<80xi32, #tpu.memory_space<vmem>>) semaphore(%arg17 : memref<!tpu.dma_semaphore, #tpu.memory_space<semaphore_mem>>)
    %dma_start3A_643 = arith.constant 240 : i32
    %dma_start3A_644 = tpu.memref_slice %arg7[%dma_start3A_643] : memref<20000xi32, #tpu.memory_space<vmem>> -> memref<80xi32, #tpu.memory_space<vmem>>
    %dma_start3A_645 = arith.constant 0 : i32
    %dma_start3A_646 = arith.constant 0 : i32
    %dma_start3A_647 = tpu.memref_slice %arg2[%arg0, %dma_start3A_645, %dma_start3A_646] : memref<2x10000x64xf32, #tpu.memory_space<hbm>> -> memref<1x10000x64xf32, #tpu.memory_space<hbm>>
    %dma_start3A_648 = tpu.memref_squeeze %dma_start3A_647 : memref<1x10000x64xf32, #tpu.memory_space<hbm>> -> memref<10000x64xf32, #tpu.memory_space<hbm>>
    %dma_start3A_649 = arith.constant 0 : i32
    %dma_start3A_650 = arith.constant 0 : i32
    %dma_start3A_651 = tpu.memref_slice %dma_start3A_648[%dma_start3A_649, %dma_start3A_650] : memref<10000x64xf32, #tpu.memory_space<hbm>> -> memref<10000x64xf32, #tpu.memory_space<hbm>>
    tpu.enqueue_indirect_dma source(%dma_start3A_651 : memref<10000x64xf32, #tpu.memory_space<hbm>>) target(%arg12 : memref<80x64xf32, #tpu.memory_space<vmem>>) offsets(%dma_start3A_644 : memref<80xi32, #tpu.memory_space<vmem>>) semaphore(%arg18 : memref<!tpu.dma_semaphore, #tpu.memory_space<semaphore_mem>>)
    %scan3A_652 = arith.constant 0 : i32
    %scan3A_653 = arith.constant 0 : i32
    %scan3A_654 = arith.constant 49 : i32
    %scan3A_655 = arith.addi %scan3A_653, %scan3A_654 : i32
    %scan3A_656 = arith.constant 1 : i32
    scf.for %scan3A_715 = %scan3A_653 to %scan3A_655 step %scan3A_656  : i32 {
      %mul3A_716 = arith.constant 5 : i32
      %mul3A_717 = arith.muli %mul3A_716, %scan3A_715 : i32
      %add3A = arith.constant 0 : i32
      %add3A_718 = arith.addi %mul3A_717, %add3A : i32
      %mul3A_719 = arith.constant 80 : i32
      %mul3A_720 = arith.muli %add3A_718, %mul3A_719 : i32
      %dma_wait3A_721 = tpu.memref_slice %arg7[%mul3A_720] : memref<20000xi32, #tpu.memory_space<vmem>> -> memref<80xi32, #tpu.memory_space<vmem>>
      %dma_wait3A_722 = arith.constant 0 : i32
      %dma_wait3A_723 = arith.constant 0 : i32
      %dma_wait3A_724 = tpu.memref_slice %arg2[%arg0, %dma_wait3A_722, %dma_wait3A_723] : memref<2x10000x64xf32, #tpu.memory_space<hbm>> -> memref<1x10000x64xf32, #tpu.memory_space<hbm>>
      %dma_wait3A_725 = tpu.memref_squeeze %dma_wait3A_724 : memref<1x10000x64xf32, #tpu.memory_space<hbm>> -> memref<10000x64xf32, #tpu.memory_space<hbm>>
      %dma_wait3A_726 = arith.constant 0 : i32
      %dma_wait3A_727 = arith.constant 0 : i32
      %dma_wait3A_728 = tpu.memref_slice %dma_wait3A_725[%dma_wait3A_726, %dma_wait3A_727] : memref<10000x64xf32, #tpu.memory_space<hbm>> -> memref<10000x64xf32, #tpu.memory_space<hbm>>
      tpu.wait_indirect_dma semaphore(%arg15 : memref<!tpu.dma_semaphore, #tpu.memory_space<semaphore_mem>>) src(%dma_wait3A_728 : memref<10000x64xf32, #tpu.memory_space<hbm>>) dst(%arg9 : memref<80x64xf32, #tpu.memory_space<vmem>>)
      %mul3A_729 = arith.constant 80 : i32
      %mul3A_730 = arith.muli %add3A_718, %mul3A_729 : i32
      "tpu.region"() ({
        %run_scoped3A = tpu.sem_alloc : memref<!tpu.dma_semaphore, #tpu.memory_space<semaphore_mem>>
        %dma_start3A_866 = tpu.memref_slice %arg8[%mul3A_730] : memref<20000xi32, #tpu.memory_space<vmem>> -> memref<80xi32, #tpu.memory_space<vmem>>
        %dma_start3A_867 = arith.constant 0 : i32
        %dma_start3A_868 = arith.constant 0 : i32
        %dma_start3A_869 = tpu.memref_slice %arg6[%dma_start3A_867, %dma_start3A_868] : memref<10000x64xf32, #tpu.memory_space<vmem_shared>> -> memref<10000x64xf32, #tpu.memory_space<vmem_shared>>
        tpu.enqueue_indirect_dma source(%arg9 : memref<80x64xf32, #tpu.memory_space<vmem>>) target(%dma_start3A_869 : memref<10000x64xf32, #tpu.memory_space<vmem_shared>>) offsets(%dma_start3A_866 : memref<80xi32, #tpu.memory_space<vmem>>) semaphore(%run_scoped3A : memref<!tpu.dma_semaphore, #tpu.memory_space<semaphore_mem>>) {add = true}
        %dma_wait3A_870 = tpu.memref_slice %arg8[%mul3A_730] : memref<20000xi32, #tpu.memory_space<vmem>> -> memref<80xi32, #tpu.memory_space<vmem>>
        %dma_wait3A_871 = arith.constant 0 : i32
        %dma_wait3A_872 = arith.constant 0 : i32
        %dma_wait3A_873 = tpu.memref_slice %arg6[%dma_wait3A_871, %dma_wait3A_872] : memref<10000x64xf32, #tpu.memory_space<vmem_shared>> -> memref<10000x64xf32, #tpu.memory_space<vmem_shared>>
        tpu.wait_indirect_dma semaphore(%run_scoped3A : memref<!tpu.dma_semaphore, #tpu.memory_space<semaphore_mem>>) src(%arg9 : memref<80x64xf32, #tpu.memory_space<vmem>>) dst(%dma_wait3A_873 : memref<10000x64xf32, #tpu.memory_space<vmem_shared>>)
        tpu.yield
      }) : () -> ()
      %add3A_731 = arith.constant 0 : i32
      %add3A_732 = arith.addi %mul3A_717, %add3A_731 : i32
      %add3A_733 = arith.constant 5 : i32
      %add3A_734 = arith.addi %add3A_732, %add3A_733 : i32
      %sub3A = arith.constant 1 : i32
      %sub3A_735 = arith.subi %add3A_734, %sub3A : i32
      %mul3A_736 = arith.constant 80 : i32
      %mul3A_737 = arith.muli %sub3A_735, %mul3A_736 : i32
      %dma_start3A_738 = tpu.memref_slice %arg7[%mul3A_737] : memref<20000xi32, #tpu.memory_space<vmem>> -> memref<80xi32, #tpu.memory_space<vmem>>
      %dma_start3A_739 = arith.constant 0 : i32
      %dma_start3A_740 = arith.constant 0 : i32
      %dma_start3A_741 = tpu.memref_slice %arg2[%arg0, %dma_start3A_739, %dma_start3A_740] : memref<2x10000x64xf32, #tpu.memory_space<hbm>> -> memref<1x10000x64xf32, #tpu.memory_space<hbm>>
      %dma_start3A_742 = tpu.memref_squeeze %dma_start3A_741 : memref<1x10000x64xf32, #tpu.memory_space<hbm>> -> memref<10000x64xf32, #tpu.memory_space<hbm>>
      %dma_start3A_743 = arith.constant 0 : i32
      %dma_start3A_744 = arith.constant 0 : i32
      %dma_start3A_745 = tpu.memref_slice %dma_start3A_742[%dma_start3A_743, %dma_start3A_744] : memref<10000x64xf32, #tpu.memory_space<hbm>> -> memref<10000x64xf32, #tpu.memory_space<hbm>>
      tpu.enqueue_indirect_dma source(%dma_start3A_745 : memref<10000x64xf32, #tpu.memory_space<hbm>>) target(%arg13 : memref<80x64xf32, #tpu.memory_space<vmem>>) offsets(%dma_start3A_738 : memref<80xi32, #tpu.memory_space<vmem>>) semaphore(%arg19 : memref<!tpu.dma_semaphore, #tpu.memory_space<semaphore_mem>>)
      %add3A_746 = arith.constant 1 : i32
      %add3A_747 = arith.addi %mul3A_717, %add3A_746 : i32
      %mul3A_748 = arith.constant 80 : i32
      %mul3A_749 = arith.muli %add3A_747, %mul3A_748 : i32
      %dma_wait3A_750 = tpu.memref_slice %arg7[%mul3A_749] : memref<20000xi32, #tpu.memory_space<vmem>> -> memref<80xi32, #tpu.memory_space<vmem>>
      %dma_wait3A_751 = arith.constant 0 : i32
      %dma_wait3A_752 = arith.constant 0 : i32
      %dma_wait3A_753 = tpu.memref_slice %arg2[%arg0, %dma_wait3A_751, %dma_wait3A_752] : memref<2x10000x64xf32, #tpu.memory_space<hbm>> -> memref<1x10000x64xf32, #tpu.memory_space<hbm>>
      %dma_wait3A_754 = tpu.memref_squeeze %dma_wait3A_753 : memref<1x10000x64xf32, #tpu.memory_space<hbm>> -> memref<10000x64xf32, #tpu.memory_space<hbm>>
      %dma_wait3A_755 = arith.constant 0 : i32
      %dma_wait3A_756 = arith.constant 0 : i32
      %dma_wait3A_757 = tpu.memref_slice %dma_wait3A_754[%dma_wait3A_755, %dma_wait3A_756] : memref<10000x64xf32, #tpu.memory_space<hbm>> -> memref<10000x64xf32, #tpu.memory_space<hbm>>
      tpu.wait_indirect_dma semaphore(%arg16 : memref<!tpu.dma_semaphore, #tpu.memory_space<semaphore_mem>>) src(%dma_wait3A_757 : memref<10000x64xf32, #tpu.memory_space<hbm>>) dst(%arg10 : memref<80x64xf32, #tpu.memory_space<vmem>>)
      %mul3A_758 = arith.constant 80 : i32
      %mul3A_759 = arith.muli %add3A_747, %mul3A_758 : i32
      "tpu.region"() ({
        %run_scoped3A = tpu.sem_alloc : memref<!tpu.dma_semaphore, #tpu.memory_space<semaphore_mem>>
        %dma_start3A_866 = tpu.memref_slice %arg8[%mul3A_759] : memref<20000xi32, #tpu.memory_space<vmem>> -> memref<80xi32, #tpu.memory_space<vmem>>
        %dma_start3A_867 = arith.constant 0 : i32
        %dma_start3A_868 = arith.constant 0 : i32
        %dma_start3A_869 = tpu.memref_slice %arg6[%dma_start3A_867, %dma_start3A_868] : memref<10000x64xf32, #tpu.memory_space<vmem_shared>> -> memref<10000x64xf32, #tpu.memory_space<vmem_shared>>
        tpu.enqueue_indirect_dma source(%arg10 : memref<80x64xf32, #tpu.memory_space<vmem>>) target(%dma_start3A_869 : memref<10000x64xf32, #tpu.memory_space<vmem_shared>>) offsets(%dma_start3A_866 : memref<80xi32, #tpu.memory_space<vmem>>) semaphore(%run_scoped3A : memref<!tpu.dma_semaphore, #tpu.memory_space<semaphore_mem>>) {add = true}
        %dma_wait3A_870 = tpu.memref_slice %arg8[%mul3A_759] : memref<20000xi32, #tpu.memory_space<vmem>> -> memref<80xi32, #tpu.memory_space<vmem>>
        %dma_wait3A_871 = arith.constant 0 : i32
        %dma_wait3A_872 = arith.constant 0 : i32
        %dma_wait3A_873 = tpu.memref_slice %arg6[%dma_wait3A_871, %dma_wait3A_872] : memref<10000x64xf32, #tpu.memory_space<vmem_shared>> -> memref<10000x64xf32, #tpu.memory_space<vmem_shared>>
        tpu.wait_indirect_dma semaphore(%run_scoped3A : memref<!tpu.dma_semaphore, #tpu.memory_space<semaphore_mem>>) src(%arg10 : memref<80x64xf32, #tpu.memory_space<vmem>>) dst(%dma_wait3A_873 : memref<10000x64xf32, #tpu.memory_space<vmem_shared>>)
        tpu.yield
      }) : () -> ()
      %add3A_760 = arith.constant 1 : i32
      %add3A_761 = arith.addi %mul3A_717, %add3A_760 : i32
      %add3A_762 = arith.constant 5 : i32
      %add3A_763 = arith.addi %add3A_761, %add3A_762 : i32
      %sub3A_764 = arith.constant 1 : i32
      %sub3A_765 = arith.subi %add3A_763, %sub3A_764 : i32
      %mul3A_766 = arith.constant 80 : i32
      %mul3A_767 = arith.muli %sub3A_765, %mul3A_766 : i32
      %dma_start3A_768 = tpu.memref_slice %arg7[%mul3A_767] : memref<20000xi32, #tpu.memory_space<vmem>> -> memref<80xi32, #tpu.memory_space<vmem>>
      %dma_start3A_769 = arith.constant 0 : i32
      %dma_start3A_770 = arith.constant 0 : i32
      %dma_start3A_771 = tpu.memref_slice %arg2[%arg0, %dma_start3A_769, %dma_start3A_770] : memref<2x10000x64xf32, #tpu.memory_space<hbm>> -> memref<1x10000x64xf32, #tpu.memory_space<hbm>>
      %dma_start3A_772 = tpu.memref_squeeze %dma_start3A_771 : memref<1x10000x64xf32, #tpu.memory_space<hbm>> -> memref<10000x64xf32, #tpu.memory_space<hbm>>
      %dma_start3A_773 = arith.constant 0 : i32
      %dma_start3A_774 = arith.constant 0 : i32
      %dma_start3A_775 = tpu.memref_slice %dma_start3A_772[%dma_start3A_773, %dma_start3A_774] : memref<10000x64xf32, #tpu.memory_space<hbm>> -> memref<10000x64xf32, #tpu.memory_space<hbm>>
      tpu.enqueue_indirect_dma source(%dma_start3A_775 : memref<10000x64xf32, #tpu.memory_space<hbm>>) target(%arg9 : memref<80x64xf32, #tpu.memory_space<vmem>>) offsets(%dma_start3A_768 : memref<80xi32, #tpu.memory_space<vmem>>) semaphore(%arg15 : memref<!tpu.dma_semaphore, #tpu.memory_space<semaphore_mem>>)
      %add3A_776 = arith.constant 2 : i32
      %add3A_777 = arith.addi %mul3A_717, %add3A_776 : i32
      %mul3A_778 = arith.constant 80 : i32
      %mul3A_779 = arith.muli %add3A_777, %mul3A_778 : i32
      %dma_wait3A_780 = tpu.memref_slice %arg7[%mul3A_779] : memref<20000xi32, #tpu.memory_space<vmem>> -> memref<80xi32, #tpu.memory_space<vmem>>
      %dma_wait3A_781 = arith.constant 0 : i32
      %dma_wait3A_782 = arith.constant 0 : i32
      %dma_wait3A_783 = tpu.memref_slice %arg2[%arg0, %dma_wait3A_781, %dma_wait3A_782] : memref<2x10000x64xf32, #tpu.memory_space<hbm>> -> memref<1x10000x64xf32, #tpu.memory_space<hbm>>
      %dma_wait3A_784 = tpu.memref_squeeze %dma_wait3A_783 : memref<1x10000x64xf32, #tpu.memory_space<hbm>> -> memref<10000x64xf32, #tpu.memory_space<hbm>>
      %dma_wait3A_785 = arith.constant 0 : i32
      %dma_wait3A_786 = arith.constant 0 : i32
      %dma_wait3A_787 = tpu.memref_slice %dma_wait3A_784[%dma_wait3A_785, %dma_wait3A_786] : memref<10000x64xf32, #tpu.memory_space<hbm>> -> memref<10000x64xf32, #tpu.memory_space<hbm>>
      tpu.wait_indirect_dma semaphore(%arg17 : memref<!tpu.dma_semaphore, #tpu.memory_space<semaphore_mem>>) src(%dma_wait3A_787 : memref<10000x64xf32, #tpu.memory_space<hbm>>) dst(%arg11 : memref<80x64xf32, #tpu.memory_space<vmem>>)
      %mul3A_788 = arith.constant 80 : i32
      %mul3A_789 = arith.muli %add3A_777, %mul3A_788 : i32
      "tpu.region"() ({
        %run_scoped3A = tpu.sem_alloc : memref<!tpu.dma_semaphore, #tpu.memory_space<semaphore_mem>>
        %dma_start3A_866 = tpu.memref_slice %arg8[%mul3A_789] : memref<20000xi32, #tpu.memory_space<vmem>> -> memref<80xi32, #tpu.memory_space<vmem>>
        %dma_start3A_867 = arith.constant 0 : i32
        %dma_start3A_868 = arith.constant 0 : i32
        %dma_start3A_869 = tpu.memref_slice %arg6[%dma_start3A_867, %dma_start3A_868] : memref<10000x64xf32, #tpu.memory_space<vmem_shared>> -> memref<10000x64xf32, #tpu.memory_space<vmem_shared>>
        tpu.enqueue_indirect_dma source(%arg11 : memref<80x64xf32, #tpu.memory_space<vmem>>) target(%dma_start3A_869 : memref<10000x64xf32, #tpu.memory_space<vmem_shared>>) offsets(%dma_start3A_866 : memref<80xi32, #tpu.memory_space<vmem>>) semaphore(%run_scoped3A : memref<!tpu.dma_semaphore, #tpu.memory_space<semaphore_mem>>) {add = true}
        %dma_wait3A_870 = tpu.memref_slice %arg8[%mul3A_789] : memref<20000xi32, #tpu.memory_space<vmem>> -> memref<80xi32, #tpu.memory_space<vmem>>
        %dma_wait3A_871 = arith.constant 0 : i32
        %dma_wait3A_872 = arith.constant 0 : i32
        %dma_wait3A_873 = tpu.memref_slice %arg6[%dma_wait3A_871, %dma_wait3A_872] : memref<10000x64xf32, #tpu.memory_space<vmem_shared>> -> memref<10000x64xf32, #tpu.memory_space<vmem_shared>>
        tpu.wait_indirect_dma semaphore(%run_scoped3A : memref<!tpu.dma_semaphore, #tpu.memory_space<semaphore_mem>>) src(%arg11 : memref<80x64xf32, #tpu.memory_space<vmem>>) dst(%dma_wait3A_873 : memref<10000x64xf32, #tpu.memory_space<vmem_shared>>)
        tpu.yield
      }) : () -> ()
      %add3A_790 = arith.constant 2 : i32
      %add3A_791 = arith.addi %mul3A_717, %add3A_790 : i32
      %add3A_792 = arith.constant 5 : i32
      %add3A_793 = arith.addi %add3A_791, %add3A_792 : i32
      %sub3A_794 = arith.constant 1 : i32
      %sub3A_795 = arith.subi %add3A_793, %sub3A_794 : i32
      %mul3A_796 = arith.constant 80 : i32
      %mul3A_797 = arith.muli %sub3A_795, %mul3A_796 : i32
      %dma_start3A_798 = tpu.memref_slice %arg7[%mul3A_797] : memref<20000xi32, #tpu.memory_space<vmem>> -> memref<80xi32, #tpu.memory_space<vmem>>
      %dma_start3A_799 = arith.constant 0 : i32
      %dma_start3A_800 = arith.constant 0 : i32
      %dma_start3A_801 = tpu.memref_slice %arg2[%arg0, %dma_start3A_799, %dma_start3A_800] : memref<2x10000x64xf32, #tpu.memory_space<hbm>> -> memref<1x10000x64xf32, #tpu.memory_space<hbm>>
      %dma_start3A_802 = tpu.memref_squeeze %dma_start3A_801 : memref<1x10000x64xf32, #tpu.memory_space<hbm>> -> memref<10000x64xf32, #tpu.memory_space<hbm>>
      %dma_start3A_803 = arith.constant 0 : i32
      %dma_start3A_804 = arith.constant 0 : i32
      %dma_start3A_805 = tpu.memref_slice %dma_start3A_802[%dma_start3A_803, %dma_start3A_804] : memref<10000x64xf32, #tpu.memory_space<hbm>> -> memref<10000x64xf32, #tpu.memory_space<hbm>>
      tpu.enqueue_indirect_dma source(%dma_start3A_805 : memref<10000x64xf32, #tpu.memory_space<hbm>>) target(%arg10 : memref<80x64xf32, #tpu.memory_space<vmem>>) offsets(%dma_start3A_798 : memref<80xi32, #tpu.memory_space<vmem>>) semaphore(%arg16 : memref<!tpu.dma_semaphore, #tpu.memory_space<semaphore_mem>>)
      %add3A_806 = arith.constant 3 : i32
      %add3A_807 = arith.addi %mul3A_717, %add3A_806 : i32
      %mul3A_808 = arith.constant 80 : i32
      %mul3A_809 = arith.muli %add3A_807, %mul3A_808 : i32
      %dma_wait3A_810 = tpu.memref_slice %arg7[%mul3A_809] : memref<20000xi32, #tpu.memory_space<vmem>> -> memref<80xi32, #tpu.memory_space<vmem>>
      %dma_wait3A_811 = arith.constant 0 : i32
      %dma_wait3A_812 = arith.constant 0 : i32
      %dma_wait3A_813 = tpu.memref_slice %arg2[%arg0, %dma_wait3A_811, %dma_wait3A_812] : memref<2x10000x64xf32, #tpu.memory_space<hbm>> -> memref<1x10000x64xf32, #tpu.memory_space<hbm>>
      %dma_wait3A_814 = tpu.memref_squeeze %dma_wait3A_813 : memref<1x10000x64xf32, #tpu.memory_space<hbm>> -> memref<10000x64xf32, #tpu.memory_space<hbm>>
      %dma_wait3A_815 = arith.constant 0 : i32
      %dma_wait3A_816 = arith.constant 0 : i32
      %dma_wait3A_817 = tpu.memref_slice %dma_wait3A_814[%dma_wait3A_815, %dma_wait3A_816] : memref<10000x64xf32, #tpu.memory_space<hbm>> -> memref<10000x64xf32, #tpu.memory_space<hbm>>
      tpu.wait_indirect_dma semaphore(%arg18 : memref<!tpu.dma_semaphore, #tpu.memory_space<semaphore_mem>>) src(%dma_wait3A_817 : memref<10000x64xf32, #tpu.memory_space<hbm>>) dst(%arg12 : memref<80x64xf32, #tpu.memory_space<vmem>>)
      %mul3A_818 = arith.constant 80 : i32
      %mul3A_819 = arith.muli %add3A_807, %mul3A_818 : i32
      "tpu.region"() ({
        %run_scoped3A = tpu.sem_alloc : memref<!tpu.dma_semaphore, #tpu.memory_space<semaphore_mem>>
        %dma_start3A_866 = tpu.memref_slice %arg8[%mul3A_819] : memref<20000xi32, #tpu.memory_space<vmem>> -> memref<80xi32, #tpu.memory_space<vmem>>
        %dma_start3A_867 = arith.constant 0 : i32
        %dma_start3A_868 = arith.constant 0 : i32
        %dma_start3A_869 = tpu.memref_slice %arg6[%dma_start3A_867, %dma_start3A_868] : memref<10000x64xf32, #tpu.memory_space<vmem_shared>> -> memref<10000x64xf32, #tpu.memory_space<vmem_shared>>
        tpu.enqueue_indirect_dma source(%arg12 : memref<80x64xf32, #tpu.memory_space<vmem>>) target(%dma_start3A_869 : memref<10000x64xf32, #tpu.memory_space<vmem_shared>>) offsets(%dma_start3A_866 : memref<80xi32, #tpu.memory_space<vmem>>) semaphore(%run_scoped3A : memref<!tpu.dma_semaphore, #tpu.memory_space<semaphore_mem>>) {add = true}
        %dma_wait3A_870 = tpu.memref_slice %arg8[%mul3A_819] : memref<20000xi32, #tpu.memory_space<vmem>> -> memref<80xi32, #tpu.memory_space<vmem>>
        %dma_wait3A_871 = arith.constant 0 : i32
        %dma_wait3A_872 = arith.constant 0 : i32
        %dma_wait3A_873 = tpu.memref_slice %arg6[%dma_wait3A_871, %dma_wait3A_872] : memref<10000x64xf32, #tpu.memory_space<vmem_shared>> -> memref<10000x64xf32, #tpu.memory_space<vmem_shared>>
        tpu.wait_indirect_dma semaphore(%run_scoped3A : memref<!tpu.dma_semaphore, #tpu.memory_space<semaphore_mem>>) src(%arg12 : memref<80x64xf32, #tpu.memory_space<vmem>>) dst(%dma_wait3A_873 : memref<10000x64xf32, #tpu.memory_space<vmem_shared>>)
        tpu.yield
      }) : () -> ()
      %add3A_820 = arith.constant 3 : i32
      %add3A_821 = arith.addi %mul3A_717, %add3A_820 : i32
      %add3A_822 = arith.constant 5 : i32
      %add3A_823 = arith.addi %add3A_821, %add3A_822 : i32
      %sub3A_824 = arith.constant 1 : i32
      %sub3A_825 = arith.subi %add3A_823, %sub3A_824 : i32
      %mul3A_826 = arith.constant 80 : i32
      %mul3A_827 = arith.muli %sub3A_825, %mul3A_826 : i32
      %dma_start3A_828 = tpu.memref_slice %arg7[%mul3A_827] : memref<20000xi32, #tpu.memory_space<vmem>> -> memref<80xi32, #tpu.memory_space<vmem>>
      %dma_start3A_829 = arith.constant 0 : i32
      %dma_start3A_830 = arith.constant 0 : i32
      %dma_start3A_831 = tpu.memref_slice %arg2[%arg0, %dma_start3A_829, %dma_start3A_830] : memref<2x10000x64xf32, #tpu.memory_space<hbm>> -> memref<1x10000x64xf32, #tpu.memory_space<hbm>>
      %dma_start3A_832 = tpu.memref_squeeze %dma_start3A_831 : memref<1x10000x64xf32, #tpu.memory_space<hbm>> -> memref<10000x64xf32, #tpu.memory_space<hbm>>
      %dma_start3A_833 = arith.constant 0 : i32
      %dma_start3A_834 = arith.constant 0 : i32
      %dma_start3A_835 = tpu.memref_slice %dma_start3A_832[%dma_start3A_833, %dma_start3A_834] : memref<10000x64xf32, #tpu.memory_space<hbm>> -> memref<10000x64xf32, #tpu.memory_space<hbm>>
      tpu.enqueue_indirect_dma source(%dma_start3A_835 : memref<10000x64xf32, #tpu.memory_space<hbm>>) target(%arg11 : memref<80x64xf32, #tpu.memory_space<vmem>>) offsets(%dma_start3A_828 : memref<80xi32, #tpu.memory_space<vmem>>) semaphore(%arg17 : memref<!tpu.dma_semaphore, #tpu.memory_space<semaphore_mem>>)
      %add3A_836 = arith.constant 4 : i32
      %add3A_837 = arith.addi %mul3A_717, %add3A_836 : i32
      %mul3A_838 = arith.constant 80 : i32
      %mul3A_839 = arith.muli %add3A_837, %mul3A_838 : i32
      %dma_wait3A_840 = tpu.memref_slice %arg7[%mul3A_839] : memref<20000xi32, #tpu.memory_space<vmem>> -> memref<80xi32, #tpu.memory_space<vmem>>
      %dma_wait3A_841 = arith.constant 0 : i32
      %dma_wait3A_842 = arith.constant 0 : i32
      %dma_wait3A_843 = tpu.memref_slice %arg2[%arg0, %dma_wait3A_841, %dma_wait3A_842] : memref<2x10000x64xf32, #tpu.memory_space<hbm>> -> memref<1x10000x64xf32, #tpu.memory_space<hbm>>
      %dma_wait3A_844 = tpu.memref_squeeze %dma_wait3A_843 : memref<1x10000x64xf32, #tpu.memory_space<hbm>> -> memref<10000x64xf32, #tpu.memory_space<hbm>>
      %dma_wait3A_845 = arith.constant 0 : i32
      %dma_wait3A_846 = arith.constant 0 : i32
      %dma_wait3A_847 = tpu.memref_slice %dma_wait3A_844[%dma_wait3A_845, %dma_wait3A_846] : memref<10000x64xf32, #tpu.memory_space<hbm>> -> memref<10000x64xf32, #tpu.memory_space<hbm>>
      tpu.wait_indirect_dma semaphore(%arg19 : memref<!tpu.dma_semaphore, #tpu.memory_space<semaphore_mem>>) src(%dma_wait3A_847 : memref<10000x64xf32, #tpu.memory_space<hbm>>) dst(%arg13 : memref<80x64xf32, #tpu.memory_space<vmem>>)
      %mul3A_848 = arith.constant 80 : i32
      %mul3A_849 = arith.muli %add3A_837, %mul3A_848 : i32
      "tpu.region"() ({
        %run_scoped3A = tpu.sem_alloc : memref<!tpu.dma_semaphore, #tpu.memory_space<semaphore_mem>>
        %dma_start3A_866 = tpu.memref_slice %arg8[%mul3A_849] : memref<20000xi32, #tpu.memory_space<vmem>> -> memref<80xi32, #tpu.memory_space<vmem>>
        %dma_start3A_867 = arith.constant 0 : i32
        %dma_start3A_868 = arith.constant 0 : i32
        %dma_start3A_869 = tpu.memref_slice %arg6[%dma_start3A_867, %dma_start3A_868] : memref<10000x64xf32, #tpu.memory_space<vmem_shared>> -> memref<10000x64xf32, #tpu.memory_space<vmem_shared>>
        tpu.enqueue_indirect_dma source(%arg13 : memref<80x64xf32, #tpu.memory_space<vmem>>) target(%dma_start3A_869 : memref<10000x64xf32, #tpu.memory_space<vmem_shared>>) offsets(%dma_start3A_866 : memref<80xi32, #tpu.memory_space<vmem>>) semaphore(%run_scoped3A : memref<!tpu.dma_semaphore, #tpu.memory_space<semaphore_mem>>) {add = true}
        %dma_wait3A_870 = tpu.memref_slice %arg8[%mul3A_849] : memref<20000xi32, #tpu.memory_space<vmem>> -> memref<80xi32, #tpu.memory_space<vmem>>
        %dma_wait3A_871 = arith.constant 0 : i32
        %dma_wait3A_872 = arith.constant 0 : i32
        %dma_wait3A_873 = tpu.memref_slice %arg6[%dma_wait3A_871, %dma_wait3A_872] : memref<10000x64xf32, #tpu.memory_space<vmem_shared>> -> memref<10000x64xf32, #tpu.memory_space<vmem_shared>>
        tpu.wait_indirect_dma semaphore(%run_scoped3A : memref<!tpu.dma_semaphore, #tpu.memory_space<semaphore_mem>>) src(%arg13 : memref<80x64xf32, #tpu.memory_space<vmem>>) dst(%dma_wait3A_873 : memref<10000x64xf32, #tpu.memory_space<vmem_shared>>)
        tpu.yield
      }) : () -> ()
      %add3A_850 = arith.constant 4 : i32
      %add3A_851 = arith.addi %mul3A_717, %add3A_850 : i32
      %add3A_852 = arith.constant 5 : i32
      %add3A_853 = arith.addi %add3A_851, %add3A_852 : i32
      %sub3A_854 = arith.constant 1 : i32
      %sub3A_855 = arith.subi %add3A_853, %sub3A_854 : i32
      %mul3A_856 = arith.constant 80 : i32
      %mul3A_857 = arith.muli %sub3A_855, %mul3A_856 : i32
      %dma_start3A_858 = tpu.memref_slice %arg7[%mul3A_857] : memref<20000xi32, #tpu.memory_space<vmem>> -> memref<80xi32, #tpu.memory_space<vmem>>
      %dma_start3A_859 = arith.constant 0 : i32
      %dma_start3A_860 = arith.constant 0 : i32
      %dma_start3A_861 = tpu.memref_slice %arg2[%arg0, %dma_start3A_859, %dma_start3A_860] : memref<2x10000x64xf32, #tpu.memory_space<hbm>> -> memref<1x10000x64xf32, #tpu.memory_space<hbm>>
      %dma_start3A_862 = tpu.memref_squeeze %dma_start3A_861 : memref<1x10000x64xf32, #tpu.memory_space<hbm>> -> memref<10000x64xf32, #tpu.memory_space<hbm>>
      %dma_start3A_863 = arith.constant 0 : i32
      %dma_start3A_864 = arith.constant 0 : i32
      %dma_start3A_865 = tpu.memref_slice %dma_start3A_862[%dma_start3A_863, %dma_start3A_864] : memref<10000x64xf32, #tpu.memory_space<hbm>> -> memref<10000x64xf32, #tpu.memory_space<hbm>>
      tpu.enqueue_indirect_dma source(%dma_start3A_865 : memref<10000x64xf32, #tpu.memory_space<hbm>>) target(%arg12 : memref<80x64xf32, #tpu.memory_space<vmem>>) offsets(%dma_start3A_858 : memref<80xi32, #tpu.memory_space<vmem>>) semaphore(%arg18 : memref<!tpu.dma_semaphore, #tpu.memory_space<semaphore_mem>>)
    }
    %scan3A_657 = arith.constant 49 : i32
    %dma_wait3A_658 = arith.constant 19600 : i32
    %dma_wait3A_659 = tpu.memref_slice %arg7[%dma_wait3A_658] : memref<20000xi32, #tpu.memory_space<vmem>> -> memref<80xi32, #tpu.memory_space<vmem>>
    %dma_wait3A_660 = arith.constant 0 : i32
    %dma_wait3A_661 = arith.constant 0 : i32
    %dma_wait3A_662 = tpu.memref_slice %arg2[%arg0, %dma_wait3A_660, %dma_wait3A_661] : memref<2x10000x64xf32, #tpu.memory_space<hbm>> -> memref<1x10000x64xf32, #tpu.memory_space<hbm>>
    %dma_wait3A_663 = tpu.memref_squeeze %dma_wait3A_662 : memref<1x10000x64xf32, #tpu.memory_space<hbm>> -> memref<10000x64xf32, #tpu.memory_space<hbm>>
    %dma_wait3A_664 = arith.constant 0 : i32
    %dma_wait3A_665 = arith.constant 0 : i32
    %dma_wait3A_666 = tpu.memref_slice %dma_wait3A_663[%dma_wait3A_664, %dma_wait3A_665] : memref<10000x64xf32, #tpu.memory_space<hbm>> -> memref<10000x64xf32, #tpu.memory_space<hbm>>
    tpu.wait_indirect_dma semaphore(%arg15 : memref<!tpu.dma_semaphore, #tpu.memory_space<semaphore_mem>>) src(%dma_wait3A_666 : memref<10000x64xf32, #tpu.memory_space<hbm>>) dst(%arg9 : memref<80x64xf32, #tpu.memory_space<vmem>>)
    "tpu.region"() ({
      %run_scoped3A = tpu.sem_alloc : memref<!tpu.dma_semaphore, #tpu.memory_space<semaphore_mem>>
      %dma_start3A_715 = arith.constant 19600 : i32
      %dma_start3A_716 = tpu.memref_slice %arg8[%dma_start3A_715] : memref<20000xi32, #tpu.memory_space<vmem>> -> memref<80xi32, #tpu.memory_space<vmem>>
      %dma_start3A_717 = arith.constant 0 : i32
      %dma_start3A_718 = arith.constant 0 : i32
      %dma_start3A_719 = tpu.memref_slice %arg6[%dma_start3A_717, %dma_start3A_718] : memref<10000x64xf32, #tpu.memory_space<vmem_shared>> -> memref<10000x64xf32, #tpu.memory_space<vmem_shared>>
      tpu.enqueue_indirect_dma source(%arg9 : memref<80x64xf32, #tpu.memory_space<vmem>>) target(%dma_start3A_719 : memref<10000x64xf32, #tpu.memory_space<vmem_shared>>) offsets(%dma_start3A_716 : memref<80xi32, #tpu.memory_space<vmem>>) semaphore(%run_scoped3A : memref<!tpu.dma_semaphore, #tpu.memory_space<semaphore_mem>>) {add = true}
      %dma_wait3A_720 = arith.constant 19600 : i32
      %dma_wait3A_721 = tpu.memref_slice %arg8[%dma_wait3A_720] : memref<20000xi32, #tpu.memory_space<vmem>> -> memref<80xi32, #tpu.memory_space<vmem>>
      %dma_wait3A_722 = arith.constant 0 : i32
      %dma_wait3A_723 = arith.constant 0 : i32
      %dma_wait3A_724 = tpu.memref_slice %arg6[%dma_wait3A_722, %dma_wait3A_723] : memref<10000x64xf32, #tpu.memory_space<vmem_shared>> -> memref<10000x64xf32, #tpu.memory_space<vmem_shared>>
      tpu.wait_indirect_dma semaphore(%run_scoped3A : memref<!tpu.dma_semaphore, #tpu.memory_space<semaphore_mem>>) src(%arg9 : memref<80x64xf32, #tpu.memory_space<vmem>>) dst(%dma_wait3A_724 : memref<10000x64xf32, #tpu.memory_space<vmem_shared>>)
      tpu.yield
    }) : () -> ()
    %dma_start3A_667 = arith.constant 19920 : i32
    %dma_start3A_668 = tpu.memref_slice %arg7[%dma_start3A_667] : memref<20000xi32, #tpu.memory_space<vmem>> -> memref<80xi32, #tpu.memory_space<vmem>>
    %dma_start3A_669 = arith.constant 0 : i32
    %dma_start3A_670 = arith.constant 0 : i32
    %dma_start3A_671 = tpu.memref_slice %arg2[%arg0, %dma_start3A_669, %dma_start3A_670] : memref<2x10000x64xf32, #tpu.memory_space<hbm>> -> memref<1x10000x64xf32, #tpu.memory_space<hbm>>
    %dma_start3A_672 = tpu.memref_squeeze %dma_start3A_671 : memref<1x10000x64xf32, #tpu.memory_space<hbm>> -> memref<10000x64xf32, #tpu.memory_space<hbm>>
    %dma_start3A_673 = arith.constant 0 : i32
    %dma_start3A_674 = arith.constant 0 : i32
    %dma_start3A_675 = tpu.memref_slice %dma_start3A_672[%dma_start3A_673, %dma_start3A_674] : memref<10000x64xf32, #tpu.memory_space<hbm>> -> memref<10000x64xf32, #tpu.memory_space<hbm>>
    tpu.enqueue_indirect_dma source(%dma_start3A_675 : memref<10000x64xf32, #tpu.memory_space<hbm>>) target(%arg13 : memref<80x64xf32, #tpu.memory_space<vmem>>) offsets(%dma_start3A_668 : memref<80xi32, #tpu.memory_space<vmem>>) semaphore(%arg19 : memref<!tpu.dma_semaphore, #tpu.memory_space<semaphore_mem>>)
    %dma_wait3A_676 = arith.constant 19680 : i32
    %dma_wait3A_677 = tpu.memref_slice %arg7[%dma_wait3A_676] : memref<20000xi32, #tpu.memory_space<vmem>> -> memref<80xi32, #tpu.memory_space<vmem>>
    %dma_wait3A_678 = arith.constant 0 : i32
    %dma_wait3A_679 = arith.constant 0 : i32
    %dma_wait3A_680 = tpu.memref_slice %arg2[%arg0, %dma_wait3A_678, %dma_wait3A_679] : memref<2x10000x64xf32, #tpu.memory_space<hbm>> -> memref<1x10000x64xf32, #tpu.memory_space<hbm>>
    %dma_wait3A_681 = tpu.memref_squeeze %dma_wait3A_680 : memref<1x10000x64xf32, #tpu.memory_space<hbm>> -> memref<10000x64xf32, #tpu.memory_space<hbm>>
    %dma_wait3A_682 = arith.constant 0 : i32
    %dma_wait3A_683 = arith.constant 0 : i32
    %dma_wait3A_684 = tpu.memref_slice %dma_wait3A_681[%dma_wait3A_682, %dma_wait3A_683] : memref<10000x64xf32, #tpu.memory_space<hbm>> -> memref<10000x64xf32, #tpu.memory_space<hbm>>
    tpu.wait_indirect_dma semaphore(%arg16 : memref<!tpu.dma_semaphore, #tpu.memory_space<semaphore_mem>>) src(%dma_wait3A_684 : memref<10000x64xf32, #tpu.memory_space<hbm>>) dst(%arg10 : memref<80x64xf32, #tpu.memory_space<vmem>>)
    "tpu.region"() ({
      %run_scoped3A = tpu.sem_alloc : memref<!tpu.dma_semaphore, #tpu.memory_space<semaphore_mem>>
      %dma_start3A_715 = arith.constant 19680 : i32
      %dma_start3A_716 = tpu.memref_slice %arg8[%dma_start3A_715] : memref<20000xi32, #tpu.memory_space<vmem>> -> memref<80xi32, #tpu.memory_space<vmem>>
      %dma_start3A_717 = arith.constant 0 : i32
      %dma_start3A_718 = arith.constant 0 : i32
      %dma_start3A_719 = tpu.memref_slice %arg6[%dma_start3A_717, %dma_start3A_718] : memref<10000x64xf32, #tpu.memory_space<vmem_shared>> -> memref<10000x64xf32, #tpu.memory_space<vmem_shared>>
      tpu.enqueue_indirect_dma source(%arg10 : memref<80x64xf32, #tpu.memory_space<vmem>>) target(%dma_start3A_719 : memref<10000x64xf32, #tpu.memory_space<vmem_shared>>) offsets(%dma_start3A_716 : memref<80xi32, #tpu.memory_space<vmem>>) semaphore(%run_scoped3A : memref<!tpu.dma_semaphore, #tpu.memory_space<semaphore_mem>>) {add = true}
      %dma_wait3A_720 = arith.constant 19680 : i32
      %dma_wait3A_721 = tpu.memref_slice %arg8[%dma_wait3A_720] : memref<20000xi32, #tpu.memory_space<vmem>> -> memref<80xi32, #tpu.memory_space<vmem>>
      %dma_wait3A_722 = arith.constant 0 : i32
      %dma_wait3A_723 = arith.constant 0 : i32
      %dma_wait3A_724 = tpu.memref_slice %arg6[%dma_wait3A_722, %dma_wait3A_723] : memref<10000x64xf32, #tpu.memory_space<vmem_shared>> -> memref<10000x64xf32, #tpu.memory_space<vmem_shared>>
      tpu.wait_indirect_dma semaphore(%run_scoped3A : memref<!tpu.dma_semaphore, #tpu.memory_space<semaphore_mem>>) src(%arg10 : memref<80x64xf32, #tpu.memory_space<vmem>>) dst(%dma_wait3A_724 : memref<10000x64xf32, #tpu.memory_space<vmem_shared>>)
      tpu.yield
    }) : () -> ()
    %dma_wait3A_685 = arith.constant 19760 : i32
    %dma_wait3A_686 = tpu.memref_slice %arg7[%dma_wait3A_685] : memref<20000xi32, #tpu.memory_space<vmem>> -> memref<80xi32, #tpu.memory_space<vmem>>
    %dma_wait3A_687 = arith.constant 0 : i32
    %dma_wait3A_688 = arith.constant 0 : i32
    %dma_wait3A_689 = tpu.memref_slice %arg2[%arg0, %dma_wait3A_687, %dma_wait3A_688] : memref<2x10000x64xf32, #tpu.memory_space<hbm>> -> memref<1x10000x64xf32, #tpu.memory_space<hbm>>
    %dma_wait3A_690 = tpu.memref_squeeze %dma_wait3A_689 : memref<1x10000x64xf32, #tpu.memory_space<hbm>> -> memref<10000x64xf32, #tpu.memory_space<hbm>>
    %dma_wait3A_691 = arith.constant 0 : i32
    %dma_wait3A_692 = arith.constant 0 : i32
    %dma_wait3A_693 = tpu.memref_slice %dma_wait3A_690[%dma_wait3A_691, %dma_wait3A_692] : memref<10000x64xf32, #tpu.memory_space<hbm>> -> memref<10000x64xf32, #tpu.memory_space<hbm>>
    tpu.wait_indirect_dma semaphore(%arg17 : memref<!tpu.dma_semaphore, #tpu.memory_space<semaphore_mem>>) src(%dma_wait3A_693 : memref<10000x64xf32, #tpu.memory_space<hbm>>) dst(%arg11 : memref<80x64xf32, #tpu.memory_space<vmem>>)
    "tpu.region"() ({
      %run_scoped3A = tpu.sem_alloc : memref<!tpu.dma_semaphore, #tpu.memory_space<semaphore_mem>>
      %dma_start3A_715 = arith.constant 19760 : i32
      %dma_start3A_716 = tpu.memref_slice %arg8[%dma_start3A_715] : memref<20000xi32, #tpu.memory_space<vmem>> -> memref<80xi32, #tpu.memory_space<vmem>>
      %dma_start3A_717 = arith.constant 0 : i32
      %dma_start3A_718 = arith.constant 0 : i32
      %dma_start3A_719 = tpu.memref_slice %arg6[%dma_start3A_717, %dma_start3A_718] : memref<10000x64xf32, #tpu.memory_space<vmem_shared>> -> memref<10000x64xf32, #tpu.memory_space<vmem_shared>>
      tpu.enqueue_indirect_dma source(%arg11 : memref<80x64xf32, #tpu.memory_space<vmem>>) target(%dma_start3A_719 : memref<10000x64xf32, #tpu.memory_space<vmem_shared>>) offsets(%dma_start3A_716 : memref<80xi32, #tpu.memory_space<vmem>>) semaphore(%run_scoped3A : memref<!tpu.dma_semaphore, #tpu.memory_space<semaphore_mem>>) {add = true}
      %dma_wait3A_720 = arith.constant 19760 : i32
      %dma_wait3A_721 = tpu.memref_slice %arg8[%dma_wait3A_720] : memref<20000xi32, #tpu.memory_space<vmem>> -> memref<80xi32, #tpu.memory_space<vmem>>
      %dma_wait3A_722 = arith.constant 0 : i32
      %dma_wait3A_723 = arith.constant 0 : i32
      %dma_wait3A_724 = tpu.memref_slice %arg6[%dma_wait3A_722, %dma_wait3A_723] : memref<10000x64xf32, #tpu.memory_space<vmem_shared>> -> memref<10000x64xf32, #tpu.memory_space<vmem_shared>>
      tpu.wait_indirect_dma semaphore(%run_scoped3A : memref<!tpu.dma_semaphore, #tpu.memory_space<semaphore_mem>>) src(%arg11 : memref<80x64xf32, #tpu.memory_space<vmem>>) dst(%dma_wait3A_724 : memref<10000x64xf32, #tpu.memory_space<vmem_shared>>)
      tpu.yield
    }) : () -> ()
    %dma_wait3A_694 = arith.constant 19840 : i32
    %dma_wait3A_695 = tpu.memref_slice %arg7[%dma_wait3A_694] : memref<20000xi32, #tpu.memory_space<vmem>> -> memref<80xi32, #tpu.memory_space<vmem>>
    %dma_wait3A_696 = arith.constant 0 : i32
    %dma_wait3A_697 = arith.constant 0 : i32
    %dma_wait3A_698 = tpu.memref_slice %arg2[%arg0, %dma_wait3A_696, %dma_wait3A_697] : memref<2x10000x64xf32, #tpu.memory_space<hbm>> -> memref<1x10000x64xf32, #tpu.memory_space<hbm>>
    %dma_wait3A_699 = tpu.memref_squeeze %dma_wait3A_698 : memref<1x10000x64xf32, #tpu.memory_space<hbm>> -> memref<10000x64xf32, #tpu.memory_space<hbm>>
    %dma_wait3A_700 = arith.constant 0 : i32
    %dma_wait3A_701 = arith.constant 0 : i32
    %dma_wait3A_702 = tpu.memref_slice %dma_wait3A_699[%dma_wait3A_700, %dma_wait3A_701] : memref<10000x64xf32, #tpu.memory_space<hbm>> -> memref<10000x64xf32, #tpu.memory_space<hbm>>
    tpu.wait_indirect_dma semaphore(%arg18 : memref<!tpu.dma_semaphore, #tpu.memory_space<semaphore_mem>>) src(%dma_wait3A_702 : memref<10000x64xf32, #tpu.memory_space<hbm>>) dst(%arg12 : memref<80x64xf32, #tpu.memory_space<vmem>>)
    "tpu.region"() ({
      %run_scoped3A = tpu.sem_alloc : memref<!tpu.dma_semaphore, #tpu.memory_space<semaphore_mem>>
      %dma_start3A_715 = arith.constant 19840 : i32
      %dma_start3A_716 = tpu.memref_slice %arg8[%dma_start3A_715] : memref<20000xi32, #tpu.memory_space<vmem>> -> memref<80xi32, #tpu.memory_space<vmem>>
      %dma_start3A_717 = arith.constant 0 : i32
      %dma_start3A_718 = arith.constant 0 : i32
      %dma_start3A_719 = tpu.memref_slice %arg6[%dma_start3A_717, %dma_start3A_718] : memref<10000x64xf32, #tpu.memory_space<vmem_shared>> -> memref<10000x64xf32, #tpu.memory_space<vmem_shared>>
      tpu.enqueue_indirect_dma source(%arg12 : memref<80x64xf32, #tpu.memory_space<vmem>>) target(%dma_start3A_719 : memref<10000x64xf32, #tpu.memory_space<vmem_shared>>) offsets(%dma_start3A_716 : memref<80xi32, #tpu.memory_space<vmem>>) semaphore(%run_scoped3A : memref<!tpu.dma_semaphore, #tpu.memory_space<semaphore_mem>>) {add = true}
      %dma_wait3A_720 = arith.constant 19840 : i32
      %dma_wait3A_721 = tpu.memref_slice %arg8[%dma_wait3A_720] : memref<20000xi32, #tpu.memory_space<vmem>> -> memref<80xi32, #tpu.memory_space<vmem>>
      %dma_wait3A_722 = arith.constant 0 : i32
      %dma_wait3A_723 = arith.constant 0 : i32
      %dma_wait3A_724 = tpu.memref_slice %arg6[%dma_wait3A_722, %dma_wait3A_723] : memref<10000x64xf32, #tpu.memory_space<vmem_shared>> -> memref<10000x64xf32, #tpu.memory_space<vmem_shared>>
      tpu.wait_indirect_dma semaphore(%run_scoped3A : memref<!tpu.dma_semaphore, #tpu.memory_space<semaphore_mem>>) src(%arg12 : memref<80x64xf32, #tpu.memory_space<vmem>>) dst(%dma_wait3A_724 : memref<10000x64xf32, #tpu.memory_space<vmem_shared>>)
      tpu.yield
    }) : () -> ()
    %dma_wait3A_703 = arith.constant 19920 : i32
    %dma_wait3A_704 = tpu.memref_slice %arg7[%dma_wait3A_703] : memref<20000xi32, #tpu.memory_space<vmem>> -> memref<80xi32, #tpu.memory_space<vmem>>
    %dma_wait3A_705 = arith.constant 0 : i32
    %dma_wait3A_706 = arith.constant 0 : i32
    %dma_wait3A_707 = tpu.memref_slice %arg2[%arg0, %dma_wait3A_705, %dma_wait3A_706] : memref<2x10000x64xf32, #tpu.memory_space<hbm>> -> memref<1x10000x64xf32, #tpu.memory_space<hbm>>
    %dma_wait3A_708 = tpu.memref_squeeze %dma_wait3A_707 : memref<1x10000x64xf32, #tpu.memory_space<hbm>> -> memref<10000x64xf32, #tpu.memory_space<hbm>>
    %dma_wait3A_709 = arith.constant 0 : i32
    %dma_wait3A_710 = arith.constant 0 : i32
    %dma_wait3A_711 = tpu.memref_slice %dma_wait3A_708[%dma_wait3A_709, %dma_wait3A_710] : memref<10000x64xf32, #tpu.memory_space<hbm>> -> memref<10000x64xf32, #tpu.memory_space<hbm>>
    tpu.wait_indirect_dma semaphore(%arg19 : memref<!tpu.dma_semaphore, #tpu.memory_space<semaphore_mem>>) src(%dma_wait3A_711 : memref<10000x64xf32, #tpu.memory_space<hbm>>) dst(%arg13 : memref<80x64xf32, #tpu.memory_space<vmem>>)
    "tpu.region"() ({
      %run_scoped3A = tpu.sem_alloc : memref<!tpu.dma_semaphore, #tpu.memory_space<semaphore_mem>>
      %dma_start3A_715 = arith.constant 19920 : i32
      %dma_start3A_716 = tpu.memref_slice %arg8[%dma_start3A_715] : memref<20000xi32, #tpu.memory_space<vmem>> -> memref<80xi32, #tpu.memory_space<vmem>>
      %dma_start3A_717 = arith.constant 0 : i32
      %dma_start3A_718 = arith.constant 0 : i32
      %dma_start3A_719 = tpu.memref_slice %arg6[%dma_start3A_717, %dma_start3A_718] : memref<10000x64xf32, #tpu.memory_space<vmem_shared>> -> memref<10000x64xf32, #tpu.memory_space<vmem_shared>>
      tpu.enqueue_indirect_dma source(%arg13 : memref<80x64xf32, #tpu.memory_space<vmem>>) target(%dma_start3A_719 : memref<10000x64xf32, #tpu.memory_space<vmem_shared>>) offsets(%dma_start3A_716 : memref<80xi32, #tpu.memory_space<vmem>>) semaphore(%run_scoped3A : memref<!tpu.dma_semaphore, #tpu.memory_space<semaphore_mem>>) {add = true}
      %dma_wait3A_720 = arith.constant 19920 : i32
      %dma_wait3A_721 = tpu.memref_slice %arg8[%dma_wait3A_720] : memref<20000xi32, #tpu.memory_space<vmem>> -> memref<80xi32, #tpu.memory_space<vmem>>
      %dma_wait3A_722 = arith.constant 0 : i32
      %dma_wait3A_723 = arith.constant 0 : i32
      %dma_wait3A_724 = tpu.memref_slice %arg6[%dma_wait3A_722, %dma_wait3A_723] : memref<10000x64xf32, #tpu.memory_space<vmem_shared>> -> memref<10000x64xf32, #tpu.memory_space<vmem_shared>>
      tpu.wait_indirect_dma semaphore(%run_scoped3A : memref<!tpu.dma_semaphore, #tpu.memory_space<semaphore_mem>>) src(%arg13 : memref<80x64xf32, #tpu.memory_space<vmem>>) dst(%dma_wait3A_724 : memref<10000x64xf32, #tpu.memory_space<vmem_shared>>)
      tpu.yield
    }) : () -> ()
    %barrier3A_712 = arith.constant 0 : index
    tpu.barrier barrier_id(%barrier3A_712)
    %mul3A_713 = arith.constant 64 : i32
    %mul3A_714 = arith.muli %arg0, %mul3A_713 : i32
    "tpu.region"() ({
      %run_scoped3A = tpu.sem_alloc : memref<!tpu.dma_semaphore, #tpu.memory_space<semaphore_mem>>
      %dma_start3A_715 = tpu.memref_slice %arg5[%mul3A_607, %mul3A_714] : memref<10000x128xf32, #tpu.memory_space<hbm>> -> memref<625x64xf32, #tpu.memory_space<hbm>>
      %dma_start3A_716 = arith.constant 0 : i32
      %dma_start3A_717 = tpu.memref_slice %arg6[%mul3A_607, %dma_start3A_716] : memref<10000x64xf32, #tpu.memory_space<vmem_shared>> -> memref<625x64xf32, #tpu.memory_space<vmem_shared>>
      tpu.enqueue_dma source(%dma_start3A_717 : memref<625x64xf32, #tpu.memory_space<vmem_shared>>) target(%dma_start3A_715 : memref<625x64xf32, #tpu.memory_space<hbm>>) target_semaphore(%run_scoped3A : memref<!tpu.dma_semaphore, #tpu.memory_space<semaphore_mem>>)
      %dma_wait3A_718 = tpu.memref_slice %arg5[%mul3A_607, %mul3A_714] : memref<10000x128xf32, #tpu.memory_space<hbm>> -> memref<625x64xf32, #tpu.memory_space<hbm>>
      %dma_wait3A_719 = arith.constant 0 : i32
      %dma_wait3A_720 = tpu.memref_slice %arg6[%mul3A_607, %dma_wait3A_719] : memref<10000x64xf32, #tpu.memory_space<vmem_shared>> -> memref<625x64xf32, #tpu.memory_space<vmem_shared>>
      tpu.wait_dma2 semaphore(%run_scoped3A : memref<!tpu.dma_semaphore, #tpu.memory_space<semaphore_mem>>) src(%dma_wait3A_720 : memref<625x64xf32, #tpu.memory_space<vmem_shared>>) dst(%dma_wait3A_718 : memref<625x64xf32, #tpu.memory_space<hbm>>)
      tpu.yield
    }) : () -> ()
    return
  }
}

#map = affine_map<(d0, d1) -> (0, 0, 0)>
#map1 = affine_map<(d0, d1) -> (0)>
#map2 = affine_map<(d0, d1) -> (0, 0)>
module attributes {stable_mosaic.version = 14 : i64} {
  func.func @_spmm_body(%arg0: i32, %arg1: i32, %arg2: memref<2x10000x64xf32, #tpu.memory_space<hbm>>, %arg3: memref<320000xi32, #tpu.memory_space<hbm>>, %arg4: memref<320000xi32, #tpu.memory_space<hbm>>, %arg5: memref<10000x128xf32, #tpu.memory_space<hbm>>, %arg6: memref<10000x64xf32, #tpu.memory_space<vmem_shared>>, %arg7: memref<20000xi32, #tpu.memory_space<vmem>>, %arg8: memref<20000xi32, #tpu.memory_space<vmem>>, %arg9: memref<80x64xf32, #tpu.memory_space<vmem>>, %arg10: memref<80x64xf32, #tpu.memory_space<vmem>>, %arg11: memref<80x64xf32, #tpu.memory_space<vmem>>, %arg12: memref<80x64xf32, #tpu.memory_space<vmem>>, %arg13: memref<80x64xf32, #tpu.memory_space<vmem>>, %arg14: memref<25x64xf32, #tpu.memory_space<vmem>>, %arg15: memref<!tpu.dma_semaphore, #tpu.memory_space<semaphore_mem>>, %arg16: memref<!tpu.dma_semaphore, #tpu.memory_space<semaphore_mem>>, %arg17: memref<!tpu.dma_semaphore, #tpu.memory_space<semaphore_mem>>, %arg18: memref<!tpu.dma_semaphore, #tpu.memory_space<semaphore_mem>>, %arg19: memref<!tpu.dma_semaphore, #tpu.memory_space<semaphore_mem>>, %arg20: memref<!tpu.dma_semaphore, #tpu.memory_space<semaphore_mem>>) attributes {dimension_semantics = [#tpu.dimension_semantics<core_parallel>, #tpu.dimension_semantics<subcore_parallel>], iteration_bounds = array<i64: 2, 16>, scalar_prefetch = 0 : i64, scratch_operands = 15 : i64, tpu.core_type = #tpu.core_type<sc_vector_subcore>, window_params = [{transform_indices = #map}, {transform_indices = #map1}, {transform_indices = #map1}, {transform_indices = #map2}]} {
    %mul3A = arith.constant 20000 : i32
    %mul3A_0 = arith.muli %arg1, %mul3A : i32
    %dma_start3A = tpu.memref_slice %arg3[%mul3A_0] : memref<320000xi32, #tpu.memory_space<hbm>> -> memref<20000xi32, #tpu.memory_space<hbm>>
    %dma_start3A_1 = tpu.memref_slice %arg3[%mul3A_0] : memref<320000xi32, #tpu.memory_space<hbm>> -> memref<20000xi32, #tpu.memory_space<hbm>>
    tpu.enqueue_dma source(%dma_start3A_1 : memref<20000xi32, #tpu.memory_space<hbm>>) target(%arg7 : memref<20000xi32, #tpu.memory_space<vmem>>) target_semaphore(%arg20 : memref<!tpu.dma_semaphore, #tpu.memory_space<semaphore_mem>>)
    %mul3A_2 = arith.constant 20000 : i32
    %mul3A_3 = arith.muli %arg1, %mul3A_2 : i32
    %dma_start3A_4 = tpu.memref_slice %arg4[%mul3A_3] : memref<320000xi32, #tpu.memory_space<hbm>> -> memref<20000xi32, #tpu.memory_space<hbm>>
    %dma_start3A_5 = tpu.memref_slice %arg4[%mul3A_3] : memref<320000xi32, #tpu.memory_space<hbm>> -> memref<20000xi32, #tpu.memory_space<hbm>>
    tpu.enqueue_dma source(%dma_start3A_5 : memref<20000xi32, #tpu.memory_space<hbm>>) target(%arg8 : memref<20000xi32, #tpu.memory_space<vmem>>) target_semaphore(%arg20 : memref<!tpu.dma_semaphore, #tpu.memory_space<semaphore_mem>>)
    %broadcast_in_dim3A = arith.constant 0.000000e+00 : f32
    %broadcast_in_dim3A_6 = vector.broadcast %broadcast_in_dim3A : f32 to vector<16xf32>
    %swap3A = arith.constant 0 : i32
    %swap3A_7 = arith.index_cast %swap3A : i32 to index
    %swap3A_8 = arith.constant 0 : index
    %swap3A_9 = tpu.vector_load %arg14[%swap3A_7, %swap3A_8] {strides = array<i32>} : memref<25x64xf32, #tpu.memory_space<vmem>>, vector<1x16xf32>,
    %swap3A_10 = vector.shape_cast %swap3A_9 : vector<1x16xf32> to vector<16xf32>
    %swap3A_11 = vector.shape_cast %broadcast_in_dim3A_6 : vector<16xf32> to vector<1x16xf32>
    tpu.vector_store %arg14[%swap3A_7, %swap3A_8], %swap3A_11 {strides = array<i32>} : memref<25x64xf32, #tpu.memory_space<vmem>>, vector<1x16xf32>,
    %swap3A_12 = arith.constant 0 : i32
    %swap3A_13 = arith.index_cast %swap3A_12 : i32 to index
    %swap3A_14 = arith.constant 16 : index
    %swap3A_15 = tpu.vector_load %arg14[%swap3A_13, %swap3A_14] {strides = array<i32>} : memref<25x64xf32, #tpu.memory_space<vmem>>, vector<1x16xf32>,
    %swap3A_16 = vector.shape_cast %swap3A_15 : vector<1x16xf32> to vector<16xf32>
    %swap3A_17 = vector.shape_cast %broadcast_in_dim3A_6 : vector<16xf32> to vector<1x16xf32>
    tpu.vector_store %arg14[%swap3A_13, %swap3A_14], %swap3A_17 {strides = array<i32>} : memref<25x64xf32, #tpu.memory_space<vmem>>, vector<1x16xf32>,
    %swap3A_18 = arith.constant 0 : i32
    %swap3A_19 = arith.index_cast %swap3A_18 : i32 to index
    %swap3A_20 = arith.constant 32 : index
    %swap3A_21 = tpu.vector_load %arg14[%swap3A_19, %swap3A_20] {strides = array<i32>} : memref<25x64xf32, #tpu.memory_space<vmem>>, vector<1x16xf32>,
    %swap3A_22 = vector.shape_cast %swap3A_21 : vector<1x16xf32> to vector<16xf32>
    %swap3A_23 = vector.shape_cast %broadcast_in_dim3A_6 : vector<16xf32> to vector<1x16xf32>
    tpu.vector_store %arg14[%swap3A_19, %swap3A_20], %swap3A_23 {strides = array<i32>} : memref<25x64xf32, #tpu.memory_space<vmem>>, vector<1x16xf32>,
    %swap3A_24 = arith.constant 0 : i32
    %swap3A_25 = arith.index_cast %swap3A_24 : i32 to index
    %swap3A_26 = arith.constant 48 : index
    %swap3A_27 = tpu.vector_load %arg14[%swap3A_25, %swap3A_26] {strides = array<i32>} : memref<25x64xf32, #tpu.memory_space<vmem>>, vector<1x16xf32>,
    %swap3A_28 = vector.shape_cast %swap3A_27 : vector<1x16xf32> to vector<16xf32>
    %swap3A_29 = vector.shape_cast %broadcast_in_dim3A_6 : vector<16xf32> to vector<1x16xf32>
    tpu.vector_store %arg14[%swap3A_25, %swap3A_26], %swap3A_29 {strides = array<i32>} : memref<25x64xf32, #tpu.memory_space<vmem>>, vector<1x16xf32>,
    %swap3A_30 = arith.constant 1 : i32
    %swap3A_31 = arith.index_cast %swap3A_30 : i32 to index
    %swap3A_32 = arith.constant 0 : index
    %swap3A_33 = tpu.vector_load %arg14[%swap3A_31, %swap3A_32] {strides = array<i32>} : memref<25x64xf32, #tpu.memory_space<vmem>>, vector<1x16xf32>,
    %swap3A_34 = vector.shape_cast %swap3A_33 : vector<1x16xf32> to vector<16xf32>
    %swap3A_35 = vector.shape_cast %broadcast_in_dim3A_6 : vector<16xf32> to vector<1x16xf32>
    tpu.vector_store %arg14[%swap3A_31, %swap3A_32], %swap3A_35 {strides = array<i32>} : memref<25x64xf32, #tpu.memory_space<vmem>>, vector<1x16xf32>,
    %swap3A_36 = arith.constant 1 : i32
    %swap3A_37 = arith.index_cast %swap3A_36 : i32 to index
    %swap3A_38 = arith.constant 16 : index
    %swap3A_39 = tpu.vector_load %arg14[%swap3A_37, %swap3A_38] {strides = array<i32>} : memref<25x64xf32, #tpu.memory_space<vmem>>, vector<1x16xf32>,
    %swap3A_40 = vector.shape_cast %swap3A_39 : vector<1x16xf32> to vector<16xf32>
    %swap3A_41 = vector.shape_cast %broadcast_in_dim3A_6 : vector<16xf32> to vector<1x16xf32>
    tpu.vector_store %arg14[%swap3A_37, %swap3A_38], %swap3A_41 {strides = array<i32>} : memref<25x64xf32, #tpu.memory_space<vmem>>, vector<1x16xf32>,
    %swap3A_42 = arith.constant 1 : i32
    %swap3A_43 = arith.index_cast %swap3A_42 : i32 to index
    %swap3A_44 = arith.constant 32 : index
    %swap3A_45 = tpu.vector_load %arg14[%swap3A_43, %swap3A_44] {strides = array<i32>} : memref<25x64xf32, #tpu.memory_space<vmem>>, vector<1x16xf32>,
    %swap3A_46 = vector.shape_cast %swap3A_45 : vector<1x16xf32> to vector<16xf32>
    %swap3A_47 = vector.shape_cast %broadcast_in_dim3A_6 : vector<16xf32> to vector<1x16xf32>
    tpu.vector_store %arg14[%swap3A_43, %swap3A_44], %swap3A_47 {strides = array<i32>} : memref<25x64xf32, #tpu.memory_space<vmem>>, vector<1x16xf32>,
    %swap3A_48 = arith.constant 1 : i32
    %swap3A_49 = arith.index_cast %swap3A_48 : i32 to index
    %swap3A_50 = arith.constant 48 : index
    %swap3A_51 = tpu.vector_load %arg14[%swap3A_49, %swap3A_50] {strides = array<i32>} : memref<25x64xf32, #tpu.memory_space<vmem>>, vector<1x16xf32>,
    %swap3A_52 = vector.shape_cast %swap3A_51 : vector<1x16xf32> to vector<16xf32>
    %swap3A_53 = vector.shape_cast %broadcast_in_dim3A_6 : vector<16xf32> to vector<1x16xf32>
    tpu.vector_store %arg14[%swap3A_49, %swap3A_50], %swap3A_53 {strides = array<i32>} : memref<25x64xf32, #tpu.memory_space<vmem>>, vector<1x16xf32>,
    %swap3A_54 = arith.constant 2 : i32
    %swap3A_55 = arith.index_cast %swap3A_54 : i32 to index
    %swap3A_56 = arith.constant 0 : index
    %swap3A_57 = tpu.vector_load %arg14[%swap3A_55, %swap3A_56] {strides = array<i32>} : memref<25x64xf32, #tpu.memory_space<vmem>>, vector<1x16xf32>,
    %swap3A_58 = vector.shape_cast %swap3A_57 : vector<1x16xf32> to vector<16xf32>
    %swap3A_59 = vector.shape_cast %broadcast_in_dim3A_6 : vector<16xf32> to vector<1x16xf32>
    tpu.vector_store %arg14[%swap3A_55, %swap3A_56], %swap3A_59 {strides = array<i32>} : memref<25x64xf32, #tpu.memory_space<vmem>>, vector<1x16xf32>,
    %swap3A_60 = arith.constant 2 : i32
    %swap3A_61 = arith.index_cast %swap3A_60 : i32 to index
    %swap3A_62 = arith.constant 16 : index
    %swap3A_63 = tpu.vector_load %arg14[%swap3A_61, %swap3A_62] {strides = array<i32>} : memref<25x64xf32, #tpu.memory_space<vmem>>, vector<1x16xf32>,
    %swap3A_64 = vector.shape_cast %swap3A_63 : vector<1x16xf32> to vector<16xf32>
    %swap3A_65 = vector.shape_cast %broadcast_in_dim3A_6 : vector<16xf32> to vector<1x16xf32>
    tpu.vector_store %arg14[%swap3A_61, %swap3A_62], %swap3A_65 {strides = array<i32>} : memref<25x64xf32, #tpu.memory_space<vmem>>, vector<1x16xf32>,
    %swap3A_66 = arith.constant 2 : i32
    %swap3A_67 = arith.index_cast %swap3A_66 : i32 to index
    %swap3A_68 = arith.constant 32 : index
    %swap3A_69 = tpu.vector_load %arg14[%swap3A_67, %swap3A_68] {strides = array<i32>} : memref<25x64xf32, #tpu.memory_space<vmem>>, vector<1x16xf32>,
    %swap3A_70 = vector.shape_cast %swap3A_69 : vector<1x16xf32> to vector<16xf32>
    %swap3A_71 = vector.shape_cast %broadcast_in_dim3A_6 : vector<16xf32> to vector<1x16xf32>
    tpu.vector_store %arg14[%swap3A_67, %swap3A_68], %swap3A_71 {strides = array<i32>} : memref<25x64xf32, #tpu.memory_space<vmem>>, vector<1x16xf32>,
    %swap3A_72 = arith.constant 2 : i32
    %swap3A_73 = arith.index_cast %swap3A_72 : i32 to index
    %swap3A_74 = arith.constant 48 : index
    %swap3A_75 = tpu.vector_load %arg14[%swap3A_73, %swap3A_74] {strides = array<i32>} : memref<25x64xf32, #tpu.memory_space<vmem>>, vector<1x16xf32>,
    %swap3A_76 = vector.shape_cast %swap3A_75 : vector<1x16xf32> to vector<16xf32>
    %swap3A_77 = vector.shape_cast %broadcast_in_dim3A_6 : vector<16xf32> to vector<1x16xf32>
    tpu.vector_store %arg14[%swap3A_73, %swap3A_74], %swap3A_77 {strides = array<i32>} : memref<25x64xf32, #tpu.memory_space<vmem>>, vector<1x16xf32>,
    %swap3A_78 = arith.constant 3 : i32
    %swap3A_79 = arith.index_cast %swap3A_78 : i32 to index
    %swap3A_80 = arith.constant 0 : index
    %swap3A_81 = tpu.vector_load %arg14[%swap3A_79, %swap3A_80] {strides = array<i32>} : memref<25x64xf32, #tpu.memory_space<vmem>>, vector<1x16xf32>,
    %swap3A_82 = vector.shape_cast %swap3A_81 : vector<1x16xf32> to vector<16xf32>
    %swap3A_83 = vector.shape_cast %broadcast_in_dim3A_6 : vector<16xf32> to vector<1x16xf32>
    tpu.vector_store %arg14[%swap3A_79, %swap3A_80], %swap3A_83 {strides = array<i32>} : memref<25x64xf32, #tpu.memory_space<vmem>>, vector<1x16xf32>,
    %swap3A_84 = arith.constant 3 : i32
    %swap3A_85 = arith.index_cast %swap3A_84 : i32 to index
    %swap3A_86 = arith.constant 16 : index
    %swap3A_87 = tpu.vector_load %arg14[%swap3A_85, %swap3A_86] {strides = array<i32>} : memref<25x64xf32, #tpu.memory_space<vmem>>, vector<1x16xf32>,
    %swap3A_88 = vector.shape_cast %swap3A_87 : vector<1x16xf32> to vector<16xf32>
    %swap3A_89 = vector.shape_cast %broadcast_in_dim3A_6 : vector<16xf32> to vector<1x16xf32>
    tpu.vector_store %arg14[%swap3A_85, %swap3A_86], %swap3A_89 {strides = array<i32>} : memref<25x64xf32, #tpu.memory_space<vmem>>, vector<1x16xf32>,
    %swap3A_90 = arith.constant 3 : i32
    %swap3A_91 = arith.index_cast %swap3A_90 : i32 to index
    %swap3A_92 = arith.constant 32 : index
    %swap3A_93 = tpu.vector_load %arg14[%swap3A_91, %swap3A_92] {strides = array<i32>} : memref<25x64xf32, #tpu.memory_space<vmem>>, vector<1x16xf32>,
    %swap3A_94 = vector.shape_cast %swap3A_93 : vector<1x16xf32> to vector<16xf32>
    %swap3A_95 = vector.shape_cast %broadcast_in_dim3A_6 : vector<16xf32> to vector<1x16xf32>
    tpu.vector_store %arg14[%swap3A_91, %swap3A_92], %swap3A_95 {strides = array<i32>} : memref<25x64xf32, #tpu.memory_space<vmem>>, vector<1x16xf32>,
    %swap3A_96 = arith.constant 3 : i32
    %swap3A_97 = arith.index_cast %swap3A_96 : i32 to index
    %swap3A_98 = arith.constant 48 : index
    %swap3A_99 = tpu.vector_load %arg14[%swap3A_97, %swap3A_98] {strides = array<i32>} : memref<25x64xf32, #tpu.memory_space<vmem>>, vector<1x16xf32>,
    %swap3A_100 = vector.shape_cast %swap3A_99 : vector<1x16xf32> to vector<16xf32>
    %swap3A_101 = vector.shape_cast %broadcast_in_dim3A_6 : vector<16xf32> to vector<1x16xf32>
    tpu.vector_store %arg14[%swap3A_97, %swap3A_98], %swap3A_101 {strides = array<i32>} : memref<25x64xf32, #tpu.memory_space<vmem>>, vector<1x16xf32>,
    %swap3A_102 = arith.constant 4 : i32
    %swap3A_103 = arith.index_cast %swap3A_102 : i32 to index
    %swap3A_104 = arith.constant 0 : index
    %swap3A_105 = tpu.vector_load %arg14[%swap3A_103, %swap3A_104] {strides = array<i32>} : memref<25x64xf32, #tpu.memory_space<vmem>>, vector<1x16xf32>,
    %swap3A_106 = vector.shape_cast %swap3A_105 : vector<1x16xf32> to vector<16xf32>
    %swap3A_107 = vector.shape_cast %broadcast_in_dim3A_6 : vector<16xf32> to vector<1x16xf32>
    tpu.vector_store %arg14[%swap3A_103, %swap3A_104], %swap3A_107 {strides = array<i32>} : memref<25x64xf32, #tpu.memory_space<vmem>>, vector<1x16xf32>,
    %swap3A_108 = arith.constant 4 : i32
    %swap3A_109 = arith.index_cast %swap3A_108 : i32 to index
    %swap3A_110 = arith.constant 16 : index
    %swap3A_111 = tpu.vector_load %arg14[%swap3A_109, %swap3A_110] {strides = array<i32>} : memref<25x64xf32, #tpu.memory_space<vmem>>, vector<1x16xf32>,
    %swap3A_112 = vector.shape_cast %swap3A_111 : vector<1x16xf32> to vector<16xf32>
    %swap3A_113 = vector.shape_cast %broadcast_in_dim3A_6 : vector<16xf32> to vector<1x16xf32>
    tpu.vector_store %arg14[%swap3A_109, %swap3A_110], %swap3A_113 {strides = array<i32>} : memref<25x64xf32, #tpu.memory_space<vmem>>, vector<1x16xf32>,
    %swap3A_114 = arith.constant 4 : i32
    %swap3A_115 = arith.index_cast %swap3A_114 : i32 to index
    %swap3A_116 = arith.constant 32 : index
    %swap3A_117 = tpu.vector_load %arg14[%swap3A_115, %swap3A_116] {strides = array<i32>} : memref<25x64xf32, #tpu.memory_space<vmem>>, vector<1x16xf32>,
    %swap3A_118 = vector.shape_cast %swap3A_117 : vector<1x16xf32> to vector<16xf32>
    %swap3A_119 = vector.shape_cast %broadcast_in_dim3A_6 : vector<16xf32> to vector<1x16xf32>
    tpu.vector_store %arg14[%swap3A_115, %swap3A_116], %swap3A_119 {strides = array<i32>} : memref<25x64xf32, #tpu.memory_space<vmem>>, vector<1x16xf32>,
    %swap3A_120 = arith.constant 4 : i32
    %swap3A_121 = arith.index_cast %swap3A_120 : i32 to index
    %swap3A_122 = arith.constant 48 : index
    %swap3A_123 = tpu.vector_load %arg14[%swap3A_121, %swap3A_122] {strides = array<i32>} : memref<25x64xf32, #tpu.memory_space<vmem>>, vector<1x16xf32>,
    %swap3A_124 = vector.shape_cast %swap3A_123 : vector<1x16xf32> to vector<16xf32>
    %swap3A_125 = vector.shape_cast %broadcast_in_dim3A_6 : vector<16xf32> to vector<1x16xf32>
    tpu.vector_store %arg14[%swap3A_121, %swap3A_122], %swap3A_125 {strides = array<i32>} : memref<25x64xf32, #tpu.memory_space<vmem>>, vector<1x16xf32>,
    %swap3A_126 = arith.constant 5 : i32
    %swap3A_127 = arith.index_cast %swap3A_126 : i32 to index
    %swap3A_128 = arith.constant 0 : index
    %swap3A_129 = tpu.vector_load %arg14[%swap3A_127, %swap3A_128] {strides = array<i32>} : memref<25x64xf32, #tpu.memory_space<vmem>>, vector<1x16xf32>,
    %swap3A_130 = vector.shape_cast %swap3A_129 : vector<1x16xf32> to vector<16xf32>
    %swap3A_131 = vector.shape_cast %broadcast_in_dim3A_6 : vector<16xf32> to vector<1x16xf32>
    tpu.vector_store %arg14[%swap3A_127, %swap3A_128], %swap3A_131 {strides = array<i32>} : memref<25x64xf32, #tpu.memory_space<vmem>>, vector<1x16xf32>,
    %swap3A_132 = arith.constant 5 : i32
    %swap3A_133 = arith.index_cast %swap3A_132 : i32 to index
    %swap3A_134 = arith.constant 16 : index
    %swap3A_135 = tpu.vector_load %arg14[%swap3A_133, %swap3A_134] {strides = array<i32>} : memref<25x64xf32, #tpu.memory_space<vmem>>, vector<1x16xf32>,
    %swap3A_136 = vector.shape_cast %swap3A_135 : vector<1x16xf32> to vector<16xf32>
    %swap3A_137 = vector.shape_cast %broadcast_in_dim3A_6 : vector<16xf32> to vector<1x16xf32>
    tpu.vector_store %arg14[%swap3A_133, %swap3A_134], %swap3A_137 {strides = array<i32>} : memref<25x64xf32, #tpu.memory_space<vmem>>, vector<1x16xf32>,
    %swap3A_138 = arith.constant 5 : i32
    %swap3A_139 = arith.index_cast %swap3A_138 : i32 to index
    %swap3A_140 = arith.constant 32 : index
    %swap3A_141 = tpu.vector_load %arg14[%swap3A_139, %swap3A_140] {strides = array<i32>} : memref<25x64xf32, #tpu.memory_space<vmem>>, vector<1x16xf32>,
    %swap3A_142 = vector.shape_cast %swap3A_141 : vector<1x16xf32> to vector<16xf32>
    %swap3A_143 = vector.shape_cast %broadcast_in_dim3A_6 : vector<16xf32> to vector<1x16xf32>
    tpu.vector_store %arg14[%swap3A_139, %swap3A_140], %swap3A_143 {strides = array<i32>} : memref<25x64xf32, #tpu.memory_space<vmem>>, vector<1x16xf32>,
    %swap3A_144 = arith.constant 5 : i32
    %swap3A_145 = arith.index_cast %swap3A_144 : i32 to index
    %swap3A_146 = arith.constant 48 : index
    %swap3A_147 = tpu.vector_load %arg14[%swap3A_145, %swap3A_146] {strides = array<i32>} : memref<25x64xf32, #tpu.memory_space<vmem>>, vector<1x16xf32>,
    %swap3A_148 = vector.shape_cast %swap3A_147 : vector<1x16xf32> to vector<16xf32>
    %swap3A_149 = vector.shape_cast %broadcast_in_dim3A_6 : vector<16xf32> to vector<1x16xf32>
    tpu.vector_store %arg14[%swap3A_145, %swap3A_146], %swap3A_149 {strides = array<i32>} : memref<25x64xf32, #tpu.memory_space<vmem>>, vector<1x16xf32>,
    %swap3A_150 = arith.constant 6 : i32
    %swap3A_151 = arith.index_cast %swap3A_150 : i32 to index
    %swap3A_152 = arith.constant 0 : index
    %swap3A_153 = tpu.vector_load %arg14[%swap3A_151, %swap3A_152] {strides = array<i32>} : memref<25x64xf32, #tpu.memory_space<vmem>>, vector<1x16xf32>,
    %swap3A_154 = vector.shape_cast %swap3A_153 : vector<1x16xf32> to vector<16xf32>
    %swap3A_155 = vector.shape_cast %broadcast_in_dim3A_6 : vector<16xf32> to vector<1x16xf32>
    tpu.vector_store %arg14[%swap3A_151, %swap3A_152], %swap3A_155 {strides = array<i32>} : memref<25x64xf32, #tpu.memory_space<vmem>>, vector<1x16xf32>,
    %swap3A_156 = arith.constant 6 : i32
    %swap3A_157 = arith.index_cast %swap3A_156 : i32 to index
    %swap3A_158 = arith.constant 16 : index
    %swap3A_159 = tpu.vector_load %arg14[%swap3A_157, %swap3A_158] {strides = array<i32>} : memref<25x64xf32, #tpu.memory_space<vmem>>, vector<1x16xf32>,
    %swap3A_160 = vector.shape_cast %swap3A_159 : vector<1x16xf32> to vector<16xf32>
    %swap3A_161 = vector.shape_cast %broadcast_in_dim3A_6 : vector<16xf32> to vector<1x16xf32>
    tpu.vector_store %arg14[%swap3A_157, %swap3A_158], %swap3A_161 {strides = array<i32>} : memref<25x64xf32, #tpu.memory_space<vmem>>, vector<1x16xf32>,
    %swap3A_162 = arith.constant 6 : i32
    %swap3A_163 = arith.index_cast %swap3A_162 : i32 to index
    %swap3A_164 = arith.constant 32 : index
    %swap3A_165 = tpu.vector_load %arg14[%swap3A_163, %swap3A_164] {strides = array<i32>} : memref<25x64xf32, #tpu.memory_space<vmem>>, vector<1x16xf32>,
    %swap3A_166 = vector.shape_cast %swap3A_165 : vector<1x16xf32> to vector<16xf32>
    %swap3A_167 = vector.shape_cast %broadcast_in_dim3A_6 : vector<16xf32> to vector<1x16xf32>
    tpu.vector_store %arg14[%swap3A_163, %swap3A_164], %swap3A_167 {strides = array<i32>} : memref<25x64xf32, #tpu.memory_space<vmem>>, vector<1x16xf32>,
    %swap3A_168 = arith.constant 6 : i32
    %swap3A_169 = arith.index_cast %swap3A_168 : i32 to index
    %swap3A_170 = arith.constant 48 : index
    %swap3A_171 = tpu.vector_load %arg14[%swap3A_169, %swap3A_170] {strides = array<i32>} : memref<25x64xf32, #tpu.memory_space<vmem>>, vector<1x16xf32>,
    %swap3A_172 = vector.shape_cast %swap3A_171 : vector<1x16xf32> to vector<16xf32>
    %swap3A_173 = vector.shape_cast %broadcast_in_dim3A_6 : vector<16xf32> to vector<1x16xf32>
    tpu.vector_store %arg14[%swap3A_169, %swap3A_170], %swap3A_173 {strides = array<i32>} : memref<25x64xf32, #tpu.memory_space<vmem>>, vector<1x16xf32>,
    %swap3A_174 = arith.constant 7 : i32
    %swap3A_175 = arith.index_cast %swap3A_174 : i32 to index
    %swap3A_176 = arith.constant 0 : index
    %swap3A_177 = tpu.vector_load %arg14[%swap3A_175, %swap3A_176] {strides = array<i32>} : memref<25x64xf32, #tpu.memory_space<vmem>>, vector<1x16xf32>,
    %swap3A_178 = vector.shape_cast %swap3A_177 : vector<1x16xf32> to vector<16xf32>
    %swap3A_179 = vector.shape_cast %broadcast_in_dim3A_6 : vector<16xf32> to vector<1x16xf32>
    tpu.vector_store %arg14[%swap3A_175, %swap3A_176], %swap3A_179 {strides = array<i32>} : memref<25x64xf32, #tpu.memory_space<vmem>>, vector<1x16xf32>,
    %swap3A_180 = arith.constant 7 : i32
    %swap3A_181 = arith.index_cast %swap3A_180 : i32 to index
    %swap3A_182 = arith.constant 16 : index
    %swap3A_183 = tpu.vector_load %arg14[%swap3A_181, %swap3A_182] {strides = array<i32>} : memref<25x64xf32, #tpu.memory_space<vmem>>, vector<1x16xf32>,
    %swap3A_184 = vector.shape_cast %swap3A_183 : vector<1x16xf32> to vector<16xf32>
    %swap3A_185 = vector.shape_cast %broadcast_in_dim3A_6 : vector<16xf32> to vector<1x16xf32>
    tpu.vector_store %arg14[%swap3A_181, %swap3A_182], %swap3A_185 {strides = array<i32>} : memref<25x64xf32, #tpu.memory_space<vmem>>, vector<1x16xf32>,
    %swap3A_186 = arith.constant 7 : i32
    %swap3A_187 = arith.index_cast %swap3A_186 : i32 to index
    %swap3A_188 = arith.constant 32 : index
    %swap3A_189 = tpu.vector_load %arg14[%swap3A_187, %swap3A_188] {strides = array<i32>} : memref<25x64xf32, #tpu.memory_space<vmem>>, vector<1x16xf32>,
    %swap3A_190 = vector.shape_cast %swap3A_189 : vector<1x16xf32> to vector<16xf32>
    %swap3A_191 = vector.shape_cast %broadcast_in_dim3A_6 : vector<16xf32> to vector<1x16xf32>
    tpu.vector_store %arg14[%swap3A_187, %swap3A_188], %swap3A_191 {strides = array<i32>} : memref<25x64xf32, #tpu.memory_space<vmem>>, vector<1x16xf32>,
    %swap3A_192 = arith.constant 7 : i32
    %swap3A_193 = arith.index_cast %swap3A_192 : i32 to index
    %swap3A_194 = arith.constant 48 : index
    %swap3A_195 = tpu.vector_load %arg14[%swap3A_193, %swap3A_194] {strides = array<i32>} : memref<25x64xf32, #tpu.memory_space<vmem>>, vector<1x16xf32>,
    %swap3A_196 = vector.shape_cast %swap3A_195 : vector<1x16xf32> to vector<16xf32>
    %swap3A_197 = vector.shape_cast %broadcast_in_dim3A_6 : vector<16xf32> to vector<1x16xf32>
    tpu.vector_store %arg14[%swap3A_193, %swap3A_194], %swap3A_197 {strides = array<i32>} : memref<25x64xf32, #tpu.memory_space<vmem>>, vector<1x16xf32>,
    %swap3A_198 = arith.constant 8 : i32
    %swap3A_199 = arith.index_cast %swap3A_198 : i32 to index
    %swap3A_200 = arith.constant 0 : index
    %swap3A_201 = tpu.vector_load %arg14[%swap3A_199, %swap3A_200] {strides = array<i32>} : memref<25x64xf32, #tpu.memory_space<vmem>>, vector<1x16xf32>,
    %swap3A_202 = vector.shape_cast %swap3A_201 : vector<1x16xf32> to vector<16xf32>
    %swap3A_203 = vector.shape_cast %broadcast_in_dim3A_6 : vector<16xf32> to vector<1x16xf32>
    tpu.vector_store %arg14[%swap3A_199, %swap3A_200], %swap3A_203 {strides = array<i32>} : memref<25x64xf32, #tpu.memory_space<vmem>>, vector<1x16xf32>,
    %swap3A_204 = arith.constant 8 : i32
    %swap3A_205 = arith.index_cast %swap3A_204 : i32 to index
    %swap3A_206 = arith.constant 16 : index
    %swap3A_207 = tpu.vector_load %arg14[%swap3A_205, %swap3A_206] {strides = array<i32>} : memref<25x64xf32, #tpu.memory_space<vmem>>, vector<1x16xf32>,
    %swap3A_208 = vector.shape_cast %swap3A_207 : vector<1x16xf32> to vector<16xf32>
    %swap3A_209 = vector.shape_cast %broadcast_in_dim3A_6 : vector<16xf32> to vector<1x16xf32>
    tpu.vector_store %arg14[%swap3A_205, %swap3A_206], %swap3A_209 {strides = array<i32>} : memref<25x64xf32, #tpu.memory_space<vmem>>, vector<1x16xf32>,
    %swap3A_210 = arith.constant 8 : i32
    %swap3A_211 = arith.index_cast %swap3A_210 : i32 to index
    %swap3A_212 = arith.constant 32 : index
    %swap3A_213 = tpu.vector_load %arg14[%swap3A_211, %swap3A_212] {strides = array<i32>} : memref<25x64xf32, #tpu.memory_space<vmem>>, vector<1x16xf32>,
    %swap3A_214 = vector.shape_cast %swap3A_213 : vector<1x16xf32> to vector<16xf32>
    %swap3A_215 = vector.shape_cast %broadcast_in_dim3A_6 : vector<16xf32> to vector<1x16xf32>
    tpu.vector_store %arg14[%swap3A_211, %swap3A_212], %swap3A_215 {strides = array<i32>} : memref<25x64xf32, #tpu.memory_space<vmem>>, vector<1x16xf32>,
    %swap3A_216 = arith.constant 8 : i32
    %swap3A_217 = arith.index_cast %swap3A_216 : i32 to index
    %swap3A_218 = arith.constant 48 : index
    %swap3A_219 = tpu.vector_load %arg14[%swap3A_217, %swap3A_218] {strides = array<i32>} : memref<25x64xf32, #tpu.memory_space<vmem>>, vector<1x16xf32>,
    %swap3A_220 = vector.shape_cast %swap3A_219 : vector<1x16xf32> to vector<16xf32>
    %swap3A_221 = vector.shape_cast %broadcast_in_dim3A_6 : vector<16xf32> to vector<1x16xf32>
    tpu.vector_store %arg14[%swap3A_217, %swap3A_218], %swap3A_221 {strides = array<i32>} : memref<25x64xf32, #tpu.memory_space<vmem>>, vector<1x16xf32>,
    %swap3A_222 = arith.constant 9 : i32
    %swap3A_223 = arith.index_cast %swap3A_222 : i32 to index
    %swap3A_224 = arith.constant 0 : index
    %swap3A_225 = tpu.vector_load %arg14[%swap3A_223, %swap3A_224] {strides = array<i32>} : memref<25x64xf32, #tpu.memory_space<vmem>>, vector<1x16xf32>,
    %swap3A_226 = vector.shape_cast %swap3A_225 : vector<1x16xf32> to vector<16xf32>
    %swap3A_227 = vector.shape_cast %broadcast_in_dim3A_6 : vector<16xf32> to vector<1x16xf32>
    tpu.vector_store %arg14[%swap3A_223, %swap3A_224], %swap3A_227 {strides = array<i32>} : memref<25x64xf32, #tpu.memory_space<vmem>>, vector<1x16xf32>,
    %swap3A_228 = arith.constant 9 : i32
    %swap3A_229 = arith.index_cast %swap3A_228 : i32 to index
    %swap3A_230 = arith.constant 16 : index
    %swap3A_231 = tpu.vector_load %arg14[%swap3A_229, %swap3A_230] {strides = array<i32>} : memref<25x64xf32, #tpu.memory_space<vmem>>, vector<1x16xf32>,
    %swap3A_232 = vector.shape_cast %swap3A_231 : vector<1x16xf32> to vector<16xf32>
    %swap3A_233 = vector.shape_cast %broadcast_in_dim3A_6 : vector<16xf32> to vector<1x16xf32>
    tpu.vector_store %arg14[%swap3A_229, %swap3A_230], %swap3A_233 {strides = array<i32>} : memref<25x64xf32, #tpu.memory_space<vmem>>, vector<1x16xf32>,
    %swap3A_234 = arith.constant 9 : i32
    %swap3A_235 = arith.index_cast %swap3A_234 : i32 to index
    %swap3A_236 = arith.constant 32 : index
    %swap3A_237 = tpu.vector_load %arg14[%swap3A_235, %swap3A_236] {strides = array<i32>} : memref<25x64xf32, #tpu.memory_space<vmem>>, vector<1x16xf32>,
    %swap3A_238 = vector.shape_cast %swap3A_237 : vector<1x16xf32> to vector<16xf32>
    %swap3A_239 = vector.shape_cast %broadcast_in_dim3A_6 : vector<16xf32> to vector<1x16xf32>
    tpu.vector_store %arg14[%swap3A_235, %swap3A_236], %swap3A_239 {strides = array<i32>} : memref<25x64xf32, #tpu.memory_space<vmem>>, vector<1x16xf32>,
    %swap3A_240 = arith.constant 9 : i32
    %swap3A_241 = arith.index_cast %swap3A_240 : i32 to index
    %swap3A_242 = arith.constant 48 : index
    %swap3A_243 = tpu.vector_load %arg14[%swap3A_241, %swap3A_242] {strides = array<i32>} : memref<25x64xf32, #tpu.memory_space<vmem>>, vector<1x16xf32>,
    %swap3A_244 = vector.shape_cast %swap3A_243 : vector<1x16xf32> to vector<16xf32>
    %swap3A_245 = vector.shape_cast %broadcast_in_dim3A_6 : vector<16xf32> to vector<1x16xf32>
    tpu.vector_store %arg14[%swap3A_241, %swap3A_242], %swap3A_245 {strides = array<i32>} : memref<25x64xf32, #tpu.memory_space<vmem>>, vector<1x16xf32>,
    %swap3A_246 = arith.constant 10 : i32
    %swap3A_247 = arith.index_cast %swap3A_246 : i32 to index
    %swap3A_248 = arith.constant 0 : index
    %swap3A_249 = tpu.vector_load %arg14[%swap3A_247, %swap3A_248] {strides = array<i32>} : memref<25x64xf32, #tpu.memory_space<vmem>>, vector<1x16xf32>,
    %swap3A_250 = vector.shape_cast %swap3A_249 : vector<1x16xf32> to vector<16xf32>
    %swap3A_251 = vector.shape_cast %broadcast_in_dim3A_6 : vector<16xf32> to vector<1x16xf32>
    tpu.vector_store %arg14[%swap3A_247, %swap3A_248], %swap3A_251 {strides = array<i32>} : memref<25x64xf32, #tpu.memory_space<vmem>>, vector<1x16xf32>,
    %swap3A_252 = arith.constant 10 : i32
    %swap3A_253 = arith.index_cast %swap3A_252 : i32 to index
    %swap3A_254 = arith.constant 16 : index
    %swap3A_255 = tpu.vector_load %arg14[%swap3A_253, %swap3A_254] {strides = array<i32>} : memref<25x64xf32, #tpu.memory_space<vmem>>, vector<1x16xf32>,
    %swap3A_256 = vector.shape_cast %swap3A_255 : vector<1x16xf32> to vector<16xf32>
    %swap3A_257 = vector.shape_cast %broadcast_in_dim3A_6 : vector<16xf32> to vector<1x16xf32>
    tpu.vector_store %arg14[%swap3A_253, %swap3A_254], %swap3A_257 {strides = array<i32>} : memref<25x64xf32, #tpu.memory_space<vmem>>, vector<1x16xf32>,
    %swap3A_258 = arith.constant 10 : i32
    %swap3A_259 = arith.index_cast %swap3A_258 : i32 to index
    %swap3A_260 = arith.constant 32 : index
    %swap3A_261 = tpu.vector_load %arg14[%swap3A_259, %swap3A_260] {strides = array<i32>} : memref<25x64xf32, #tpu.memory_space<vmem>>, vector<1x16xf32>,
    %swap3A_262 = vector.shape_cast %swap3A_261 : vector<1x16xf32> to vector<16xf32>
    %swap3A_263 = vector.shape_cast %broadcast_in_dim3A_6 : vector<16xf32> to vector<1x16xf32>
    tpu.vector_store %arg14[%swap3A_259, %swap3A_260], %swap3A_263 {strides = array<i32>} : memref<25x64xf32, #tpu.memory_space<vmem>>, vector<1x16xf32>,
    %swap3A_264 = arith.constant 10 : i32
    %swap3A_265 = arith.index_cast %swap3A_264 : i32 to index
    %swap3A_266 = arith.constant 48 : index
    %swap3A_267 = tpu.vector_load %arg14[%swap3A_265, %swap3A_266] {strides = array<i32>} : memref<25x64xf32, #tpu.memory_space<vmem>>, vector<1x16xf32>,
    %swap3A_268 = vector.shape_cast %swap3A_267 : vector<1x16xf32> to vector<16xf32>
    %swap3A_269 = vector.shape_cast %broadcast_in_dim3A_6 : vector<16xf32> to vector<1x16xf32>
    tpu.vector_store %arg14[%swap3A_265, %swap3A_266], %swap3A_269 {strides = array<i32>} : memref<25x64xf32, #tpu.memory_space<vmem>>, vector<1x16xf32>,
    %swap3A_270 = arith.constant 11 : i32
    %swap3A_271 = arith.index_cast %swap3A_270 : i32 to index
    %swap3A_272 = arith.constant 0 : index
    %swap3A_273 = tpu.vector_load %arg14[%swap3A_271, %swap3A_272] {strides = array<i32>} : memref<25x64xf32, #tpu.memory_space<vmem>>, vector<1x16xf32>,
    %swap3A_274 = vector.shape_cast %swap3A_273 : vector<1x16xf32> to vector<16xf32>
    %swap3A_275 = vector.shape_cast %broadcast_in_dim3A_6 : vector<16xf32> to vector<1x16xf32>
    tpu.vector_store %arg14[%swap3A_271, %swap3A_272], %swap3A_275 {strides = array<i32>} : memref<25x64xf32, #tpu.memory_space<vmem>>, vector<1x16xf32>,
    %swap3A_276 = arith.constant 11 : i32
    %swap3A_277 = arith.index_cast %swap3A_276 : i32 to index
    %swap3A_278 = arith.constant 16 : index
    %swap3A_279 = tpu.vector_load %arg14[%swap3A_277, %swap3A_278] {strides = array<i32>} : memref<25x64xf32, #tpu.memory_space<vmem>>, vector<1x16xf32>,
    %swap3A_280 = vector.shape_cast %swap3A_279 : vector<1x16xf32> to vector<16xf32>
    %swap3A_281 = vector.shape_cast %broadcast_in_dim3A_6 : vector<16xf32> to vector<1x16xf32>
    tpu.vector_store %arg14[%swap3A_277, %swap3A_278], %swap3A_281 {strides = array<i32>} : memref<25x64xf32, #tpu.memory_space<vmem>>, vector<1x16xf32>,
    %swap3A_282 = arith.constant 11 : i32
    %swap3A_283 = arith.index_cast %swap3A_282 : i32 to index
    %swap3A_284 = arith.constant 32 : index
    %swap3A_285 = tpu.vector_load %arg14[%swap3A_283, %swap3A_284] {strides = array<i32>} : memref<25x64xf32, #tpu.memory_space<vmem>>, vector<1x16xf32>,
    %swap3A_286 = vector.shape_cast %swap3A_285 : vector<1x16xf32> to vector<16xf32>
    %swap3A_287 = vector.shape_cast %broadcast_in_dim3A_6 : vector<16xf32> to vector<1x16xf32>
    tpu.vector_store %arg14[%swap3A_283, %swap3A_284], %swap3A_287 {strides = array<i32>} : memref<25x64xf32, #tpu.memory_space<vmem>>, vector<1x16xf32>,
    %swap3A_288 = arith.constant 11 : i32
    %swap3A_289 = arith.index_cast %swap3A_288 : i32 to index
    %swap3A_290 = arith.constant 48 : index
    %swap3A_291 = tpu.vector_load %arg14[%swap3A_289, %swap3A_290] {strides = array<i32>} : memref<25x64xf32, #tpu.memory_space<vmem>>, vector<1x16xf32>,
    %swap3A_292 = vector.shape_cast %swap3A_291 : vector<1x16xf32> to vector<16xf32>
    %swap3A_293 = vector.shape_cast %broadcast_in_dim3A_6 : vector<16xf32> to vector<1x16xf32>
    tpu.vector_store %arg14[%swap3A_289, %swap3A_290], %swap3A_293 {strides = array<i32>} : memref<25x64xf32, #tpu.memory_space<vmem>>, vector<1x16xf32>,
    %swap3A_294 = arith.constant 12 : i32
    %swap3A_295 = arith.index_cast %swap3A_294 : i32 to index
    %swap3A_296 = arith.constant 0 : index
    %swap3A_297 = tpu.vector_load %arg14[%swap3A_295, %swap3A_296] {strides = array<i32>} : memref<25x64xf32, #tpu.memory_space<vmem>>, vector<1x16xf32>,
    %swap3A_298 = vector.shape_cast %swap3A_297 : vector<1x16xf32> to vector<16xf32>
    %swap3A_299 = vector.shape_cast %broadcast_in_dim3A_6 : vector<16xf32> to vector<1x16xf32>
    tpu.vector_store %arg14[%swap3A_295, %swap3A_296], %swap3A_299 {strides = array<i32>} : memref<25x64xf32, #tpu.memory_space<vmem>>, vector<1x16xf32>,
    %swap3A_300 = arith.constant 12 : i32
    %swap3A_301 = arith.index_cast %swap3A_300 : i32 to index
    %swap3A_302 = arith.constant 16 : index
    %swap3A_303 = tpu.vector_load %arg14[%swap3A_301, %swap3A_302] {strides = array<i32>} : memref<25x64xf32, #tpu.memory_space<vmem>>, vector<1x16xf32>,
    %swap3A_304 = vector.shape_cast %swap3A_303 : vector<1x16xf32> to vector<16xf32>
    %swap3A_305 = vector.shape_cast %broadcast_in_dim3A_6 : vector<16xf32> to vector<1x16xf32>
    tpu.vector_store %arg14[%swap3A_301, %swap3A_302], %swap3A_305 {strides = array<i32>} : memref<25x64xf32, #tpu.memory_space<vmem>>, vector<1x16xf32>,
    %swap3A_306 = arith.constant 12 : i32
    %swap3A_307 = arith.index_cast %swap3A_306 : i32 to index
    %swap3A_308 = arith.constant 32 : index
    %swap3A_309 = tpu.vector_load %arg14[%swap3A_307, %swap3A_308] {strides = array<i32>} : memref<25x64xf32, #tpu.memory_space<vmem>>, vector<1x16xf32>,
    %swap3A_310 = vector.shape_cast %swap3A_309 : vector<1x16xf32> to vector<16xf32>
    %swap3A_311 = vector.shape_cast %broadcast_in_dim3A_6 : vector<16xf32> to vector<1x16xf32>
    tpu.vector_store %arg14[%swap3A_307, %swap3A_308], %swap3A_311 {strides = array<i32>} : memref<25x64xf32, #tpu.memory_space<vmem>>, vector<1x16xf32>,
    %swap3A_312 = arith.constant 12 : i32
    %swap3A_313 = arith.index_cast %swap3A_312 : i32 to index
    %swap3A_314 = arith.constant 48 : index
    %swap3A_315 = tpu.vector_load %arg14[%swap3A_313, %swap3A_314] {strides = array<i32>} : memref<25x64xf32, #tpu.memory_space<vmem>>, vector<1x16xf32>,
    %swap3A_316 = vector.shape_cast %swap3A_315 : vector<1x16xf32> to vector<16xf32>
    %swap3A_317 = vector.shape_cast %broadcast_in_dim3A_6 : vector<16xf32> to vector<1x16xf32>
    tpu.vector_store %arg14[%swap3A_313, %swap3A_314], %swap3A_317 {strides = array<i32>} : memref<25x64xf32, #tpu.memory_space<vmem>>, vector<1x16xf32>,
    %swap3A_318 = arith.constant 13 : i32
    %swap3A_319 = arith.index_cast %swap3A_318 : i32 to index
    %swap3A_320 = arith.constant 0 : index
    %swap3A_321 = tpu.vector_load %arg14[%swap3A_319, %swap3A_320] {strides = array<i32>} : memref<25x64xf32, #tpu.memory_space<vmem>>, vector<1x16xf32>,
    %swap3A_322 = vector.shape_cast %swap3A_321 : vector<1x16xf32> to vector<16xf32>
    %swap3A_323 = vector.shape_cast %broadcast_in_dim3A_6 : vector<16xf32> to vector<1x16xf32>
    tpu.vector_store %arg14[%swap3A_319, %swap3A_320], %swap3A_323 {strides = array<i32>} : memref<25x64xf32, #tpu.memory_space<vmem>>, vector<1x16xf32>,
    %swap3A_324 = arith.constant 13 : i32
    %swap3A_325 = arith.index_cast %swap3A_324 : i32 to index
    %swap3A_326 = arith.constant 16 : index
    %swap3A_327 = tpu.vector_load %arg14[%swap3A_325, %swap3A_326] {strides = array<i32>} : memref<25x64xf32, #tpu.memory_space<vmem>>, vector<1x16xf32>,
    %swap3A_328 = vector.shape_cast %swap3A_327 : vector<1x16xf32> to vector<16xf32>
    %swap3A_329 = vector.shape_cast %broadcast_in_dim3A_6 : vector<16xf32> to vector<1x16xf32>
    tpu.vector_store %arg14[%swap3A_325, %swap3A_326], %swap3A_329 {strides = array<i32>} : memref<25x64xf32, #tpu.memory_space<vmem>>, vector<1x16xf32>,
    %swap3A_330 = arith.constant 13 : i32
    %swap3A_331 = arith.index_cast %swap3A_330 : i32 to index
    %swap3A_332 = arith.constant 32 : index
    %swap3A_333 = tpu.vector_load %arg14[%swap3A_331, %swap3A_332] {strides = array<i32>} : memref<25x64xf32, #tpu.memory_space<vmem>>, vector<1x16xf32>,
    %swap3A_334 = vector.shape_cast %swap3A_333 : vector<1x16xf32> to vector<16xf32>
    %swap3A_335 = vector.shape_cast %broadcast_in_dim3A_6 : vector<16xf32> to vector<1x16xf32>
    tpu.vector_store %arg14[%swap3A_331, %swap3A_332], %swap3A_335 {strides = array<i32>} : memref<25x64xf32, #tpu.memory_space<vmem>>, vector<1x16xf32>,
    %swap3A_336 = arith.constant 13 : i32
    %swap3A_337 = arith.index_cast %swap3A_336 : i32 to index
    %swap3A_338 = arith.constant 48 : index
    %swap3A_339 = tpu.vector_load %arg14[%swap3A_337, %swap3A_338] {strides = array<i32>} : memref<25x64xf32, #tpu.memory_space<vmem>>, vector<1x16xf32>,
    %swap3A_340 = vector.shape_cast %swap3A_339 : vector<1x16xf32> to vector<16xf32>
    %swap3A_341 = vector.shape_cast %broadcast_in_dim3A_6 : vector<16xf32> to vector<1x16xf32>
    tpu.vector_store %arg14[%swap3A_337, %swap3A_338], %swap3A_341 {strides = array<i32>} : memref<25x64xf32, #tpu.memory_space<vmem>>, vector<1x16xf32>,
    %swap3A_342 = arith.constant 14 : i32
    %swap3A_343 = arith.index_cast %swap3A_342 : i32 to index
    %swap3A_344 = arith.constant 0 : index
    %swap3A_345 = tpu.vector_load %arg14[%swap3A_343, %swap3A_344] {strides = array<i32>} : memref<25x64xf32, #tpu.memory_space<vmem>>, vector<1x16xf32>,
    %swap3A_346 = vector.shape_cast %swap3A_345 : vector<1x16xf32> to vector<16xf32>
    %swap3A_347 = vector.shape_cast %broadcast_in_dim3A_6 : vector<16xf32> to vector<1x16xf32>
    tpu.vector_store %arg14[%swap3A_343, %swap3A_344], %swap3A_347 {strides = array<i32>} : memref<25x64xf32, #tpu.memory_space<vmem>>, vector<1x16xf32>,
    %swap3A_348 = arith.constant 14 : i32
    %swap3A_349 = arith.index_cast %swap3A_348 : i32 to index
    %swap3A_350 = arith.constant 16 : index
    %swap3A_351 = tpu.vector_load %arg14[%swap3A_349, %swap3A_350] {strides = array<i32>} : memref<25x64xf32, #tpu.memory_space<vmem>>, vector<1x16xf32>,
    %swap3A_352 = vector.shape_cast %swap3A_351 : vector<1x16xf32> to vector<16xf32>
    %swap3A_353 = vector.shape_cast %broadcast_in_dim3A_6 : vector<16xf32> to vector<1x16xf32>
    tpu.vector_store %arg14[%swap3A_349, %swap3A_350], %swap3A_353 {strides = array<i32>} : memref<25x64xf32, #tpu.memory_space<vmem>>, vector<1x16xf32>,
    %swap3A_354 = arith.constant 14 : i32
    %swap3A_355 = arith.index_cast %swap3A_354 : i32 to index
    %swap3A_356 = arith.constant 32 : index
    %swap3A_357 = tpu.vector_load %arg14[%swap3A_355, %swap3A_356] {strides = array<i32>} : memref<25x64xf32, #tpu.memory_space<vmem>>, vector<1x16xf32>,
    %swap3A_358 = vector.shape_cast %swap3A_357 : vector<1x16xf32> to vector<16xf32>
    %swap3A_359 = vector.shape_cast %broadcast_in_dim3A_6 : vector<16xf32> to vector<1x16xf32>
    tpu.vector_store %arg14[%swap3A_355, %swap3A_356], %swap3A_359 {strides = array<i32>} : memref<25x64xf32, #tpu.memory_space<vmem>>, vector<1x16xf32>,
    %swap3A_360 = arith.constant 14 : i32
    %swap3A_361 = arith.index_cast %swap3A_360 : i32 to index
    %swap3A_362 = arith.constant 48 : index
    %swap3A_363 = tpu.vector_load %arg14[%swap3A_361, %swap3A_362] {strides = array<i32>} : memref<25x64xf32, #tpu.memory_space<vmem>>, vector<1x16xf32>,
    %swap3A_364 = vector.shape_cast %swap3A_363 : vector<1x16xf32> to vector<16xf32>
    %swap3A_365 = vector.shape_cast %broadcast_in_dim3A_6 : vector<16xf32> to vector<1x16xf32>
    tpu.vector_store %arg14[%swap3A_361, %swap3A_362], %swap3A_365 {strides = array<i32>} : memref<25x64xf32, #tpu.memory_space<vmem>>, vector<1x16xf32>,
    %swap3A_366 = arith.constant 15 : i32
    %swap3A_367 = arith.index_cast %swap3A_366 : i32 to index
    %swap3A_368 = arith.constant 0 : index
    %swap3A_369 = tpu.vector_load %arg14[%swap3A_367, %swap3A_368] {strides = array<i32>} : memref<25x64xf32, #tpu.memory_space<vmem>>, vector<1x16xf32>,
    %swap3A_370 = vector.shape_cast %swap3A_369 : vector<1x16xf32> to vector<16xf32>
    %swap3A_371 = vector.shape_cast %broadcast_in_dim3A_6 : vector<16xf32> to vector<1x16xf32>
    tpu.vector_store %arg14[%swap3A_367, %swap3A_368], %swap3A_371 {strides = array<i32>} : memref<25x64xf32, #tpu.memory_space<vmem>>, vector<1x16xf32>,
    %swap3A_372 = arith.constant 15 : i32
    %swap3A_373 = arith.index_cast %swap3A_372 : i32 to index
    %swap3A_374 = arith.constant 16 : index
    %swap3A_375 = tpu.vector_load %arg14[%swap3A_373, %swap3A_374] {strides = array<i32>} : memref<25x64xf32, #tpu.memory_space<vmem>>, vector<1x16xf32>,
    %swap3A_376 = vector.shape_cast %swap3A_375 : vector<1x16xf32> to vector<16xf32>
    %swap3A_377 = vector.shape_cast %broadcast_in_dim3A_6 : vector<16xf32> to vector<1x16xf32>
    tpu.vector_store %arg14[%swap3A_373, %swap3A_374], %swap3A_377 {strides = array<i32>} : memref<25x64xf32, #tpu.memory_space<vmem>>, vector<1x16xf32>,
    %swap3A_378 = arith.constant 15 : i32
    %swap3A_379 = arith.index_cast %swap3A_378 : i32 to index
    %swap3A_380 = arith.constant 32 : index
    %swap3A_381 = tpu.vector_load %arg14[%swap3A_379, %swap3A_380] {strides = array<i32>} : memref<25x64xf32, #tpu.memory_space<vmem>>, vector<1x16xf32>,
    %swap3A_382 = vector.shape_cast %swap3A_381 : vector<1x16xf32> to vector<16xf32>
    %swap3A_383 = vector.shape_cast %broadcast_in_dim3A_6 : vector<16xf32> to vector<1x16xf32>
    tpu.vector_store %arg14[%swap3A_379, %swap3A_380], %swap3A_383 {strides = array<i32>} : memref<25x64xf32, #tpu.memory_space<vmem>>, vector<1x16xf32>,
    %swap3A_384 = arith.constant 15 : i32
    %swap3A_385 = arith.index_cast %swap3A_384 : i32 to index
    %swap3A_386 = arith.constant 48 : index
    %swap3A_387 = tpu.vector_load %arg14[%swap3A_385, %swap3A_386] {strides = array<i32>} : memref<25x64xf32, #tpu.memory_space<vmem>>, vector<1x16xf32>,
    %swap3A_388 = vector.shape_cast %swap3A_387 : vector<1x16xf32> to vector<16xf32>
    %swap3A_389 = vector.shape_cast %broadcast_in_dim3A_6 : vector<16xf32> to vector<1x16xf32>
    tpu.vector_store %arg14[%swap3A_385, %swap3A_386], %swap3A_389 {strides = array<i32>} : memref<25x64xf32, #tpu.memory_space<vmem>>, vector<1x16xf32>,
    %swap3A_390 = arith.constant 16 : i32
    %swap3A_391 = arith.index_cast %swap3A_390 : i32 to index
    %swap3A_392 = arith.constant 0 : index
    %swap3A_393 = tpu.vector_load %arg14[%swap3A_391, %swap3A_392] {strides = array<i32>} : memref<25x64xf32, #tpu.memory_space<vmem>>, vector<1x16xf32>,
    %swap3A_394 = vector.shape_cast %swap3A_393 : vector<1x16xf32> to vector<16xf32>
    %swap3A_395 = vector.shape_cast %broadcast_in_dim3A_6 : vector<16xf32> to vector<1x16xf32>
    tpu.vector_store %arg14[%swap3A_391, %swap3A_392], %swap3A_395 {strides = array<i32>} : memref<25x64xf32, #tpu.memory_space<vmem>>, vector<1x16xf32>,
    %swap3A_396 = arith.constant 16 : i32
    %swap3A_397 = arith.index_cast %swap3A_396 : i32 to index
    %swap3A_398 = arith.constant 16 : index
    %swap3A_399 = tpu.vector_load %arg14[%swap3A_397, %swap3A_398] {strides = array<i32>} : memref<25x64xf32, #tpu.memory_space<vmem>>, vector<1x16xf32>,
    %swap3A_400 = vector.shape_cast %swap3A_399 : vector<1x16xf32> to vector<16xf32>
    %swap3A_401 = vector.shape_cast %broadcast_in_dim3A_6 : vector<16xf32> to vector<1x16xf32>
    tpu.vector_store %arg14[%swap3A_397, %swap3A_398], %swap3A_401 {strides = array<i32>} : memref<25x64xf32, #tpu.memory_space<vmem>>, vector<1x16xf32>,
    %swap3A_402 = arith.constant 16 : i32
    %swap3A_403 = arith.index_cast %swap3A_402 : i32 to index
    %swap3A_404 = arith.constant 32 : index
    %swap3A_405 = tpu.vector_load %arg14[%swap3A_403, %swap3A_404] {strides = array<i32>} : memref<25x64xf32, #tpu.memory_space<vmem>>, vector<1x16xf32>,
    %swap3A_406 = vector.shape_cast %swap3A_405 : vector<1x16xf32> to vector<16xf32>
    %swap3A_407 = vector.shape_cast %broadcast_in_dim3A_6 : vector<16xf32> to vector<1x16xf32>
    tpu.vector_store %arg14[%swap3A_403, %swap3A_404], %swap3A_407 {strides = array<i32>} : memref<25x64xf32, #tpu.memory_space<vmem>>, vector<1x16xf32>,
    %swap3A_408 = arith.constant 16 : i32
    %swap3A_409 = arith.index_cast %swap3A_408 : i32 to index
    %swap3A_410 = arith.constant 48 : index
    %swap3A_411 = tpu.vector_load %arg14[%swap3A_409, %swap3A_410] {strides = array<i32>} : memref<25x64xf32, #tpu.memory_space<vmem>>, vector<1x16xf32>,
    %swap3A_412 = vector.shape_cast %swap3A_411 : vector<1x16xf32> to vector<16xf32>
    %swap3A_413 = vector.shape_cast %broadcast_in_dim3A_6 : vector<16xf32> to vector<1x16xf32>
    tpu.vector_store %arg14[%swap3A_409, %swap3A_410], %swap3A_413 {strides = array<i32>} : memref<25x64xf32, #tpu.memory_space<vmem>>, vector<1x16xf32>,
    %swap3A_414 = arith.constant 17 : i32
    %swap3A_415 = arith.index_cast %swap3A_414 : i32 to index
    %swap3A_416 = arith.constant 0 : index
    %swap3A_417 = tpu.vector_load %arg14[%swap3A_415, %swap3A_416] {strides = array<i32>} : memref<25x64xf32, #tpu.memory_space<vmem>>, vector<1x16xf32>,
    %swap3A_418 = vector.shape_cast %swap3A_417 : vector<1x16xf32> to vector<16xf32>
    %swap3A_419 = vector.shape_cast %broadcast_in_dim3A_6 : vector<16xf32> to vector<1x16xf32>
    tpu.vector_store %arg14[%swap3A_415, %swap3A_416], %swap3A_419 {strides = array<i32>} : memref<25x64xf32, #tpu.memory_space<vmem>>, vector<1x16xf32>,
    %swap3A_420 = arith.constant 17 : i32
    %swap3A_421 = arith.index_cast %swap3A_420 : i32 to index
    %swap3A_422 = arith.constant 16 : index
    %swap3A_423 = tpu.vector_load %arg14[%swap3A_421, %swap3A_422] {strides = array<i32>} : memref<25x64xf32, #tpu.memory_space<vmem>>, vector<1x16xf32>,
    %swap3A_424 = vector.shape_cast %swap3A_423 : vector<1x16xf32> to vector<16xf32>
    %swap3A_425 = vector.shape_cast %broadcast_in_dim3A_6 : vector<16xf32> to vector<1x16xf32>
    tpu.vector_store %arg14[%swap3A_421, %swap3A_422], %swap3A_425 {strides = array<i32>} : memref<25x64xf32, #tpu.memory_space<vmem>>, vector<1x16xf32>,
    %swap3A_426 = arith.constant 17 : i32
    %swap3A_427 = arith.index_cast %swap3A_426 : i32 to index
    %swap3A_428 = arith.constant 32 : index
    %swap3A_429 = tpu.vector_load %arg14[%swap3A_427, %swap3A_428] {strides = array<i32>} : memref<25x64xf32, #tpu.memory_space<vmem>>, vector<1x16xf32>,
    %swap3A_430 = vector.shape_cast %swap3A_429 : vector<1x16xf32> to vector<16xf32>
    %swap3A_431 = vector.shape_cast %broadcast_in_dim3A_6 : vector<16xf32> to vector<1x16xf32>
    tpu.vector_store %arg14[%swap3A_427, %swap3A_428], %swap3A_431 {strides = array<i32>} : memref<25x64xf32, #tpu.memory_space<vmem>>, vector<1x16xf32>,
    %swap3A_432 = arith.constant 17 : i32
    %swap3A_433 = arith.index_cast %swap3A_432 : i32 to index
    %swap3A_434 = arith.constant 48 : index
    %swap3A_435 = tpu.vector_load %arg14[%swap3A_433, %swap3A_434] {strides = array<i32>} : memref<25x64xf32, #tpu.memory_space<vmem>>, vector<1x16xf32>,
    %swap3A_436 = vector.shape_cast %swap3A_435 : vector<1x16xf32> to vector<16xf32>
    %swap3A_437 = vector.shape_cast %broadcast_in_dim3A_6 : vector<16xf32> to vector<1x16xf32>
    tpu.vector_store %arg14[%swap3A_433, %swap3A_434], %swap3A_437 {strides = array<i32>} : memref<25x64xf32, #tpu.memory_space<vmem>>, vector<1x16xf32>,
    %swap3A_438 = arith.constant 18 : i32
    %swap3A_439 = arith.index_cast %swap3A_438 : i32 to index
    %swap3A_440 = arith.constant 0 : index
    %swap3A_441 = tpu.vector_load %arg14[%swap3A_439, %swap3A_440] {strides = array<i32>} : memref<25x64xf32, #tpu.memory_space<vmem>>, vector<1x16xf32>,
    %swap3A_442 = vector.shape_cast %swap3A_441 : vector<1x16xf32> to vector<16xf32>
    %swap3A_443 = vector.shape_cast %broadcast_in_dim3A_6 : vector<16xf32> to vector<1x16xf32>
    tpu.vector_store %arg14[%swap3A_439, %swap3A_440], %swap3A_443 {strides = array<i32>} : memref<25x64xf32, #tpu.memory_space<vmem>>, vector<1x16xf32>,
    %swap3A_444 = arith.constant 18 : i32
    %swap3A_445 = arith.index_cast %swap3A_444 : i32 to index
    %swap3A_446 = arith.constant 16 : index
    %swap3A_447 = tpu.vector_load %arg14[%swap3A_445, %swap3A_446] {strides = array<i32>} : memref<25x64xf32, #tpu.memory_space<vmem>>, vector<1x16xf32>,
    %swap3A_448 = vector.shape_cast %swap3A_447 : vector<1x16xf32> to vector<16xf32>
    %swap3A_449 = vector.shape_cast %broadcast_in_dim3A_6 : vector<16xf32> to vector<1x16xf32>
    tpu.vector_store %arg14[%swap3A_445, %swap3A_446], %swap3A_449 {strides = array<i32>} : memref<25x64xf32, #tpu.memory_space<vmem>>, vector<1x16xf32>,
    %swap3A_450 = arith.constant 18 : i32
    %swap3A_451 = arith.index_cast %swap3A_450 : i32 to index
    %swap3A_452 = arith.constant 32 : index
    %swap3A_453 = tpu.vector_load %arg14[%swap3A_451, %swap3A_452] {strides = array<i32>} : memref<25x64xf32, #tpu.memory_space<vmem>>, vector<1x16xf32>,
    %swap3A_454 = vector.shape_cast %swap3A_453 : vector<1x16xf32> to vector<16xf32>
    %swap3A_455 = vector.shape_cast %broadcast_in_dim3A_6 : vector<16xf32> to vector<1x16xf32>
    tpu.vector_store %arg14[%swap3A_451, %swap3A_452], %swap3A_455 {strides = array<i32>} : memref<25x64xf32, #tpu.memory_space<vmem>>, vector<1x16xf32>,
    %swap3A_456 = arith.constant 18 : i32
    %swap3A_457 = arith.index_cast %swap3A_456 : i32 to index
    %swap3A_458 = arith.constant 48 : index
    %swap3A_459 = tpu.vector_load %arg14[%swap3A_457, %swap3A_458] {strides = array<i32>} : memref<25x64xf32, #tpu.memory_space<vmem>>, vector<1x16xf32>,
    %swap3A_460 = vector.shape_cast %swap3A_459 : vector<1x16xf32> to vector<16xf32>
    %swap3A_461 = vector.shape_cast %broadcast_in_dim3A_6 : vector<16xf32> to vector<1x16xf32>
    tpu.vector_store %arg14[%swap3A_457, %swap3A_458], %swap3A_461 {strides = array<i32>} : memref<25x64xf32, #tpu.memory_space<vmem>>, vector<1x16xf32>,
    %swap3A_462 = arith.constant 19 : i32
    %swap3A_463 = arith.index_cast %swap3A_462 : i32 to index
    %swap3A_464 = arith.constant 0 : index
    %swap3A_465 = tpu.vector_load %arg14[%swap3A_463, %swap3A_464] {strides = array<i32>} : memref<25x64xf32, #tpu.memory_space<vmem>>, vector<1x16xf32>,
    %swap3A_466 = vector.shape_cast %swap3A_465 : vector<1x16xf32> to vector<16xf32>
    %swap3A_467 = vector.shape_cast %broadcast_in_dim3A_6 : vector<16xf32> to vector<1x16xf32>
    tpu.vector_store %arg14[%swap3A_463, %swap3A_464], %swap3A_467 {strides = array<i32>} : memref<25x64xf32, #tpu.memory_space<vmem>>, vector<1x16xf32>,
    %swap3A_468 = arith.constant 19 : i32
    %swap3A_469 = arith.index_cast %swap3A_468 : i32 to index
    %swap3A_470 = arith.constant 16 : index
    %swap3A_471 = tpu.vector_load %arg14[%swap3A_469, %swap3A_470] {strides = array<i32>} : memref<25x64xf32, #tpu.memory_space<vmem>>, vector<1x16xf32>,
    %swap3A_472 = vector.shape_cast %swap3A_471 : vector<1x16xf32> to vector<16xf32>
    %swap3A_473 = vector.shape_cast %broadcast_in_dim3A_6 : vector<16xf32> to vector<1x16xf32>
    tpu.vector_store %arg14[%swap3A_469, %swap3A_470], %swap3A_473 {strides = array<i32>} : memref<25x64xf32, #tpu.memory_space<vmem>>, vector<1x16xf32>,
    %swap3A_474 = arith.constant 19 : i32
    %swap3A_475 = arith.index_cast %swap3A_474 : i32 to index
    %swap3A_476 = arith.constant 32 : index
    %swap3A_477 = tpu.vector_load %arg14[%swap3A_475, %swap3A_476] {strides = array<i32>} : memref<25x64xf32, #tpu.memory_space<vmem>>, vector<1x16xf32>,
    %swap3A_478 = vector.shape_cast %swap3A_477 : vector<1x16xf32> to vector<16xf32>
    %swap3A_479 = vector.shape_cast %broadcast_in_dim3A_6 : vector<16xf32> to vector<1x16xf32>
    tpu.vector_store %arg14[%swap3A_475, %swap3A_476], %swap3A_479 {strides = array<i32>} : memref<25x64xf32, #tpu.memory_space<vmem>>, vector<1x16xf32>,
    %swap3A_480 = arith.constant 19 : i32
    %swap3A_481 = arith.index_cast %swap3A_480 : i32 to index
    %swap3A_482 = arith.constant 48 : index
    %swap3A_483 = tpu.vector_load %arg14[%swap3A_481, %swap3A_482] {strides = array<i32>} : memref<25x64xf32, #tpu.memory_space<vmem>>, vector<1x16xf32>,
    %swap3A_484 = vector.shape_cast %swap3A_483 : vector<1x16xf32> to vector<16xf32>
    %swap3A_485 = vector.shape_cast %broadcast_in_dim3A_6 : vector<16xf32> to vector<1x16xf32>
    tpu.vector_store %arg14[%swap3A_481, %swap3A_482], %swap3A_485 {strides = array<i32>} : memref<25x64xf32, #tpu.memory_space<vmem>>, vector<1x16xf32>,
    %swap3A_486 = arith.constant 20 : i32
    %swap3A_487 = arith.index_cast %swap3A_486 : i32 to index
    %swap3A_488 = arith.constant 0 : index
    %swap3A_489 = tpu.vector_load %arg14[%swap3A_487, %swap3A_488] {strides = array<i32>} : memref<25x64xf32, #tpu.memory_space<vmem>>, vector<1x16xf32>,
    %swap3A_490 = vector.shape_cast %swap3A_489 : vector<1x16xf32> to vector<16xf32>
    %swap3A_491 = vector.shape_cast %broadcast_in_dim3A_6 : vector<16xf32> to vector<1x16xf32>
    tpu.vector_store %arg14[%swap3A_487, %swap3A_488], %swap3A_491 {strides = array<i32>} : memref<25x64xf32, #tpu.memory_space<vmem>>, vector<1x16xf32>,
    %swap3A_492 = arith.constant 20 : i32
    %swap3A_493 = arith.index_cast %swap3A_492 : i32 to index
    %swap3A_494 = arith.constant 16 : index
    %swap3A_495 = tpu.vector_load %arg14[%swap3A_493, %swap3A_494] {strides = array<i32>} : memref<25x64xf32, #tpu.memory_space<vmem>>, vector<1x16xf32>,
    %swap3A_496 = vector.shape_cast %swap3A_495 : vector<1x16xf32> to vector<16xf32>
    %swap3A_497 = vector.shape_cast %broadcast_in_dim3A_6 : vector<16xf32> to vector<1x16xf32>
    tpu.vector_store %arg14[%swap3A_493, %swap3A_494], %swap3A_497 {strides = array<i32>} : memref<25x64xf32, #tpu.memory_space<vmem>>, vector<1x16xf32>,
    %swap3A_498 = arith.constant 20 : i32
    %swap3A_499 = arith.index_cast %swap3A_498 : i32 to index
    %swap3A_500 = arith.constant 32 : index
    %swap3A_501 = tpu.vector_load %arg14[%swap3A_499, %swap3A_500] {strides = array<i32>} : memref<25x64xf32, #tpu.memory_space<vmem>>, vector<1x16xf32>,
    %swap3A_502 = vector.shape_cast %swap3A_501 : vector<1x16xf32> to vector<16xf32>
    %swap3A_503 = vector.shape_cast %broadcast_in_dim3A_6 : vector<16xf32> to vector<1x16xf32>
    tpu.vector_store %arg14[%swap3A_499, %swap3A_500], %swap3A_503 {strides = array<i32>} : memref<25x64xf32, #tpu.memory_space<vmem>>, vector<1x16xf32>,
    %swap3A_504 = arith.constant 20 : i32
    %swap3A_505 = arith.index_cast %swap3A_504 : i32 to index
    %swap3A_506 = arith.constant 48 : index
    %swap3A_507 = tpu.vector_load %arg14[%swap3A_505, %swap3A_506] {strides = array<i32>} : memref<25x64xf32, #tpu.memory_space<vmem>>, vector<1x16xf32>,
    %swap3A_508 = vector.shape_cast %swap3A_507 : vector<1x16xf32> to vector<16xf32>
    %swap3A_509 = vector.shape_cast %broadcast_in_dim3A_6 : vector<16xf32> to vector<1x16xf32>
    tpu.vector_store %arg14[%swap3A_505, %swap3A_506], %swap3A_509 {strides = array<i32>} : memref<25x64xf32, #tpu.memory_space<vmem>>, vector<1x16xf32>,
    %swap3A_510 = arith.constant 21 : i32
    %swap3A_511 = arith.index_cast %swap3A_510 : i32 to index
    %swap3A_512 = arith.constant 0 : index
    %swap3A_513 = tpu.vector_load %arg14[%swap3A_511, %swap3A_512] {strides = array<i32>} : memref<25x64xf32, #tpu.memory_space<vmem>>, vector<1x16xf32>,
    %swap3A_514 = vector.shape_cast %swap3A_513 : vector<1x16xf32> to vector<16xf32>
    %swap3A_515 = vector.shape_cast %broadcast_in_dim3A_6 : vector<16xf32> to vector<1x16xf32>
    tpu.vector_store %arg14[%swap3A_511, %swap3A_512], %swap3A_515 {strides = array<i32>} : memref<25x64xf32, #tpu.memory_space<vmem>>, vector<1x16xf32>,
    %swap3A_516 = arith.constant 21 : i32
    %swap3A_517 = arith.index_cast %swap3A_516 : i32 to index
    %swap3A_518 = arith.constant 16 : index
    %swap3A_519 = tpu.vector_load %arg14[%swap3A_517, %swap3A_518] {strides = array<i32>} : memref<25x64xf32, #tpu.memory_space<vmem>>, vector<1x16xf32>,
    %swap3A_520 = vector.shape_cast %swap3A_519 : vector<1x16xf32> to vector<16xf32>
    %swap3A_521 = vector.shape_cast %broadcast_in_dim3A_6 : vector<16xf32> to vector<1x16xf32>
    tpu.vector_store %arg14[%swap3A_517, %swap3A_518], %swap3A_521 {strides = array<i32>} : memref<25x64xf32, #tpu.memory_space<vmem>>, vector<1x16xf32>,
    %swap3A_522 = arith.constant 21 : i32
    %swap3A_523 = arith.index_cast %swap3A_522 : i32 to index
    %swap3A_524 = arith.constant 32 : index
    %swap3A_525 = tpu.vector_load %arg14[%swap3A_523, %swap3A_524] {strides = array<i32>} : memref<25x64xf32, #tpu.memory_space<vmem>>, vector<1x16xf32>,
    %swap3A_526 = vector.shape_cast %swap3A_525 : vector<1x16xf32> to vector<16xf32>
    %swap3A_527 = vector.shape_cast %broadcast_in_dim3A_6 : vector<16xf32> to vector<1x16xf32>
    tpu.vector_store %arg14[%swap3A_523, %swap3A_524], %swap3A_527 {strides = array<i32>} : memref<25x64xf32, #tpu.memory_space<vmem>>, vector<1x16xf32>,
    %swap3A_528 = arith.constant 21 : i32
    %swap3A_529 = arith.index_cast %swap3A_528 : i32 to index
    %swap3A_530 = arith.constant 48 : index
    %swap3A_531 = tpu.vector_load %arg14[%swap3A_529, %swap3A_530] {strides = array<i32>} : memref<25x64xf32, #tpu.memory_space<vmem>>, vector<1x16xf32>,
    %swap3A_532 = vector.shape_cast %swap3A_531 : vector<1x16xf32> to vector<16xf32>
    %swap3A_533 = vector.shape_cast %broadcast_in_dim3A_6 : vector<16xf32> to vector<1x16xf32>
    tpu.vector_store %arg14[%swap3A_529, %swap3A_530], %swap3A_533 {strides = array<i32>} : memref<25x64xf32, #tpu.memory_space<vmem>>, vector<1x16xf32>,
    %swap3A_534 = arith.constant 22 : i32
    %swap3A_535 = arith.index_cast %swap3A_534 : i32 to index
    %swap3A_536 = arith.constant 0 : index
    %swap3A_537 = tpu.vector_load %arg14[%swap3A_535, %swap3A_536] {strides = array<i32>} : memref<25x64xf32, #tpu.memory_space<vmem>>, vector<1x16xf32>,
    %swap3A_538 = vector.shape_cast %swap3A_537 : vector<1x16xf32> to vector<16xf32>
    %swap3A_539 = vector.shape_cast %broadcast_in_dim3A_6 : vector<16xf32> to vector<1x16xf32>
    tpu.vector_store %arg14[%swap3A_535, %swap3A_536], %swap3A_539 {strides = array<i32>} : memref<25x64xf32, #tpu.memory_space<vmem>>, vector<1x16xf32>,
    %swap3A_540 = arith.constant 22 : i32
    %swap3A_541 = arith.index_cast %swap3A_540 : i32 to index
    %swap3A_542 = arith.constant 16 : index
    %swap3A_543 = tpu.vector_load %arg14[%swap3A_541, %swap3A_542] {strides = array<i32>} : memref<25x64xf32, #tpu.memory_space<vmem>>, vector<1x16xf32>,
    %swap3A_544 = vector.shape_cast %swap3A_543 : vector<1x16xf32> to vector<16xf32>
    %swap3A_545 = vector.shape_cast %broadcast_in_dim3A_6 : vector<16xf32> to vector<1x16xf32>
    tpu.vector_store %arg14[%swap3A_541, %swap3A_542], %swap3A_545 {strides = array<i32>} : memref<25x64xf32, #tpu.memory_space<vmem>>, vector<1x16xf32>,
    %swap3A_546 = arith.constant 22 : i32
    %swap3A_547 = arith.index_cast %swap3A_546 : i32 to index
    %swap3A_548 = arith.constant 32 : index
    %swap3A_549 = tpu.vector_load %arg14[%swap3A_547, %swap3A_548] {strides = array<i32>} : memref<25x64xf32, #tpu.memory_space<vmem>>, vector<1x16xf32>,
    %swap3A_550 = vector.shape_cast %swap3A_549 : vector<1x16xf32> to vector<16xf32>
    %swap3A_551 = vector.shape_cast %broadcast_in_dim3A_6 : vector<16xf32> to vector<1x16xf32>
    tpu.vector_store %arg14[%swap3A_547, %swap3A_548], %swap3A_551 {strides = array<i32>} : memref<25x64xf32, #tpu.memory_space<vmem>>, vector<1x16xf32>,
    %swap3A_552 = arith.constant 22 : i32
    %swap3A_553 = arith.index_cast %swap3A_552 : i32 to index
    %swap3A_554 = arith.constant 48 : index
    %swap3A_555 = tpu.vector_load %arg14[%swap3A_553, %swap3A_554] {strides = array<i32>} : memref<25x64xf32, #tpu.memory_space<vmem>>, vector<1x16xf32>,
    %swap3A_556 = vector.shape_cast %swap3A_555 : vector<1x16xf32> to vector<16xf32>
    %swap3A_557 = vector.shape_cast %broadcast_in_dim3A_6 : vector<16xf32> to vector<1x16xf32>
    tpu.vector_store %arg14[%swap3A_553, %swap3A_554], %swap3A_557 {strides = array<i32>} : memref<25x64xf32, #tpu.memory_space<vmem>>, vector<1x16xf32>,
    %swap3A_558 = arith.constant 23 : i32
    %swap3A_559 = arith.index_cast %swap3A_558 : i32 to index
    %swap3A_560 = arith.constant 0 : index
    %swap3A_561 = tpu.vector_load %arg14[%swap3A_559, %swap3A_560] {strides = array<i32>} : memref<25x64xf32, #tpu.memory_space<vmem>>, vector<1x16xf32>,
    %swap3A_562 = vector.shape_cast %swap3A_561 : vector<1x16xf32> to vector<16xf32>
    %swap3A_563 = vector.shape_cast %broadcast_in_dim3A_6 : vector<16xf32> to vector<1x16xf32>
    tpu.vector_store %arg14[%swap3A_559, %swap3A_560], %swap3A_563 {strides = array<i32>} : memref<25x64xf32, #tpu.memory_space<vmem>>, vector<1x16xf32>,
    %swap3A_564 = arith.constant 23 : i32
    %swap3A_565 = arith.index_cast %swap3A_564 : i32 to index
    %swap3A_566 = arith.constant 16 : index
    %swap3A_567 = tpu.vector_load %arg14[%swap3A_565, %swap3A_566] {strides = array<i32>} : memref<25x64xf32, #tpu.memory_space<vmem>>, vector<1x16xf32>,
    %swap3A_568 = vector.shape_cast %swap3A_567 : vector<1x16xf32> to vector<16xf32>
    %swap3A_569 = vector.shape_cast %broadcast_in_dim3A_6 : vector<16xf32> to vector<1x16xf32>
    tpu.vector_store %arg14[%swap3A_565, %swap3A_566], %swap3A_569 {strides = array<i32>} : memref<25x64xf32, #tpu.memory_space<vmem>>, vector<1x16xf32>,
    %swap3A_570 = arith.constant 23 : i32
    %swap3A_571 = arith.index_cast %swap3A_570 : i32 to index
    %swap3A_572 = arith.constant 32 : index
    %swap3A_573 = tpu.vector_load %arg14[%swap3A_571, %swap3A_572] {strides = array<i32>} : memref<25x64xf32, #tpu.memory_space<vmem>>, vector<1x16xf32>,
    %swap3A_574 = vector.shape_cast %swap3A_573 : vector<1x16xf32> to vector<16xf32>
    %swap3A_575 = vector.shape_cast %broadcast_in_dim3A_6 : vector<16xf32> to vector<1x16xf32>
    tpu.vector_store %arg14[%swap3A_571, %swap3A_572], %swap3A_575 {strides = array<i32>} : memref<25x64xf32, #tpu.memory_space<vmem>>, vector<1x16xf32>,
    %swap3A_576 = arith.constant 23 : i32
    %swap3A_577 = arith.index_cast %swap3A_576 : i32 to index
    %swap3A_578 = arith.constant 48 : index
    %swap3A_579 = tpu.vector_load %arg14[%swap3A_577, %swap3A_578] {strides = array<i32>} : memref<25x64xf32, #tpu.memory_space<vmem>>, vector<1x16xf32>,
    %swap3A_580 = vector.shape_cast %swap3A_579 : vector<1x16xf32> to vector<16xf32>
    %swap3A_581 = vector.shape_cast %broadcast_in_dim3A_6 : vector<16xf32> to vector<1x16xf32>
    tpu.vector_store %arg14[%swap3A_577, %swap3A_578], %swap3A_581 {strides = array<i32>} : memref<25x64xf32, #tpu.memory_space<vmem>>, vector<1x16xf32>,
    %swap3A_582 = arith.constant 24 : i32
    %swap3A_583 = arith.index_cast %swap3A_582 : i32 to index
    %swap3A_584 = arith.constant 0 : index
    %swap3A_585 = tpu.vector_load %arg14[%swap3A_583, %swap3A_584] {strides = array<i32>} : memref<25x64xf32, #tpu.memory_space<vmem>>, vector<1x16xf32>,
    %swap3A_586 = vector.shape_cast %swap3A_585 : vector<1x16xf32> to vector<16xf32>
    %swap3A_587 = vector.shape_cast %broadcast_in_dim3A_6 : vector<16xf32> to vector<1x16xf32>
    tpu.vector_store %arg14[%swap3A_583, %swap3A_584], %swap3A_587 {strides = array<i32>} : memref<25x64xf32, #tpu.memory_space<vmem>>, vector<1x16xf32>,
    %swap3A_588 = arith.constant 24 : i32
    %swap3A_589 = arith.index_cast %swap3A_588 : i32 to index
    %swap3A_590 = arith.constant 16 : index
    %swap3A_591 = tpu.vector_load %arg14[%swap3A_589, %swap3A_590] {strides = array<i32>} : memref<25x64xf32, #tpu.memory_space<vmem>>, vector<1x16xf32>,
    %swap3A_592 = vector.shape_cast %swap3A_591 : vector<1x16xf32> to vector<16xf32>
    %swap3A_593 = vector.shape_cast %broadcast_in_dim3A_6 : vector<16xf32> to vector<1x16xf32>
    tpu.vector_store %arg14[%swap3A_589, %swap3A_590], %swap3A_593 {strides = array<i32>} : memref<25x64xf32, #tpu.memory_space<vmem>>, vector<1x16xf32>,
    %swap3A_594 = arith.constant 24 : i32
    %swap3A_595 = arith.index_cast %swap3A_594 : i32 to index
    %swap3A_596 = arith.constant 32 : index
    %swap3A_597 = tpu.vector_load %arg14[%swap3A_595, %swap3A_596] {strides = array<i32>} : memref<25x64xf32, #tpu.memory_space<vmem>>, vector<1x16xf32>,
    %swap3A_598 = vector.shape_cast %swap3A_597 : vector<1x16xf32> to vector<16xf32>
    %swap3A_599 = vector.shape_cast %broadcast_in_dim3A_6 : vector<16xf32> to vector<1x16xf32>
    tpu.vector_store %arg14[%swap3A_595, %swap3A_596], %swap3A_599 {strides = array<i32>} : memref<25x64xf32, #tpu.memory_space<vmem>>, vector<1x16xf32>,
    %swap3A_600 = arith.constant 24 : i32
    %swap3A_601 = arith.index_cast %swap3A_600 : i32 to index
    %swap3A_602 = arith.constant 48 : index
    %swap3A_603 = tpu.vector_load %arg14[%swap3A_601, %swap3A_602] {strides = array<i32>} : memref<25x64xf32, #tpu.memory_space<vmem>>, vector<1x16xf32>,
    %swap3A_604 = vector.shape_cast %swap3A_603 : vector<1x16xf32> to vector<16xf32>
    %swap3A_605 = vector.shape_cast %broadcast_in_dim3A_6 : vector<16xf32> to vector<1x16xf32>
    tpu.vector_store %arg14[%swap3A_601, %swap3A_602], %swap3A_605 {strides = array<i32>} : memref<25x64xf32, #tpu.memory_space<vmem>>, vector<1x16xf32>,
    %mul3A_606 = arith.constant 625 : i32
    %mul3A_607 = arith.muli %arg1, %mul3A_606 : i32
    %scan3A = arith.constant 0 : i32
    %scan3A_608 = arith.constant 0 : i32
    %scan3A_609 = arith.constant 25 : i32
    %scan3A_610 = arith.addi %scan3A_608, %scan3A_609 : i32
    %scan3A_611 = arith.constant 1 : i32
    scf.for %scan3A_715 = %scan3A_608 to %scan3A_610 step %scan3A_611  : i32 {
      %mul3A_716 = arith.constant 25 : i32
      %mul3A_717 = arith.muli %scan3A_715, %mul3A_716 : i32
      %add3A = arith.addi %mul3A_607, %mul3A_717 : i32
      "tpu.region"() ({
        %run_scoped3A = tpu.sem_alloc : memref<!tpu.dma_semaphore, #tpu.memory_space<semaphore_mem>>
        %dma_start3A_718 = arith.constant 0 : i32
        %dma_start3A_719 = tpu.memref_slice %arg6[%add3A, %dma_start3A_718] : memref<10000x64xf32, #tpu.memory_space<vmem_shared>> -> memref<25x64xf32, #tpu.memory_space<vmem_shared>>
        %dma_start3A_720 = arith.constant 0 : i32
        %dma_start3A_721 = tpu.memref_slice %arg6[%add3A, %dma_start3A_720] : memref<10000x64xf32, #tpu.memory_space<vmem_shared>> -> memref<25x64xf32, #tpu.memory_space<vmem_shared>>
        tpu.enqueue_dma source(%arg14 : memref<25x64xf32, #tpu.memory_space<vmem>>) target(%dma_start3A_721 : memref<25x64xf32, #tpu.memory_space<vmem_shared>>) target_semaphore(%run_scoped3A : memref<!tpu.dma_semaphore, #tpu.memory_space<semaphore_mem>>)
        %dma_wait3A_722 = arith.constant 0 : i32
        %dma_wait3A_723 = tpu.memref_slice %arg6[%add3A, %dma_wait3A_722] : memref<10000x64xf32, #tpu.memory_space<vmem_shared>> -> memref<25x64xf32, #tpu.memory_space<vmem_shared>>
        %dma_wait3A_724 = arith.constant 0 : i32
        %dma_wait3A_725 = tpu.memref_slice %arg6[%add3A, %dma_wait3A_724] : memref<10000x64xf32, #tpu.memory_space<vmem_shared>> -> memref<25x64xf32, #tpu.memory_space<vmem_shared>>
        tpu.wait_dma2 semaphore(%run_scoped3A : memref<!tpu.dma_semaphore, #tpu.memory_space<semaphore_mem>>) src(%arg14 : memref<25x64xf32, #tpu.memory_space<vmem>>) dst(%dma_wait3A_725 : memref<25x64xf32, #tpu.memory_space<vmem_shared>>)
        tpu.yield
      }) : () -> ()
    }
    %scan3A_612 = arith.constant 25 : i32
    %dma_wait3A = tpu.memref_slice %arg3[%mul3A_0] : memref<320000xi32, #tpu.memory_space<hbm>> -> memref<20000xi32, #tpu.memory_space<hbm>>
    %dma_wait3A_613 = tpu.memref_slice %arg3[%mul3A_0] : memref<320000xi32, #tpu.memory_space<hbm>> -> memref<20000xi32, #tpu.memory_space<hbm>>
    tpu.wait_dma2 semaphore(%arg20 : memref<!tpu.dma_semaphore, #tpu.memory_space<semaphore_mem>>) src(%dma_wait3A_613 : memref<20000xi32, #tpu.memory_space<hbm>>) dst(%arg7 : memref<20000xi32, #tpu.memory_space<vmem>>)
    %dma_wait3A_614 = tpu.memref_slice %arg4[%mul3A_3] : memref<320000xi32, #tpu.memory_space<hbm>> -> memref<20000xi32, #tpu.memory_space<hbm>>
    %dma_wait3A_615 = tpu.memref_slice %arg4[%mul3A_3] : memref<320000xi32, #tpu.memory_space<hbm>> -> memref<20000xi32, #tpu.memory_space<hbm>>
    tpu.wait_dma2 semaphore(%arg20 : memref<!tpu.dma_semaphore, #tpu.memory_space<semaphore_mem>>) src(%dma_wait3A_615 : memref<20000xi32, #tpu.memory_space<hbm>>) dst(%arg8 : memref<20000xi32, #tpu.memory_space<vmem>>)
    %barrier3A = arith.constant 0 : index
    tpu.barrier barrier_id(%barrier3A)
    %dma_start3A_616 = arith.constant 0 : i32
    %dma_start3A_617 = tpu.memref_slice %arg7[%dma_start3A_616] : memref<20000xi32, #tpu.memory_space<vmem>> -> memref<80xi32, #tpu.memory_space<vmem>>
    %dma_start3A_618 = arith.constant 0 : i32
    %dma_start3A_619 = arith.constant 0 : i32
    %dma_start3A_620 = tpu.memref_slice %arg2[%arg0, %dma_start3A_618, %dma_start3A_619] : memref<2x10000x64xf32, #tpu.memory_space<hbm>> -> memref<1x10000x64xf32, #tpu.memory_space<hbm>>
    %dma_start3A_621 = tpu.memref_squeeze %dma_start3A_620 : memref<1x10000x64xf32, #tpu.memory_space<hbm>> -> memref<10000x64xf32, #tpu.memory_space<hbm>>
    %dma_start3A_622 = arith.constant 0 : i32
    %dma_start3A_623 = arith.constant 0 : i32
    %dma_start3A_624 = tpu.memref_slice %dma_start3A_621[%dma_start3A_622, %dma_start3A_623] : memref<10000x64xf32, #tpu.memory_space<hbm>> -> memref<10000x64xf32, #tpu.memory_space<hbm>>
    tpu.enqueue_indirect_dma source(%dma_start3A_624 : memref<10000x64xf32, #tpu.memory_space<hbm>>) target(%arg9 : memref<80x64xf32, #tpu.memory_space<vmem>>) offsets(%dma_start3A_617 : memref<80xi32, #tpu.memory_space<vmem>>) semaphore(%arg15 : memref<!tpu.dma_semaphore, #tpu.memory_space<semaphore_mem>>)
    %dma_start3A_625 = arith.constant 80 : i32
    %dma_start3A_626 = tpu.memref_slice %arg7[%dma_start3A_625] : memref<20000xi32, #tpu.memory_space<vmem>> -> memref<80xi32, #tpu.memory_space<vmem>>
    %dma_start3A_627 = arith.constant 0 : i32
    %dma_start3A_628 = arith.constant 0 : i32
    %dma_start3A_629 = tpu.memref_slice %arg2[%arg0, %dma_start3A_627, %dma_start3A_628] : memref<2x10000x64xf32, #tpu.memory_space<hbm>> -> memref<1x10000x64xf32, #tpu.memory_space<hbm>>
    %dma_start3A_630 = tpu.memref_squeeze %dma_start3A_629 : memref<1x10000x64xf32, #tpu.memory_space<hbm>> -> memref<10000x64xf32, #tpu.memory_space<hbm>>
    %dma_start3A_631 = arith.constant 0 : i32
    %dma_start3A_632 = arith.constant 0 : i32
    %dma_start3A_633 = tpu.memref_slice %dma_start3A_630[%dma_start3A_631, %dma_start3A_632] : memref<10000x64xf32, #tpu.memory_space<hbm>> -> memref<10000x64xf32, #tpu.memory_space<hbm>>
    tpu.enqueue_indirect_dma source(%dma_start3A_633 : memref<10000x64xf32, #tpu.memory_space<hbm>>) target(%arg10 : memref<80x64xf32, #tpu.memory_space<vmem>>) offsets(%dma_start3A_626 : memref<80xi32, #tpu.memory_space<vmem>>) semaphore(%arg16 : memref<!tpu.dma_semaphore, #tpu.memory_space<semaphore_mem>>)
    %dma_start3A_634 = arith.constant 160 : i32
    %dma_start3A_635 = tpu.memref_slice %arg7[%dma_start3A_634] : memref<20000xi32, #tpu.memory_space<vmem>> -> memref<80xi32, #tpu.memory_space<vmem>>
    %dma_start3A_636 = arith.constant 0 : i32
    %dma_start3A_637 = arith.constant 0 : i32
    %dma_start3A_638 = tpu.memref_slice %arg2[%arg0, %dma_start3A_636, %dma_start3A_637] : memref<2x10000x64xf32, #tpu.memory_space<hbm>> -> memref<1x10000x64xf32, #tpu.memory_space<hbm>>
    %dma_start3A_639 = tpu.memref_squeeze %dma_start3A_638 : memref<1x10000x64xf32, #tpu.memory_space<hbm>> -> memref<10000x64xf32, #tpu.memory_space<hbm>>
    %dma_start3A_640 = arith.constant 0 : i32
    %dma_start3A_641 = arith.constant 0 : i32
    %dma_start3A_642 = tpu.memref_slice %dma_start3A_639[%dma_start3A_640, %dma_start3A_641] : memref<10000x64xf32, #tpu.memory_space<hbm>> -> memref<10000x64xf32, #tpu.memory_space<hbm>>
    tpu.enqueue_indirect_dma source(%dma_start3A_642 : memref<10000x64xf32, #tpu.memory_space<hbm>>) target(%arg11 : memref<80x64xf32, #tpu.memory_space<vmem>>) offsets(%dma_start3A_635 : memref<80xi32, #tpu.memory_space<vmem>>) semaphore(%arg17 : memref<!tpu.dma_semaphore, #tpu.memory_space<semaphore_mem>>)
    %dma_start3A_643 = arith.constant 240 : i32
    %dma_start3A_644 = tpu.memref_slice %arg7[%dma_start3A_643] : memref<20000xi32, #tpu.memory_space<vmem>> -> memref<80xi32, #tpu.memory_space<vmem>>
    %dma_start3A_645 = arith.constant 0 : i32
    %dma_start3A_646 = arith.constant 0 : i32
    %dma_start3A_647 = tpu.memref_slice %arg2[%arg0, %dma_start3A_645, %dma_start3A_646] : memref<2x10000x64xf32, #tpu.memory_space<hbm>> -> memref<1x10000x64xf32, #tpu.memory_space<hbm>>
    %dma_start3A_648 = tpu.memref_squeeze %dma_start3A_647 : memref<1x10000x64xf32, #tpu.memory_space<hbm>> -> memref<10000x64xf32, #tpu.memory_space<hbm>>
    %dma_start3A_649 = arith.constant 0 : i32
    %dma_start3A_650 = arith.constant 0 : i32
    %dma_start3A_651 = tpu.memref_slice %dma_start3A_648[%dma_start3A_649, %dma_start3A_650] : memref<10000x64xf32, #tpu.memory_space<hbm>> -> memref<10000x64xf32, #tpu.memory_space<hbm>>
    tpu.enqueue_indirect_dma source(%dma_start3A_651 : memref<10000x64xf32, #tpu.memory_space<hbm>>) target(%arg12 : memref<80x64xf32, #tpu.memory_space<vmem>>) offsets(%dma_start3A_644 : memref<80xi32, #tpu.memory_space<vmem>>) semaphore(%arg18 : memref<!tpu.dma_semaphore, #tpu.memory_space<semaphore_mem>>)
    %scan3A_652 = arith.constant 0 : i32
    %scan3A_653 = arith.constant 0 : i32
    %scan3A_654 = arith.constant 49 : i32
    %scan3A_655 = arith.addi %scan3A_653, %scan3A_654 : i32
    %scan3A_656 = arith.constant 1 : i32
    scf.for %scan3A_715 = %scan3A_653 to %scan3A_655 step %scan3A_656  : i32 {
      %mul3A_716 = arith.constant 5 : i32
      %mul3A_717 = arith.muli %mul3A_716, %scan3A_715 : i32
      %add3A = arith.constant 0 : i32
      %add3A_718 = arith.addi %mul3A_717, %add3A : i32
      %mul3A_719 = arith.constant 80 : i32
      %mul3A_720 = arith.muli %add3A_718, %mul3A_719 : i32
      %dma_wait3A_721 = tpu.memref_slice %arg7[%mul3A_720] : memref<20000xi32, #tpu.memory_space<vmem>> -> memref<80xi32, #tpu.memory_space<vmem>>
      %dma_wait3A_722 = arith.constant 0 : i32
      %dma_wait3A_723 = arith.constant 0 : i32
      %dma_wait3A_724 = tpu.memref_slice %arg2[%arg0, %dma_wait3A_722, %dma_wait3A_723] : memref<2x10000x64xf32, #tpu.memory_space<hbm>> -> memref<1x10000x64xf32, #tpu.memory_space<hbm>>
      %dma_wait3A_725 = tpu.memref_squeeze %dma_wait3A_724 : memref<1x10000x64xf32, #tpu.memory_space<hbm>> -> memref<10000x64xf32, #tpu.memory_space<hbm>>
      %dma_wait3A_726 = arith.constant 0 : i32
      %dma_wait3A_727 = arith.constant 0 : i32
      %dma_wait3A_728 = tpu.memref_slice %dma_wait3A_725[%dma_wait3A_726, %dma_wait3A_727] : memref<10000x64xf32, #tpu.memory_space<hbm>> -> memref<10000x64xf32, #tpu.memory_space<hbm>>
      tpu.wait_indirect_dma semaphore(%arg15 : memref<!tpu.dma_semaphore, #tpu.memory_space<semaphore_mem>>) src(%dma_wait3A_728 : memref<10000x64xf32, #tpu.memory_space<hbm>>) dst(%arg9 : memref<80x64xf32, #tpu.memory_space<vmem>>)
      %mul3A_729 = arith.constant 80 : i32
      %mul3A_730 = arith.muli %add3A_718, %mul3A_729 : i32
      "tpu.region"() ({
        %run_scoped3A = tpu.sem_alloc : memref<!tpu.dma_semaphore, #tpu.memory_space<semaphore_mem>>
        %dma_start3A_866 = tpu.memref_slice %arg8[%mul3A_730] : memref<20000xi32, #tpu.memory_space<vmem>> -> memref<80xi32, #tpu.memory_space<vmem>>
        %dma_start3A_867 = arith.constant 0 : i32
        %dma_start3A_868 = arith.constant 0 : i32
        %dma_start3A_869 = tpu.memref_slice %arg6[%dma_start3A_867, %dma_start3A_868] : memref<10000x64xf32, #tpu.memory_space<vmem_shared>> -> memref<10000x64xf32, #tpu.memory_space<vmem_shared>>
        tpu.enqueue_indirect_dma source(%arg9 : memref<80x64xf32, #tpu.memory_space<vmem>>) target(%dma_start3A_869 : memref<10000x64xf32, #tpu.memory_space<vmem_shared>>) offsets(%dma_start3A_866 : memref<80xi32, #tpu.memory_space<vmem>>) semaphore(%run_scoped3A : memref<!tpu.dma_semaphore, #tpu.memory_space<semaphore_mem>>) {add = true}
        %dma_wait3A_870 = tpu.memref_slice %arg8[%mul3A_730] : memref<20000xi32, #tpu.memory_space<vmem>> -> memref<80xi32, #tpu.memory_space<vmem>>
        %dma_wait3A_871 = arith.constant 0 : i32
        %dma_wait3A_872 = arith.constant 0 : i32
        %dma_wait3A_873 = tpu.memref_slice %arg6[%dma_wait3A_871, %dma_wait3A_872] : memref<10000x64xf32, #tpu.memory_space<vmem_shared>> -> memref<10000x64xf32, #tpu.memory_space<vmem_shared>>
        tpu.wait_indirect_dma semaphore(%run_scoped3A : memref<!tpu.dma_semaphore, #tpu.memory_space<semaphore_mem>>) src(%arg9 : memref<80x64xf32, #tpu.memory_space<vmem>>) dst(%dma_wait3A_873 : memref<10000x64xf32, #tpu.memory_space<vmem_shared>>)
        tpu.yield
      }) : () -> ()
      %add3A_731 = arith.constant 0 : i32
      %add3A_732 = arith.addi %mul3A_717, %add3A_731 : i32
      %add3A_733 = arith.constant 5 : i32
      %add3A_734 = arith.addi %add3A_732, %add3A_733 : i32
      %sub3A = arith.constant 1 : i32
      %sub3A_735 = arith.subi %add3A_734, %sub3A : i32
      %mul3A_736 = arith.constant 80 : i32
      %mul3A_737 = arith.muli %sub3A_735, %mul3A_736 : i32
      %dma_start3A_738 = tpu.memref_slice %arg7[%mul3A_737] : memref<20000xi32, #tpu.memory_space<vmem>> -> memref<80xi32, #tpu.memory_space<vmem>>
      %dma_start3A_739 = arith.constant 0 : i32
      %dma_start3A_740 = arith.constant 0 : i32
      %dma_start3A_741 = tpu.memref_slice %arg2[%arg0, %dma_start3A_739, %dma_start3A_740] : memref<2x10000x64xf32, #tpu.memory_space<hbm>> -> memref<1x10000x64xf32, #tpu.memory_space<hbm>>
      %dma_start3A_742 = tpu.memref_squeeze %dma_start3A_741 : memref<1x10000x64xf32, #tpu.memory_space<hbm>> -> memref<10000x64xf32, #tpu.memory_space<hbm>>
      %dma_start3A_743 = arith.constant 0 : i32
      %dma_start3A_744 = arith.constant 0 : i32
      %dma_start3A_745 = tpu.memref_slice %dma_start3A_742[%dma_start3A_743, %dma_start3A_744] : memref<10000x64xf32, #tpu.memory_space<hbm>> -> memref<10000x64xf32, #tpu.memory_space<hbm>>
      tpu.enqueue_indirect_dma source(%dma_start3A_745 : memref<10000x64xf32, #tpu.memory_space<hbm>>) target(%arg13 : memref<80x64xf32, #tpu.memory_space<vmem>>) offsets(%dma_start3A_738 : memref<80xi32, #tpu.memory_space<vmem>>) semaphore(%arg19 : memref<!tpu.dma_semaphore, #tpu.memory_space<semaphore_mem>>)
      %add3A_746 = arith.constant 1 : i32
      %add3A_747 = arith.addi %mul3A_717, %add3A_746 : i32
      %mul3A_748 = arith.constant 80 : i32
      %mul3A_749 = arith.muli %add3A_747, %mul3A_748 : i32
      %dma_wait3A_750 = tpu.memref_slice %arg7[%mul3A_749] : memref<20000xi32, #tpu.memory_space<vmem>> -> memref<80xi32, #tpu.memory_space<vmem>>
      %dma_wait3A_751 = arith.constant 0 : i32
      %dma_wait3A_752 = arith.constant 0 : i32
      %dma_wait3A_753 = tpu.memref_slice %arg2[%arg0, %dma_wait3A_751, %dma_wait3A_752] : memref<2x10000x64xf32, #tpu.memory_space<hbm>> -> memref<1x10000x64xf32, #tpu.memory_space<hbm>>
      %dma_wait3A_754 = tpu.memref_squeeze %dma_wait3A_753 : memref<1x10000x64xf32, #tpu.memory_space<hbm>> -> memref<10000x64xf32, #tpu.memory_space<hbm>>
      %dma_wait3A_755 = arith.constant 0 : i32
      %dma_wait3A_756 = arith.constant 0 : i32
      %dma_wait3A_757 = tpu.memref_slice %dma_wait3A_754[%dma_wait3A_755, %dma_wait3A_756] : memref<10000x64xf32, #tpu.memory_space<hbm>> -> memref<10000x64xf32, #tpu.memory_space<hbm>>
      tpu.wait_indirect_dma semaphore(%arg16 : memref<!tpu.dma_semaphore, #tpu.memory_space<semaphore_mem>>) src(%dma_wait3A_757 : memref<10000x64xf32, #tpu.memory_space<hbm>>) dst(%arg10 : memref<80x64xf32, #tpu.memory_space<vmem>>)
      %mul3A_758 = arith.constant 80 : i32
      %mul3A_759 = arith.muli %add3A_747, %mul3A_758 : i32
      "tpu.region"() ({
        %run_scoped3A = tpu.sem_alloc : memref<!tpu.dma_semaphore, #tpu.memory_space<semaphore_mem>>
        %dma_start3A_866 = tpu.memref_slice %arg8[%mul3A_759] : memref<20000xi32, #tpu.memory_space<vmem>> -> memref<80xi32, #tpu.memory_space<vmem>>
        %dma_start3A_867 = arith.constant 0 : i32
        %dma_start3A_868 = arith.constant 0 : i32
        %dma_start3A_869 = tpu.memref_slice %arg6[%dma_start3A_867, %dma_start3A_868] : memref<10000x64xf32, #tpu.memory_space<vmem_shared>> -> memref<10000x64xf32, #tpu.memory_space<vmem_shared>>
        tpu.enqueue_indirect_dma source(%arg10 : memref<80x64xf32, #tpu.memory_space<vmem>>) target(%dma_start3A_869 : memref<10000x64xf32, #tpu.memory_space<vmem_shared>>) offsets(%dma_start3A_866 : memref<80xi32, #tpu.memory_space<vmem>>) semaphore(%run_scoped3A : memref<!tpu.dma_semaphore, #tpu.memory_space<semaphore_mem>>) {add = true}
        %dma_wait3A_870 = tpu.memref_slice %arg8[%mul3A_759] : memref<20000xi32, #tpu.memory_space<vmem>> -> memref<80xi32, #tpu.memory_space<vmem>>
        %dma_wait3A_871 = arith.constant 0 : i32
        %dma_wait3A_872 = arith.constant 0 : i32
        %dma_wait3A_873 = tpu.memref_slice %arg6[%dma_wait3A_871, %dma_wait3A_872] : memref<10000x64xf32, #tpu.memory_space<vmem_shared>> -> memref<10000x64xf32, #tpu.memory_space<vmem_shared>>
        tpu.wait_indirect_dma semaphore(%run_scoped3A : memref<!tpu.dma_semaphore, #tpu.memory_space<semaphore_mem>>) src(%arg10 : memref<80x64xf32, #tpu.memory_space<vmem>>) dst(%dma_wait3A_873 : memref<10000x64xf32, #tpu.memory_space<vmem_shared>>)
        tpu.yield
      }) : () -> ()
      %add3A_760 = arith.constant 1 : i32
      %add3A_761 = arith.addi %mul3A_717, %add3A_760 : i32
      %add3A_762 = arith.constant 5 : i32
      %add3A_763 = arith.addi %add3A_761, %add3A_762 : i32
      %sub3A_764 = arith.constant 1 : i32
      %sub3A_765 = arith.subi %add3A_763, %sub3A_764 : i32
      %mul3A_766 = arith.constant 80 : i32
      %mul3A_767 = arith.muli %sub3A_765, %mul3A_766 : i32
      %dma_start3A_768 = tpu.memref_slice %arg7[%mul3A_767] : memref<20000xi32, #tpu.memory_space<vmem>> -> memref<80xi32, #tpu.memory_space<vmem>>
      %dma_start3A_769 = arith.constant 0 : i32
      %dma_start3A_770 = arith.constant 0 : i32
      %dma_start3A_771 = tpu.memref_slice %arg2[%arg0, %dma_start3A_769, %dma_start3A_770] : memref<2x10000x64xf32, #tpu.memory_space<hbm>> -> memref<1x10000x64xf32, #tpu.memory_space<hbm>>
      %dma_start3A_772 = tpu.memref_squeeze %dma_start3A_771 : memref<1x10000x64xf32, #tpu.memory_space<hbm>> -> memref<10000x64xf32, #tpu.memory_space<hbm>>
      %dma_start3A_773 = arith.constant 0 : i32
      %dma_start3A_774 = arith.constant 0 : i32
      %dma_start3A_775 = tpu.memref_slice %dma_start3A_772[%dma_start3A_773, %dma_start3A_774] : memref<10000x64xf32, #tpu.memory_space<hbm>> -> memref<10000x64xf32, #tpu.memory_space<hbm>>
      tpu.enqueue_indirect_dma source(%dma_start3A_775 : memref<10000x64xf32, #tpu.memory_space<hbm>>) target(%arg9 : memref<80x64xf32, #tpu.memory_space<vmem>>) offsets(%dma_start3A_768 : memref<80xi32, #tpu.memory_space<vmem>>) semaphore(%arg15 : memref<!tpu.dma_semaphore, #tpu.memory_space<semaphore_mem>>)
      %add3A_776 = arith.constant 2 : i32
      %add3A_777 = arith.addi %mul3A_717, %add3A_776 : i32
      %mul3A_778 = arith.constant 80 : i32
      %mul3A_779 = arith.muli %add3A_777, %mul3A_778 : i32
      %dma_wait3A_780 = tpu.memref_slice %arg7[%mul3A_779] : memref<20000xi32, #tpu.memory_space<vmem>> -> memref<80xi32, #tpu.memory_space<vmem>>
      %dma_wait3A_781 = arith.constant 0 : i32
      %dma_wait3A_782 = arith.constant 0 : i32
      %dma_wait3A_783 = tpu.memref_slice %arg2[%arg0, %dma_wait3A_781, %dma_wait3A_782] : memref<2x10000x64xf32, #tpu.memory_space<hbm>> -> memref<1x10000x64xf32, #tpu.memory_space<hbm>>
      %dma_wait3A_784 = tpu.memref_squeeze %dma_wait3A_783 : memref<1x10000x64xf32, #tpu.memory_space<hbm>> -> memref<10000x64xf32, #tpu.memory_space<hbm>>
      %dma_wait3A_785 = arith.constant 0 : i32
      %dma_wait3A_786 = arith.constant 0 : i32
      %dma_wait3A_787 = tpu.memref_slice %dma_wait3A_784[%dma_wait3A_785, %dma_wait3A_786] : memref<10000x64xf32, #tpu.memory_space<hbm>> -> memref<10000x64xf32, #tpu.memory_space<hbm>>
      tpu.wait_indirect_dma semaphore(%arg17 : memref<!tpu.dma_semaphore, #tpu.memory_space<semaphore_mem>>) src(%dma_wait3A_787 : memref<10000x64xf32, #tpu.memory_space<hbm>>) dst(%arg11 : memref<80x64xf32, #tpu.memory_space<vmem>>)
      %mul3A_788 = arith.constant 80 : i32
      %mul3A_789 = arith.muli %add3A_777, %mul3A_788 : i32
      "tpu.region"() ({
        %run_scoped3A = tpu.sem_alloc : memref<!tpu.dma_semaphore, #tpu.memory_space<semaphore_mem>>
        %dma_start3A_866 = tpu.memref_slice %arg8[%mul3A_789] : memref<20000xi32, #tpu.memory_space<vmem>> -> memref<80xi32, #tpu.memory_space<vmem>>
        %dma_start3A_867 = arith.constant 0 : i32
        %dma_start3A_868 = arith.constant 0 : i32
        %dma_start3A_869 = tpu.memref_slice %arg6[%dma_start3A_867, %dma_start3A_868] : memref<10000x64xf32, #tpu.memory_space<vmem_shared>> -> memref<10000x64xf32, #tpu.memory_space<vmem_shared>>
        tpu.enqueue_indirect_dma source(%arg11 : memref<80x64xf32, #tpu.memory_space<vmem>>) target(%dma_start3A_869 : memref<10000x64xf32, #tpu.memory_space<vmem_shared>>) offsets(%dma_start3A_866 : memref<80xi32, #tpu.memory_space<vmem>>) semaphore(%run_scoped3A : memref<!tpu.dma_semaphore, #tpu.memory_space<semaphore_mem>>) {add = true}
        %dma_wait3A_870 = tpu.memref_slice %arg8[%mul3A_789] : memref<20000xi32, #tpu.memory_space<vmem>> -> memref<80xi32, #tpu.memory_space<vmem>>
        %dma_wait3A_871 = arith.constant 0 : i32
        %dma_wait3A_872 = arith.constant 0 : i32
        %dma_wait3A_873 = tpu.memref_slice %arg6[%dma_wait3A_871, %dma_wait3A_872] : memref<10000x64xf32, #tpu.memory_space<vmem_shared>> -> memref<10000x64xf32, #tpu.memory_space<vmem_shared>>
        tpu.wait_indirect_dma semaphore(%run_scoped3A : memref<!tpu.dma_semaphore, #tpu.memory_space<semaphore_mem>>) src(%arg11 : memref<80x64xf32, #tpu.memory_space<vmem>>) dst(%dma_wait3A_873 : memref<10000x64xf32, #tpu.memory_space<vmem_shared>>)
        tpu.yield
      }) : () -> ()
      %add3A_790 = arith.constant 2 : i32
      %add3A_791 = arith.addi %mul3A_717, %add3A_790 : i32
      %add3A_792 = arith.constant 5 : i32
      %add3A_793 = arith.addi %add3A_791, %add3A_792 : i32
      %sub3A_794 = arith.constant 1 : i32
      %sub3A_795 = arith.subi %add3A_793, %sub3A_794 : i32
      %mul3A_796 = arith.constant 80 : i32
      %mul3A_797 = arith.muli %sub3A_795, %mul3A_796 : i32
      %dma_start3A_798 = tpu.memref_slice %arg7[%mul3A_797] : memref<20000xi32, #tpu.memory_space<vmem>> -> memref<80xi32, #tpu.memory_space<vmem>>
      %dma_start3A_799 = arith.constant 0 : i32
      %dma_start3A_800 = arith.constant 0 : i32
      %dma_start3A_801 = tpu.memref_slice %arg2[%arg0, %dma_start3A_799, %dma_start3A_800] : memref<2x10000x64xf32, #tpu.memory_space<hbm>> -> memref<1x10000x64xf32, #tpu.memory_space<hbm>>
      %dma_start3A_802 = tpu.memref_squeeze %dma_start3A_801 : memref<1x10000x64xf32, #tpu.memory_space<hbm>> -> memref<10000x64xf32, #tpu.memory_space<hbm>>
      %dma_start3A_803 = arith.constant 0 : i32
      %dma_start3A_804 = arith.constant 0 : i32
      %dma_start3A_805 = tpu.memref_slice %dma_start3A_802[%dma_start3A_803, %dma_start3A_804] : memref<10000x64xf32, #tpu.memory_space<hbm>> -> memref<10000x64xf32, #tpu.memory_space<hbm>>
      tpu.enqueue_indirect_dma source(%dma_start3A_805 : memref<10000x64xf32, #tpu.memory_space<hbm>>) target(%arg10 : memref<80x64xf32, #tpu.memory_space<vmem>>) offsets(%dma_start3A_798 : memref<80xi32, #tpu.memory_space<vmem>>) semaphore(%arg16 : memref<!tpu.dma_semaphore, #tpu.memory_space<semaphore_mem>>)
      %add3A_806 = arith.constant 3 : i32
      %add3A_807 = arith.addi %mul3A_717, %add3A_806 : i32
      %mul3A_808 = arith.constant 80 : i32
      %mul3A_809 = arith.muli %add3A_807, %mul3A_808 : i32
      %dma_wait3A_810 = tpu.memref_slice %arg7[%mul3A_809] : memref<20000xi32, #tpu.memory_space<vmem>> -> memref<80xi32, #tpu.memory_space<vmem>>
      %dma_wait3A_811 = arith.constant 0 : i32
      %dma_wait3A_812 = arith.constant 0 : i32
      %dma_wait3A_813 = tpu.memref_slice %arg2[%arg0, %dma_wait3A_811, %dma_wait3A_812] : memref<2x10000x64xf32, #tpu.memory_space<hbm>> -> memref<1x10000x64xf32, #tpu.memory_space<hbm>>
      %dma_wait3A_814 = tpu.memref_squeeze %dma_wait3A_813 : memref<1x10000x64xf32, #tpu.memory_space<hbm>> -> memref<10000x64xf32, #tpu.memory_space<hbm>>
      %dma_wait3A_815 = arith.constant 0 : i32
      %dma_wait3A_816 = arith.constant 0 : i32
      %dma_wait3A_817 = tpu.memref_slice %dma_wait3A_814[%dma_wait3A_815, %dma_wait3A_816] : memref<10000x64xf32, #tpu.memory_space<hbm>> -> memref<10000x64xf32, #tpu.memory_space<hbm>>
      tpu.wait_indirect_dma semaphore(%arg18 : memref<!tpu.dma_semaphore, #tpu.memory_space<semaphore_mem>>) src(%dma_wait3A_817 : memref<10000x64xf32, #tpu.memory_space<hbm>>) dst(%arg12 : memref<80x64xf32, #tpu.memory_space<vmem>>)
      %mul3A_818 = arith.constant 80 : i32
      %mul3A_819 = arith.muli %add3A_807, %mul3A_818 : i32
      "tpu.region"() ({
        %run_scoped3A = tpu.sem_alloc : memref<!tpu.dma_semaphore, #tpu.memory_space<semaphore_mem>>
        %dma_start3A_866 = tpu.memref_slice %arg8[%mul3A_819] : memref<20000xi32, #tpu.memory_space<vmem>> -> memref<80xi32, #tpu.memory_space<vmem>>
        %dma_start3A_867 = arith.constant 0 : i32
        %dma_start3A_868 = arith.constant 0 : i32
        %dma_start3A_869 = tpu.memref_slice %arg6[%dma_start3A_867, %dma_start3A_868] : memref<10000x64xf32, #tpu.memory_space<vmem_shared>> -> memref<10000x64xf32, #tpu.memory_space<vmem_shared>>
        tpu.enqueue_indirect_dma source(%arg12 : memref<80x64xf32, #tpu.memory_space<vmem>>) target(%dma_start3A_869 : memref<10000x64xf32, #tpu.memory_space<vmem_shared>>) offsets(%dma_start3A_866 : memref<80xi32, #tpu.memory_space<vmem>>) semaphore(%run_scoped3A : memref<!tpu.dma_semaphore, #tpu.memory_space<semaphore_mem>>) {add = true}
        %dma_wait3A_870 = tpu.memref_slice %arg8[%mul3A_819] : memref<20000xi32, #tpu.memory_space<vmem>> -> memref<80xi32, #tpu.memory_space<vmem>>
        %dma_wait3A_871 = arith.constant 0 : i32
        %dma_wait3A_872 = arith.constant 0 : i32
        %dma_wait3A_873 = tpu.memref_slice %arg6[%dma_wait3A_871, %dma_wait3A_872] : memref<10000x64xf32, #tpu.memory_space<vmem_shared>> -> memref<10000x64xf32, #tpu.memory_space<vmem_shared>>
        tpu.wait_indirect_dma semaphore(%run_scoped3A : memref<!tpu.dma_semaphore, #tpu.memory_space<semaphore_mem>>) src(%arg12 : memref<80x64xf32, #tpu.memory_space<vmem>>) dst(%dma_wait3A_873 : memref<10000x64xf32, #tpu.memory_space<vmem_shared>>)
        tpu.yield
      }) : () -> ()
      %add3A_820 = arith.constant 3 : i32
      %add3A_821 = arith.addi %mul3A_717, %add3A_820 : i32
      %add3A_822 = arith.constant 5 : i32
      %add3A_823 = arith.addi %add3A_821, %add3A_822 : i32
      %sub3A_824 = arith.constant 1 : i32
      %sub3A_825 = arith.subi %add3A_823, %sub3A_824 : i32
      %mul3A_826 = arith.constant 80 : i32
      %mul3A_827 = arith.muli %sub3A_825, %mul3A_826 : i32
      %dma_start3A_828 = tpu.memref_slice %arg7[%mul3A_827] : memref<20000xi32, #tpu.memory_space<vmem>> -> memref<80xi32, #tpu.memory_space<vmem>>
      %dma_start3A_829 = arith.constant 0 : i32
      %dma_start3A_830 = arith.constant 0 : i32
      %dma_start3A_831 = tpu.memref_slice %arg2[%arg0, %dma_start3A_829, %dma_start3A_830] : memref<2x10000x64xf32, #tpu.memory_space<hbm>> -> memref<1x10000x64xf32, #tpu.memory_space<hbm>>
      %dma_start3A_832 = tpu.memref_squeeze %dma_start3A_831 : memref<1x10000x64xf32, #tpu.memory_space<hbm>> -> memref<10000x64xf32, #tpu.memory_space<hbm>>
      %dma_start3A_833 = arith.constant 0 : i32
      %dma_start3A_834 = arith.constant 0 : i32
      %dma_start3A_835 = tpu.memref_slice %dma_start3A_832[%dma_start3A_833, %dma_start3A_834] : memref<10000x64xf32, #tpu.memory_space<hbm>> -> memref<10000x64xf32, #tpu.memory_space<hbm>>
      tpu.enqueue_indirect_dma source(%dma_start3A_835 : memref<10000x64xf32, #tpu.memory_space<hbm>>) target(%arg11 : memref<80x64xf32, #tpu.memory_space<vmem>>) offsets(%dma_start3A_828 : memref<80xi32, #tpu.memory_space<vmem>>) semaphore(%arg17 : memref<!tpu.dma_semaphore, #tpu.memory_space<semaphore_mem>>)
      %add3A_836 = arith.constant 4 : i32
      %add3A_837 = arith.addi %mul3A_717, %add3A_836 : i32
      %mul3A_838 = arith.constant 80 : i32
      %mul3A_839 = arith.muli %add3A_837, %mul3A_838 : i32
      %dma_wait3A_840 = tpu.memref_slice %arg7[%mul3A_839] : memref<20000xi32, #tpu.memory_space<vmem>> -> memref<80xi32, #tpu.memory_space<vmem>>
      %dma_wait3A_841 = arith.constant 0 : i32
      %dma_wait3A_842 = arith.constant 0 : i32
      %dma_wait3A_843 = tpu.memref_slice %arg2[%arg0, %dma_wait3A_841, %dma_wait3A_842] : memref<2x10000x64xf32, #tpu.memory_space<hbm>> -> memref<1x10000x64xf32, #tpu.memory_space<hbm>>
      %dma_wait3A_844 = tpu.memref_squeeze %dma_wait3A_843 : memref<1x10000x64xf32, #tpu.memory_space<hbm>> -> memref<10000x64xf32, #tpu.memory_space<hbm>>
      %dma_wait3A_845 = arith.constant 0 : i32
      %dma_wait3A_846 = arith.constant 0 : i32
      %dma_wait3A_847 = tpu.memref_slice %dma_wait3A_844[%dma_wait3A_845, %dma_wait3A_846] : memref<10000x64xf32, #tpu.memory_space<hbm>> -> memref<10000x64xf32, #tpu.memory_space<hbm>>
      tpu.wait_indirect_dma semaphore(%arg19 : memref<!tpu.dma_semaphore, #tpu.memory_space<semaphore_mem>>) src(%dma_wait3A_847 : memref<10000x64xf32, #tpu.memory_space<hbm>>) dst(%arg13 : memref<80x64xf32, #tpu.memory_space<vmem>>)
      %mul3A_848 = arith.constant 80 : i32
      %mul3A_849 = arith.muli %add3A_837, %mul3A_848 : i32
      "tpu.region"() ({
        %run_scoped3A = tpu.sem_alloc : memref<!tpu.dma_semaphore, #tpu.memory_space<semaphore_mem>>
        %dma_start3A_866 = tpu.memref_slice %arg8[%mul3A_849] : memref<20000xi32, #tpu.memory_space<vmem>> -> memref<80xi32, #tpu.memory_space<vmem>>
        %dma_start3A_867 = arith.constant 0 : i32
        %dma_start3A_868 = arith.constant 0 : i32
        %dma_start3A_869 = tpu.memref_slice %arg6[%dma_start3A_867, %dma_start3A_868] : memref<10000x64xf32, #tpu.memory_space<vmem_shared>> -> memref<10000x64xf32, #tpu.memory_space<vmem_shared>>
        tpu.enqueue_indirect_dma source(%arg13 : memref<80x64xf32, #tpu.memory_space<vmem>>) target(%dma_start3A_869 : memref<10000x64xf32, #tpu.memory_space<vmem_shared>>) offsets(%dma_start3A_866 : memref<80xi32, #tpu.memory_space<vmem>>) semaphore(%run_scoped3A : memref<!tpu.dma_semaphore, #tpu.memory_space<semaphore_mem>>) {add = true}
        %dma_wait3A_870 = tpu.memref_slice %arg8[%mul3A_849] : memref<20000xi32, #tpu.memory_space<vmem>> -> memref<80xi32, #tpu.memory_space<vmem>>
        %dma_wait3A_871 = arith.constant 0 : i32
        %dma_wait3A_872 = arith.constant 0 : i32
        %dma_wait3A_873 = tpu.memref_slice %arg6[%dma_wait3A_871, %dma_wait3A_872] : memref<10000x64xf32, #tpu.memory_space<vmem_shared>> -> memref<10000x64xf32, #tpu.memory_space<vmem_shared>>
        tpu.wait_indirect_dma semaphore(%run_scoped3A : memref<!tpu.dma_semaphore, #tpu.memory_space<semaphore_mem>>) src(%arg13 : memref<80x64xf32, #tpu.memory_space<vmem>>) dst(%dma_wait3A_873 : memref<10000x64xf32, #tpu.memory_space<vmem_shared>>)
        tpu.yield
      }) : () -> ()
      %add3A_850 = arith.constant 4 : i32
      %add3A_851 = arith.addi %mul3A_717, %add3A_850 : i32
      %add3A_852 = arith.constant 5 : i32
      %add3A_853 = arith.addi %add3A_851, %add3A_852 : i32
      %sub3A_854 = arith.constant 1 : i32
      %sub3A_855 = arith.subi %add3A_853, %sub3A_854 : i32
      %mul3A_856 = arith.constant 80 : i32
      %mul3A_857 = arith.muli %sub3A_855, %mul3A_856 : i32
      %dma_start3A_858 = tpu.memref_slice %arg7[%mul3A_857] : memref<20000xi32, #tpu.memory_space<vmem>> -> memref<80xi32, #tpu.memory_space<vmem>>
      %dma_start3A_859 = arith.constant 0 : i32
      %dma_start3A_860 = arith.constant 0 : i32
      %dma_start3A_861 = tpu.memref_slice %arg2[%arg0, %dma_start3A_859, %dma_start3A_860] : memref<2x10000x64xf32, #tpu.memory_space<hbm>> -> memref<1x10000x64xf32, #tpu.memory_space<hbm>>
      %dma_start3A_862 = tpu.memref_squeeze %dma_start3A_861 : memref<1x10000x64xf32, #tpu.memory_space<hbm>> -> memref<10000x64xf32, #tpu.memory_space<hbm>>
      %dma_start3A_863 = arith.constant 0 : i32
      %dma_start3A_864 = arith.constant 0 : i32
      %dma_start3A_865 = tpu.memref_slice %dma_start3A_862[%dma_start3A_863, %dma_start3A_864] : memref<10000x64xf32, #tpu.memory_space<hbm>> -> memref<10000x64xf32, #tpu.memory_space<hbm>>
      tpu.enqueue_indirect_dma source(%dma_start3A_865 : memref<10000x64xf32, #tpu.memory_space<hbm>>) target(%arg12 : memref<80x64xf32, #tpu.memory_space<vmem>>) offsets(%dma_start3A_858 : memref<80xi32, #tpu.memory_space<vmem>>) semaphore(%arg18 : memref<!tpu.dma_semaphore, #tpu.memory_space<semaphore_mem>>)
    }
    %scan3A_657 = arith.constant 49 : i32
    %dma_wait3A_658 = arith.constant 19600 : i32
    %dma_wait3A_659 = tpu.memref_slice %arg7[%dma_wait3A_658] : memref<20000xi32, #tpu.memory_space<vmem>> -> memref<80xi32, #tpu.memory_space<vmem>>
    %dma_wait3A_660 = arith.constant 0 : i32
    %dma_wait3A_661 = arith.constant 0 : i32
    %dma_wait3A_662 = tpu.memref_slice %arg2[%arg0, %dma_wait3A_660, %dma_wait3A_661] : memref<2x10000x64xf32, #tpu.memory_space<hbm>> -> memref<1x10000x64xf32, #tpu.memory_space<hbm>>
    %dma_wait3A_663 = tpu.memref_squeeze %dma_wait3A_662 : memref<1x10000x64xf32, #tpu.memory_space<hbm>> -> memref<10000x64xf32, #tpu.memory_space<hbm>>
    %dma_wait3A_664 = arith.constant 0 : i32
    %dma_wait3A_665 = arith.constant 0 : i32
    %dma_wait3A_666 = tpu.memref_slice %dma_wait3A_663[%dma_wait3A_664, %dma_wait3A_665] : memref<10000x64xf32, #tpu.memory_space<hbm>> -> memref<10000x64xf32, #tpu.memory_space<hbm>>
    tpu.wait_indirect_dma semaphore(%arg15 : memref<!tpu.dma_semaphore, #tpu.memory_space<semaphore_mem>>) src(%dma_wait3A_666 : memref<10000x64xf32, #tpu.memory_space<hbm>>) dst(%arg9 : memref<80x64xf32, #tpu.memory_space<vmem>>)
    "tpu.region"() ({
      %run_scoped3A = tpu.sem_alloc : memref<!tpu.dma_semaphore, #tpu.memory_space<semaphore_mem>>
      %dma_start3A_715 = arith.constant 19600 : i32
      %dma_start3A_716 = tpu.memref_slice %arg8[%dma_start3A_715] : memref<20000xi32, #tpu.memory_space<vmem>> -> memref<80xi32, #tpu.memory_space<vmem>>
      %dma_start3A_717 = arith.constant 0 : i32
      %dma_start3A_718 = arith.constant 0 : i32
      %dma_start3A_719 = tpu.memref_slice %arg6[%dma_start3A_717, %dma_start3A_718] : memref<10000x64xf32, #tpu.memory_space<vmem_shared>> -> memref<10000x64xf32, #tpu.memory_space<vmem_shared>>
      tpu.enqueue_indirect_dma source(%arg9 : memref<80x64xf32, #tpu.memory_space<vmem>>) target(%dma_start3A_719 : memref<10000x64xf32, #tpu.memory_space<vmem_shared>>) offsets(%dma_start3A_716 : memref<80xi32, #tpu.memory_space<vmem>>) semaphore(%run_scoped3A : memref<!tpu.dma_semaphore, #tpu.memory_space<semaphore_mem>>) {add = true}
      %dma_wait3A_720 = arith.constant 19600 : i32
      %dma_wait3A_721 = tpu.memref_slice %arg8[%dma_wait3A_720] : memref<20000xi32, #tpu.memory_space<vmem>> -> memref<80xi32, #tpu.memory_space<vmem>>
      %dma_wait3A_722 = arith.constant 0 : i32
      %dma_wait3A_723 = arith.constant 0 : i32
      %dma_wait3A_724 = tpu.memref_slice %arg6[%dma_wait3A_722, %dma_wait3A_723] : memref<10000x64xf32, #tpu.memory_space<vmem_shared>> -> memref<10000x64xf32, #tpu.memory_space<vmem_shared>>
      tpu.wait_indirect_dma semaphore(%run_scoped3A : memref<!tpu.dma_semaphore, #tpu.memory_space<semaphore_mem>>) src(%arg9 : memref<80x64xf32, #tpu.memory_space<vmem>>) dst(%dma_wait3A_724 : memref<10000x64xf32, #tpu.memory_space<vmem_shared>>)
      tpu.yield
    }) : () -> ()
    %dma_start3A_667 = arith.constant 19920 : i32
    %dma_start3A_668 = tpu.memref_slice %arg7[%dma_start3A_667] : memref<20000xi32, #tpu.memory_space<vmem>> -> memref<80xi32, #tpu.memory_space<vmem>>
    %dma_start3A_669 = arith.constant 0 : i32
    %dma_start3A_670 = arith.constant 0 : i32
    %dma_start3A_671 = tpu.memref_slice %arg2[%arg0, %dma_start3A_669, %dma_start3A_670] : memref<2x10000x64xf32, #tpu.memory_space<hbm>> -> memref<1x10000x64xf32, #tpu.memory_space<hbm>>
    %dma_start3A_672 = tpu.memref_squeeze %dma_start3A_671 : memref<1x10000x64xf32, #tpu.memory_space<hbm>> -> memref<10000x64xf32, #tpu.memory_space<hbm>>
    %dma_start3A_673 = arith.constant 0 : i32
    %dma_start3A_674 = arith.constant 0 : i32
    %dma_start3A_675 = tpu.memref_slice %dma_start3A_672[%dma_start3A_673, %dma_start3A_674] : memref<10000x64xf32, #tpu.memory_space<hbm>> -> memref<10000x64xf32, #tpu.memory_space<hbm>>
    tpu.enqueue_indirect_dma source(%dma_start3A_675 : memref<10000x64xf32, #tpu.memory_space<hbm>>) target(%arg13 : memref<80x64xf32, #tpu.memory_space<vmem>>) offsets(%dma_start3A_668 : memref<80xi32, #tpu.memory_space<vmem>>) semaphore(%arg19 : memref<!tpu.dma_semaphore, #tpu.memory_space<semaphore_mem>>)
    %dma_wait3A_676 = arith.constant 19680 : i32
    %dma_wait3A_677 = tpu.memref_slice %arg7[%dma_wait3A_676] : memref<20000xi32, #tpu.memory_space<vmem>> -> memref<80xi32, #tpu.memory_space<vmem>>
    %dma_wait3A_678 = arith.constant 0 : i32
    %dma_wait3A_679 = arith.constant 0 : i32
    %dma_wait3A_680 = tpu.memref_slice %arg2[%arg0, %dma_wait3A_678, %dma_wait3A_679] : memref<2x10000x64xf32, #tpu.memory_space<hbm>> -> memref<1x10000x64xf32, #tpu.memory_space<hbm>>
    %dma_wait3A_681 = tpu.memref_squeeze %dma_wait3A_680 : memref<1x10000x64xf32, #tpu.memory_space<hbm>> -> memref<10000x64xf32, #tpu.memory_space<hbm>>
    %dma_wait3A_682 = arith.constant 0 : i32
    %dma_wait3A_683 = arith.constant 0 : i32
    %dma_wait3A_684 = tpu.memref_slice %dma_wait3A_681[%dma_wait3A_682, %dma_wait3A_683] : memref<10000x64xf32, #tpu.memory_space<hbm>> -> memref<10000x64xf32, #tpu.memory_space<hbm>>
    tpu.wait_indirect_dma semaphore(%arg16 : memref<!tpu.dma_semaphore, #tpu.memory_space<semaphore_mem>>) src(%dma_wait3A_684 : memref<10000x64xf32, #tpu.memory_space<hbm>>) dst(%arg10 : memref<80x64xf32, #tpu.memory_space<vmem>>)
    "tpu.region"() ({
      %run_scoped3A = tpu.sem_alloc : memref<!tpu.dma_semaphore, #tpu.memory_space<semaphore_mem>>
      %dma_start3A_715 = arith.constant 19680 : i32
      %dma_start3A_716 = tpu.memref_slice %arg8[%dma_start3A_715] : memref<20000xi32, #tpu.memory_space<vmem>> -> memref<80xi32, #tpu.memory_space<vmem>>
      %dma_start3A_717 = arith.constant 0 : i32
      %dma_start3A_718 = arith.constant 0 : i32
      %dma_start3A_719 = tpu.memref_slice %arg6[%dma_start3A_717, %dma_start3A_718] : memref<10000x64xf32, #tpu.memory_space<vmem_shared>> -> memref<10000x64xf32, #tpu.memory_space<vmem_shared>>
      tpu.enqueue_indirect_dma source(%arg10 : memref<80x64xf32, #tpu.memory_space<vmem>>) target(%dma_start3A_719 : memref<10000x64xf32, #tpu.memory_space<vmem_shared>>) offsets(%dma_start3A_716 : memref<80xi32, #tpu.memory_space<vmem>>) semaphore(%run_scoped3A : memref<!tpu.dma_semaphore, #tpu.memory_space<semaphore_mem>>) {add = true}
      %dma_wait3A_720 = arith.constant 19680 : i32
      %dma_wait3A_721 = tpu.memref_slice %arg8[%dma_wait3A_720] : memref<20000xi32, #tpu.memory_space<vmem>> -> memref<80xi32, #tpu.memory_space<vmem>>
      %dma_wait3A_722 = arith.constant 0 : i32
      %dma_wait3A_723 = arith.constant 0 : i32
      %dma_wait3A_724 = tpu.memref_slice %arg6[%dma_wait3A_722, %dma_wait3A_723] : memref<10000x64xf32, #tpu.memory_space<vmem_shared>> -> memref<10000x64xf32, #tpu.memory_space<vmem_shared>>
      tpu.wait_indirect_dma semaphore(%run_scoped3A : memref<!tpu.dma_semaphore, #tpu.memory_space<semaphore_mem>>) src(%arg10 : memref<80x64xf32, #tpu.memory_space<vmem>>) dst(%dma_wait3A_724 : memref<10000x64xf32, #tpu.memory_space<vmem_shared>>)
      tpu.yield
    }) : () -> ()
    %dma_wait3A_685 = arith.constant 19760 : i32
    %dma_wait3A_686 = tpu.memref_slice %arg7[%dma_wait3A_685] : memref<20000xi32, #tpu.memory_space<vmem>> -> memref<80xi32, #tpu.memory_space<vmem>>
    %dma_wait3A_687 = arith.constant 0 : i32
    %dma_wait3A_688 = arith.constant 0 : i32
    %dma_wait3A_689 = tpu.memref_slice %arg2[%arg0, %dma_wait3A_687, %dma_wait3A_688] : memref<2x10000x64xf32, #tpu.memory_space<hbm>> -> memref<1x10000x64xf32, #tpu.memory_space<hbm>>
    %dma_wait3A_690 = tpu.memref_squeeze %dma_wait3A_689 : memref<1x10000x64xf32, #tpu.memory_space<hbm>> -> memref<10000x64xf32, #tpu.memory_space<hbm>>
    %dma_wait3A_691 = arith.constant 0 : i32
    %dma_wait3A_692 = arith.constant 0 : i32
    %dma_wait3A_693 = tpu.memref_slice %dma_wait3A_690[%dma_wait3A_691, %dma_wait3A_692] : memref<10000x64xf32, #tpu.memory_space<hbm>> -> memref<10000x64xf32, #tpu.memory_space<hbm>>
    tpu.wait_indirect_dma semaphore(%arg17 : memref<!tpu.dma_semaphore, #tpu.memory_space<semaphore_mem>>) src(%dma_wait3A_693 : memref<10000x64xf32, #tpu.memory_space<hbm>>) dst(%arg11 : memref<80x64xf32, #tpu.memory_space<vmem>>)
    "tpu.region"() ({
      %run_scoped3A = tpu.sem_alloc : memref<!tpu.dma_semaphore, #tpu.memory_space<semaphore_mem>>
      %dma_start3A_715 = arith.constant 19760 : i32
      %dma_start3A_716 = tpu.memref_slice %arg8[%dma_start3A_715] : memref<20000xi32, #tpu.memory_space<vmem>> -> memref<80xi32, #tpu.memory_space<vmem>>
      %dma_start3A_717 = arith.constant 0 : i32
      %dma_start3A_718 = arith.constant 0 : i32
      %dma_start3A_719 = tpu.memref_slice %arg6[%dma_start3A_717, %dma_start3A_718] : memref<10000x64xf32, #tpu.memory_space<vmem_shared>> -> memref<10000x64xf32, #tpu.memory_space<vmem_shared>>
      tpu.enqueue_indirect_dma source(%arg11 : memref<80x64xf32, #tpu.memory_space<vmem>>) target(%dma_start3A_719 : memref<10000x64xf32, #tpu.memory_space<vmem_shared>>) offsets(%dma_start3A_716 : memref<80xi32, #tpu.memory_space<vmem>>) semaphore(%run_scoped3A : memref<!tpu.dma_semaphore, #tpu.memory_space<semaphore_mem>>) {add = true}
      %dma_wait3A_720 = arith.constant 19760 : i32
      %dma_wait3A_721 = tpu.memref_slice %arg8[%dma_wait3A_720] : memref<20000xi32, #tpu.memory_space<vmem>> -> memref<80xi32, #tpu.memory_space<vmem>>
      %dma_wait3A_722 = arith.constant 0 : i32
      %dma_wait3A_723 = arith.constant 0 : i32
      %dma_wait3A_724 = tpu.memref_slice %arg6[%dma_wait3A_722, %dma_wait3A_723] : memref<10000x64xf32, #tpu.memory_space<vmem_shared>> -> memref<10000x64xf32, #tpu.memory_space<vmem_shared>>
      tpu.wait_indirect_dma semaphore(%run_scoped3A : memref<!tpu.dma_semaphore, #tpu.memory_space<semaphore_mem>>) src(%arg11 : memref<80x64xf32, #tpu.memory_space<vmem>>) dst(%dma_wait3A_724 : memref<10000x64xf32, #tpu.memory_space<vmem_shared>>)
      tpu.yield
    }) : () -> ()
    %dma_wait3A_694 = arith.constant 19840 : i32
    %dma_wait3A_695 = tpu.memref_slice %arg7[%dma_wait3A_694] : memref<20000xi32, #tpu.memory_space<vmem>> -> memref<80xi32, #tpu.memory_space<vmem>>
    %dma_wait3A_696 = arith.constant 0 : i32
    %dma_wait3A_697 = arith.constant 0 : i32
    %dma_wait3A_698 = tpu.memref_slice %arg2[%arg0, %dma_wait3A_696, %dma_wait3A_697] : memref<2x10000x64xf32, #tpu.memory_space<hbm>> -> memref<1x10000x64xf32, #tpu.memory_space<hbm>>
    %dma_wait3A_699 = tpu.memref_squeeze %dma_wait3A_698 : memref<1x10000x64xf32, #tpu.memory_space<hbm>> -> memref<10000x64xf32, #tpu.memory_space<hbm>>
    %dma_wait3A_700 = arith.constant 0 : i32
    %dma_wait3A_701 = arith.constant 0 : i32
    %dma_wait3A_702 = tpu.memref_slice %dma_wait3A_699[%dma_wait3A_700, %dma_wait3A_701] : memref<10000x64xf32, #tpu.memory_space<hbm>> -> memref<10000x64xf32, #tpu.memory_space<hbm>>
    tpu.wait_indirect_dma semaphore(%arg18 : memref<!tpu.dma_semaphore, #tpu.memory_space<semaphore_mem>>) src(%dma_wait3A_702 : memref<10000x64xf32, #tpu.memory_space<hbm>>) dst(%arg12 : memref<80x64xf32, #tpu.memory_space<vmem>>)
    "tpu.region"() ({
      %run_scoped3A = tpu.sem_alloc : memref<!tpu.dma_semaphore, #tpu.memory_space<semaphore_mem>>
      %dma_start3A_715 = arith.constant 19840 : i32
      %dma_start3A_716 = tpu.memref_slice %arg8[%dma_start3A_715] : memref<20000xi32, #tpu.memory_space<vmem>> -> memref<80xi32, #tpu.memory_space<vmem>>
      %dma_start3A_717 = arith.constant 0 : i32
      %dma_start3A_718 = arith.constant 0 : i32
      %dma_start3A_719 = tpu.memref_slice %arg6[%dma_start3A_717, %dma_start3A_718] : memref<10000x64xf32, #tpu.memory_space<vmem_shared>> -> memref<10000x64xf32, #tpu.memory_space<vmem_shared>>
      tpu.enqueue_indirect_dma source(%arg12 : memref<80x64xf32, #tpu.memory_space<vmem>>) target(%dma_start3A_719 : memref<10000x64xf32, #tpu.memory_space<vmem_shared>>) offsets(%dma_start3A_716 : memref<80xi32, #tpu.memory_space<vmem>>) semaphore(%run_scoped3A : memref<!tpu.dma_semaphore, #tpu.memory_space<semaphore_mem>>) {add = true}
      %dma_wait3A_720 = arith.constant 19840 : i32
      %dma_wait3A_721 = tpu.memref_slice %arg8[%dma_wait3A_720] : memref<20000xi32, #tpu.memory_space<vmem>> -> memref<80xi32, #tpu.memory_space<vmem>>
      %dma_wait3A_722 = arith.constant 0 : i32
      %dma_wait3A_723 = arith.constant 0 : i32
      %dma_wait3A_724 = tpu.memref_slice %arg6[%dma_wait3A_722, %dma_wait3A_723] : memref<10000x64xf32, #tpu.memory_space<vmem_shared>> -> memref<10000x64xf32, #tpu.memory_space<vmem_shared>>
      tpu.wait_indirect_dma semaphore(%run_scoped3A : memref<!tpu.dma_semaphore, #tpu.memory_space<semaphore_mem>>) src(%arg12 : memref<80x64xf32, #tpu.memory_space<vmem>>) dst(%dma_wait3A_724 : memref<10000x64xf32, #tpu.memory_space<vmem_shared>>)
      tpu.yield
    }) : () -> ()
    %dma_wait3A_703 = arith.constant 19920 : i32
    %dma_wait3A_704 = tpu.memref_slice %arg7[%dma_wait3A_703] : memref<20000xi32, #tpu.memory_space<vmem>> -> memref<80xi32, #tpu.memory_space<vmem>>
    %dma_wait3A_705 = arith.constant 0 : i32
    %dma_wait3A_706 = arith.constant 0 : i32
    %dma_wait3A_707 = tpu.memref_slice %arg2[%arg0, %dma_wait3A_705, %dma_wait3A_706] : memref<2x10000x64xf32, #tpu.memory_space<hbm>> -> memref<1x10000x64xf32, #tpu.memory_space<hbm>>
    %dma_wait3A_708 = tpu.memref_squeeze %dma_wait3A_707 : memref<1x10000x64xf32, #tpu.memory_space<hbm>> -> memref<10000x64xf32, #tpu.memory_space<hbm>>
    %dma_wait3A_709 = arith.constant 0 : i32
    %dma_wait3A_710 = arith.constant 0 : i32
    %dma_wait3A_711 = tpu.memref_slice %dma_wait3A_708[%dma_wait3A_709, %dma_wait3A_710] : memref<10000x64xf32, #tpu.memory_space<hbm>> -> memref<10000x64xf32, #tpu.memory_space<hbm>>
    tpu.wait_indirect_dma semaphore(%arg19 : memref<!tpu.dma_semaphore, #tpu.memory_space<semaphore_mem>>) src(%dma_wait3A_711 : memref<10000x64xf32, #tpu.memory_space<hbm>>) dst(%arg13 : memref<80x64xf32, #tpu.memory_space<vmem>>)
    "tpu.region"() ({
      %run_scoped3A = tpu.sem_alloc : memref<!tpu.dma_semaphore, #tpu.memory_space<semaphore_mem>>
      %dma_start3A_715 = arith.constant 19920 : i32
      %dma_start3A_716 = tpu.memref_slice %arg8[%dma_start3A_715] : memref<20000xi32, #tpu.memory_space<vmem>> -> memref<80xi32, #tpu.memory_space<vmem>>
      %dma_start3A_717 = arith.constant 0 : i32
      %dma_start3A_718 = arith.constant 0 : i32
      %dma_start3A_719 = tpu.memref_slice %arg6[%dma_start3A_717, %dma_start3A_718] : memref<10000x64xf32, #tpu.memory_space<vmem_shared>> -> memref<10000x64xf32, #tpu.memory_space<vmem_shared>>
      tpu.enqueue_indirect_dma source(%arg13 : memref<80x64xf32, #tpu.memory_space<vmem>>) target(%dma_start3A_719 : memref<10000x64xf32, #tpu.memory_space<vmem_shared>>) offsets(%dma_start3A_716 : memref<80xi32, #tpu.memory_space<vmem>>) semaphore(%run_scoped3A : memref<!tpu.dma_semaphore, #tpu.memory_space<semaphore_mem>>) {add = true}
      %dma_wait3A_720 = arith.constant 19920 : i32
      %dma_wait3A_721 = tpu.memref_slice %arg8[%dma_wait3A_720] : memref<20000xi32, #tpu.memory_space<vmem>> -> memref<80xi32, #tpu.memory_space<vmem>>
      %dma_wait3A_722 = arith.constant 0 : i32
      %dma_wait3A_723 = arith.constant 0 : i32
      %dma_wait3A_724 = tpu.memref_slice %arg6[%dma_wait3A_722, %dma_wait3A_723] : memref<10000x64xf32, #tpu.memory_space<vmem_shared>> -> memref<10000x64xf32, #tpu.memory_space<vmem_shared>>
      tpu.wait_indirect_dma semaphore(%run_scoped3A : memref<!tpu.dma_semaphore, #tpu.memory_space<semaphore_mem>>) src(%arg13 : memref<80x64xf32, #tpu.memory_space<vmem>>) dst(%dma_wait3A_724 : memref<10000x64xf32, #tpu.memory_space<vmem_shared>>)
      tpu.yield
    }) : () -> ()
    %barrier3A_712 = arith.constant 0 : index
    tpu.barrier barrier_id(%barrier3A_712)
    %mul3A_713 = arith.constant 64 : i32
    %mul3A_714 = arith.muli %arg0, %mul3A_713 : i32
    "tpu.region"() ({
      %run_scoped3A = tpu.sem_alloc : memref<!tpu.dma_semaphore, #tpu.memory_space<semaphore_mem>>
      %dma_start3A_715 = tpu.memref_slice %arg5[%mul3A_607, %mul3A_714] : memref<10000x128xf32, #tpu.memory_space<hbm>> -> memref<625x64xf32, #tpu.memory_space<hbm>>
      %dma_start3A_716 = arith.constant 0 : i32
      %dma_start3A_717 = tpu.memref_slice %arg6[%mul3A_607, %dma_start3A_716] : memref<10000x64xf32, #tpu.memory_space<vmem_shared>> -> memref<625x64xf32, #tpu.memory_space<vmem_shared>>
      tpu.enqueue_dma source(%dma_start3A_717 : memref<625x64xf32, #tpu.memory_space<vmem_shared>>) target(%dma_start3A_715 : memref<625x64xf32, #tpu.memory_space<hbm>>) target_semaphore(%run_scoped3A : memref<!tpu.dma_semaphore, #tpu.memory_space<semaphore_mem>>)
      %dma_wait3A_718 = tpu.memref_slice %arg5[%mul3A_607, %mul3A_714] : memref<10000x128xf32, #tpu.memory_space<hbm>> -> memref<625x64xf32, #tpu.memory_space<hbm>>
      %dma_wait3A_719 = arith.constant 0 : i32
      %dma_wait3A_720 = tpu.memref_slice %arg6[%mul3A_607, %dma_wait3A_719] : memref<10000x64xf32, #tpu.memory_space<vmem_shared>> -> memref<625x64xf32, #tpu.memory_space<vmem_shared>>
      tpu.wait_dma2 semaphore(%run_scoped3A : memref<!tpu.dma_semaphore, #tpu.memory_space<semaphore_mem>>) src(%dma_wait3A_720 : memref<625x64xf32, #tpu.memory_space<vmem_shared>>) dst(%dma_wait3A_718 : memref<625x64xf32, #tpu.memory_space<hbm>>)
      tpu.yield
    }) : () -> ()
    return
  }
}

#map = affine_map<(d0, d1) -> (0, 0, 0)>
#map1 = affine_map<(d0, d1) -> (0)>
#map2 = affine_map<(d0, d1) -> (0, 0)>
module attributes {stable_mosaic.version = 14 : i64} {
  func.func @_spmm_body(%arg0: i32, %arg1: i32, %arg2: memref<2x10000x64xf32, #tpu.memory_space<hbm>>, %arg3: memref<320000xi32, #tpu.memory_space<hbm>>, %arg4: memref<320000xi32, #tpu.memory_space<hbm>>, %arg5: memref<10000x128xf32, #tpu.memory_space<hbm>>, %arg6: memref<10000x64xf32, #tpu.memory_space<vmem_shared>>, %arg7: memref<20000xi32, #tpu.memory_space<vmem>>, %arg8: memref<20000xi32, #tpu.memory_space<vmem>>, %arg9: memref<80x64xf32, #tpu.memory_space<vmem>>, %arg10: memref<80x64xf32, #tpu.memory_space<vmem>>, %arg11: memref<80x64xf32, #tpu.memory_space<vmem>>, %arg12: memref<80x64xf32, #tpu.memory_space<vmem>>, %arg13: memref<80x64xf32, #tpu.memory_space<vmem>>, %arg14: memref<25x64xf32, #tpu.memory_space<vmem>>, %arg15: memref<!tpu.dma_semaphore, #tpu.memory_space<semaphore_mem>>, %arg16: memref<!tpu.dma_semaphore, #tpu.memory_space<semaphore_mem>>, %arg17: memref<!tpu.dma_semaphore, #tpu.memory_space<semaphore_mem>>, %arg18: memref<!tpu.dma_semaphore, #tpu.memory_space<semaphore_mem>>, %arg19: memref<!tpu.dma_semaphore, #tpu.memory_space<semaphore_mem>>, %arg20: memref<!tpu.dma_semaphore, #tpu.memory_space<semaphore_mem>>) attributes {dimension_semantics = [#tpu.dimension_semantics<core_parallel>, #tpu.dimension_semantics<subcore_parallel>], iteration_bounds = array<i64: 2, 16>, scalar_prefetch = 0 : i64, scratch_operands = 15 : i64, tpu.core_type = #tpu.core_type<sc_vector_subcore>, window_params = [{transform_indices = #map}, {transform_indices = #map1}, {transform_indices = #map1}, {transform_indices = #map2}]} {
    %mul3A = arith.constant 20000 : i32
    %mul3A_0 = arith.muli %arg1, %mul3A : i32
    %dma_start3A = tpu.memref_slice %arg3[%mul3A_0] : memref<320000xi32, #tpu.memory_space<hbm>> -> memref<20000xi32, #tpu.memory_space<hbm>>
    %dma_start3A_1 = tpu.memref_slice %arg3[%mul3A_0] : memref<320000xi32, #tpu.memory_space<hbm>> -> memref<20000xi32, #tpu.memory_space<hbm>>
    tpu.enqueue_dma source(%dma_start3A_1 : memref<20000xi32, #tpu.memory_space<hbm>>) target(%arg7 : memref<20000xi32, #tpu.memory_space<vmem>>) target_semaphore(%arg20 : memref<!tpu.dma_semaphore, #tpu.memory_space<semaphore_mem>>)
    %mul3A_2 = arith.constant 20000 : i32
    %mul3A_3 = arith.muli %arg1, %mul3A_2 : i32
    %dma_start3A_4 = tpu.memref_slice %arg4[%mul3A_3] : memref<320000xi32, #tpu.memory_space<hbm>> -> memref<20000xi32, #tpu.memory_space<hbm>>
    %dma_start3A_5 = tpu.memref_slice %arg4[%mul3A_3] : memref<320000xi32, #tpu.memory_space<hbm>> -> memref<20000xi32, #tpu.memory_space<hbm>>
    tpu.enqueue_dma source(%dma_start3A_5 : memref<20000xi32, #tpu.memory_space<hbm>>) target(%arg8 : memref<20000xi32, #tpu.memory_space<vmem>>) target_semaphore(%arg20 : memref<!tpu.dma_semaphore, #tpu.memory_space<semaphore_mem>>)
    %broadcast_in_dim3A = arith.constant 0.000000e+00 : f32
    %broadcast_in_dim3A_6 = vector.broadcast %broadcast_in_dim3A : f32 to vector<16xf32>
    %swap3A = arith.constant 0 : i32
    %swap3A_7 = arith.index_cast %swap3A : i32 to index
    %swap3A_8 = arith.constant 0 : index
    %swap3A_9 = tpu.vector_load %arg14[%swap3A_7, %swap3A_8] {strides = array<i32>} : memref<25x64xf32, #tpu.memory_space<vmem>>, vector<1x16xf32>,
    %swap3A_10 = vector.shape_cast %swap3A_9 : vector<1x16xf32> to vector<16xf32>
    %swap3A_11 = vector.shape_cast %broadcast_in_dim3A_6 : vector<16xf32> to vector<1x16xf32>
    tpu.vector_store %arg14[%swap3A_7, %swap3A_8], %swap3A_11 {strides = array<i32>} : memref<25x64xf32, #tpu.memory_space<vmem>>, vector<1x16xf32>,
    %swap3A_12 = arith.constant 0 : i32
    %swap3A_13 = arith.index_cast %swap3A_12 : i32 to index
    %swap3A_14 = arith.constant 16 : index
    %swap3A_15 = tpu.vector_load %arg14[%swap3A_13, %swap3A_14] {strides = array<i32>} : memref<25x64xf32, #tpu.memory_space<vmem>>, vector<1x16xf32>,
    %swap3A_16 = vector.shape_cast %swap3A_15 : vector<1x16xf32> to vector<16xf32>
    %swap3A_17 = vector.shape_cast %broadcast_in_dim3A_6 : vector<16xf32> to vector<1x16xf32>
    tpu.vector_store %arg14[%swap3A_13, %swap3A_14], %swap3A_17 {strides = array<i32>} : memref<25x64xf32, #tpu.memory_space<vmem>>, vector<1x16xf32>,
    %swap3A_18 = arith.constant 0 : i32
    %swap3A_19 = arith.index_cast %swap3A_18 : i32 to index
    %swap3A_20 = arith.constant 32 : index
    %swap3A_21 = tpu.vector_load %arg14[%swap3A_19, %swap3A_20] {strides = array<i32>} : memref<25x64xf32, #tpu.memory_space<vmem>>, vector<1x16xf32>,
    %swap3A_22 = vector.shape_cast %swap3A_21 : vector<1x16xf32> to vector<16xf32>
    %swap3A_23 = vector.shape_cast %broadcast_in_dim3A_6 : vector<16xf32> to vector<1x16xf32>
    tpu.vector_store %arg14[%swap3A_19, %swap3A_20], %swap3A_23 {strides = array<i32>} : memref<25x64xf32, #tpu.memory_space<vmem>>, vector<1x16xf32>,
    %swap3A_24 = arith.constant 0 : i32
    %swap3A_25 = arith.index_cast %swap3A_24 : i32 to index
    %swap3A_26 = arith.constant 48 : index
    %swap3A_27 = tpu.vector_load %arg14[%swap3A_25, %swap3A_26] {strides = array<i32>} : memref<25x64xf32, #tpu.memory_space<vmem>>, vector<1x16xf32>,
    %swap3A_28 = vector.shape_cast %swap3A_27 : vector<1x16xf32> to vector<16xf32>
    %swap3A_29 = vector.shape_cast %broadcast_in_dim3A_6 : vector<16xf32> to vector<1x16xf32>
    tpu.vector_store %arg14[%swap3A_25, %swap3A_26], %swap3A_29 {strides = array<i32>} : memref<25x64xf32, #tpu.memory_space<vmem>>, vector<1x16xf32>,
    %swap3A_30 = arith.constant 1 : i32
    %swap3A_31 = arith.index_cast %swap3A_30 : i32 to index
    %swap3A_32 = arith.constant 0 : index
    %swap3A_33 = tpu.vector_load %arg14[%swap3A_31, %swap3A_32] {strides = array<i32>} : memref<25x64xf32, #tpu.memory_space<vmem>>, vector<1x16xf32>,
    %swap3A_34 = vector.shape_cast %swap3A_33 : vector<1x16xf32> to vector<16xf32>
    %swap3A_35 = vector.shape_cast %broadcast_in_dim3A_6 : vector<16xf32> to vector<1x16xf32>
    tpu.vector_store %arg14[%swap3A_31, %swap3A_32], %swap3A_35 {strides = array<i32>} : memref<25x64xf32, #tpu.memory_space<vmem>>, vector<1x16xf32>,
    %swap3A_36 = arith.constant 1 : i32
    %swap3A_37 = arith.index_cast %swap3A_36 : i32 to index
    %swap3A_38 = arith.constant 16 : index
    %swap3A_39 = tpu.vector_load %arg14[%swap3A_37, %swap3A_38] {strides = array<i32>} : memref<25x64xf32, #tpu.memory_space<vmem>>, vector<1x16xf32>,
    %swap3A_40 = vector.shape_cast %swap3A_39 : vector<1x16xf32> to vector<16xf32>
    %swap3A_41 = vector.shape_cast %broadcast_in_dim3A_6 : vector<16xf32> to vector<1x16xf32>
    tpu.vector_store %arg14[%swap3A_37, %swap3A_38], %swap3A_41 {strides = array<i32>} : memref<25x64xf32, #tpu.memory_space<vmem>>, vector<1x16xf32>,
    %swap3A_42 = arith.constant 1 : i32
    %swap3A_43 = arith.index_cast %swap3A_42 : i32 to index
    %swap3A_44 = arith.constant 32 : index
    %swap3A_45 = tpu.vector_load %arg14[%swap3A_43, %swap3A_44] {strides = array<i32>} : memref<25x64xf32, #tpu.memory_space<vmem>>, vector<1x16xf32>,
    %swap3A_46 = vector.shape_cast %swap3A_45 : vector<1x16xf32> to vector<16xf32>
    %swap3A_47 = vector.shape_cast %broadcast_in_dim3A_6 : vector<16xf32> to vector<1x16xf32>
    tpu.vector_store %arg14[%swap3A_43, %swap3A_44], %swap3A_47 {strides = array<i32>} : memref<25x64xf32, #tpu.memory_space<vmem>>, vector<1x16xf32>,
    %swap3A_48 = arith.constant 1 : i32
    %swap3A_49 = arith.index_cast %swap3A_48 : i32 to index
    %swap3A_50 = arith.constant 48 : index
    %swap3A_51 = tpu.vector_load %arg14[%swap3A_49, %swap3A_50] {strides = array<i32>} : memref<25x64xf32, #tpu.memory_space<vmem>>, vector<1x16xf32>,
    %swap3A_52 = vector.shape_cast %swap3A_51 : vector<1x16xf32> to vector<16xf32>
    %swap3A_53 = vector.shape_cast %broadcast_in_dim3A_6 : vector<16xf32> to vector<1x16xf32>
    tpu.vector_store %arg14[%swap3A_49, %swap3A_50], %swap3A_53 {strides = array<i32>} : memref<25x64xf32, #tpu.memory_space<vmem>>, vector<1x16xf32>,
    %swap3A_54 = arith.constant 2 : i32
    %swap3A_55 = arith.index_cast %swap3A_54 : i32 to index
    %swap3A_56 = arith.constant 0 : index
    %swap3A_57 = tpu.vector_load %arg14[%swap3A_55, %swap3A_56] {strides = array<i32>} : memref<25x64xf32, #tpu.memory_space<vmem>>, vector<1x16xf32>,
    %swap3A_58 = vector.shape_cast %swap3A_57 : vector<1x16xf32> to vector<16xf32>
    %swap3A_59 = vector.shape_cast %broadcast_in_dim3A_6 : vector<16xf32> to vector<1x16xf32>
    tpu.vector_store %arg14[%swap3A_55, %swap3A_56], %swap3A_59 {strides = array<i32>} : memref<25x64xf32, #tpu.memory_space<vmem>>, vector<1x16xf32>,
    %swap3A_60 = arith.constant 2 : i32
    %swap3A_61 = arith.index_cast %swap3A_60 : i32 to index
    %swap3A_62 = arith.constant 16 : index
    %swap3A_63 = tpu.vector_load %arg14[%swap3A_61, %swap3A_62] {strides = array<i32>} : memref<25x64xf32, #tpu.memory_space<vmem>>, vector<1x16xf32>,
    %swap3A_64 = vector.shape_cast %swap3A_63 : vector<1x16xf32> to vector<16xf32>
    %swap3A_65 = vector.shape_cast %broadcast_in_dim3A_6 : vector<16xf32> to vector<1x16xf32>
    tpu.vector_store %arg14[%swap3A_61, %swap3A_62], %swap3A_65 {strides = array<i32>} : memref<25x64xf32, #tpu.memory_space<vmem>>, vector<1x16xf32>,
    %swap3A_66 = arith.constant 2 : i32
    %swap3A_67 = arith.index_cast %swap3A_66 : i32 to index
    %swap3A_68 = arith.constant 32 : index
    %swap3A_69 = tpu.vector_load %arg14[%swap3A_67, %swap3A_68] {strides = array<i32>} : memref<25x64xf32, #tpu.memory_space<vmem>>, vector<1x16xf32>,
    %swap3A_70 = vector.shape_cast %swap3A_69 : vector<1x16xf32> to vector<16xf32>
    %swap3A_71 = vector.shape_cast %broadcast_in_dim3A_6 : vector<16xf32> to vector<1x16xf32>
    tpu.vector_store %arg14[%swap3A_67, %swap3A_68], %swap3A_71 {strides = array<i32>} : memref<25x64xf32, #tpu.memory_space<vmem>>, vector<1x16xf32>,
    %swap3A_72 = arith.constant 2 : i32
    %swap3A_73 = arith.index_cast %swap3A_72 : i32 to index
    %swap3A_74 = arith.constant 48 : index
    %swap3A_75 = tpu.vector_load %arg14[%swap3A_73, %swap3A_74] {strides = array<i32>} : memref<25x64xf32, #tpu.memory_space<vmem>>, vector<1x16xf32>,
    %swap3A_76 = vector.shape_cast %swap3A_75 : vector<1x16xf32> to vector<16xf32>
    %swap3A_77 = vector.shape_cast %broadcast_in_dim3A_6 : vector<16xf32> to vector<1x16xf32>
    tpu.vector_store %arg14[%swap3A_73, %swap3A_74], %swap3A_77 {strides = array<i32>} : memref<25x64xf32, #tpu.memory_space<vmem>>, vector<1x16xf32>,
    %swap3A_78 = arith.constant 3 : i32
    %swap3A_79 = arith.index_cast %swap3A_78 : i32 to index
    %swap3A_80 = arith.constant 0 : index
    %swap3A_81 = tpu.vector_load %arg14[%swap3A_79, %swap3A_80] {strides = array<i32>} : memref<25x64xf32, #tpu.memory_space<vmem>>, vector<1x16xf32>,
    %swap3A_82 = vector.shape_cast %swap3A_81 : vector<1x16xf32> to vector<16xf32>
    %swap3A_83 = vector.shape_cast %broadcast_in_dim3A_6 : vector<16xf32> to vector<1x16xf32>
    tpu.vector_store %arg14[%swap3A_79, %swap3A_80], %swap3A_83 {strides = array<i32>} : memref<25x64xf32, #tpu.memory_space<vmem>>, vector<1x16xf32>,
    %swap3A_84 = arith.constant 3 : i32
    %swap3A_85 = arith.index_cast %swap3A_84 : i32 to index
    %swap3A_86 = arith.constant 16 : index
    %swap3A_87 = tpu.vector_load %arg14[%swap3A_85, %swap3A_86] {strides = array<i32>} : memref<25x64xf32, #tpu.memory_space<vmem>>, vector<1x16xf32>,
    %swap3A_88 = vector.shape_cast %swap3A_87 : vector<1x16xf32> to vector<16xf32>
    %swap3A_89 = vector.shape_cast %broadcast_in_dim3A_6 : vector<16xf32> to vector<1x16xf32>
    tpu.vector_store %arg14[%swap3A_85, %swap3A_86], %swap3A_89 {strides = array<i32>} : memref<25x64xf32, #tpu.memory_space<vmem>>, vector<1x16xf32>,
    %swap3A_90 = arith.constant 3 : i32
    %swap3A_91 = arith.index_cast %swap3A_90 : i32 to index
    %swap3A_92 = arith.constant 32 : index
    %swap3A_93 = tpu.vector_load %arg14[%swap3A_91, %swap3A_92] {strides = array<i32>} : memref<25x64xf32, #tpu.memory_space<vmem>>, vector<1x16xf32>,
    %swap3A_94 = vector.shape_cast %swap3A_93 : vector<1x16xf32> to vector<16xf32>
    %swap3A_95 = vector.shape_cast %broadcast_in_dim3A_6 : vector<16xf32> to vector<1x16xf32>
    tpu.vector_store %arg14[%swap3A_91, %swap3A_92], %swap3A_95 {strides = array<i32>} : memref<25x64xf32, #tpu.memory_space<vmem>>, vector<1x16xf32>,
    %swap3A_96 = arith.constant 3 : i32
    %swap3A_97 = arith.index_cast %swap3A_96 : i32 to index
    %swap3A_98 = arith.constant 48 : index
    %swap3A_99 = tpu.vector_load %arg14[%swap3A_97, %swap3A_98] {strides = array<i32>} : memref<25x64xf32, #tpu.memory_space<vmem>>, vector<1x16xf32>,
    %swap3A_100 = vector.shape_cast %swap3A_99 : vector<1x16xf32> to vector<16xf32>
    %swap3A_101 = vector.shape_cast %broadcast_in_dim3A_6 : vector<16xf32> to vector<1x16xf32>
    tpu.vector_store %arg14[%swap3A_97, %swap3A_98], %swap3A_101 {strides = array<i32>} : memref<25x64xf32, #tpu.memory_space<vmem>>, vector<1x16xf32>,
    %swap3A_102 = arith.constant 4 : i32
    %swap3A_103 = arith.index_cast %swap3A_102 : i32 to index
    %swap3A_104 = arith.constant 0 : index
    %swap3A_105 = tpu.vector_load %arg14[%swap3A_103, %swap3A_104] {strides = array<i32>} : memref<25x64xf32, #tpu.memory_space<vmem>>, vector<1x16xf32>,
    %swap3A_106 = vector.shape_cast %swap3A_105 : vector<1x16xf32> to vector<16xf32>
    %swap3A_107 = vector.shape_cast %broadcast_in_dim3A_6 : vector<16xf32> to vector<1x16xf32>
    tpu.vector_store %arg14[%swap3A_103, %swap3A_104], %swap3A_107 {strides = array<i32>} : memref<25x64xf32, #tpu.memory_space<vmem>>, vector<1x16xf32>,
    %swap3A_108 = arith.constant 4 : i32
    %swap3A_109 = arith.index_cast %swap3A_108 : i32 to index
    %swap3A_110 = arith.constant 16 : index
    %swap3A_111 = tpu.vector_load %arg14[%swap3A_109, %swap3A_110] {strides = array<i32>} : memref<25x64xf32, #tpu.memory_space<vmem>>, vector<1x16xf32>,
    %swap3A_112 = vector.shape_cast %swap3A_111 : vector<1x16xf32> to vector<16xf32>
    %swap3A_113 = vector.shape_cast %broadcast_in_dim3A_6 : vector<16xf32> to vector<1x16xf32>
    tpu.vector_store %arg14[%swap3A_109, %swap3A_110], %swap3A_113 {strides = array<i32>} : memref<25x64xf32, #tpu.memory_space<vmem>>, vector<1x16xf32>,
    %swap3A_114 = arith.constant 4 : i32
    %swap3A_115 = arith.index_cast %swap3A_114 : i32 to index
    %swap3A_116 = arith.constant 32 : index
    %swap3A_117 = tpu.vector_load %arg14[%swap3A_115, %swap3A_116] {strides = array<i32>} : memref<25x64xf32, #tpu.memory_space<vmem>>, vector<1x16xf32>,
    %swap3A_118 = vector.shape_cast %swap3A_117 : vector<1x16xf32> to vector<16xf32>
    %swap3A_119 = vector.shape_cast %broadcast_in_dim3A_6 : vector<16xf32> to vector<1x16xf32>
    tpu.vector_store %arg14[%swap3A_115, %swap3A_116], %swap3A_119 {strides = array<i32>} : memref<25x64xf32, #tpu.memory_space<vmem>>, vector<1x16xf32>,
    %swap3A_120 = arith.constant 4 : i32
    %swap3A_121 = arith.index_cast %swap3A_120 : i32 to index
    %swap3A_122 = arith.constant 48 : index
    %swap3A_123 = tpu.vector_load %arg14[%swap3A_121, %swap3A_122] {strides = array<i32>} : memref<25x64xf32, #tpu.memory_space<vmem>>, vector<1x16xf32>,
    %swap3A_124 = vector.shape_cast %swap3A_123 : vector<1x16xf32> to vector<16xf32>
    %swap3A_125 = vector.shape_cast %broadcast_in_dim3A_6 : vector<16xf32> to vector<1x16xf32>
    tpu.vector_store %arg14[%swap3A_121, %swap3A_122], %swap3A_125 {strides = array<i32>} : memref<25x64xf32, #tpu.memory_space<vmem>>, vector<1x16xf32>,
    %swap3A_126 = arith.constant 5 : i32
    %swap3A_127 = arith.index_cast %swap3A_126 : i32 to index
    %swap3A_128 = arith.constant 0 : index
    %swap3A_129 = tpu.vector_load %arg14[%swap3A_127, %swap3A_128] {strides = array<i32>} : memref<25x64xf32, #tpu.memory_space<vmem>>, vector<1x16xf32>,
    %swap3A_130 = vector.shape_cast %swap3A_129 : vector<1x16xf32> to vector<16xf32>
    %swap3A_131 = vector.shape_cast %broadcast_in_dim3A_6 : vector<16xf32> to vector<1x16xf32>
    tpu.vector_store %arg14[%swap3A_127, %swap3A_128], %swap3A_131 {strides = array<i32>} : memref<25x64xf32, #tpu.memory_space<vmem>>, vector<1x16xf32>,
    %swap3A_132 = arith.constant 5 : i32
    %swap3A_133 = arith.index_cast %swap3A_132 : i32 to index
    %swap3A_134 = arith.constant 16 : index
    %swap3A_135 = tpu.vector_load %arg14[%swap3A_133, %swap3A_134] {strides = array<i32>} : memref<25x64xf32, #tpu.memory_space<vmem>>, vector<1x16xf32>,
    %swap3A_136 = vector.shape_cast %swap3A_135 : vector<1x16xf32> to vector<16xf32>
    %swap3A_137 = vector.shape_cast %broadcast_in_dim3A_6 : vector<16xf32> to vector<1x16xf32>
    tpu.vector_store %arg14[%swap3A_133, %swap3A_134], %swap3A_137 {strides = array<i32>} : memref<25x64xf32, #tpu.memory_space<vmem>>, vector<1x16xf32>,
    %swap3A_138 = arith.constant 5 : i32
    %swap3A_139 = arith.index_cast %swap3A_138 : i32 to index
    %swap3A_140 = arith.constant 32 : index
    %swap3A_141 = tpu.vector_load %arg14[%swap3A_139, %swap3A_140] {strides = array<i32>} : memref<25x64xf32, #tpu.memory_space<vmem>>, vector<1x16xf32>,
    %swap3A_142 = vector.shape_cast %swap3A_141 : vector<1x16xf32> to vector<16xf32>
    %swap3A_143 = vector.shape_cast %broadcast_in_dim3A_6 : vector<16xf32> to vector<1x16xf32>
    tpu.vector_store %arg14[%swap3A_139, %swap3A_140], %swap3A_143 {strides = array<i32>} : memref<25x64xf32, #tpu.memory_space<vmem>>, vector<1x16xf32>,
    %swap3A_144 = arith.constant 5 : i32
    %swap3A_145 = arith.index_cast %swap3A_144 : i32 to index
    %swap3A_146 = arith.constant 48 : index
    %swap3A_147 = tpu.vector_load %arg14[%swap3A_145, %swap3A_146] {strides = array<i32>} : memref<25x64xf32, #tpu.memory_space<vmem>>, vector<1x16xf32>,
    %swap3A_148 = vector.shape_cast %swap3A_147 : vector<1x16xf32> to vector<16xf32>
    %swap3A_149 = vector.shape_cast %broadcast_in_dim3A_6 : vector<16xf32> to vector<1x16xf32>
    tpu.vector_store %arg14[%swap3A_145, %swap3A_146], %swap3A_149 {strides = array<i32>} : memref<25x64xf32, #tpu.memory_space<vmem>>, vector<1x16xf32>,
    %swap3A_150 = arith.constant 6 : i32
    %swap3A_151 = arith.index_cast %swap3A_150 : i32 to index
    %swap3A_152 = arith.constant 0 : index
    %swap3A_153 = tpu.vector_load %arg14[%swap3A_151, %swap3A_152] {strides = array<i32>} : memref<25x64xf32, #tpu.memory_space<vmem>>, vector<1x16xf32>,
    %swap3A_154 = vector.shape_cast %swap3A_153 : vector<1x16xf32> to vector<16xf32>
    %swap3A_155 = vector.shape_cast %broadcast_in_dim3A_6 : vector<16xf32> to vector<1x16xf32>
    tpu.vector_store %arg14[%swap3A_151, %swap3A_152], %swap3A_155 {strides = array<i32>} : memref<25x64xf32, #tpu.memory_space<vmem>>, vector<1x16xf32>,
    %swap3A_156 = arith.constant 6 : i32
    %swap3A_157 = arith.index_cast %swap3A_156 : i32 to index
    %swap3A_158 = arith.constant 16 : index
    %swap3A_159 = tpu.vector_load %arg14[%swap3A_157, %swap3A_158] {strides = array<i32>} : memref<25x64xf32, #tpu.memory_space<vmem>>, vector<1x16xf32>,
    %swap3A_160 = vector.shape_cast %swap3A_159 : vector<1x16xf32> to vector<16xf32>
    %swap3A_161 = vector.shape_cast %broadcast_in_dim3A_6 : vector<16xf32> to vector<1x16xf32>
    tpu.vector_store %arg14[%swap3A_157, %swap3A_158], %swap3A_161 {strides = array<i32>} : memref<25x64xf32, #tpu.memory_space<vmem>>, vector<1x16xf32>,
    %swap3A_162 = arith.constant 6 : i32
    %swap3A_163 = arith.index_cast %swap3A_162 : i32 to index
    %swap3A_164 = arith.constant 32 : index
    %swap3A_165 = tpu.vector_load %arg14[%swap3A_163, %swap3A_164] {strides = array<i32>} : memref<25x64xf32, #tpu.memory_space<vmem>>, vector<1x16xf32>,
    %swap3A_166 = vector.shape_cast %swap3A_165 : vector<1x16xf32> to vector<16xf32>
    %swap3A_167 = vector.shape_cast %broadcast_in_dim3A_6 : vector<16xf32> to vector<1x16xf32>
    tpu.vector_store %arg14[%swap3A_163, %swap3A_164], %swap3A_167 {strides = array<i32>} : memref<25x64xf32, #tpu.memory_space<vmem>>, vector<1x16xf32>,
    %swap3A_168 = arith.constant 6 : i32
    %swap3A_169 = arith.index_cast %swap3A_168 : i32 to index
    %swap3A_170 = arith.constant 48 : index
    %swap3A_171 = tpu.vector_load %arg14[%swap3A_169, %swap3A_170] {strides = array<i32>} : memref<25x64xf32, #tpu.memory_space<vmem>>, vector<1x16xf32>,
    %swap3A_172 = vector.shape_cast %swap3A_171 : vector<1x16xf32> to vector<16xf32>
    %swap3A_173 = vector.shape_cast %broadcast_in_dim3A_6 : vector<16xf32> to vector<1x16xf32>
    tpu.vector_store %arg14[%swap3A_169, %swap3A_170], %swap3A_173 {strides = array<i32>} : memref<25x64xf32, #tpu.memory_space<vmem>>, vector<1x16xf32>,
    %swap3A_174 = arith.constant 7 : i32
    %swap3A_175 = arith.index_cast %swap3A_174 : i32 to index
    %swap3A_176 = arith.constant 0 : index
    %swap3A_177 = tpu.vector_load %arg14[%swap3A_175, %swap3A_176] {strides = array<i32>} : memref<25x64xf32, #tpu.memory_space<vmem>>, vector<1x16xf32>,
    %swap3A_178 = vector.shape_cast %swap3A_177 : vector<1x16xf32> to vector<16xf32>
    %swap3A_179 = vector.shape_cast %broadcast_in_dim3A_6 : vector<16xf32> to vector<1x16xf32>
    tpu.vector_store %arg14[%swap3A_175, %swap3A_176], %swap3A_179 {strides = array<i32>} : memref<25x64xf32, #tpu.memory_space<vmem>>, vector<1x16xf32>,
    %swap3A_180 = arith.constant 7 : i32
    %swap3A_181 = arith.index_cast %swap3A_180 : i32 to index
    %swap3A_182 = arith.constant 16 : index
    %swap3A_183 = tpu.vector_load %arg14[%swap3A_181, %swap3A_182] {strides = array<i32>} : memref<25x64xf32, #tpu.memory_space<vmem>>, vector<1x16xf32>,
    %swap3A_184 = vector.shape_cast %swap3A_183 : vector<1x16xf32> to vector<16xf32>
    %swap3A_185 = vector.shape_cast %broadcast_in_dim3A_6 : vector<16xf32> to vector<1x16xf32>
    tpu.vector_store %arg14[%swap3A_181, %swap3A_182], %swap3A_185 {strides = array<i32>} : memref<25x64xf32, #tpu.memory_space<vmem>>, vector<1x16xf32>,
    %swap3A_186 = arith.constant 7 : i32
    %swap3A_187 = arith.index_cast %swap3A_186 : i32 to index
    %swap3A_188 = arith.constant 32 : index
    %swap3A_189 = tpu.vector_load %arg14[%swap3A_187, %swap3A_188] {strides = array<i32>} : memref<25x64xf32, #tpu.memory_space<vmem>>, vector<1x16xf32>,
    %swap3A_190 = vector.shape_cast %swap3A_189 : vector<1x16xf32> to vector<16xf32>
    %swap3A_191 = vector.shape_cast %broadcast_in_dim3A_6 : vector<16xf32> to vector<1x16xf32>
    tpu.vector_store %arg14[%swap3A_187, %swap3A_188], %swap3A_191 {strides = array<i32>} : memref<25x64xf32, #tpu.memory_space<vmem>>, vector<1x16xf32>,
    %swap3A_192 = arith.constant 7 : i32
    %swap3A_193 = arith.index_cast %swap3A_192 : i32 to index
    %swap3A_194 = arith.constant 48 : index
    %swap3A_195 = tpu.vector_load %arg14[%swap3A_193, %swap3A_194] {strides = array<i32>} : memref<25x64xf32, #tpu.memory_space<vmem>>, vector<1x16xf32>,
    %swap3A_196 = vector.shape_cast %swap3A_195 : vector<1x16xf32> to vector<16xf32>
    %swap3A_197 = vector.shape_cast %broadcast_in_dim3A_6 : vector<16xf32> to vector<1x16xf32>
    tpu.vector_store %arg14[%swap3A_193, %swap3A_194], %swap3A_197 {strides = array<i32>} : memref<25x64xf32, #tpu.memory_space<vmem>>, vector<1x16xf32>,
    %swap3A_198 = arith.constant 8 : i32
    %swap3A_199 = arith.index_cast %swap3A_198 : i32 to index
    %swap3A_200 = arith.constant 0 : index
    %swap3A_201 = tpu.vector_load %arg14[%swap3A_199, %swap3A_200] {strides = array<i32>} : memref<25x64xf32, #tpu.memory_space<vmem>>, vector<1x16xf32>,
    %swap3A_202 = vector.shape_cast %swap3A_201 : vector<1x16xf32> to vector<16xf32>
    %swap3A_203 = vector.shape_cast %broadcast_in_dim3A_6 : vector<16xf32> to vector<1x16xf32>
    tpu.vector_store %arg14[%swap3A_199, %swap3A_200], %swap3A_203 {strides = array<i32>} : memref<25x64xf32, #tpu.memory_space<vmem>>, vector<1x16xf32>,
    %swap3A_204 = arith.constant 8 : i32
    %swap3A_205 = arith.index_cast %swap3A_204 : i32 to index
    %swap3A_206 = arith.constant 16 : index
    %swap3A_207 = tpu.vector_load %arg14[%swap3A_205, %swap3A_206] {strides = array<i32>} : memref<25x64xf32, #tpu.memory_space<vmem>>, vector<1x16xf32>,
    %swap3A_208 = vector.shape_cast %swap3A_207 : vector<1x16xf32> to vector<16xf32>
    %swap3A_209 = vector.shape_cast %broadcast_in_dim3A_6 : vector<16xf32> to vector<1x16xf32>
    tpu.vector_store %arg14[%swap3A_205, %swap3A_206], %swap3A_209 {strides = array<i32>} : memref<25x64xf32, #tpu.memory_space<vmem>>, vector<1x16xf32>,
    %swap3A_210 = arith.constant 8 : i32
    %swap3A_211 = arith.index_cast %swap3A_210 : i32 to index
    %swap3A_212 = arith.constant 32 : index
    %swap3A_213 = tpu.vector_load %arg14[%swap3A_211, %swap3A_212] {strides = array<i32>} : memref<25x64xf32, #tpu.memory_space<vmem>>, vector<1x16xf32>,
    %swap3A_214 = vector.shape_cast %swap3A_213 : vector<1x16xf32> to vector<16xf32>
    %swap3A_215 = vector.shape_cast %broadcast_in_dim3A_6 : vector<16xf32> to vector<1x16xf32>
    tpu.vector_store %arg14[%swap3A_211, %swap3A_212], %swap3A_215 {strides = array<i32>} : memref<25x64xf32, #tpu.memory_space<vmem>>, vector<1x16xf32>,
    %swap3A_216 = arith.constant 8 : i32
    %swap3A_217 = arith.index_cast %swap3A_216 : i32 to index
    %swap3A_218 = arith.constant 48 : index
    %swap3A_219 = tpu.vector_load %arg14[%swap3A_217, %swap3A_218] {strides = array<i32>} : memref<25x64xf32, #tpu.memory_space<vmem>>, vector<1x16xf32>,
    %swap3A_220 = vector.shape_cast %swap3A_219 : vector<1x16xf32> to vector<16xf32>
    %swap3A_221 = vector.shape_cast %broadcast_in_dim3A_6 : vector<16xf32> to vector<1x16xf32>
    tpu.vector_store %arg14[%swap3A_217, %swap3A_218], %swap3A_221 {strides = array<i32>} : memref<25x64xf32, #tpu.memory_space<vmem>>, vector<1x16xf32>,
    %swap3A_222 = arith.constant 9 : i32
    %swap3A_223 = arith.index_cast %swap3A_222 : i32 to index
    %swap3A_224 = arith.constant 0 : index
    %swap3A_225 = tpu.vector_load %arg14[%swap3A_223, %swap3A_224] {strides = array<i32>} : memref<25x64xf32, #tpu.memory_space<vmem>>, vector<1x16xf32>,
    %swap3A_226 = vector.shape_cast %swap3A_225 : vector<1x16xf32> to vector<16xf32>
    %swap3A_227 = vector.shape_cast %broadcast_in_dim3A_6 : vector<16xf32> to vector<1x16xf32>
    tpu.vector_store %arg14[%swap3A_223, %swap3A_224], %swap3A_227 {strides = array<i32>} : memref<25x64xf32, #tpu.memory_space<vmem>>, vector<1x16xf32>,
    %swap3A_228 = arith.constant 9 : i32
    %swap3A_229 = arith.index_cast %swap3A_228 : i32 to index
    %swap3A_230 = arith.constant 16 : index
    %swap3A_231 = tpu.vector_load %arg14[%swap3A_229, %swap3A_230] {strides = array<i32>} : memref<25x64xf32, #tpu.memory_space<vmem>>, vector<1x16xf32>,
    %swap3A_232 = vector.shape_cast %swap3A_231 : vector<1x16xf32> to vector<16xf32>
    %swap3A_233 = vector.shape_cast %broadcast_in_dim3A_6 : vector<16xf32> to vector<1x16xf32>
    tpu.vector_store %arg14[%swap3A_229, %swap3A_230], %swap3A_233 {strides = array<i32>} : memref<25x64xf32, #tpu.memory_space<vmem>>, vector<1x16xf32>,
    %swap3A_234 = arith.constant 9 : i32
    %swap3A_235 = arith.index_cast %swap3A_234 : i32 to index
    %swap3A_236 = arith.constant 32 : index
    %swap3A_237 = tpu.vector_load %arg14[%swap3A_235, %swap3A_236] {strides = array<i32>} : memref<25x64xf32, #tpu.memory_space<vmem>>, vector<1x16xf32>,
    %swap3A_238 = vector.shape_cast %swap3A_237 : vector<1x16xf32> to vector<16xf32>
    %swap3A_239 = vector.shape_cast %broadcast_in_dim3A_6 : vector<16xf32> to vector<1x16xf32>
    tpu.vector_store %arg14[%swap3A_235, %swap3A_236], %swap3A_239 {strides = array<i32>} : memref<25x64xf32, #tpu.memory_space<vmem>>, vector<1x16xf32>,
    %swap3A_240 = arith.constant 9 : i32
    %swap3A_241 = arith.index_cast %swap3A_240 : i32 to index
    %swap3A_242 = arith.constant 48 : index
    %swap3A_243 = tpu.vector_load %arg14[%swap3A_241, %swap3A_242] {strides = array<i32>} : memref<25x64xf32, #tpu.memory_space<vmem>>, vector<1x16xf32>,
    %swap3A_244 = vector.shape_cast %swap3A_243 : vector<1x16xf32> to vector<16xf32>
    %swap3A_245 = vector.shape_cast %broadcast_in_dim3A_6 : vector<16xf32> to vector<1x16xf32>
    tpu.vector_store %arg14[%swap3A_241, %swap3A_242], %swap3A_245 {strides = array<i32>} : memref<25x64xf32, #tpu.memory_space<vmem>>, vector<1x16xf32>,
    %swap3A_246 = arith.constant 10 : i32
    %swap3A_247 = arith.index_cast %swap3A_246 : i32 to index
    %swap3A_248 = arith.constant 0 : index
    %swap3A_249 = tpu.vector_load %arg14[%swap3A_247, %swap3A_248] {strides = array<i32>} : memref<25x64xf32, #tpu.memory_space<vmem>>, vector<1x16xf32>,
    %swap3A_250 = vector.shape_cast %swap3A_249 : vector<1x16xf32> to vector<16xf32>
    %swap3A_251 = vector.shape_cast %broadcast_in_dim3A_6 : vector<16xf32> to vector<1x16xf32>
    tpu.vector_store %arg14[%swap3A_247, %swap3A_248], %swap3A_251 {strides = array<i32>} : memref<25x64xf32, #tpu.memory_space<vmem>>, vector<1x16xf32>,
    %swap3A_252 = arith.constant 10 : i32
    %swap3A_253 = arith.index_cast %swap3A_252 : i32 to index
    %swap3A_254 = arith.constant 16 : index
    %swap3A_255 = tpu.vector_load %arg14[%swap3A_253, %swap3A_254] {strides = array<i32>} : memref<25x64xf32, #tpu.memory_space<vmem>>, vector<1x16xf32>,
    %swap3A_256 = vector.shape_cast %swap3A_255 : vector<1x16xf32> to vector<16xf32>
    %swap3A_257 = vector.shape_cast %broadcast_in_dim3A_6 : vector<16xf32> to vector<1x16xf32>
    tpu.vector_store %arg14[%swap3A_253, %swap3A_254], %swap3A_257 {strides = array<i32>} : memref<25x64xf32, #tpu.memory_space<vmem>>, vector<1x16xf32>,
    %swap3A_258 = arith.constant 10 : i32
    %swap3A_259 = arith.index_cast %swap3A_258 : i32 to index
    %swap3A_260 = arith.constant 32 : index
    %swap3A_261 = tpu.vector_load %arg14[%swap3A_259, %swap3A_260] {strides = array<i32>} : memref<25x64xf32, #tpu.memory_space<vmem>>, vector<1x16xf32>,
    %swap3A_262 = vector.shape_cast %swap3A_261 : vector<1x16xf32> to vector<16xf32>
    %swap3A_263 = vector.shape_cast %broadcast_in_dim3A_6 : vector<16xf32> to vector<1x16xf32>
    tpu.vector_store %arg14[%swap3A_259, %swap3A_260], %swap3A_263 {strides = array<i32>} : memref<25x64xf32, #tpu.memory_space<vmem>>, vector<1x16xf32>,
    %swap3A_264 = arith.constant 10 : i32
    %swap3A_265 = arith.index_cast %swap3A_264 : i32 to index
    %swap3A_266 = arith.constant 48 : index
    %swap3A_267 = tpu.vector_load %arg14[%swap3A_265, %swap3A_266] {strides = array<i32>} : memref<25x64xf32, #tpu.memory_space<vmem>>, vector<1x16xf32>,
    %swap3A_268 = vector.shape_cast %swap3A_267 : vector<1x16xf32> to vector<16xf32>
    %swap3A_269 = vector.shape_cast %broadcast_in_dim3A_6 : vector<16xf32> to vector<1x16xf32>
    tpu.vector_store %arg14[%swap3A_265, %swap3A_266], %swap3A_269 {strides = array<i32>} : memref<25x64xf32, #tpu.memory_space<vmem>>, vector<1x16xf32>,
    %swap3A_270 = arith.constant 11 : i32
    %swap3A_271 = arith.index_cast %swap3A_270 : i32 to index
    %swap3A_272 = arith.constant 0 : index
    %swap3A_273 = tpu.vector_load %arg14[%swap3A_271, %swap3A_272] {strides = array<i32>} : memref<25x64xf32, #tpu.memory_space<vmem>>, vector<1x16xf32>,
    %swap3A_274 = vector.shape_cast %swap3A_273 : vector<1x16xf32> to vector<16xf32>
    %swap3A_275 = vector.shape_cast %broadcast_in_dim3A_6 : vector<16xf32> to vector<1x16xf32>
    tpu.vector_store %arg14[%swap3A_271, %swap3A_272], %swap3A_275 {strides = array<i32>} : memref<25x64xf32, #tpu.memory_space<vmem>>, vector<1x16xf32>,
    %swap3A_276 = arith.constant 11 : i32
    %swap3A_277 = arith.index_cast %swap3A_276 : i32 to index
    %swap3A_278 = arith.constant 16 : index
    %swap3A_279 = tpu.vector_load %arg14[%swap3A_277, %swap3A_278] {strides = array<i32>} : memref<25x64xf32, #tpu.memory_space<vmem>>, vector<1x16xf32>,
    %swap3A_280 = vector.shape_cast %swap3A_279 : vector<1x16xf32> to vector<16xf32>
    %swap3A_281 = vector.shape_cast %broadcast_in_dim3A_6 : vector<16xf32> to vector<1x16xf32>
    tpu.vector_store %arg14[%swap3A_277, %swap3A_278], %swap3A_281 {strides = array<i32>} : memref<25x64xf32, #tpu.memory_space<vmem>>, vector<1x16xf32>,
    %swap3A_282 = arith.constant 11 : i32
    %swap3A_283 = arith.index_cast %swap3A_282 : i32 to index
    %swap3A_284 = arith.constant 32 : index
    %swap3A_285 = tpu.vector_load %arg14[%swap3A_283, %swap3A_284] {strides = array<i32>} : memref<25x64xf32, #tpu.memory_space<vmem>>, vector<1x16xf32>,
    %swap3A_286 = vector.shape_cast %swap3A_285 : vector<1x16xf32> to vector<16xf32>
    %swap3A_287 = vector.shape_cast %broadcast_in_dim3A_6 : vector<16xf32> to vector<1x16xf32>
    tpu.vector_store %arg14[%swap3A_283, %swap3A_284], %swap3A_287 {strides = array<i32>} : memref<25x64xf32, #tpu.memory_space<vmem>>, vector<1x16xf32>,
    %swap3A_288 = arith.constant 11 : i32
    %swap3A_289 = arith.index_cast %swap3A_288 : i32 to index
    %swap3A_290 = arith.constant 48 : index
    %swap3A_291 = tpu.vector_load %arg14[%swap3A_289, %swap3A_290] {strides = array<i32>} : memref<25x64xf32, #tpu.memory_space<vmem>>, vector<1x16xf32>,
    %swap3A_292 = vector.shape_cast %swap3A_291 : vector<1x16xf32> to vector<16xf32>
    %swap3A_293 = vector.shape_cast %broadcast_in_dim3A_6 : vector<16xf32> to vector<1x16xf32>
    tpu.vector_store %arg14[%swap3A_289, %swap3A_290], %swap3A_293 {strides = array<i32>} : memref<25x64xf32, #tpu.memory_space<vmem>>, vector<1x16xf32>,
    %swap3A_294 = arith.constant 12 : i32
    %swap3A_295 = arith.index_cast %swap3A_294 : i32 to index
    %swap3A_296 = arith.constant 0 : index
    %swap3A_297 = tpu.vector_load %arg14[%swap3A_295, %swap3A_296] {strides = array<i32>} : memref<25x64xf32, #tpu.memory_space<vmem>>, vector<1x16xf32>,
    %swap3A_298 = vector.shape_cast %swap3A_297 : vector<1x16xf32> to vector<16xf32>
    %swap3A_299 = vector.shape_cast %broadcast_in_dim3A_6 : vector<16xf32> to vector<1x16xf32>
    tpu.vector_store %arg14[%swap3A_295, %swap3A_296], %swap3A_299 {strides = array<i32>} : memref<25x64xf32, #tpu.memory_space<vmem>>, vector<1x16xf32>,
    %swap3A_300 = arith.constant 12 : i32
    %swap3A_301 = arith.index_cast %swap3A_300 : i32 to index
    %swap3A_302 = arith.constant 16 : index
    %swap3A_303 = tpu.vector_load %arg14[%swap3A_301, %swap3A_302] {strides = array<i32>} : memref<25x64xf32, #tpu.memory_space<vmem>>, vector<1x16xf32>,
    %swap3A_304 = vector.shape_cast %swap3A_303 : vector<1x16xf32> to vector<16xf32>
    %swap3A_305 = vector.shape_cast %broadcast_in_dim3A_6 : vector<16xf32> to vector<1x16xf32>
    tpu.vector_store %arg14[%swap3A_301, %swap3A_302], %swap3A_305 {strides = array<i32>} : memref<25x64xf32, #tpu.memory_space<vmem>>, vector<1x16xf32>,
    %swap3A_306 = arith.constant 12 : i32
    %swap3A_307 = arith.index_cast %swap3A_306 : i32 to index
    %swap3A_308 = arith.constant 32 : index
    %swap3A_309 = tpu.vector_load %arg14[%swap3A_307, %swap3A_308] {strides = array<i32>} : memref<25x64xf32, #tpu.memory_space<vmem>>, vector<1x16xf32>,
    %swap3A_310 = vector.shape_cast %swap3A_309 : vector<1x16xf32> to vector<16xf32>
    %swap3A_311 = vector.shape_cast %broadcast_in_dim3A_6 : vector<16xf32> to vector<1x16xf32>
    tpu.vector_store %arg14[%swap3A_307, %swap3A_308], %swap3A_311 {strides = array<i32>} : memref<25x64xf32, #tpu.memory_space<vmem>>, vector<1x16xf32>,
    %swap3A_312 = arith.constant 12 : i32
    %swap3A_313 = arith.index_cast %swap3A_312 : i32 to index
    %swap3A_314 = arith.constant 48 : index
    %swap3A_315 = tpu.vector_load %arg14[%swap3A_313, %swap3A_314] {strides = array<i32>} : memref<25x64xf32, #tpu.memory_space<vmem>>, vector<1x16xf32>,
    %swap3A_316 = vector.shape_cast %swap3A_315 : vector<1x16xf32> to vector<16xf32>
    %swap3A_317 = vector.shape_cast %broadcast_in_dim3A_6 : vector<16xf32> to vector<1x16xf32>
    tpu.vector_store %arg14[%swap3A_313, %swap3A_314], %swap3A_317 {strides = array<i32>} : memref<25x64xf32, #tpu.memory_space<vmem>>, vector<1x16xf32>,
    %swap3A_318 = arith.constant 13 : i32
    %swap3A_319 = arith.index_cast %swap3A_318 : i32 to index
    %swap3A_320 = arith.constant 0 : index
    %swap3A_321 = tpu.vector_load %arg14[%swap3A_319, %swap3A_320] {strides = array<i32>} : memref<25x64xf32, #tpu.memory_space<vmem>>, vector<1x16xf32>,
    %swap3A_322 = vector.shape_cast %swap3A_321 : vector<1x16xf32> to vector<16xf32>
    %swap3A_323 = vector.shape_cast %broadcast_in_dim3A_6 : vector<16xf32> to vector<1x16xf32>
    tpu.vector_store %arg14[%swap3A_319, %swap3A_320], %swap3A_323 {strides = array<i32>} : memref<25x64xf32, #tpu.memory_space<vmem>>, vector<1x16xf32>,
    %swap3A_324 = arith.constant 13 : i32
    %swap3A_325 = arith.index_cast %swap3A_324 : i32 to index
    %swap3A_326 = arith.constant 16 : index
    %swap3A_327 = tpu.vector_load %arg14[%swap3A_325, %swap3A_326] {strides = array<i32>} : memref<25x64xf32, #tpu.memory_space<vmem>>, vector<1x16xf32>,
    %swap3A_328 = vector.shape_cast %swap3A_327 : vector<1x16xf32> to vector<16xf32>
    %swap3A_329 = vector.shape_cast %broadcast_in_dim3A_6 : vector<16xf32> to vector<1x16xf32>
    tpu.vector_store %arg14[%swap3A_325, %swap3A_326], %swap3A_329 {strides = array<i32>} : memref<25x64xf32, #tpu.memory_space<vmem>>, vector<1x16xf32>,
    %swap3A_330 = arith.constant 13 : i32
    %swap3A_331 = arith.index_cast %swap3A_330 : i32 to index
    %swap3A_332 = arith.constant 32 : index
    %swap3A_333 = tpu.vector_load %arg14[%swap3A_331, %swap3A_332] {strides = array<i32>} : memref<25x64xf32, #tpu.memory_space<vmem>>, vector<1x16xf32>,
    %swap3A_334 = vector.shape_cast %swap3A_333 : vector<1x16xf32> to vector<16xf32>
    %swap3A_335 = vector.shape_cast %broadcast_in_dim3A_6 : vector<16xf32> to vector<1x16xf32>
    tpu.vector_store %arg14[%swap3A_331, %swap3A_332], %swap3A_335 {strides = array<i32>} : memref<25x64xf32, #tpu.memory_space<vmem>>, vector<1x16xf32>,
    %swap3A_336 = arith.constant 13 : i32
    %swap3A_337 = arith.index_cast %swap3A_336 : i32 to index
    %swap3A_338 = arith.constant 48 : index
    %swap3A_339 = tpu.vector_load %arg14[%swap3A_337, %swap3A_338] {strides = array<i32>} : memref<25x64xf32, #tpu.memory_space<vmem>>, vector<1x16xf32>,
    %swap3A_340 = vector.shape_cast %swap3A_339 : vector<1x16xf32> to vector<16xf32>
    %swap3A_341 = vector.shape_cast %broadcast_in_dim3A_6 : vector<16xf32> to vector<1x16xf32>
    tpu.vector_store %arg14[%swap3A_337, %swap3A_338], %swap3A_341 {strides = array<i32>} : memref<25x64xf32, #tpu.memory_space<vmem>>, vector<1x16xf32>,
    %swap3A_342 = arith.constant 14 : i32
    %swap3A_343 = arith.index_cast %swap3A_342 : i32 to index
    %swap3A_344 = arith.constant 0 : index
    %swap3A_345 = tpu.vector_load %arg14[%swap3A_343, %swap3A_344] {strides = array<i32>} : memref<25x64xf32, #tpu.memory_space<vmem>>, vector<1x16xf32>,
    %swap3A_346 = vector.shape_cast %swap3A_345 : vector<1x16xf32> to vector<16xf32>
    %swap3A_347 = vector.shape_cast %broadcast_in_dim3A_6 : vector<16xf32> to vector<1x16xf32>
    tpu.vector_store %arg14[%swap3A_343, %swap3A_344], %swap3A_347 {strides = array<i32>} : memref<25x64xf32, #tpu.memory_space<vmem>>, vector<1x16xf32>,
    %swap3A_348 = arith.constant 14 : i32
    %swap3A_349 = arith.index_cast %swap3A_348 : i32 to index
    %swap3A_350 = arith.constant 16 : index
    %swap3A_351 = tpu.vector_load %arg14[%swap3A_349, %swap3A_350] {strides = array<i32>} : memref<25x64xf32, #tpu.memory_space<vmem>>, vector<1x16xf32>,
    %swap3A_352 = vector.shape_cast %swap3A_351 : vector<1x16xf32> to vector<16xf32>
    %swap3A_353 = vector.shape_cast %broadcast_in_dim3A_6 : vector<16xf32> to vector<1x16xf32>
    tpu.vector_store %arg14[%swap3A_349, %swap3A_350], %swap3A_353 {strides = array<i32>} : memref<25x64xf32, #tpu.memory_space<vmem>>, vector<1x16xf32>,
    %swap3A_354 = arith.constant 14 : i32
    %swap3A_355 = arith.index_cast %swap3A_354 : i32 to index
    %swap3A_356 = arith.constant 32 : index
    %swap3A_357 = tpu.vector_load %arg14[%swap3A_355, %swap3A_356] {strides = array<i32>} : memref<25x64xf32, #tpu.memory_space<vmem>>, vector<1x16xf32>,
    %swap3A_358 = vector.shape_cast %swap3A_357 : vector<1x16xf32> to vector<16xf32>
    %swap3A_359 = vector.shape_cast %broadcast_in_dim3A_6 : vector<16xf32> to vector<1x16xf32>
    tpu.vector_store %arg14[%swap3A_355, %swap3A_356], %swap3A_359 {strides = array<i32>} : memref<25x64xf32, #tpu.memory_space<vmem>>, vector<1x16xf32>,
    %swap3A_360 = arith.constant 14 : i32
    %swap3A_361 = arith.index_cast %swap3A_360 : i32 to index
    %swap3A_362 = arith.constant 48 : index
    %swap3A_363 = tpu.vector_load %arg14[%swap3A_361, %swap3A_362] {strides = array<i32>} : memref<25x64xf32, #tpu.memory_space<vmem>>, vector<1x16xf32>,
    %swap3A_364 = vector.shape_cast %swap3A_363 : vector<1x16xf32> to vector<16xf32>
    %swap3A_365 = vector.shape_cast %broadcast_in_dim3A_6 : vector<16xf32> to vector<1x16xf32>
    tpu.vector_store %arg14[%swap3A_361, %swap3A_362], %swap3A_365 {strides = array<i32>} : memref<25x64xf32, #tpu.memory_space<vmem>>, vector<1x16xf32>,
    %swap3A_366 = arith.constant 15 : i32
    %swap3A_367 = arith.index_cast %swap3A_366 : i32 to index
    %swap3A_368 = arith.constant 0 : index
    %swap3A_369 = tpu.vector_load %arg14[%swap3A_367, %swap3A_368] {strides = array<i32>} : memref<25x64xf32, #tpu.memory_space<vmem>>, vector<1x16xf32>,
    %swap3A_370 = vector.shape_cast %swap3A_369 : vector<1x16xf32> to vector<16xf32>
    %swap3A_371 = vector.shape_cast %broadcast_in_dim3A_6 : vector<16xf32> to vector<1x16xf32>
    tpu.vector_store %arg14[%swap3A_367, %swap3A_368], %swap3A_371 {strides = array<i32>} : memref<25x64xf32, #tpu.memory_space<vmem>>, vector<1x16xf32>,
    %swap3A_372 = arith.constant 15 : i32
    %swap3A_373 = arith.index_cast %swap3A_372 : i32 to index
    %swap3A_374 = arith.constant 16 : index
    %swap3A_375 = tpu.vector_load %arg14[%swap3A_373, %swap3A_374] {strides = array<i32>} : memref<25x64xf32, #tpu.memory_space<vmem>>, vector<1x16xf32>,
    %swap3A_376 = vector.shape_cast %swap3A_375 : vector<1x16xf32> to vector<16xf32>
    %swap3A_377 = vector.shape_cast %broadcast_in_dim3A_6 : vector<16xf32> to vector<1x16xf32>
    tpu.vector_store %arg14[%swap3A_373, %swap3A_374], %swap3A_377 {strides = array<i32>} : memref<25x64xf32, #tpu.memory_space<vmem>>, vector<1x16xf32>,
    %swap3A_378 = arith.constant 15 : i32
    %swap3A_379 = arith.index_cast %swap3A_378 : i32 to index
    %swap3A_380 = arith.constant 32 : index
    %swap3A_381 = tpu.vector_load %arg14[%swap3A_379, %swap3A_380] {strides = array<i32>} : memref<25x64xf32, #tpu.memory_space<vmem>>, vector<1x16xf32>,
    %swap3A_382 = vector.shape_cast %swap3A_381 : vector<1x16xf32> to vector<16xf32>
    %swap3A_383 = vector.shape_cast %broadcast_in_dim3A_6 : vector<16xf32> to vector<1x16xf32>
    tpu.vector_store %arg14[%swap3A_379, %swap3A_380], %swap3A_383 {strides = array<i32>} : memref<25x64xf32, #tpu.memory_space<vmem>>, vector<1x16xf32>,
    %swap3A_384 = arith.constant 15 : i32
    %swap3A_385 = arith.index_cast %swap3A_384 : i32 to index
    %swap3A_386 = arith.constant 48 : index
    %swap3A_387 = tpu.vector_load %arg14[%swap3A_385, %swap3A_386] {strides = array<i32>} : memref<25x64xf32, #tpu.memory_space<vmem>>, vector<1x16xf32>,
    %swap3A_388 = vector.shape_cast %swap3A_387 : vector<1x16xf32> to vector<16xf32>
    %swap3A_389 = vector.shape_cast %broadcast_in_dim3A_6 : vector<16xf32> to vector<1x16xf32>
    tpu.vector_store %arg14[%swap3A_385, %swap3A_386], %swap3A_389 {strides = array<i32>} : memref<25x64xf32, #tpu.memory_space<vmem>>, vector<1x16xf32>,
    %swap3A_390 = arith.constant 16 : i32
    %swap3A_391 = arith.index_cast %swap3A_390 : i32 to index
    %swap3A_392 = arith.constant 0 : index
    %swap3A_393 = tpu.vector_load %arg14[%swap3A_391, %swap3A_392] {strides = array<i32>} : memref<25x64xf32, #tpu.memory_space<vmem>>, vector<1x16xf32>,
    %swap3A_394 = vector.shape_cast %swap3A_393 : vector<1x16xf32> to vector<16xf32>
    %swap3A_395 = vector.shape_cast %broadcast_in_dim3A_6 : vector<16xf32> to vector<1x16xf32>
    tpu.vector_store %arg14[%swap3A_391, %swap3A_392], %swap3A_395 {strides = array<i32>} : memref<25x64xf32, #tpu.memory_space<vmem>>, vector<1x16xf32>,
    %swap3A_396 = arith.constant 16 : i32
    %swap3A_397 = arith.index_cast %swap3A_396 : i32 to index
    %swap3A_398 = arith.constant 16 : index
    %swap3A_399 = tpu.vector_load %arg14[%swap3A_397, %swap3A_398] {strides = array<i32>} : memref<25x64xf32, #tpu.memory_space<vmem>>, vector<1x16xf32>,
    %swap3A_400 = vector.shape_cast %swap3A_399 : vector<1x16xf32> to vector<16xf32>
    %swap3A_401 = vector.shape_cast %broadcast_in_dim3A_6 : vector<16xf32> to vector<1x16xf32>
    tpu.vector_store %arg14[%swap3A_397, %swap3A_398], %swap3A_401 {strides = array<i32>} : memref<25x64xf32, #tpu.memory_space<vmem>>, vector<1x16xf32>,
    %swap3A_402 = arith.constant 16 : i32
    %swap3A_403 = arith.index_cast %swap3A_402 : i32 to index
    %swap3A_404 = arith.constant 32 : index
    %swap3A_405 = tpu.vector_load %arg14[%swap3A_403, %swap3A_404] {strides = array<i32>} : memref<25x64xf32, #tpu.memory_space<vmem>>, vector<1x16xf32>,
    %swap3A_406 = vector.shape_cast %swap3A_405 : vector<1x16xf32> to vector<16xf32>
    %swap3A_407 = vector.shape_cast %broadcast_in_dim3A_6 : vector<16xf32> to vector<1x16xf32>
    tpu.vector_store %arg14[%swap3A_403, %swap3A_404], %swap3A_407 {strides = array<i32>} : memref<25x64xf32, #tpu.memory_space<vmem>>, vector<1x16xf32>,
    %swap3A_408 = arith.constant 16 : i32
    %swap3A_409 = arith.index_cast %swap3A_408 : i32 to index
    %swap3A_410 = arith.constant 48 : index
    %swap3A_411 = tpu.vector_load %arg14[%swap3A_409, %swap3A_410] {strides = array<i32>} : memref<25x64xf32, #tpu.memory_space<vmem>>, vector<1x16xf32>,
    %swap3A_412 = vector.shape_cast %swap3A_411 : vector<1x16xf32> to vector<16xf32>
    %swap3A_413 = vector.shape_cast %broadcast_in_dim3A_6 : vector<16xf32> to vector<1x16xf32>
    tpu.vector_store %arg14[%swap3A_409, %swap3A_410], %swap3A_413 {strides = array<i32>} : memref<25x64xf32, #tpu.memory_space<vmem>>, vector<1x16xf32>,
    %swap3A_414 = arith.constant 17 : i32
    %swap3A_415 = arith.index_cast %swap3A_414 : i32 to index
    %swap3A_416 = arith.constant 0 : index
    %swap3A_417 = tpu.vector_load %arg14[%swap3A_415, %swap3A_416] {strides = array<i32>} : memref<25x64xf32, #tpu.memory_space<vmem>>, vector<1x16xf32>,
    %swap3A_418 = vector.shape_cast %swap3A_417 : vector<1x16xf32> to vector<16xf32>
    %swap3A_419 = vector.shape_cast %broadcast_in_dim3A_6 : vector<16xf32> to vector<1x16xf32>
    tpu.vector_store %arg14[%swap3A_415, %swap3A_416], %swap3A_419 {strides = array<i32>} : memref<25x64xf32, #tpu.memory_space<vmem>>, vector<1x16xf32>,
    %swap3A_420 = arith.constant 17 : i32
    %swap3A_421 = arith.index_cast %swap3A_420 : i32 to index
    %swap3A_422 = arith.constant 16 : index
    %swap3A_423 = tpu.vector_load %arg14[%swap3A_421, %swap3A_422] {strides = array<i32>} : memref<25x64xf32, #tpu.memory_space<vmem>>, vector<1x16xf32>,
    %swap3A_424 = vector.shape_cast %swap3A_423 : vector<1x16xf32> to vector<16xf32>
    %swap3A_425 = vector.shape_cast %broadcast_in_dim3A_6 : vector<16xf32> to vector<1x16xf32>
    tpu.vector_store %arg14[%swap3A_421, %swap3A_422], %swap3A_425 {strides = array<i32>} : memref<25x64xf32, #tpu.memory_space<vmem>>, vector<1x16xf32>,
    %swap3A_426 = arith.constant 17 : i32
    %swap3A_427 = arith.index_cast %swap3A_426 : i32 to index
    %swap3A_428 = arith.constant 32 : index
    %swap3A_429 = tpu.vector_load %arg14[%swap3A_427, %swap3A_428] {strides = array<i32>} : memref<25x64xf32, #tpu.memory_space<vmem>>, vector<1x16xf32>,
    %swap3A_430 = vector.shape_cast %swap3A_429 : vector<1x16xf32> to vector<16xf32>
    %swap3A_431 = vector.shape_cast %broadcast_in_dim3A_6 : vector<16xf32> to vector<1x16xf32>
    tpu.vector_store %arg14[%swap3A_427, %swap3A_428], %swap3A_431 {strides = array<i32>} : memref<25x64xf32, #tpu.memory_space<vmem>>, vector<1x16xf32>,
    %swap3A_432 = arith.constant 17 : i32
    %swap3A_433 = arith.index_cast %swap3A_432 : i32 to index
    %swap3A_434 = arith.constant 48 : index
    %swap3A_435 = tpu.vector_load %arg14[%swap3A_433, %swap3A_434] {strides = array<i32>} : memref<25x64xf32, #tpu.memory_space<vmem>>, vector<1x16xf32>,
    %swap3A_436 = vector.shape_cast %swap3A_435 : vector<1x16xf32> to vector<16xf32>
    %swap3A_437 = vector.shape_cast %broadcast_in_dim3A_6 : vector<16xf32> to vector<1x16xf32>
    tpu.vector_store %arg14[%swap3A_433, %swap3A_434], %swap3A_437 {strides = array<i32>} : memref<25x64xf32, #tpu.memory_space<vmem>>, vector<1x16xf32>,
    %swap3A_438 = arith.constant 18 : i32
    %swap3A_439 = arith.index_cast %swap3A_438 : i32 to index
    %swap3A_440 = arith.constant 0 : index
    %swap3A_441 = tpu.vector_load %arg14[%swap3A_439, %swap3A_440] {strides = array<i32>} : memref<25x64xf32, #tpu.memory_space<vmem>>, vector<1x16xf32>,
    %swap3A_442 = vector.shape_cast %swap3A_441 : vector<1x16xf32> to vector<16xf32>
    %swap3A_443 = vector.shape_cast %broadcast_in_dim3A_6 : vector<16xf32> to vector<1x16xf32>
    tpu.vector_store %arg14[%swap3A_439, %swap3A_440], %swap3A_443 {strides = array<i32>} : memref<25x64xf32, #tpu.memory_space<vmem>>, vector<1x16xf32>,
    %swap3A_444 = arith.constant 18 : i32
    %swap3A_445 = arith.index_cast %swap3A_444 : i32 to index
    %swap3A_446 = arith.constant 16 : index
    %swap3A_447 = tpu.vector_load %arg14[%swap3A_445, %swap3A_446] {strides = array<i32>} : memref<25x64xf32, #tpu.memory_space<vmem>>, vector<1x16xf32>,
    %swap3A_448 = vector.shape_cast %swap3A_447 : vector<1x16xf32> to vector<16xf32>
    %swap3A_449 = vector.shape_cast %broadcast_in_dim3A_6 : vector<16xf32> to vector<1x16xf32>
    tpu.vector_store %arg14[%swap3A_445, %swap3A_446], %swap3A_449 {strides = array<i32>} : memref<25x64xf32, #tpu.memory_space<vmem>>, vector<1x16xf32>,
    %swap3A_450 = arith.constant 18 : i32
    %swap3A_451 = arith.index_cast %swap3A_450 : i32 to index
    %swap3A_452 = arith.constant 32 : index
    %swap3A_453 = tpu.vector_load %arg14[%swap3A_451, %swap3A_452] {strides = array<i32>} : memref<25x64xf32, #tpu.memory_space<vmem>>, vector<1x16xf32>,
    %swap3A_454 = vector.shape_cast %swap3A_453 : vector<1x16xf32> to vector<16xf32>
    %swap3A_455 = vector.shape_cast %broadcast_in_dim3A_6 : vector<16xf32> to vector<1x16xf32>
    tpu.vector_store %arg14[%swap3A_451, %swap3A_452], %swap3A_455 {strides = array<i32>} : memref<25x64xf32, #tpu.memory_space<vmem>>, vector<1x16xf32>,
    %swap3A_456 = arith.constant 18 : i32
    %swap3A_457 = arith.index_cast %swap3A_456 : i32 to index
    %swap3A_458 = arith.constant 48 : index
    %swap3A_459 = tpu.vector_load %arg14[%swap3A_457, %swap3A_458] {strides = array<i32>} : memref<25x64xf32, #tpu.memory_space<vmem>>, vector<1x16xf32>,
    %swap3A_460 = vector.shape_cast %swap3A_459 : vector<1x16xf32> to vector<16xf32>
    %swap3A_461 = vector.shape_cast %broadcast_in_dim3A_6 : vector<16xf32> to vector<1x16xf32>
    tpu.vector_store %arg14[%swap3A_457, %swap3A_458], %swap3A_461 {strides = array<i32>} : memref<25x64xf32, #tpu.memory_space<vmem>>, vector<1x16xf32>,
    %swap3A_462 = arith.constant 19 : i32
    %swap3A_463 = arith.index_cast %swap3A_462 : i32 to index
    %swap3A_464 = arith.constant 0 : index
    %swap3A_465 = tpu.vector_load %arg14[%swap3A_463, %swap3A_464] {strides = array<i32>} : memref<25x64xf32, #tpu.memory_space<vmem>>, vector<1x16xf32>,
    %swap3A_466 = vector.shape_cast %swap3A_465 : vector<1x16xf32> to vector<16xf32>
    %swap3A_467 = vector.shape_cast %broadcast_in_dim3A_6 : vector<16xf32> to vector<1x16xf32>
    tpu.vector_store %arg14[%swap3A_463, %swap3A_464], %swap3A_467 {strides = array<i32>} : memref<25x64xf32, #tpu.memory_space<vmem>>, vector<1x16xf32>,
    %swap3A_468 = arith.constant 19 : i32
    %swap3A_469 = arith.index_cast %swap3A_468 : i32 to index
    %swap3A_470 = arith.constant 16 : index
    %swap3A_471 = tpu.vector_load %arg14[%swap3A_469, %swap3A_470] {strides = array<i32>} : memref<25x64xf32, #tpu.memory_space<vmem>>, vector<1x16xf32>,
    %swap3A_472 = vector.shape_cast %swap3A_471 : vector<1x16xf32> to vector<16xf32>
    %swap3A_473 = vector.shape_cast %broadcast_in_dim3A_6 : vector<16xf32> to vector<1x16xf32>
    tpu.vector_store %arg14[%swap3A_469, %swap3A_470], %swap3A_473 {strides = array<i32>} : memref<25x64xf32, #tpu.memory_space<vmem>>, vector<1x16xf32>,
    %swap3A_474 = arith.constant 19 : i32
    %swap3A_475 = arith.index_cast %swap3A_474 : i32 to index
    %swap3A_476 = arith.constant 32 : index
    %swap3A_477 = tpu.vector_load %arg14[%swap3A_475, %swap3A_476] {strides = array<i32>} : memref<25x64xf32, #tpu.memory_space<vmem>>, vector<1x16xf32>,
    %swap3A_478 = vector.shape_cast %swap3A_477 : vector<1x16xf32> to vector<16xf32>
    %swap3A_479 = vector.shape_cast %broadcast_in_dim3A_6 : vector<16xf32> to vector<1x16xf32>
    tpu.vector_store %arg14[%swap3A_475, %swap3A_476], %swap3A_479 {strides = array<i32>} : memref<25x64xf32, #tpu.memory_space<vmem>>, vector<1x16xf32>,
    %swap3A_480 = arith.constant 19 : i32
    %swap3A_481 = arith.index_cast %swap3A_480 : i32 to index
    %swap3A_482 = arith.constant 48 : index
    %swap3A_483 = tpu.vector_load %arg14[%swap3A_481, %swap3A_482] {strides = array<i32>} : memref<25x64xf32, #tpu.memory_space<vmem>>, vector<1x16xf32>,
    %swap3A_484 = vector.shape_cast %swap3A_483 : vector<1x16xf32> to vector<16xf32>
    %swap3A_485 = vector.shape_cast %broadcast_in_dim3A_6 : vector<16xf32> to vector<1x16xf32>
    tpu.vector_store %arg14[%swap3A_481, %swap3A_482], %swap3A_485 {strides = array<i32>} : memref<25x64xf32, #tpu.memory_space<vmem>>, vector<1x16xf32>,
    %swap3A_486 = arith.constant 20 : i32
    %swap3A_487 = arith.index_cast %swap3A_486 : i32 to index
    %swap3A_488 = arith.constant 0 : index
    %swap3A_489 = tpu.vector_load %arg14[%swap3A_487, %swap3A_488] {strides = array<i32>} : memref<25x64xf32, #tpu.memory_space<vmem>>, vector<1x16xf32>,
    %swap3A_490 = vector.shape_cast %swap3A_489 : vector<1x16xf32> to vector<16xf32>
    %swap3A_491 = vector.shape_cast %broadcast_in_dim3A_6 : vector<16xf32> to vector<1x16xf32>
    tpu.vector_store %arg14[%swap3A_487, %swap3A_488], %swap3A_491 {strides = array<i32>} : memref<25x64xf32, #tpu.memory_space<vmem>>, vector<1x16xf32>,
    %swap3A_492 = arith.constant 20 : i32
    %swap3A_493 = arith.index_cast %swap3A_492 : i32 to index
    %swap3A_494 = arith.constant 16 : index
    %swap3A_495 = tpu.vector_load %arg14[%swap3A_493, %swap3A_494] {strides = array<i32>} : memref<25x64xf32, #tpu.memory_space<vmem>>, vector<1x16xf32>,
    %swap3A_496 = vector.shape_cast %swap3A_495 : vector<1x16xf32> to vector<16xf32>
    %swap3A_497 = vector.shape_cast %broadcast_in_dim3A_6 : vector<16xf32> to vector<1x16xf32>
    tpu.vector_store %arg14[%swap3A_493, %swap3A_494], %swap3A_497 {strides = array<i32>} : memref<25x64xf32, #tpu.memory_space<vmem>>, vector<1x16xf32>,
    %swap3A_498 = arith.constant 20 : i32
    %swap3A_499 = arith.index_cast %swap3A_498 : i32 to index
    %swap3A_500 = arith.constant 32 : index
    %swap3A_501 = tpu.vector_load %arg14[%swap3A_499, %swap3A_500] {strides = array<i32>} : memref<25x64xf32, #tpu.memory_space<vmem>>, vector<1x16xf32>,
    %swap3A_502 = vector.shape_cast %swap3A_501 : vector<1x16xf32> to vector<16xf32>
    %swap3A_503 = vector.shape_cast %broadcast_in_dim3A_6 : vector<16xf32> to vector<1x16xf32>
    tpu.vector_store %arg14[%swap3A_499, %swap3A_500], %swap3A_503 {strides = array<i32>} : memref<25x64xf32, #tpu.memory_space<vmem>>, vector<1x16xf32>,
    %swap3A_504 = arith.constant 20 : i32
    %swap3A_505 = arith.index_cast %swap3A_504 : i32 to index
    %swap3A_506 = arith.constant 48 : index
    %swap3A_507 = tpu.vector_load %arg14[%swap3A_505, %swap3A_506] {strides = array<i32>} : memref<25x64xf32, #tpu.memory_space<vmem>>, vector<1x16xf32>,
    %swap3A_508 = vector.shape_cast %swap3A_507 : vector<1x16xf32> to vector<16xf32>
    %swap3A_509 = vector.shape_cast %broadcast_in_dim3A_6 : vector<16xf32> to vector<1x16xf32>
    tpu.vector_store %arg14[%swap3A_505, %swap3A_506], %swap3A_509 {strides = array<i32>} : memref<25x64xf32, #tpu.memory_space<vmem>>, vector<1x16xf32>,
    %swap3A_510 = arith.constant 21 : i32
    %swap3A_511 = arith.index_cast %swap3A_510 : i32 to index
    %swap3A_512 = arith.constant 0 : index
    %swap3A_513 = tpu.vector_load %arg14[%swap3A_511, %swap3A_512] {strides = array<i32>} : memref<25x64xf32, #tpu.memory_space<vmem>>, vector<1x16xf32>,
    %swap3A_514 = vector.shape_cast %swap3A_513 : vector<1x16xf32> to vector<16xf32>
    %swap3A_515 = vector.shape_cast %broadcast_in_dim3A_6 : vector<16xf32> to vector<1x16xf32>
    tpu.vector_store %arg14[%swap3A_511, %swap3A_512], %swap3A_515 {strides = array<i32>} : memref<25x64xf32, #tpu.memory_space<vmem>>, vector<1x16xf32>,
    %swap3A_516 = arith.constant 21 : i32
    %swap3A_517 = arith.index_cast %swap3A_516 : i32 to index
    %swap3A_518 = arith.constant 16 : index
    %swap3A_519 = tpu.vector_load %arg14[%swap3A_517, %swap3A_518] {strides = array<i32>} : memref<25x64xf32, #tpu.memory_space<vmem>>, vector<1x16xf32>,
    %swap3A_520 = vector.shape_cast %swap3A_519 : vector<1x16xf32> to vector<16xf32>
    %swap3A_521 = vector.shape_cast %broadcast_in_dim3A_6 : vector<16xf32> to vector<1x16xf32>
    tpu.vector_store %arg14[%swap3A_517, %swap3A_518], %swap3A_521 {strides = array<i32>} : memref<25x64xf32, #tpu.memory_space<vmem>>, vector<1x16xf32>,
    %swap3A_522 = arith.constant 21 : i32
    %swap3A_523 = arith.index_cast %swap3A_522 : i32 to index
    %swap3A_524 = arith.constant 32 : index
    %swap3A_525 = tpu.vector_load %arg14[%swap3A_523, %swap3A_524] {strides = array<i32>} : memref<25x64xf32, #tpu.memory_space<vmem>>, vector<1x16xf32>,
    %swap3A_526 = vector.shape_cast %swap3A_525 : vector<1x16xf32> to vector<16xf32>
    %swap3A_527 = vector.shape_cast %broadcast_in_dim3A_6 : vector<16xf32> to vector<1x16xf32>
    tpu.vector_store %arg14[%swap3A_523, %swap3A_524], %swap3A_527 {strides = array<i32>} : memref<25x64xf32, #tpu.memory_space<vmem>>, vector<1x16xf32>,
    %swap3A_528 = arith.constant 21 : i32
    %swap3A_529 = arith.index_cast %swap3A_528 : i32 to index
    %swap3A_530 = arith.constant 48 : index
    %swap3A_531 = tpu.vector_load %arg14[%swap3A_529, %swap3A_530] {strides = array<i32>} : memref<25x64xf32, #tpu.memory_space<vmem>>, vector<1x16xf32>,
    %swap3A_532 = vector.shape_cast %swap3A_531 : vector<1x16xf32> to vector<16xf32>
    %swap3A_533 = vector.shape_cast %broadcast_in_dim3A_6 : vector<16xf32> to vector<1x16xf32>
    tpu.vector_store %arg14[%swap3A_529, %swap3A_530], %swap3A_533 {strides = array<i32>} : memref<25x64xf32, #tpu.memory_space<vmem>>, vector<1x16xf32>,
    %swap3A_534 = arith.constant 22 : i32
    %swap3A_535 = arith.index_cast %swap3A_534 : i32 to index
    %swap3A_536 = arith.constant 0 : index
    %swap3A_537 = tpu.vector_load %arg14[%swap3A_535, %swap3A_536] {strides = array<i32>} : memref<25x64xf32, #tpu.memory_space<vmem>>, vector<1x16xf32>,
    %swap3A_538 = vector.shape_cast %swap3A_537 : vector<1x16xf32> to vector<16xf32>
    %swap3A_539 = vector.shape_cast %broadcast_in_dim3A_6 : vector<16xf32> to vector<1x16xf32>
    tpu.vector_store %arg14[%swap3A_535, %swap3A_536], %swap3A_539 {strides = array<i32>} : memref<25x64xf32, #tpu.memory_space<vmem>>, vector<1x16xf32>,
    %swap3A_540 = arith.constant 22 : i32
    %swap3A_541 = arith.index_cast %swap3A_540 : i32 to index
    %swap3A_542 = arith.constant 16 : index
    %swap3A_543 = tpu.vector_load %arg14[%swap3A_541, %swap3A_542] {strides = array<i32>} : memref<25x64xf32, #tpu.memory_space<vmem>>, vector<1x16xf32>,
    %swap3A_544 = vector.shape_cast %swap3A_543 : vector<1x16xf32> to vector<16xf32>
    %swap3A_545 = vector.shape_cast %broadcast_in_dim3A_6 : vector<16xf32> to vector<1x16xf32>
    tpu.vector_store %arg14[%swap3A_541, %swap3A_542], %swap3A_545 {strides = array<i32>} : memref<25x64xf32, #tpu.memory_space<vmem>>, vector<1x16xf32>,
    %swap3A_546 = arith.constant 22 : i32
    %swap3A_547 = arith.index_cast %swap3A_546 : i32 to index
    %swap3A_548 = arith.constant 32 : index
    %swap3A_549 = tpu.vector_load %arg14[%swap3A_547, %swap3A_548] {strides = array<i32>} : memref<25x64xf32, #tpu.memory_space<vmem>>, vector<1x16xf32>,
    %swap3A_550 = vector.shape_cast %swap3A_549 : vector<1x16xf32> to vector<16xf32>
    %swap3A_551 = vector.shape_cast %broadcast_in_dim3A_6 : vector<16xf32> to vector<1x16xf32>
    tpu.vector_store %arg14[%swap3A_547, %swap3A_548], %swap3A_551 {strides = array<i32>} : memref<25x64xf32, #tpu.memory_space<vmem>>, vector<1x16xf32>,
    %swap3A_552 = arith.constant 22 : i32
    %swap3A_553 = arith.index_cast %swap3A_552 : i32 to index
    %swap3A_554 = arith.constant 48 : index
    %swap3A_555 = tpu.vector_load %arg14[%swap3A_553, %swap3A_554] {strides = array<i32>} : memref<25x64xf32, #tpu.memory_space<vmem>>, vector<1x16xf32>,
    %swap3A_556 = vector.shape_cast %swap3A_555 : vector<1x16xf32> to vector<16xf32>
    %swap3A_557 = vector.shape_cast %broadcast_in_dim3A_6 : vector<16xf32> to vector<1x16xf32>
    tpu.vector_store %arg14[%swap3A_553, %swap3A_554], %swap3A_557 {strides = array<i32>} : memref<25x64xf32, #tpu.memory_space<vmem>>, vector<1x16xf32>,
    %swap3A_558 = arith.constant 23 : i32
    %swap3A_559 = arith.index_cast %swap3A_558 : i32 to index
    %swap3A_560 = arith.constant 0 : index
    %swap3A_561 = tpu.vector_load %arg14[%swap3A_559, %swap3A_560] {strides = array<i32>} : memref<25x64xf32, #tpu.memory_space<vmem>>, vector<1x16xf32>,
    %swap3A_562 = vector.shape_cast %swap3A_561 : vector<1x16xf32> to vector<16xf32>
    %swap3A_563 = vector.shape_cast %broadcast_in_dim3A_6 : vector<16xf32> to vector<1x16xf32>
    tpu.vector_store %arg14[%swap3A_559, %swap3A_560], %swap3A_563 {strides = array<i32>} : memref<25x64xf32, #tpu.memory_space<vmem>>, vector<1x16xf32>,
    %swap3A_564 = arith.constant 23 : i32
    %swap3A_565 = arith.index_cast %swap3A_564 : i32 to index
    %swap3A_566 = arith.constant 16 : index
    %swap3A_567 = tpu.vector_load %arg14[%swap3A_565, %swap3A_566] {strides = array<i32>} : memref<25x64xf32, #tpu.memory_space<vmem>>, vector<1x16xf32>,
    %swap3A_568 = vector.shape_cast %swap3A_567 : vector<1x16xf32> to vector<16xf32>
    %swap3A_569 = vector.shape_cast %broadcast_in_dim3A_6 : vector<16xf32> to vector<1x16xf32>
    tpu.vector_store %arg14[%swap3A_565, %swap3A_566], %swap3A_569 {strides = array<i32>} : memref<25x64xf32, #tpu.memory_space<vmem>>, vector<1x16xf32>,
    %swap3A_570 = arith.constant 23 : i32
    %swap3A_571 = arith.index_cast %swap3A_570 : i32 to index
    %swap3A_572 = arith.constant 32 : index
    %swap3A_573 = tpu.vector_load %arg14[%swap3A_571, %swap3A_572] {strides = array<i32>} : memref<25x64xf32, #tpu.memory_space<vmem>>, vector<1x16xf32>,
    %swap3A_574 = vector.shape_cast %swap3A_573 : vector<1x16xf32> to vector<16xf32>
    %swap3A_575 = vector.shape_cast %broadcast_in_dim3A_6 : vector<16xf32> to vector<1x16xf32>
    tpu.vector_store %arg14[%swap3A_571, %swap3A_572], %swap3A_575 {strides = array<i32>} : memref<25x64xf32, #tpu.memory_space<vmem>>, vector<1x16xf32>,
    %swap3A_576 = arith.constant 23 : i32
    %swap3A_577 = arith.index_cast %swap3A_576 : i32 to index
    %swap3A_578 = arith.constant 48 : index
    %swap3A_579 = tpu.vector_load %arg14[%swap3A_577, %swap3A_578] {strides = array<i32>} : memref<25x64xf32, #tpu.memory_space<vmem>>, vector<1x16xf32>,
    %swap3A_580 = vector.shape_cast %swap3A_579 : vector<1x16xf32> to vector<16xf32>
    %swap3A_581 = vector.shape_cast %broadcast_in_dim3A_6 : vector<16xf32> to vector<1x16xf32>
    tpu.vector_store %arg14[%swap3A_577, %swap3A_578], %swap3A_581 {strides = array<i32>} : memref<25x64xf32, #tpu.memory_space<vmem>>, vector<1x16xf32>,
    %swap3A_582 = arith.constant 24 : i32
    %swap3A_583 = arith.index_cast %swap3A_582 : i32 to index
    %swap3A_584 = arith.constant 0 : index
    %swap3A_585 = tpu.vector_load %arg14[%swap3A_583, %swap3A_584] {strides = array<i32>} : memref<25x64xf32, #tpu.memory_space<vmem>>, vector<1x16xf32>,
    %swap3A_586 = vector.shape_cast %swap3A_585 : vector<1x16xf32> to vector<16xf32>
    %swap3A_587 = vector.shape_cast %broadcast_in_dim3A_6 : vector<16xf32> to vector<1x16xf32>
    tpu.vector_store %arg14[%swap3A_583, %swap3A_584], %swap3A_587 {strides = array<i32>} : memref<25x64xf32, #tpu.memory_space<vmem>>, vector<1x16xf32>,
    %swap3A_588 = arith.constant 24 : i32
    %swap3A_589 = arith.index_cast %swap3A_588 : i32 to index
    %swap3A_590 = arith.constant 16 : index
    %swap3A_591 = tpu.vector_load %arg14[%swap3A_589, %swap3A_590] {strides = array<i32>} : memref<25x64xf32, #tpu.memory_space<vmem>>, vector<1x16xf32>,
    %swap3A_592 = vector.shape_cast %swap3A_591 : vector<1x16xf32> to vector<16xf32>
    %swap3A_593 = vector.shape_cast %broadcast_in_dim3A_6 : vector<16xf32> to vector<1x16xf32>
    tpu.vector_store %arg14[%swap3A_589, %swap3A_590], %swap3A_593 {strides = array<i32>} : memref<25x64xf32, #tpu.memory_space<vmem>>, vector<1x16xf32>,
    %swap3A_594 = arith.constant 24 : i32
    %swap3A_595 = arith.index_cast %swap3A_594 : i32 to index
    %swap3A_596 = arith.constant 32 : index
    %swap3A_597 = tpu.vector_load %arg14[%swap3A_595, %swap3A_596] {strides = array<i32>} : memref<25x64xf32, #tpu.memory_space<vmem>>, vector<1x16xf32>,
    %swap3A_598 = vector.shape_cast %swap3A_597 : vector<1x16xf32> to vector<16xf32>
    %swap3A_599 = vector.shape_cast %broadcast_in_dim3A_6 : vector<16xf32> to vector<1x16xf32>
    tpu.vector_store %arg14[%swap3A_595, %swap3A_596], %swap3A_599 {strides = array<i32>} : memref<25x64xf32, #tpu.memory_space<vmem>>, vector<1x16xf32>,
    %swap3A_600 = arith.constant 24 : i32
    %swap3A_601 = arith.index_cast %swap3A_600 : i32 to index
    %swap3A_602 = arith.constant 48 : index
    %swap3A_603 = tpu.vector_load %arg14[%swap3A_601, %swap3A_602] {strides = array<i32>} : memref<25x64xf32, #tpu.memory_space<vmem>>, vector<1x16xf32>,
    %swap3A_604 = vector.shape_cast %swap3A_603 : vector<1x16xf32> to vector<16xf32>
    %swap3A_605 = vector.shape_cast %broadcast_in_dim3A_6 : vector<16xf32> to vector<1x16xf32>
    tpu.vector_store %arg14[%swap3A_601, %swap3A_602], %swap3A_605 {strides = array<i32>} : memref<25x64xf32, #tpu.memory_space<vmem>>, vector<1x16xf32>,
    %mul3A_606 = arith.constant 625 : i32
    %mul3A_607 = arith.muli %arg1, %mul3A_606 : i32
    %scan3A = arith.constant 0 : i32
    %scan3A_608 = arith.constant 0 : i32
    %scan3A_609 = arith.constant 25 : i32
    %scan3A_610 = arith.addi %scan3A_608, %scan3A_609 : i32
    %scan3A_611 = arith.constant 1 : i32
    scf.for %scan3A_715 = %scan3A_608 to %scan3A_610 step %scan3A_611  : i32 {
      %mul3A_716 = arith.constant 25 : i32
      %mul3A_717 = arith.muli %scan3A_715, %mul3A_716 : i32
      %add3A = arith.addi %mul3A_607, %mul3A_717 : i32
      "tpu.region"() ({
        %run_scoped3A = tpu.sem_alloc : memref<!tpu.dma_semaphore, #tpu.memory_space<semaphore_mem>>
        %dma_start3A_718 = arith.constant 0 : i32
        %dma_start3A_719 = tpu.memref_slice %arg6[%add3A, %dma_start3A_718] : memref<10000x64xf32, #tpu.memory_space<vmem_shared>> -> memref<25x64xf32, #tpu.memory_space<vmem_shared>>
        %dma_start3A_720 = arith.constant 0 : i32
        %dma_start3A_721 = tpu.memref_slice %arg6[%add3A, %dma_start3A_720] : memref<10000x64xf32, #tpu.memory_space<vmem_shared>> -> memref<25x64xf32, #tpu.memory_space<vmem_shared>>
        tpu.enqueue_dma source(%arg14 : memref<25x64xf32, #tpu.memory_space<vmem>>) target(%dma_start3A_721 : memref<25x64xf32, #tpu.memory_space<vmem_shared>>) target_semaphore(%run_scoped3A : memref<!tpu.dma_semaphore, #tpu.memory_space<semaphore_mem>>)
        %dma_wait3A_722 = arith.constant 0 : i32
        %dma_wait3A_723 = tpu.memref_slice %arg6[%add3A, %dma_wait3A_722] : memref<10000x64xf32, #tpu.memory_space<vmem_shared>> -> memref<25x64xf32, #tpu.memory_space<vmem_shared>>
        %dma_wait3A_724 = arith.constant 0 : i32
        %dma_wait3A_725 = tpu.memref_slice %arg6[%add3A, %dma_wait3A_724] : memref<10000x64xf32, #tpu.memory_space<vmem_shared>> -> memref<25x64xf32, #tpu.memory_space<vmem_shared>>
        tpu.wait_dma2 semaphore(%run_scoped3A : memref<!tpu.dma_semaphore, #tpu.memory_space<semaphore_mem>>) src(%arg14 : memref<25x64xf32, #tpu.memory_space<vmem>>) dst(%dma_wait3A_725 : memref<25x64xf32, #tpu.memory_space<vmem_shared>>)
        tpu.yield
      }) : () -> ()
    }
    %scan3A_612 = arith.constant 25 : i32
    %dma_wait3A = tpu.memref_slice %arg3[%mul3A_0] : memref<320000xi32, #tpu.memory_space<hbm>> -> memref<20000xi32, #tpu.memory_space<hbm>>
    %dma_wait3A_613 = tpu.memref_slice %arg3[%mul3A_0] : memref<320000xi32, #tpu.memory_space<hbm>> -> memref<20000xi32, #tpu.memory_space<hbm>>
    tpu.wait_dma2 semaphore(%arg20 : memref<!tpu.dma_semaphore, #tpu.memory_space<semaphore_mem>>) src(%dma_wait3A_613 : memref<20000xi32, #tpu.memory_space<hbm>>) dst(%arg7 : memref<20000xi32, #tpu.memory_space<vmem>>)
    %dma_wait3A_614 = tpu.memref_slice %arg4[%mul3A_3] : memref<320000xi32, #tpu.memory_space<hbm>> -> memref<20000xi32, #tpu.memory_space<hbm>>
    %dma_wait3A_615 = tpu.memref_slice %arg4[%mul3A_3] : memref<320000xi32, #tpu.memory_space<hbm>> -> memref<20000xi32, #tpu.memory_space<hbm>>
    tpu.wait_dma2 semaphore(%arg20 : memref<!tpu.dma_semaphore, #tpu.memory_space<semaphore_mem>>) src(%dma_wait3A_615 : memref<20000xi32, #tpu.memory_space<hbm>>) dst(%arg8 : memref<20000xi32, #tpu.memory_space<vmem>>)
    %barrier3A = arith.constant 0 : index
    tpu.barrier barrier_id(%barrier3A)
    %dma_start3A_616 = arith.constant 0 : i32
    %dma_start3A_617 = tpu.memref_slice %arg7[%dma_start3A_616] : memref<20000xi32, #tpu.memory_space<vmem>> -> memref<80xi32, #tpu.memory_space<vmem>>
    %dma_start3A_618 = arith.constant 0 : i32
    %dma_start3A_619 = arith.constant 0 : i32
    %dma_start3A_620 = tpu.memref_slice %arg2[%arg0, %dma_start3A_618, %dma_start3A_619] : memref<2x10000x64xf32, #tpu.memory_space<hbm>> -> memref<1x10000x64xf32, #tpu.memory_space<hbm>>
    %dma_start3A_621 = tpu.memref_squeeze %dma_start3A_620 : memref<1x10000x64xf32, #tpu.memory_space<hbm>> -> memref<10000x64xf32, #tpu.memory_space<hbm>>
    %dma_start3A_622 = arith.constant 0 : i32
    %dma_start3A_623 = arith.constant 0 : i32
    %dma_start3A_624 = tpu.memref_slice %dma_start3A_621[%dma_start3A_622, %dma_start3A_623] : memref<10000x64xf32, #tpu.memory_space<hbm>> -> memref<10000x64xf32, #tpu.memory_space<hbm>>
    tpu.enqueue_indirect_dma source(%dma_start3A_624 : memref<10000x64xf32, #tpu.memory_space<hbm>>) target(%arg9 : memref<80x64xf32, #tpu.memory_space<vmem>>) offsets(%dma_start3A_617 : memref<80xi32, #tpu.memory_space<vmem>>) semaphore(%arg15 : memref<!tpu.dma_semaphore, #tpu.memory_space<semaphore_mem>>)
    %dma_start3A_625 = arith.constant 80 : i32
    %dma_start3A_626 = tpu.memref_slice %arg7[%dma_start3A_625] : memref<20000xi32, #tpu.memory_space<vmem>> -> memref<80xi32, #tpu.memory_space<vmem>>
    %dma_start3A_627 = arith.constant 0 : i32
    %dma_start3A_628 = arith.constant 0 : i32
    %dma_start3A_629 = tpu.memref_slice %arg2[%arg0, %dma_start3A_627, %dma_start3A_628] : memref<2x10000x64xf32, #tpu.memory_space<hbm>> -> memref<1x10000x64xf32, #tpu.memory_space<hbm>>
    %dma_start3A_630 = tpu.memref_squeeze %dma_start3A_629 : memref<1x10000x64xf32, #tpu.memory_space<hbm>> -> memref<10000x64xf32, #tpu.memory_space<hbm>>
    %dma_start3A_631 = arith.constant 0 : i32
    %dma_start3A_632 = arith.constant 0 : i32
    %dma_start3A_633 = tpu.memref_slice %dma_start3A_630[%dma_start3A_631, %dma_start3A_632] : memref<10000x64xf32, #tpu.memory_space<hbm>> -> memref<10000x64xf32, #tpu.memory_space<hbm>>
    tpu.enqueue_indirect_dma source(%dma_start3A_633 : memref<10000x64xf32, #tpu.memory_space<hbm>>) target(%arg10 : memref<80x64xf32, #tpu.memory_space<vmem>>) offsets(%dma_start3A_626 : memref<80xi32, #tpu.memory_space<vmem>>) semaphore(%arg16 : memref<!tpu.dma_semaphore, #tpu.memory_space<semaphore_mem>>)
    %dma_start3A_634 = arith.constant 160 : i32
    %dma_start3A_635 = tpu.memref_slice %arg7[%dma_start3A_634] : memref<20000xi32, #tpu.memory_space<vmem>> -> memref<80xi32, #tpu.memory_space<vmem>>
    %dma_start3A_636 = arith.constant 0 : i32
    %dma_start3A_637 = arith.constant 0 : i32
    %dma_start3A_638 = tpu.memref_slice %arg2[%arg0, %dma_start3A_636, %dma_start3A_637] : memref<2x10000x64xf32, #tpu.memory_space<hbm>> -> memref<1x10000x64xf32, #tpu.memory_space<hbm>>
    %dma_start3A_639 = tpu.memref_squeeze %dma_start3A_638 : memref<1x10000x64xf32, #tpu.memory_space<hbm>> -> memref<10000x64xf32, #tpu.memory_space<hbm>>
    %dma_start3A_640 = arith.constant 0 : i32
    %dma_start3A_641 = arith.constant 0 : i32
    %dma_start3A_642 = tpu.memref_slice %dma_start3A_639[%dma_start3A_640, %dma_start3A_641] : memref<10000x64xf32, #tpu.memory_space<hbm>> -> memref<10000x64xf32, #tpu.memory_space<hbm>>
    tpu.enqueue_indirect_dma source(%dma_start3A_642 : memref<10000x64xf32, #tpu.memory_space<hbm>>) target(%arg11 : memref<80x64xf32, #tpu.memory_space<vmem>>) offsets(%dma_start3A_635 : memref<80xi32, #tpu.memory_space<vmem>>) semaphore(%arg17 : memref<!tpu.dma_semaphore, #tpu.memory_space<semaphore_mem>>)
    %dma_start3A_643 = arith.constant 240 : i32
    %dma_start3A_644 = tpu.memref_slice %arg7[%dma_start3A_643] : memref<20000xi32, #tpu.memory_space<vmem>> -> memref<80xi32, #tpu.memory_space<vmem>>
    %dma_start3A_645 = arith.constant 0 : i32
    %dma_start3A_646 = arith.constant 0 : i32
    %dma_start3A_647 = tpu.memref_slice %arg2[%arg0, %dma_start3A_645, %dma_start3A_646] : memref<2x10000x64xf32, #tpu.memory_space<hbm>> -> memref<1x10000x64xf32, #tpu.memory_space<hbm>>
    %dma_start3A_648 = tpu.memref_squeeze %dma_start3A_647 : memref<1x10000x64xf32, #tpu.memory_space<hbm>> -> memref<10000x64xf32, #tpu.memory_space<hbm>>
    %dma_start3A_649 = arith.constant 0 : i32
    %dma_start3A_650 = arith.constant 0 : i32
    %dma_start3A_651 = tpu.memref_slice %dma_start3A_648[%dma_start3A_649, %dma_start3A_650] : memref<10000x64xf32, #tpu.memory_space<hbm>> -> memref<10000x64xf32, #tpu.memory_space<hbm>>
    tpu.enqueue_indirect_dma source(%dma_start3A_651 : memref<10000x64xf32, #tpu.memory_space<hbm>>) target(%arg12 : memref<80x64xf32, #tpu.memory_space<vmem>>) offsets(%dma_start3A_644 : memref<80xi32, #tpu.memory_space<vmem>>) semaphore(%arg18 : memref<!tpu.dma_semaphore, #tpu.memory_space<semaphore_mem>>)
    %scan3A_652 = arith.constant 0 : i32
    %scan3A_653 = arith.constant 0 : i32
    %scan3A_654 = arith.constant 49 : i32
    %scan3A_655 = arith.addi %scan3A_653, %scan3A_654 : i32
    %scan3A_656 = arith.constant 1 : i32
    scf.for %scan3A_715 = %scan3A_653 to %scan3A_655 step %scan3A_656  : i32 {
      %mul3A_716 = arith.constant 5 : i32
      %mul3A_717 = arith.muli %mul3A_716, %scan3A_715 : i32
      %add3A = arith.constant 0 : i32
      %add3A_718 = arith.addi %mul3A_717, %add3A : i32
      %mul3A_719 = arith.constant 80 : i32
      %mul3A_720 = arith.muli %add3A_718, %mul3A_719 : i32
      %dma_wait3A_721 = tpu.memref_slice %arg7[%mul3A_720] : memref<20000xi32, #tpu.memory_space<vmem>> -> memref<80xi32, #tpu.memory_space<vmem>>
      %dma_wait3A_722 = arith.constant 0 : i32
      %dma_wait3A_723 = arith.constant 0 : i32
      %dma_wait3A_724 = tpu.memref_slice %arg2[%arg0, %dma_wait3A_722, %dma_wait3A_723] : memref<2x10000x64xf32, #tpu.memory_space<hbm>> -> memref<1x10000x64xf32, #tpu.memory_space<hbm>>
      %dma_wait3A_725 = tpu.memref_squeeze %dma_wait3A_724 : memref<1x10000x64xf32, #tpu.memory_space<hbm>> -> memref<10000x64xf32, #tpu.memory_space<hbm>>
      %dma_wait3A_726 = arith.constant 0 : i32
      %dma_wait3A_727 = arith.constant 0 : i32
      %dma_wait3A_728 = tpu.memref_slice %dma_wait3A_725[%dma_wait3A_726, %dma_wait3A_727] : memref<10000x64xf32, #tpu.memory_space<hbm>> -> memref<10000x64xf32, #tpu.memory_space<hbm>>
      tpu.wait_indirect_dma semaphore(%arg15 : memref<!tpu.dma_semaphore, #tpu.memory_space<semaphore_mem>>) src(%dma_wait3A_728 : memref<10000x64xf32, #tpu.memory_space<hbm>>) dst(%arg9 : memref<80x64xf32, #tpu.memory_space<vmem>>)
      %mul3A_729 = arith.constant 80 : i32
      %mul3A_730 = arith.muli %add3A_718, %mul3A_729 : i32
      "tpu.region"() ({
        %run_scoped3A = tpu.sem_alloc : memref<!tpu.dma_semaphore, #tpu.memory_space<semaphore_mem>>
        %dma_start3A_866 = tpu.memref_slice %arg8[%mul3A_730] : memref<20000xi32, #tpu.memory_space<vmem>> -> memref<80xi32, #tpu.memory_space<vmem>>
        %dma_start3A_867 = arith.constant 0 : i32
        %dma_start3A_868 = arith.constant 0 : i32
        %dma_start3A_869 = tpu.memref_slice %arg6[%dma_start3A_867, %dma_start3A_868] : memref<10000x64xf32, #tpu.memory_space<vmem_shared>> -> memref<10000x64xf32, #tpu.memory_space<vmem_shared>>
        tpu.enqueue_indirect_dma source(%arg9 : memref<80x64xf32, #tpu.memory_space<vmem>>) target(%dma_start3A_869 : memref<10000x64xf32, #tpu.memory_space<vmem_shared>>) offsets(%dma_start3A_866 : memref<80xi32, #tpu.memory_space<vmem>>) semaphore(%run_scoped3A : memref<!tpu.dma_semaphore, #tpu.memory_space<semaphore_mem>>) {add = true}
        %dma_wait3A_870 = tpu.memref_slice %arg8[%mul3A_730] : memref<20000xi32, #tpu.memory_space<vmem>> -> memref<80xi32, #tpu.memory_space<vmem>>
        %dma_wait3A_871 = arith.constant 0 : i32
        %dma_wait3A_872 = arith.constant 0 : i32
        %dma_wait3A_873 = tpu.memref_slice %arg6[%dma_wait3A_871, %dma_wait3A_872] : memref<10000x64xf32, #tpu.memory_space<vmem_shared>> -> memref<10000x64xf32, #tpu.memory_space<vmem_shared>>
        tpu.wait_indirect_dma semaphore(%run_scoped3A : memref<!tpu.dma_semaphore, #tpu.memory_space<semaphore_mem>>) src(%arg9 : memref<80x64xf32, #tpu.memory_space<vmem>>) dst(%dma_wait3A_873 : memref<10000x64xf32, #tpu.memory_space<vmem_shared>>)
        tpu.yield
      }) : () -> ()
      %add3A_731 = arith.constant 0 : i32
      %add3A_732 = arith.addi %mul3A_717, %add3A_731 : i32
      %add3A_733 = arith.constant 5 : i32
      %add3A_734 = arith.addi %add3A_732, %add3A_733 : i32
      %sub3A = arith.constant 1 : i32
      %sub3A_735 = arith.subi %add3A_734, %sub3A : i32
      %mul3A_736 = arith.constant 80 : i32
      %mul3A_737 = arith.muli %sub3A_735, %mul3A_736 : i32
      %dma_start3A_738 = tpu.memref_slice %arg7[%mul3A_737] : memref<20000xi32, #tpu.memory_space<vmem>> -> memref<80xi32, #tpu.memory_space<vmem>>
      %dma_start3A_739 = arith.constant 0 : i32
      %dma_start3A_740 = arith.constant 0 : i32
      %dma_start3A_741 = tpu.memref_slice %arg2[%arg0, %dma_start3A_739, %dma_start3A_740] : memref<2x10000x64xf32, #tpu.memory_space<hbm>> -> memref<1x10000x64xf32, #tpu.memory_space<hbm>>
      %dma_start3A_742 = tpu.memref_squeeze %dma_start3A_741 : memref<1x10000x64xf32, #tpu.memory_space<hbm>> -> memref<10000x64xf32, #tpu.memory_space<hbm>>
      %dma_start3A_743 = arith.constant 0 : i32
      %dma_start3A_744 = arith.constant 0 : i32
      %dma_start3A_745 = tpu.memref_slice %dma_start3A_742[%dma_start3A_743, %dma_start3A_744] : memref<10000x64xf32, #tpu.memory_space<hbm>> -> memref<10000x64xf32, #tpu.memory_space<hbm>>
      tpu.enqueue_indirect_dma source(%dma_start3A_745 : memref<10000x64xf32, #tpu.memory_space<hbm>>) target(%arg13 : memref<80x64xf32, #tpu.memory_space<vmem>>) offsets(%dma_start3A_738 : memref<80xi32, #tpu.memory_space<vmem>>) semaphore(%arg19 : memref<!tpu.dma_semaphore, #tpu.memory_space<semaphore_mem>>)
      %add3A_746 = arith.constant 1 : i32
      %add3A_747 = arith.addi %mul3A_717, %add3A_746 : i32
      %mul3A_748 = arith.constant 80 : i32
      %mul3A_749 = arith.muli %add3A_747, %mul3A_748 : i32
      %dma_wait3A_750 = tpu.memref_slice %arg7[%mul3A_749] : memref<20000xi32, #tpu.memory_space<vmem>> -> memref<80xi32, #tpu.memory_space<vmem>>
      %dma_wait3A_751 = arith.constant 0 : i32
      %dma_wait3A_752 = arith.constant 0 : i32
      %dma_wait3A_753 = tpu.memref_slice %arg2[%arg0, %dma_wait3A_751, %dma_wait3A_752] : memref<2x10000x64xf32, #tpu.memory_space<hbm>> -> memref<1x10000x64xf32, #tpu.memory_space<hbm>>
      %dma_wait3A_754 = tpu.memref_squeeze %dma_wait3A_753 : memref<1x10000x64xf32, #tpu.memory_space<hbm>> -> memref<10000x64xf32, #tpu.memory_space<hbm>>
      %dma_wait3A_755 = arith.constant 0 : i32
      %dma_wait3A_756 = arith.constant 0 : i32
      %dma_wait3A_757 = tpu.memref_slice %dma_wait3A_754[%dma_wait3A_755, %dma_wait3A_756] : memref<10000x64xf32, #tpu.memory_space<hbm>> -> memref<10000x64xf32, #tpu.memory_space<hbm>>
      tpu.wait_indirect_dma semaphore(%arg16 : memref<!tpu.dma_semaphore, #tpu.memory_space<semaphore_mem>>) src(%dma_wait3A_757 : memref<10000x64xf32, #tpu.memory_space<hbm>>) dst(%arg10 : memref<80x64xf32, #tpu.memory_space<vmem>>)
      %mul3A_758 = arith.constant 80 : i32
      %mul3A_759 = arith.muli %add3A_747, %mul3A_758 : i32
      "tpu.region"() ({
        %run_scoped3A = tpu.sem_alloc : memref<!tpu.dma_semaphore, #tpu.memory_space<semaphore_mem>>
        %dma_start3A_866 = tpu.memref_slice %arg8[%mul3A_759] : memref<20000xi32, #tpu.memory_space<vmem>> -> memref<80xi32, #tpu.memory_space<vmem>>
        %dma_start3A_867 = arith.constant 0 : i32
        %dma_start3A_868 = arith.constant 0 : i32
        %dma_start3A_869 = tpu.memref_slice %arg6[%dma_start3A_867, %dma_start3A_868] : memref<10000x64xf32, #tpu.memory_space<vmem_shared>> -> memref<10000x64xf32, #tpu.memory_space<vmem_shared>>
        tpu.enqueue_indirect_dma source(%arg10 : memref<80x64xf32, #tpu.memory_space<vmem>>) target(%dma_start3A_869 : memref<10000x64xf32, #tpu.memory_space<vmem_shared>>) offsets(%dma_start3A_866 : memref<80xi32, #tpu.memory_space<vmem>>) semaphore(%run_scoped3A : memref<!tpu.dma_semaphore, #tpu.memory_space<semaphore_mem>>) {add = true}
        %dma_wait3A_870 = tpu.memref_slice %arg8[%mul3A_759] : memref<20000xi32, #tpu.memory_space<vmem>> -> memref<80xi32, #tpu.memory_space<vmem>>
        %dma_wait3A_871 = arith.constant 0 : i32
        %dma_wait3A_872 = arith.constant 0 : i32
        %dma_wait3A_873 = tpu.memref_slice %arg6[%dma_wait3A_871, %dma_wait3A_872] : memref<10000x64xf32, #tpu.memory_space<vmem_shared>> -> memref<10000x64xf32, #tpu.memory_space<vmem_shared>>
        tpu.wait_indirect_dma semaphore(%run_scoped3A : memref<!tpu.dma_semaphore, #tpu.memory_space<semaphore_mem>>) src(%arg10 : memref<80x64xf32, #tpu.memory_space<vmem>>) dst(%dma_wait3A_873 : memref<10000x64xf32, #tpu.memory_space<vmem_shared>>)
        tpu.yield
      }) : () -> ()
      %add3A_760 = arith.constant 1 : i32
      %add3A_761 = arith.addi %mul3A_717, %add3A_760 : i32
      %add3A_762 = arith.constant 5 : i32
      %add3A_763 = arith.addi %add3A_761, %add3A_762 : i32
      %sub3A_764 = arith.constant 1 : i32
      %sub3A_765 = arith.subi %add3A_763, %sub3A_764 : i32
      %mul3A_766 = arith.constant 80 : i32
      %mul3A_767 = arith.muli %sub3A_765, %mul3A_766 : i32
      %dma_start3A_768 = tpu.memref_slice %arg7[%mul3A_767] : memref<20000xi32, #tpu.memory_space<vmem>> -> memref<80xi32, #tpu.memory_space<vmem>>
      %dma_start3A_769 = arith.constant 0 : i32
      %dma_start3A_770 = arith.constant 0 : i32
      %dma_start3A_771 = tpu.memref_slice %arg2[%arg0, %dma_start3A_769, %dma_start3A_770] : memref<2x10000x64xf32, #tpu.memory_space<hbm>> -> memref<1x10000x64xf32, #tpu.memory_space<hbm>>
      %dma_start3A_772 = tpu.memref_squeeze %dma_start3A_771 : memref<1x10000x64xf32, #tpu.memory_space<hbm>> -> memref<10000x64xf32, #tpu.memory_space<hbm>>
      %dma_start3A_773 = arith.constant 0 : i32
      %dma_start3A_774 = arith.constant 0 : i32
      %dma_start3A_775 = tpu.memref_slice %dma_start3A_772[%dma_start3A_773, %dma_start3A_774] : memref<10000x64xf32, #tpu.memory_space<hbm>> -> memref<10000x64xf32, #tpu.memory_space<hbm>>
      tpu.enqueue_indirect_dma source(%dma_start3A_775 : memref<10000x64xf32, #tpu.memory_space<hbm>>) target(%arg9 : memref<80x64xf32, #tpu.memory_space<vmem>>) offsets(%dma_start3A_768 : memref<80xi32, #tpu.memory_space<vmem>>) semaphore(%arg15 : memref<!tpu.dma_semaphore, #tpu.memory_space<semaphore_mem>>)
      %add3A_776 = arith.constant 2 : i32
      %add3A_777 = arith.addi %mul3A_717, %add3A_776 : i32
      %mul3A_778 = arith.constant 80 : i32
      %mul3A_779 = arith.muli %add3A_777, %mul3A_778 : i32
      %dma_wait3A_780 = tpu.memref_slice %arg7[%mul3A_779] : memref<20000xi32, #tpu.memory_space<vmem>> -> memref<80xi32, #tpu.memory_space<vmem>>
      %dma_wait3A_781 = arith.constant 0 : i32
      %dma_wait3A_782 = arith.constant 0 : i32
      %dma_wait3A_783 = tpu.memref_slice %arg2[%arg0, %dma_wait3A_781, %dma_wait3A_782] : memref<2x10000x64xf32, #tpu.memory_space<hbm>> -> memref<1x10000x64xf32, #tpu.memory_space<hbm>>
      %dma_wait3A_784 = tpu.memref_squeeze %dma_wait3A_783 : memref<1x10000x64xf32, #tpu.memory_space<hbm>> -> memref<10000x64xf32, #tpu.memory_space<hbm>>
      %dma_wait3A_785 = arith.constant 0 : i32
      %dma_wait3A_786 = arith.constant 0 : i32
      %dma_wait3A_787 = tpu.memref_slice %dma_wait3A_784[%dma_wait3A_785, %dma_wait3A_786] : memref<10000x64xf32, #tpu.memory_space<hbm>> -> memref<10000x64xf32, #tpu.memory_space<hbm>>
      tpu.wait_indirect_dma semaphore(%arg17 : memref<!tpu.dma_semaphore, #tpu.memory_space<semaphore_mem>>) src(%dma_wait3A_787 : memref<10000x64xf32, #tpu.memory_space<hbm>>) dst(%arg11 : memref<80x64xf32, #tpu.memory_space<vmem>>)
      %mul3A_788 = arith.constant 80 : i32
      %mul3A_789 = arith.muli %add3A_777, %mul3A_788 : i32
      "tpu.region"() ({
        %run_scoped3A = tpu.sem_alloc : memref<!tpu.dma_semaphore, #tpu.memory_space<semaphore_mem>>
        %dma_start3A_866 = tpu.memref_slice %arg8[%mul3A_789] : memref<20000xi32, #tpu.memory_space<vmem>> -> memref<80xi32, #tpu.memory_space<vmem>>
        %dma_start3A_867 = arith.constant 0 : i32
        %dma_start3A_868 = arith.constant 0 : i32
        %dma_start3A_869 = tpu.memref_slice %arg6[%dma_start3A_867, %dma_start3A_868] : memref<10000x64xf32, #tpu.memory_space<vmem_shared>> -> memref<10000x64xf32, #tpu.memory_space<vmem_shared>>
        tpu.enqueue_indirect_dma source(%arg11 : memref<80x64xf32, #tpu.memory_space<vmem>>) target(%dma_start3A_869 : memref<10000x64xf32, #tpu.memory_space<vmem_shared>>) offsets(%dma_start3A_866 : memref<80xi32, #tpu.memory_space<vmem>>) semaphore(%run_scoped3A : memref<!tpu.dma_semaphore, #tpu.memory_space<semaphore_mem>>) {add = true}
        %dma_wait3A_870 = tpu.memref_slice %arg8[%mul3A_789] : memref<20000xi32, #tpu.memory_space<vmem>> -> memref<80xi32, #tpu.memory_space<vmem>>
        %dma_wait3A_871 = arith.constant 0 : i32
        %dma_wait3A_872 = arith.constant 0 : i32
        %dma_wait3A_873 = tpu.memref_slice %arg6[%dma_wait3A_871, %dma_wait3A_872] : memref<10000x64xf32, #tpu.memory_space<vmem_shared>> -> memref<10000x64xf32, #tpu.memory_space<vmem_shared>>
        tpu.wait_indirect_dma semaphore(%run_scoped3A : memref<!tpu.dma_semaphore, #tpu.memory_space<semaphore_mem>>) src(%arg11 : memref<80x64xf32, #tpu.memory_space<vmem>>) dst(%dma_wait3A_873 : memref<10000x64xf32, #tpu.memory_space<vmem_shared>>)
        tpu.yield
      }) : () -> ()
      %add3A_790 = arith.constant 2 : i32
      %add3A_791 = arith.addi %mul3A_717, %add3A_790 : i32
      %add3A_792 = arith.constant 5 : i32
      %add3A_793 = arith.addi %add3A_791, %add3A_792 : i32
      %sub3A_794 = arith.constant 1 : i32
      %sub3A_795 = arith.subi %add3A_793, %sub3A_794 : i32
      %mul3A_796 = arith.constant 80 : i32
      %mul3A_797 = arith.muli %sub3A_795, %mul3A_796 : i32
      %dma_start3A_798 = tpu.memref_slice %arg7[%mul3A_797] : memref<20000xi32, #tpu.memory_space<vmem>> -> memref<80xi32, #tpu.memory_space<vmem>>
      %dma_start3A_799 = arith.constant 0 : i32
      %dma_start3A_800 = arith.constant 0 : i32
      %dma_start3A_801 = tpu.memref_slice %arg2[%arg0, %dma_start3A_799, %dma_start3A_800] : memref<2x10000x64xf32, #tpu.memory_space<hbm>> -> memref<1x10000x64xf32, #tpu.memory_space<hbm>>
      %dma_start3A_802 = tpu.memref_squeeze %dma_start3A_801 : memref<1x10000x64xf32, #tpu.memory_space<hbm>> -> memref<10000x64xf32, #tpu.memory_space<hbm>>
      %dma_start3A_803 = arith.constant 0 : i32
      %dma_start3A_804 = arith.constant 0 : i32
      %dma_start3A_805 = tpu.memref_slice %dma_start3A_802[%dma_start3A_803, %dma_start3A_804] : memref<10000x64xf32, #tpu.memory_space<hbm>> -> memref<10000x64xf32, #tpu.memory_space<hbm>>
      tpu.enqueue_indirect_dma source(%dma_start3A_805 : memref<10000x64xf32, #tpu.memory_space<hbm>>) target(%arg10 : memref<80x64xf32, #tpu.memory_space<vmem>>) offsets(%dma_start3A_798 : memref<80xi32, #tpu.memory_space<vmem>>) semaphore(%arg16 : memref<!tpu.dma_semaphore, #tpu.memory_space<semaphore_mem>>)
      %add3A_806 = arith.constant 3 : i32
      %add3A_807 = arith.addi %mul3A_717, %add3A_806 : i32
      %mul3A_808 = arith.constant 80 : i32
      %mul3A_809 = arith.muli %add3A_807, %mul3A_808 : i32
      %dma_wait3A_810 = tpu.memref_slice %arg7[%mul3A_809] : memref<20000xi32, #tpu.memory_space<vmem>> -> memref<80xi32, #tpu.memory_space<vmem>>
      %dma_wait3A_811 = arith.constant 0 : i32
      %dma_wait3A_812 = arith.constant 0 : i32
      %dma_wait3A_813 = tpu.memref_slice %arg2[%arg0, %dma_wait3A_811, %dma_wait3A_812] : memref<2x10000x64xf32, #tpu.memory_space<hbm>> -> memref<1x10000x64xf32, #tpu.memory_space<hbm>>
      %dma_wait3A_814 = tpu.memref_squeeze %dma_wait3A_813 : memref<1x10000x64xf32, #tpu.memory_space<hbm>> -> memref<10000x64xf32, #tpu.memory_space<hbm>>
      %dma_wait3A_815 = arith.constant 0 : i32
      %dma_wait3A_816 = arith.constant 0 : i32
      %dma_wait3A_817 = tpu.memref_slice %dma_wait3A_814[%dma_wait3A_815, %dma_wait3A_816] : memref<10000x64xf32, #tpu.memory_space<hbm>> -> memref<10000x64xf32, #tpu.memory_space<hbm>>
      tpu.wait_indirect_dma semaphore(%arg18 : memref<!tpu.dma_semaphore, #tpu.memory_space<semaphore_mem>>) src(%dma_wait3A_817 : memref<10000x64xf32, #tpu.memory_space<hbm>>) dst(%arg12 : memref<80x64xf32, #tpu.memory_space<vmem>>)
      %mul3A_818 = arith.constant 80 : i32
      %mul3A_819 = arith.muli %add3A_807, %mul3A_818 : i32
      "tpu.region"() ({
        %run_scoped3A = tpu.sem_alloc : memref<!tpu.dma_semaphore, #tpu.memory_space<semaphore_mem>>
        %dma_start3A_866 = tpu.memref_slice %arg8[%mul3A_819] : memref<20000xi32, #tpu.memory_space<vmem>> -> memref<80xi32, #tpu.memory_space<vmem>>
        %dma_start3A_867 = arith.constant 0 : i32
        %dma_start3A_868 = arith.constant 0 : i32
        %dma_start3A_869 = tpu.memref_slice %arg6[%dma_start3A_867, %dma_start3A_868] : memref<10000x64xf32, #tpu.memory_space<vmem_shared>> -> memref<10000x64xf32, #tpu.memory_space<vmem_shared>>
        tpu.enqueue_indirect_dma source(%arg12 : memref<80x64xf32, #tpu.memory_space<vmem>>) target(%dma_start3A_869 : memref<10000x64xf32, #tpu.memory_space<vmem_shared>>) offsets(%dma_start3A_866 : memref<80xi32, #tpu.memory_space<vmem>>) semaphore(%run_scoped3A : memref<!tpu.dma_semaphore, #tpu.memory_space<semaphore_mem>>) {add = true}
        %dma_wait3A_870 = tpu.memref_slice %arg8[%mul3A_819] : memref<20000xi32, #tpu.memory_space<vmem>> -> memref<80xi32, #tpu.memory_space<vmem>>
        %dma_wait3A_871 = arith.constant 0 : i32
        %dma_wait3A_872 = arith.constant 0 : i32
        %dma_wait3A_873 = tpu.memref_slice %arg6[%dma_wait3A_871, %dma_wait3A_872] : memref<10000x64xf32, #tpu.memory_space<vmem_shared>> -> memref<10000x64xf32, #tpu.memory_space<vmem_shared>>
        tpu.wait_indirect_dma semaphore(%run_scoped3A : memref<!tpu.dma_semaphore, #tpu.memory_space<semaphore_mem>>) src(%arg12 : memref<80x64xf32, #tpu.memory_space<vmem>>) dst(%dma_wait3A_873 : memref<10000x64xf32, #tpu.memory_space<vmem_shared>>)
        tpu.yield
      }) : () -> ()
      %add3A_820 = arith.constant 3 : i32
      %add3A_821 = arith.addi %mul3A_717, %add3A_820 : i32
      %add3A_822 = arith.constant 5 : i32
      %add3A_823 = arith.addi %add3A_821, %add3A_822 : i32
      %sub3A_824 = arith.constant 1 : i32
      %sub3A_825 = arith.subi %add3A_823, %sub3A_824 : i32
      %mul3A_826 = arith.constant 80 : i32
      %mul3A_827 = arith.muli %sub3A_825, %mul3A_826 : i32
      %dma_start3A_828 = tpu.memref_slice %arg7[%mul3A_827] : memref<20000xi32, #tpu.memory_space<vmem>> -> memref<80xi32, #tpu.memory_space<vmem>>
      %dma_start3A_829 = arith.constant 0 : i32
      %dma_start3A_830 = arith.constant 0 : i32
      %dma_start3A_831 = tpu.memref_slice %arg2[%arg0, %dma_start3A_829, %dma_start3A_830] : memref<2x10000x64xf32, #tpu.memory_space<hbm>> -> memref<1x10000x64xf32, #tpu.memory_space<hbm>>
      %dma_start3A_832 = tpu.memref_squeeze %dma_start3A_831 : memref<1x10000x64xf32, #tpu.memory_space<hbm>> -> memref<10000x64xf32, #tpu.memory_space<hbm>>
      %dma_start3A_833 = arith.constant 0 : i32
      %dma_start3A_834 = arith.constant 0 : i32
      %dma_start3A_835 = tpu.memref_slice %dma_start3A_832[%dma_start3A_833, %dma_start3A_834] : memref<10000x64xf32, #tpu.memory_space<hbm>> -> memref<10000x64xf32, #tpu.memory_space<hbm>>
      tpu.enqueue_indirect_dma source(%dma_start3A_835 : memref<10000x64xf32, #tpu.memory_space<hbm>>) target(%arg11 : memref<80x64xf32, #tpu.memory_space<vmem>>) offsets(%dma_start3A_828 : memref<80xi32, #tpu.memory_space<vmem>>) semaphore(%arg17 : memref<!tpu.dma_semaphore, #tpu.memory_space<semaphore_mem>>)
      %add3A_836 = arith.constant 4 : i32
      %add3A_837 = arith.addi %mul3A_717, %add3A_836 : i32
      %mul3A_838 = arith.constant 80 : i32
      %mul3A_839 = arith.muli %add3A_837, %mul3A_838 : i32
      %dma_wait3A_840 = tpu.memref_slice %arg7[%mul3A_839] : memref<20000xi32, #tpu.memory_space<vmem>> -> memref<80xi32, #tpu.memory_space<vmem>>
      %dma_wait3A_841 = arith.constant 0 : i32
      %dma_wait3A_842 = arith.constant 0 : i32
      %dma_wait3A_843 = tpu.memref_slice %arg2[%arg0, %dma_wait3A_841, %dma_wait3A_842] : memref<2x10000x64xf32, #tpu.memory_space<hbm>> -> memref<1x10000x64xf32, #tpu.memory_space<hbm>>
      %dma_wait3A_844 = tpu.memref_squeeze %dma_wait3A_843 : memref<1x10000x64xf32, #tpu.memory_space<hbm>> -> memref<10000x64xf32, #tpu.memory_space<hbm>>
      %dma_wait3A_845 = arith.constant 0 : i32
      %dma_wait3A_846 = arith.constant 0 : i32
      %dma_wait3A_847 = tpu.memref_slice %dma_wait3A_844[%dma_wait3A_845, %dma_wait3A_846] : memref<10000x64xf32, #tpu.memory_space<hbm>> -> memref<10000x64xf32, #tpu.memory_space<hbm>>
      tpu.wait_indirect_dma semaphore(%arg19 : memref<!tpu.dma_semaphore, #tpu.memory_space<semaphore_mem>>) src(%dma_wait3A_847 : memref<10000x64xf32, #tpu.memory_space<hbm>>) dst(%arg13 : memref<80x64xf32, #tpu.memory_space<vmem>>)
      %mul3A_848 = arith.constant 80 : i32
      %mul3A_849 = arith.muli %add3A_837, %mul3A_848 : i32
      "tpu.region"() ({
        %run_scoped3A = tpu.sem_alloc : memref<!tpu.dma_semaphore, #tpu.memory_space<semaphore_mem>>
        %dma_start3A_866 = tpu.memref_slice %arg8[%mul3A_849] : memref<20000xi32, #tpu.memory_space<vmem>> -> memref<80xi32, #tpu.memory_space<vmem>>
        %dma_start3A_867 = arith.constant 0 : i32
        %dma_start3A_868 = arith.constant 0 : i32
        %dma_start3A_869 = tpu.memref_slice %arg6[%dma_start3A_867, %dma_start3A_868] : memref<10000x64xf32, #tpu.memory_space<vmem_shared>> -> memref<10000x64xf32, #tpu.memory_space<vmem_shared>>
        tpu.enqueue_indirect_dma source(%arg13 : memref<80x64xf32, #tpu.memory_space<vmem>>) target(%dma_start3A_869 : memref<10000x64xf32, #tpu.memory_space<vmem_shared>>) offsets(%dma_start3A_866 : memref<80xi32, #tpu.memory_space<vmem>>) semaphore(%run_scoped3A : memref<!tpu.dma_semaphore, #tpu.memory_space<semaphore_mem>>) {add = true}
        %dma_wait3A_870 = tpu.memref_slice %arg8[%mul3A_849] : memref<20000xi32, #tpu.memory_space<vmem>> -> memref<80xi32, #tpu.memory_space<vmem>>
        %dma_wait3A_871 = arith.constant 0 : i32
        %dma_wait3A_872 = arith.constant 0 : i32
        %dma_wait3A_873 = tpu.memref_slice %arg6[%dma_wait3A_871, %dma_wait3A_872] : memref<10000x64xf32, #tpu.memory_space<vmem_shared>> -> memref<10000x64xf32, #tpu.memory_space<vmem_shared>>
        tpu.wait_indirect_dma semaphore(%run_scoped3A : memref<!tpu.dma_semaphore, #tpu.memory_space<semaphore_mem>>) src(%arg13 : memref<80x64xf32, #tpu.memory_space<vmem>>) dst(%dma_wait3A_873 : memref<10000x64xf32, #tpu.memory_space<vmem_shared>>)
        tpu.yield
      }) : () -> ()
      %add3A_850 = arith.constant 4 : i32
      %add3A_851 = arith.addi %mul3A_717, %add3A_850 : i32
      %add3A_852 = arith.constant 5 : i32
      %add3A_853 = arith.addi %add3A_851, %add3A_852 : i32
      %sub3A_854 = arith.constant 1 : i32
      %sub3A_855 = arith.subi %add3A_853, %sub3A_854 : i32
      %mul3A_856 = arith.constant 80 : i32
      %mul3A_857 = arith.muli %sub3A_855, %mul3A_856 : i32
      %dma_start3A_858 = tpu.memref_slice %arg7[%mul3A_857] : memref<20000xi32, #tpu.memory_space<vmem>> -> memref<80xi32, #tpu.memory_space<vmem>>
      %dma_start3A_859 = arith.constant 0 : i32
      %dma_start3A_860 = arith.constant 0 : i32
      %dma_start3A_861 = tpu.memref_slice %arg2[%arg0, %dma_start3A_859, %dma_start3A_860] : memref<2x10000x64xf32, #tpu.memory_space<hbm>> -> memref<1x10000x64xf32, #tpu.memory_space<hbm>>
      %dma_start3A_862 = tpu.memref_squeeze %dma_start3A_861 : memref<1x10000x64xf32, #tpu.memory_space<hbm>> -> memref<10000x64xf32, #tpu.memory_space<hbm>>
      %dma_start3A_863 = arith.constant 0 : i32
      %dma_start3A_864 = arith.constant 0 : i32
      %dma_start3A_865 = tpu.memref_slice %dma_start3A_862[%dma_start3A_863, %dma_start3A_864] : memref<10000x64xf32, #tpu.memory_space<hbm>> -> memref<10000x64xf32, #tpu.memory_space<hbm>>
      tpu.enqueue_indirect_dma source(%dma_start3A_865 : memref<10000x64xf32, #tpu.memory_space<hbm>>) target(%arg12 : memref<80x64xf32, #tpu.memory_space<vmem>>) offsets(%dma_start3A_858 : memref<80xi32, #tpu.memory_space<vmem>>) semaphore(%arg18 : memref<!tpu.dma_semaphore, #tpu.memory_space<semaphore_mem>>)
    }
    %scan3A_657 = arith.constant 49 : i32
    %dma_wait3A_658 = arith.constant 19600 : i32
    %dma_wait3A_659 = tpu.memref_slice %arg7[%dma_wait3A_658] : memref<20000xi32, #tpu.memory_space<vmem>> -> memref<80xi32, #tpu.memory_space<vmem>>
    %dma_wait3A_660 = arith.constant 0 : i32
    %dma_wait3A_661 = arith.constant 0 : i32
    %dma_wait3A_662 = tpu.memref_slice %arg2[%arg0, %dma_wait3A_660, %dma_wait3A_661] : memref<2x10000x64xf32, #tpu.memory_space<hbm>> -> memref<1x10000x64xf32, #tpu.memory_space<hbm>>
    %dma_wait3A_663 = tpu.memref_squeeze %dma_wait3A_662 : memref<1x10000x64xf32, #tpu.memory_space<hbm>> -> memref<10000x64xf32, #tpu.memory_space<hbm>>
    %dma_wait3A_664 = arith.constant 0 : i32
    %dma_wait3A_665 = arith.constant 0 : i32
    %dma_wait3A_666 = tpu.memref_slice %dma_wait3A_663[%dma_wait3A_664, %dma_wait3A_665] : memref<10000x64xf32, #tpu.memory_space<hbm>> -> memref<10000x64xf32, #tpu.memory_space<hbm>>
    tpu.wait_indirect_dma semaphore(%arg15 : memref<!tpu.dma_semaphore, #tpu.memory_space<semaphore_mem>>) src(%dma_wait3A_666 : memref<10000x64xf32, #tpu.memory_space<hbm>>) dst(%arg9 : memref<80x64xf32, #tpu.memory_space<vmem>>)
    "tpu.region"() ({
      %run_scoped3A = tpu.sem_alloc : memref<!tpu.dma_semaphore, #tpu.memory_space<semaphore_mem>>
      %dma_start3A_715 = arith.constant 19600 : i32
      %dma_start3A_716 = tpu.memref_slice %arg8[%dma_start3A_715] : memref<20000xi32, #tpu.memory_space<vmem>> -> memref<80xi32, #tpu.memory_space<vmem>>
      %dma_start3A_717 = arith.constant 0 : i32
      %dma_start3A_718 = arith.constant 0 : i32
      %dma_start3A_719 = tpu.memref_slice %arg6[%dma_start3A_717, %dma_start3A_718] : memref<10000x64xf32, #tpu.memory_space<vmem_shared>> -> memref<10000x64xf32, #tpu.memory_space<vmem_shared>>
      tpu.enqueue_indirect_dma source(%arg9 : memref<80x64xf32, #tpu.memory_space<vmem>>) target(%dma_start3A_719 : memref<10000x64xf32, #tpu.memory_space<vmem_shared>>) offsets(%dma_start3A_716 : memref<80xi32, #tpu.memory_space<vmem>>) semaphore(%run_scoped3A : memref<!tpu.dma_semaphore, #tpu.memory_space<semaphore_mem>>) {add = true}
      %dma_wait3A_720 = arith.constant 19600 : i32
      %dma_wait3A_721 = tpu.memref_slice %arg8[%dma_wait3A_720] : memref<20000xi32, #tpu.memory_space<vmem>> -> memref<80xi32, #tpu.memory_space<vmem>>
      %dma_wait3A_722 = arith.constant 0 : i32
      %dma_wait3A_723 = arith.constant 0 : i32
      %dma_wait3A_724 = tpu.memref_slice %arg6[%dma_wait3A_722, %dma_wait3A_723] : memref<10000x64xf32, #tpu.memory_space<vmem_shared>> -> memref<10000x64xf32, #tpu.memory_space<vmem_shared>>
      tpu.wait_indirect_dma semaphore(%run_scoped3A : memref<!tpu.dma_semaphore, #tpu.memory_space<semaphore_mem>>) src(%arg9 : memref<80x64xf32, #tpu.memory_space<vmem>>) dst(%dma_wait3A_724 : memref<10000x64xf32, #tpu.memory_space<vmem_shared>>)
      tpu.yield
    }) : () -> ()
    %dma_start3A_667 = arith.constant 19920 : i32
    %dma_start3A_668 = tpu.memref_slice %arg7[%dma_start3A_667] : memref<20000xi32, #tpu.memory_space<vmem>> -> memref<80xi32, #tpu.memory_space<vmem>>
    %dma_start3A_669 = arith.constant 0 : i32
    %dma_start3A_670 = arith.constant 0 : i32
    %dma_start3A_671 = tpu.memref_slice %arg2[%arg0, %dma_start3A_669, %dma_start3A_670] : memref<2x10000x64xf32, #tpu.memory_space<hbm>> -> memref<1x10000x64xf32, #tpu.memory_space<hbm>>
    %dma_start3A_672 = tpu.memref_squeeze %dma_start3A_671 : memref<1x10000x64xf32, #tpu.memory_space<hbm>> -> memref<10000x64xf32, #tpu.memory_space<hbm>>
    %dma_start3A_673 = arith.constant 0 : i32
    %dma_start3A_674 = arith.constant 0 : i32
    %dma_start3A_675 = tpu.memref_slice %dma_start3A_672[%dma_start3A_673, %dma_start3A_674] : memref<10000x64xf32, #tpu.memory_space<hbm>> -> memref<10000x64xf32, #tpu.memory_space<hbm>>
    tpu.enqueue_indirect_dma source(%dma_start3A_675 : memref<10000x64xf32, #tpu.memory_space<hbm>>) target(%arg13 : memref<80x64xf32, #tpu.memory_space<vmem>>) offsets(%dma_start3A_668 : memref<80xi32, #tpu.memory_space<vmem>>) semaphore(%arg19 : memref<!tpu.dma_semaphore, #tpu.memory_space<semaphore_mem>>)
    %dma_wait3A_676 = arith.constant 19680 : i32
    %dma_wait3A_677 = tpu.memref_slice %arg7[%dma_wait3A_676] : memref<20000xi32, #tpu.memory_space<vmem>> -> memref<80xi32, #tpu.memory_space<vmem>>
    %dma_wait3A_678 = arith.constant 0 : i32
    %dma_wait3A_679 = arith.constant 0 : i32
    %dma_wait3A_680 = tpu.memref_slice %arg2[%arg0, %dma_wait3A_678, %dma_wait3A_679] : memref<2x10000x64xf32, #tpu.memory_space<hbm>> -> memref<1x10000x64xf32, #tpu.memory_space<hbm>>
    %dma_wait3A_681 = tpu.memref_squeeze %dma_wait3A_680 : memref<1x10000x64xf32, #tpu.memory_space<hbm>> -> memref<10000x64xf32, #tpu.memory_space<hbm>>
    %dma_wait3A_682 = arith.constant 0 : i32
    %dma_wait3A_683 = arith.constant 0 : i32
    %dma_wait3A_684 = tpu.memref_slice %dma_wait3A_681[%dma_wait3A_682, %dma_wait3A_683] : memref<10000x64xf32, #tpu.memory_space<hbm>> -> memref<10000x64xf32, #tpu.memory_space<hbm>>
    tpu.wait_indirect_dma semaphore(%arg16 : memref<!tpu.dma_semaphore, #tpu.memory_space<semaphore_mem>>) src(%dma_wait3A_684 : memref<10000x64xf32, #tpu.memory_space<hbm>>) dst(%arg10 : memref<80x64xf32, #tpu.memory_space<vmem>>)
    "tpu.region"() ({
      %run_scoped3A = tpu.sem_alloc : memref<!tpu.dma_semaphore, #tpu.memory_space<semaphore_mem>>
      %dma_start3A_715 = arith.constant 19680 : i32
      %dma_start3A_716 = tpu.memref_slice %arg8[%dma_start3A_715] : memref<20000xi32, #tpu.memory_space<vmem>> -> memref<80xi32, #tpu.memory_space<vmem>>
      %dma_start3A_717 = arith.constant 0 : i32
      %dma_start3A_718 = arith.constant 0 : i32
      %dma_start3A_719 = tpu.memref_slice %arg6[%dma_start3A_717, %dma_start3A_718] : memref<10000x64xf32, #tpu.memory_space<vmem_shared>> -> memref<10000x64xf32, #tpu.memory_space<vmem_shared>>
      tpu.enqueue_indirect_dma source(%arg10 : memref<80x64xf32, #tpu.memory_space<vmem>>) target(%dma_start3A_719 : memref<10000x64xf32, #tpu.memory_space<vmem_shared>>) offsets(%dma_start3A_716 : memref<80xi32, #tpu.memory_space<vmem>>) semaphore(%run_scoped3A : memref<!tpu.dma_semaphore, #tpu.memory_space<semaphore_mem>>) {add = true}
      %dma_wait3A_720 = arith.constant 19680 : i32
      %dma_wait3A_721 = tpu.memref_slice %arg8[%dma_wait3A_720] : memref<20000xi32, #tpu.memory_space<vmem>> -> memref<80xi32, #tpu.memory_space<vmem>>
      %dma_wait3A_722 = arith.constant 0 : i32
      %dma_wait3A_723 = arith.constant 0 : i32
      %dma_wait3A_724 = tpu.memref_slice %arg6[%dma_wait3A_722, %dma_wait3A_723] : memref<10000x64xf32, #tpu.memory_space<vmem_shared>> -> memref<10000x64xf32, #tpu.memory_space<vmem_shared>>
      tpu.wait_indirect_dma semaphore(%run_scoped3A : memref<!tpu.dma_semaphore, #tpu.memory_space<semaphore_mem>>) src(%arg10 : memref<80x64xf32, #tpu.memory_space<vmem>>) dst(%dma_wait3A_724 : memref<10000x64xf32, #tpu.memory_space<vmem_shared>>)
      tpu.yield
    }) : () -> ()
    %dma_wait3A_685 = arith.constant 19760 : i32
    %dma_wait3A_686 = tpu.memref_slice %arg7[%dma_wait3A_685] : memref<20000xi32, #tpu.memory_space<vmem>> -> memref<80xi32, #tpu.memory_space<vmem>>
    %dma_wait3A_687 = arith.constant 0 : i32
    %dma_wait3A_688 = arith.constant 0 : i32
    %dma_wait3A_689 = tpu.memref_slice %arg2[%arg0, %dma_wait3A_687, %dma_wait3A_688] : memref<2x10000x64xf32, #tpu.memory_space<hbm>> -> memref<1x10000x64xf32, #tpu.memory_space<hbm>>
    %dma_wait3A_690 = tpu.memref_squeeze %dma_wait3A_689 : memref<1x10000x64xf32, #tpu.memory_space<hbm>> -> memref<10000x64xf32, #tpu.memory_space<hbm>>
    %dma_wait3A_691 = arith.constant 0 : i32
    %dma_wait3A_692 = arith.constant 0 : i32
    %dma_wait3A_693 = tpu.memref_slice %dma_wait3A_690[%dma_wait3A_691, %dma_wait3A_692] : memref<10000x64xf32, #tpu.memory_space<hbm>> -> memref<10000x64xf32, #tpu.memory_space<hbm>>
    tpu.wait_indirect_dma semaphore(%arg17 : memref<!tpu.dma_semaphore, #tpu.memory_space<semaphore_mem>>) src(%dma_wait3A_693 : memref<10000x64xf32, #tpu.memory_space<hbm>>) dst(%arg11 : memref<80x64xf32, #tpu.memory_space<vmem>>)
    "tpu.region"() ({
      %run_scoped3A = tpu.sem_alloc : memref<!tpu.dma_semaphore, #tpu.memory_space<semaphore_mem>>
      %dma_start3A_715 = arith.constant 19760 : i32
      %dma_start3A_716 = tpu.memref_slice %arg8[%dma_start3A_715] : memref<20000xi32, #tpu.memory_space<vmem>> -> memref<80xi32, #tpu.memory_space<vmem>>
      %dma_start3A_717 = arith.constant 0 : i32
      %dma_start3A_718 = arith.constant 0 : i32
      %dma_start3A_719 = tpu.memref_slice %arg6[%dma_start3A_717, %dma_start3A_718] : memref<10000x64xf32, #tpu.memory_space<vmem_shared>> -> memref<10000x64xf32, #tpu.memory_space<vmem_shared>>
      tpu.enqueue_indirect_dma source(%arg11 : memref<80x64xf32, #tpu.memory_space<vmem>>) target(%dma_start3A_719 : memref<10000x64xf32, #tpu.memory_space<vmem_shared>>) offsets(%dma_start3A_716 : memref<80xi32, #tpu.memory_space<vmem>>) semaphore(%run_scoped3A : memref<!tpu.dma_semaphore, #tpu.memory_space<semaphore_mem>>) {add = true}
      %dma_wait3A_720 = arith.constant 19760 : i32
      %dma_wait3A_721 = tpu.memref_slice %arg8[%dma_wait3A_720] : memref<20000xi32, #tpu.memory_space<vmem>> -> memref<80xi32, #tpu.memory_space<vmem>>
      %dma_wait3A_722 = arith.constant 0 : i32
      %dma_wait3A_723 = arith.constant 0 : i32
      %dma_wait3A_724 = tpu.memref_slice %arg6[%dma_wait3A_722, %dma_wait3A_723] : memref<10000x64xf32, #tpu.memory_space<vmem_shared>> -> memref<10000x64xf32, #tpu.memory_space<vmem_shared>>
      tpu.wait_indirect_dma semaphore(%run_scoped3A : memref<!tpu.dma_semaphore, #tpu.memory_space<semaphore_mem>>) src(%arg11 : memref<80x64xf32, #tpu.memory_space<vmem>>) dst(%dma_wait3A_724 : memref<10000x64xf32, #tpu.memory_space<vmem_shared>>)
      tpu.yield
    }) : () -> ()
    %dma_wait3A_694 = arith.constant 19840 : i32
    %dma_wait3A_695 = tpu.memref_slice %arg7[%dma_wait3A_694] : memref<20000xi32, #tpu.memory_space<vmem>> -> memref<80xi32, #tpu.memory_space<vmem>>
    %dma_wait3A_696 = arith.constant 0 : i32
    %dma_wait3A_697 = arith.constant 0 : i32
    %dma_wait3A_698 = tpu.memref_slice %arg2[%arg0, %dma_wait3A_696, %dma_wait3A_697] : memref<2x10000x64xf32, #tpu.memory_space<hbm>> -> memref<1x10000x64xf32, #tpu.memory_space<hbm>>
    %dma_wait3A_699 = tpu.memref_squeeze %dma_wait3A_698 : memref<1x10000x64xf32, #tpu.memory_space<hbm>> -> memref<10000x64xf32, #tpu.memory_space<hbm>>
    %dma_wait3A_700 = arith.constant 0 : i32
    %dma_wait3A_701 = arith.constant 0 : i32
    %dma_wait3A_702 = tpu.memref_slice %dma_wait3A_699[%dma_wait3A_700, %dma_wait3A_701] : memref<10000x64xf32, #tpu.memory_space<hbm>> -> memref<10000x64xf32, #tpu.memory_space<hbm>>
    tpu.wait_indirect_dma semaphore(%arg18 : memref<!tpu.dma_semaphore, #tpu.memory_space<semaphore_mem>>) src(%dma_wait3A_702 : memref<10000x64xf32, #tpu.memory_space<hbm>>) dst(%arg12 : memref<80x64xf32, #tpu.memory_space<vmem>>)
    "tpu.region"() ({
      %run_scoped3A = tpu.sem_alloc : memref<!tpu.dma_semaphore, #tpu.memory_space<semaphore_mem>>
      %dma_start3A_715 = arith.constant 19840 : i32
      %dma_start3A_716 = tpu.memref_slice %arg8[%dma_start3A_715] : memref<20000xi32, #tpu.memory_space<vmem>> -> memref<80xi32, #tpu.memory_space<vmem>>
      %dma_start3A_717 = arith.constant 0 : i32
      %dma_start3A_718 = arith.constant 0 : i32
      %dma_start3A_719 = tpu.memref_slice %arg6[%dma_start3A_717, %dma_start3A_718] : memref<10000x64xf32, #tpu.memory_space<vmem_shared>> -> memref<10000x64xf32, #tpu.memory_space<vmem_shared>>
      tpu.enqueue_indirect_dma source(%arg12 : memref<80x64xf32, #tpu.memory_space<vmem>>) target(%dma_start3A_719 : memref<10000x64xf32, #tpu.memory_space<vmem_shared>>) offsets(%dma_start3A_716 : memref<80xi32, #tpu.memory_space<vmem>>) semaphore(%run_scoped3A : memref<!tpu.dma_semaphore, #tpu.memory_space<semaphore_mem>>) {add = true}
      %dma_wait3A_720 = arith.constant 19840 : i32
      %dma_wait3A_721 = tpu.memref_slice %arg8[%dma_wait3A_720] : memref<20000xi32, #tpu.memory_space<vmem>> -> memref<80xi32, #tpu.memory_space<vmem>>
      %dma_wait3A_722 = arith.constant 0 : i32
      %dma_wait3A_723 = arith.constant 0 : i32
      %dma_wait3A_724 = tpu.memref_slice %arg6[%dma_wait3A_722, %dma_wait3A_723] : memref<10000x64xf32, #tpu.memory_space<vmem_shared>> -> memref<10000x64xf32, #tpu.memory_space<vmem_shared>>
      tpu.wait_indirect_dma semaphore(%run_scoped3A : memref<!tpu.dma_semaphore, #tpu.memory_space<semaphore_mem>>) src(%arg12 : memref<80x64xf32, #tpu.memory_space<vmem>>) dst(%dma_wait3A_724 : memref<10000x64xf32, #tpu.memory_space<vmem_shared>>)
      tpu.yield
    }) : () -> ()
    %dma_wait3A_703 = arith.constant 19920 : i32
    %dma_wait3A_704 = tpu.memref_slice %arg7[%dma_wait3A_703] : memref<20000xi32, #tpu.memory_space<vmem>> -> memref<80xi32, #tpu.memory_space<vmem>>
    %dma_wait3A_705 = arith.constant 0 : i32
    %dma_wait3A_706 = arith.constant 0 : i32
    %dma_wait3A_707 = tpu.memref_slice %arg2[%arg0, %dma_wait3A_705, %dma_wait3A_706] : memref<2x10000x64xf32, #tpu.memory_space<hbm>> -> memref<1x10000x64xf32, #tpu.memory_space<hbm>>
    %dma_wait3A_708 = tpu.memref_squeeze %dma_wait3A_707 : memref<1x10000x64xf32, #tpu.memory_space<hbm>> -> memref<10000x64xf32, #tpu.memory_space<hbm>>
    %dma_wait3A_709 = arith.constant 0 : i32
    %dma_wait3A_710 = arith.constant 0 : i32
    %dma_wait3A_711 = tpu.memref_slice %dma_wait3A_708[%dma_wait3A_709, %dma_wait3A_710] : memref<10000x64xf32, #tpu.memory_space<hbm>> -> memref<10000x64xf32, #tpu.memory_space<hbm>>
    tpu.wait_indirect_dma semaphore(%arg19 : memref<!tpu.dma_semaphore, #tpu.memory_space<semaphore_mem>>) src(%dma_wait3A_711 : memref<10000x64xf32, #tpu.memory_space<hbm>>) dst(%arg13 : memref<80x64xf32, #tpu.memory_space<vmem>>)
    "tpu.region"() ({
      %run_scoped3A = tpu.sem_alloc : memref<!tpu.dma_semaphore, #tpu.memory_space<semaphore_mem>>
      %dma_start3A_715 = arith.constant 19920 : i32
      %dma_start3A_716 = tpu.memref_slice %arg8[%dma_start3A_715] : memref<20000xi32, #tpu.memory_space<vmem>> -> memref<80xi32, #tpu.memory_space<vmem>>
      %dma_start3A_717 = arith.constant 0 : i32
      %dma_start3A_718 = arith.constant 0 : i32
      %dma_start3A_719 = tpu.memref_slice %arg6[%dma_start3A_717, %dma_start3A_718] : memref<10000x64xf32, #tpu.memory_space<vmem_shared>> -> memref<10000x64xf32, #tpu.memory_space<vmem_shared>>
      tpu.enqueue_indirect_dma source(%arg13 : memref<80x64xf32, #tpu.memory_space<vmem>>) target(%dma_start3A_719 : memref<10000x64xf32, #tpu.memory_space<vmem_shared>>) offsets(%dma_start3A_716 : memref<80xi32, #tpu.memory_space<vmem>>) semaphore(%run_scoped3A : memref<!tpu.dma_semaphore, #tpu.memory_space<semaphore_mem>>) {add = true}
      %dma_wait3A_720 = arith.constant 19920 : i32
      %dma_wait3A_721 = tpu.memref_slice %arg8[%dma_wait3A_720] : memref<20000xi32, #tpu.memory_space<vmem>> -> memref<80xi32, #tpu.memory_space<vmem>>
      %dma_wait3A_722 = arith.constant 0 : i32
      %dma_wait3A_723 = arith.constant 0 : i32
      %dma_wait3A_724 = tpu.memref_slice %arg6[%dma_wait3A_722, %dma_wait3A_723] : memref<10000x64xf32, #tpu.memory_space<vmem_shared>> -> memref<10000x64xf32, #tpu.memory_space<vmem_shared>>
      tpu.wait_indirect_dma semaphore(%run_scoped3A : memref<!tpu.dma_semaphore, #tpu.memory_space<semaphore_mem>>) src(%arg13 : memref<80x64xf32, #tpu.memory_space<vmem>>) dst(%dma_wait3A_724 : memref<10000x64xf32, #tpu.memory_space<vmem_shared>>)
      tpu.yield
    }) : () -> ()
    %barrier3A_712 = arith.constant 0 : index
    tpu.barrier barrier_id(%barrier3A_712)
    %mul3A_713 = arith.constant 64 : i32
    %mul3A_714 = arith.muli %arg0, %mul3A_713 : i32
    "tpu.region"() ({
      %run_scoped3A = tpu.sem_alloc : memref<!tpu.dma_semaphore, #tpu.memory_space<semaphore_mem>>
      %dma_start3A_715 = tpu.memref_slice %arg5[%mul3A_607, %mul3A_714] : memref<10000x128xf32, #tpu.memory_space<hbm>> -> memref<625x64xf32, #tpu.memory_space<hbm>>
      %dma_start3A_716 = arith.constant 0 : i32
      %dma_start3A_717 = tpu.memref_slice %arg6[%mul3A_607, %dma_start3A_716] : memref<10000x64xf32, #tpu.memory_space<vmem_shared>> -> memref<625x64xf32, #tpu.memory_space<vmem_shared>>
      tpu.enqueue_dma source(%dma_start3A_717 : memref<625x64xf32, #tpu.memory_space<vmem_shared>>) target(%dma_start3A_715 : memref<625x64xf32, #tpu.memory_space<hbm>>) target_semaphore(%run_scoped3A : memref<!tpu.dma_semaphore, #tpu.memory_space<semaphore_mem>>)
      %dma_wait3A_718 = tpu.memref_slice %arg5[%mul3A_607, %mul3A_714] : memref<10000x128xf32, #tpu.memory_space<hbm>> -> memref<625x64xf32, #tpu.memory_space<hbm>>
      %dma_wait3A_719 = arith.constant 0 : i32
      %dma_wait3A_720 = tpu.memref_slice %arg6[%mul3A_607, %dma_wait3A_719] : memref<10000x64xf32, #tpu.memory_space<vmem_shared>> -> memref<625x64xf32, #tpu.memory_space<vmem_shared>>
      tpu.wait_dma2 semaphore(%run_scoped3A : memref<!tpu.dma_semaphore, #tpu.memory_space<semaphore_mem>>) src(%dma_wait3A_720 : memref<625x64xf32, #tpu.memory_space<vmem_shared>>) dst(%dma_wait3A_718 : memref<625x64xf32, #tpu.memory_space<hbm>>)
      tpu.yield
    }) : () -> ()
    return
  }
}

module attributes {stable_mosaic.version = 14 : i64} {
  func.func @_proj_body(%arg0: i32, %arg1: memref<2000x128xf32, #tpu.memory_space<vmem>>, %arg2: memref<128x128xf32, #tpu.memory_space<vmem>>, %arg3: memref<2000x128xf32, #tpu.memory_space<vmem>>, %arg4: memref<2x2000x64xf32, #tpu.memory_space<vmem>>) attributes {dimension_semantics = [#tpu.dimension_semantics<arbitrary>], iteration_bounds = array<i64: 5>, scalar_prefetch = 0 : i64, scratch_operands = 0 : i64, tpu.core_type = #tpu.core_type<tc>, window_params = [{transform_indices = @transform_0, window_bounds = array<i64: 2000, 128>}, {pipeline_mode = #tpu.pipeline_mode<synchronous>, transform_indices = @transform_1, window_bounds = array<i64: 128, 128>}, {transform_indices = @transform_2, window_bounds = array<i64: 2000, 128>}, {transform_indices = @transform_3, window_bounds = array<i64: 2, 2000, 64>}]} {
    %get3A = arith.constant 0 : index
    %get3A_0 = arith.constant 0 : index
    %get3A_1 = vector.load %arg1[%get3A, %get3A_0] : memref<2000x128xf32, #tpu.memory_space<vmem>>, vector<2000x128xf32>
    %get3A_2 = arith.constant 0 : index
    %get3A_3 = arith.constant 0 : index
    %get3A_4 = vector.load %arg2[%get3A_2, %get3A_3] : memref<128x128xf32, #tpu.memory_space<vmem>>, vector<128x128xf32>
    %dot_general3A = arith.constant dense<0.000000e+00> : vector<2000x128xf32>
    %dot_general3A_5 = tpu.matmul %get3A_1, %get3A_4, %dot_general3A {dimension_numbers = #tpu.dot_dimension_numbers<[1], [0], [0], [1], [0, 0, 1, 1], [], []>, transpose_lhs_hint = false} : vector<2000x128xf32>, vector<128x128xf32>, vector<2000x128xf32> -> vector<2000x128xf32>
    %swap3A = arith.constant 0 : index
    %swap3A_6 = arith.constant 0 : index
    %swap3A_7 = vector.load %arg3[%swap3A, %swap3A_6] : memref<2000x128xf32, #tpu.memory_space<vmem>>, vector<2000x128xf32>
    tpu.vector_store %arg3[%swap3A, %swap3A_6], %dot_general3A_5 {strides = array<i32>} : memref<2000x128xf32, #tpu.memory_space<vmem>>, vector<2000x128xf32>,
    %max3A = arith.constant 0.000000e+00 : f32
    %max3A_8 = vector.broadcast %max3A : f32 to vector<2000x128xf32>
    %max3A_9 = arith.maximumf %dot_general3A_5, %max3A_8 : vector<2000x128xf32>
    %slice3A = vector.extract_strided_slice %max3A_9 {offsets = [0, 0], sizes = [2000, 64], strides = [1, 1]} : vector<2000x128xf32> to vector<2000x64xf32>
    %swap3A_10 = arith.constant 0 : index
    %swap3A_11 = arith.constant 0 : index
    %swap3A_12 = arith.constant 0 : index
    %swap3A_13 = vector.load %arg4[%swap3A_10, %swap3A_11, %swap3A_12] : memref<2x2000x64xf32, #tpu.memory_space<vmem>>, vector<1x2000x64xf32>
    %swap3A_14 = vector.shape_cast %swap3A_13 : vector<1x2000x64xf32> to vector<2000x64xf32>
    %swap3A_15 = vector.shape_cast %slice3A : vector<2000x64xf32> to vector<1x2000x64xf32>
    tpu.vector_store %arg4[%swap3A_10, %swap3A_11, %swap3A_12], %swap3A_15 {strides = array<i32>} : memref<2x2000x64xf32, #tpu.memory_space<vmem>>, vector<1x2000x64xf32>,
    %slice3A_16 = vector.extract_strided_slice %max3A_9 {offsets = [0, 64], sizes = [2000, 64], strides = [1, 1]} : vector<2000x128xf32> to vector<2000x64xf32>
    %swap3A_17 = arith.constant 1 : index
    %swap3A_18 = arith.constant 0 : index
    %swap3A_19 = arith.constant 0 : index
    %swap3A_20 = vector.load %arg4[%swap3A_17, %swap3A_18, %swap3A_19] : memref<2x2000x64xf32, #tpu.memory_space<vmem>>, vector<1x2000x64xf32>
    %swap3A_21 = vector.shape_cast %swap3A_20 : vector<1x2000x64xf32> to vector<2000x64xf32>
    %swap3A_22 = vector.shape_cast %slice3A_16 : vector<2000x64xf32> to vector<1x2000x64xf32>
    tpu.vector_store %arg4[%swap3A_17, %swap3A_18, %swap3A_19], %swap3A_22 {strides = array<i32>} : memref<2x2000x64xf32, #tpu.memory_space<vmem>>, vector<1x2000x64xf32>,
    return
  }
  func.func @transform_0(%arg0: i32) -> (i32, i32) {
    %c0_i32 = arith.constant 0 : i32
    %c0_i32_0 = arith.constant 0 : i32
    return %arg0, %c0_i32 : i32, i32
  }
  func.func @transform_1(%arg0: i32) -> (i32, i32) {
    %c0_i32 = arith.constant 0 : i32
    %c0_i32_0 = arith.constant 0 : i32
    %c0_i32_1 = arith.constant 0 : i32
    return %c0_i32, %c0_i32_0 : i32, i32
  }
  func.func @transform_2(%arg0: i32) -> (i32, i32) {
    %c0_i32 = arith.constant 0 : i32
    %c0_i32_0 = arith.constant 0 : i32
    return %arg0, %c0_i32 : i32, i32
  }
  func.func @transform_3(%arg0: i32) -> (i32, i32, i32) {
    %c0_i32 = arith.constant 0 : i32
    %c0_i32_0 = arith.constant 0 : i32
    %c0_i32_1 = arith.constant 0 : i32
    return %c0_i32, %arg0, %c0_i32_0 : i32, i32, i32
  }
}

module attributes {stable_mosaic.version = 14 : i64} {
  func.func @_upd_body(%arg0: i32, %arg1: memref<2000x128xf32, #tpu.memory_space<vmem>>, %arg2: memref<2000x128xf32, #tpu.memory_space<vmem>>, %arg3: memref<128x128xf32, #tpu.memory_space<vmem>>, %arg4: memref<2x2000x64xf32, #tpu.memory_space<vmem>>) attributes {dimension_semantics = [#tpu.dimension_semantics<arbitrary>], iteration_bounds = array<i64: 5>, scalar_prefetch = 0 : i64, scratch_operands = 0 : i64, tpu.core_type = #tpu.core_type<tc>, window_params = [{transform_indices = @transform_0, window_bounds = array<i64: 2000, 128>}, {transform_indices = @transform_1, window_bounds = array<i64: 2000, 128>}, {pipeline_mode = #tpu.pipeline_mode<synchronous>, transform_indices = @transform_2, window_bounds = array<i64: 128, 128>}, {transform_indices = @transform_3, window_bounds = array<i64: 2, 2000, 64>}]} {
    %get3A = arith.constant 0 : index
    %get3A_0 = arith.constant 0 : index
    %get3A_1 = vector.load %arg1[%get3A, %get3A_0] : memref<2000x128xf32, #tpu.memory_space<vmem>>, vector<2000x128xf32>
    %get3A_2 = arith.constant 0 : index
    %get3A_3 = arith.constant 0 : index
    %get3A_4 = vector.load %arg3[%get3A_2, %get3A_3] : memref<128x128xf32, #tpu.memory_space<vmem>>, vector<128x128xf32>
    %dot_general3A = arith.constant dense<0.000000e+00> : vector<2000x128xf32>
    %dot_general3A_5 = tpu.matmul %get3A_1, %get3A_4, %dot_general3A {dimension_numbers = #tpu.dot_dimension_numbers<[1], [0], [0], [1], [0, 0, 1, 1], [], []>, transpose_lhs_hint = false} : vector<2000x128xf32>, vector<128x128xf32>, vector<2000x128xf32> -> vector<2000x128xf32>
    %get3A_6 = arith.constant 0 : index
    %get3A_7 = arith.constant 0 : index
    %get3A_8 = vector.load %arg2[%get3A_6, %get3A_7] : memref<2000x128xf32, #tpu.memory_space<vmem>>, vector<2000x128xf32>
    %add3A = arith.addf %dot_general3A_5, %get3A_8 : vector<2000x128xf32>
    %max3A = arith.constant 0.000000e+00 : f32
    %max3A_9 = vector.broadcast %max3A : f32 to vector<2000x128xf32>
    %max3A_10 = arith.maximumf %add3A, %max3A_9 : vector<2000x128xf32>
    %slice3A = vector.extract_strided_slice %max3A_10 {offsets = [0, 0], sizes = [2000, 64], strides = [1, 1]} : vector<2000x128xf32> to vector<2000x64xf32>
    %swap3A = arith.constant 0 : index
    %swap3A_11 = arith.constant 0 : index
    %swap3A_12 = arith.constant 0 : index
    %swap3A_13 = vector.load %arg4[%swap3A, %swap3A_11, %swap3A_12] : memref<2x2000x64xf32, #tpu.memory_space<vmem>>, vector<1x2000x64xf32>
    %swap3A_14 = vector.shape_cast %swap3A_13 : vector<1x2000x64xf32> to vector<2000x64xf32>
    %swap3A_15 = vector.shape_cast %slice3A : vector<2000x64xf32> to vector<1x2000x64xf32>
    tpu.vector_store %arg4[%swap3A, %swap3A_11, %swap3A_12], %swap3A_15 {strides = array<i32>} : memref<2x2000x64xf32, #tpu.memory_space<vmem>>, vector<1x2000x64xf32>,
    %slice3A_16 = vector.extract_strided_slice %max3A_10 {offsets = [0, 64], sizes = [2000, 64], strides = [1, 1]} : vector<2000x128xf32> to vector<2000x64xf32>
    %swap3A_17 = arith.constant 1 : index
    %swap3A_18 = arith.constant 0 : index
    %swap3A_19 = arith.constant 0 : index
    %swap3A_20 = vector.load %arg4[%swap3A_17, %swap3A_18, %swap3A_19] : memref<2x2000x64xf32, #tpu.memory_space<vmem>>, vector<1x2000x64xf32>
    %swap3A_21 = vector.shape_cast %swap3A_20 : vector<1x2000x64xf32> to vector<2000x64xf32>
    %swap3A_22 = vector.shape_cast %slice3A_16 : vector<2000x64xf32> to vector<1x2000x64xf32>
    tpu.vector_store %arg4[%swap3A_17, %swap3A_18, %swap3A_19], %swap3A_22 {strides = array<i32>} : memref<2x2000x64xf32, #tpu.memory_space<vmem>>, vector<1x2000x64xf32>,
    return
  }
  func.func @transform_0(%arg0: i32) -> (i32, i32) {
    %c0_i32 = arith.constant 0 : i32
    %c0_i32_0 = arith.constant 0 : i32
    return %arg0, %c0_i32 : i32, i32
  }
  func.func @transform_1(%arg0: i32) -> (i32, i32) {
    %c0_i32 = arith.constant 0 : i32
    %c0_i32_0 = arith.constant 0 : i32
    return %arg0, %c0_i32 : i32, i32
  }
  func.func @transform_2(%arg0: i32) -> (i32, i32) {
    %c0_i32 = arith.constant 0 : i32
    %c0_i32_0 = arith.constant 0 : i32
    %c0_i32_1 = arith.constant 0 : i32
    return %c0_i32, %c0_i32_0 : i32, i32
  }
  func.func @transform_3(%arg0: i32) -> (i32, i32, i32) {
    %c0_i32 = arith.constant 0 : i32
    %c0_i32_0 = arith.constant 0 : i32
    %c0_i32_1 = arith.constant 0 : i32
    return %c0_i32, %arg0, %c0_i32_0 : i32, i32, i32
  }
}

module attributes {stable_mosaic.version = 14 : i64} {
  func.func @_fin_body(%arg0: i32, %arg1: memref<2000x128xf32, #tpu.memory_space<vmem>>, %arg2: memref<2000x128xf32, #tpu.memory_space<vmem>>, %arg3: memref<1x1x2000xi32, #tpu.memory_space<vmem>>, %arg4: memref<128x128xf32, #tpu.memory_space<vmem>>, %arg5: memref<128x128xf32, #tpu.memory_space<vmem>>, %arg6: memref<64x128xf32, #tpu.memory_space<vmem>>, %arg7: memref<64x128xf32, #tpu.memory_space<vmem>>) attributes {dimension_semantics = [#tpu.dimension_semantics<arbitrary>], iteration_bounds = array<i64: 5>, scalar_prefetch = 0 : i64, scratch_operands = 1 : i64, tpu.core_type = #tpu.core_type<tc>, window_params = [{transform_indices = @transform_0, window_bounds = array<i64: 2000, 128>}, {transform_indices = @transform_1, window_bounds = array<i64: 2000, 128>}, {transform_indices = @transform_2, window_bounds = array<i64: 1, 1, 2000>}, {pipeline_mode = #tpu.pipeline_mode<synchronous>, transform_indices = @transform_3, window_bounds = array<i64: 128, 128>}, {pipeline_mode = #tpu.pipeline_mode<synchronous>, transform_indices = @transform_4, window_bounds = array<i64: 128, 128>}, {pipeline_mode = #tpu.pipeline_mode<synchronous>, transform_indices = @transform_5, window_bounds = array<i64: 64, 128>}]} {
    %eq3A = arith.constant 0 : i32
    %eq3A_0 = arith.cmpi eq, %arg0, %eq3A : i32
    %convert_element_type3A = arith.extui %eq3A_0 : i1 to i32
    %cond3A = arith.constant 0 : i32
    %cond3A_1 = arith.cmpi ne, %convert_element_type3A, %cond3A : i32
    scf.if %cond3A_1 {
      %broadcast_in_dim3A_35 = arith.constant 0.000000e+00 : f32
      %broadcast_in_dim3A_36 = vector.broadcast %broadcast_in_dim3A_35 : f32 to vector<64x128xf32>
      %swap3A_37 = arith.constant 0 : index
      %swap3A_38 = arith.constant 0 : index
      %swap3A_39 = vector.load %arg7[%swap3A_37, %swap3A_38] : memref<64x128xf32, #tpu.memory_space<vmem>>, vector<64x128xf32>
      tpu.vector_store %arg7[%swap3A_37, %swap3A_38], %broadcast_in_dim3A_36 {strides = array<i32>} : memref<64x128xf32, #tpu.memory_space<vmem>>, vector<64x128xf32>,
    } else {
    }
    %get3A = arith.constant 0 : index
    %get3A_2 = arith.constant 0 : index
    %get3A_3 = vector.load %arg1[%get3A, %get3A_2] : memref<2000x128xf32, #tpu.memory_space<vmem>>, vector<2000x128xf32>
    %get3A_4 = arith.constant 0 : index
    %get3A_5 = arith.constant 0 : index
    %get3A_6 = vector.load %arg4[%get3A_4, %get3A_5] : memref<128x128xf32, #tpu.memory_space<vmem>>, vector<128x128xf32>
    %dot_general3A = arith.constant dense<0.000000e+00> : vector<2000x128xf32>
    %dot_general3A_7 = tpu.matmul %get3A_3, %get3A_6, %dot_general3A {dimension_numbers = #tpu.dot_dimension_numbers<[1], [0], [0], [1], [0, 0, 1, 1], [], []>, transpose_lhs_hint = false} : vector<2000x128xf32>, vector<128x128xf32>, vector<2000x128xf32> -> vector<2000x128xf32>
    %get3A_8 = arith.constant 0 : index
    %get3A_9 = arith.constant 0 : index
    %get3A_10 = vector.load %arg2[%get3A_8, %get3A_9] : memref<2000x128xf32, #tpu.memory_space<vmem>>, vector<2000x128xf32>
    %add3A = arith.addf %dot_general3A_7, %get3A_10 : vector<2000x128xf32>
    %max3A = arith.constant 0.000000e+00 : f32
    %max3A_11 = vector.broadcast %max3A : f32 to vector<2000x128xf32>
    %max3A_12 = arith.maximumf %add3A, %max3A_11 : vector<2000x128xf32>
    %get3A_13 = arith.constant 0 : index
    %get3A_14 = arith.constant 0 : index
    %get3A_15 = arith.constant 0 : index
    %get3A_16 = vector.load %arg3[%get3A_13, %get3A_14, %get3A_15] : memref<1x1x2000xi32, #tpu.memory_space<vmem>>, vector<1x1x2000xi32>
    %get3A_17 = vector.shape_cast %get3A_16 : vector<1x1x2000xi32> to vector<2000xi32>
    %broadcast_in_dim3A = vector.shape_cast %get3A_17 : vector<2000xi32> to vector<1x2000xi32>
    %iota3A = tpu.iota {dimensions = array<i32: 0>} : vector<64x2000xi32>
    %eq3A_18 = vector.broadcast %broadcast_in_dim3A : vector<1x2000xi32> to vector<64x2000xi32>
    %eq3A_19 = arith.cmpi eq, %eq3A_18, %iota3A : vector<64x2000xi32>
    %convert_element_type3A_20 = arith.extui %eq3A_19 : vector<64x2000xi1> to vector<64x2000xi32>
    %convert_element_type3A_21 = arith.sitofp %convert_element_type3A_20 : vector<64x2000xi32> to vector<64x2000xf32>
    %get3A_22 = arith.constant 0 : index
    %get3A_23 = arith.constant 0 : index
    %get3A_24 = vector.load %arg7[%get3A_22, %get3A_23] : memref<64x128xf32, #tpu.memory_space<vmem>>, vector<64x128xf32>
    %dot_general3A_25 = arith.constant dense<0.000000e+00> : vector<64x128xf32>
    %dot_general3A_26 = tpu.matmul %convert_element_type3A_21, %max3A_12, %dot_general3A_25 {dimension_numbers = #tpu.dot_dimension_numbers<[1], [0], [0], [1], [0, 0, 1, 1], [], []>, transpose_lhs_hint = false} : vector<64x2000xf32>, vector<2000x128xf32>, vector<64x128xf32> -> vector<64x128xf32>
    %add3A_27 = arith.addf %get3A_24, %dot_general3A_26 : vector<64x128xf32>
    %swap3A = arith.constant 0 : index
    %swap3A_28 = arith.constant 0 : index
    %swap3A_29 = vector.load %arg7[%swap3A, %swap3A_28] : memref<64x128xf32, #tpu.memory_space<vmem>>, vector<64x128xf32>
    tpu.vector_store %arg7[%swap3A, %swap3A_28], %add3A_27 {strides = array<i32>} : memref<64x128xf32, #tpu.memory_space<vmem>>, vector<64x128xf32>,
    %eq3A_30 = arith.constant 4 : i32
    %eq3A_31 = arith.cmpi eq, %arg0, %eq3A_30 : i32
    %convert_element_type3A_32 = arith.extui %eq3A_31 : i1 to i32
    %cond3A_33 = arith.constant 0 : i32
    %cond3A_34 = arith.cmpi ne, %convert_element_type3A_32, %cond3A_33 : i32
    scf.if %cond3A_34 {
      %get3A_35 = arith.constant 0 : index
      %get3A_36 = arith.constant 0 : index
      %get3A_37 = vector.load %arg7[%get3A_35, %get3A_36] : memref<64x128xf32, #tpu.memory_space<vmem>>, vector<64x128xf32>
      %get3A_38 = arith.constant 0 : index
      %get3A_39 = arith.constant 0 : index
      %get3A_40 = vector.load %arg5[%get3A_38, %get3A_39] : memref<128x128xf32, #tpu.memory_space<vmem>>, vector<128x128xf32>
      %dot_general3A_41 = arith.constant dense<0.000000e+00> : vector<64x128xf32>
      %dot_general3A_42 = tpu.matmul %get3A_37, %get3A_40, %dot_general3A_41 {dimension_numbers = #tpu.dot_dimension_numbers<[1], [0], [0], [1], [0, 0, 1, 1], [], []>, transpose_lhs_hint = false} : vector<64x128xf32>, vector<128x128xf32>, vector<64x128xf32> -> vector<64x128xf32>
      %max3A_43 = arith.constant 0.000000e+00 : f32
      %max3A_44 = vector.broadcast %max3A_43 : f32 to vector<64x128xf32>
      %max3A_45 = arith.maximumf %dot_general3A_42, %max3A_44 : vector<64x128xf32>
      %swap3A_46 = arith.constant 0 : index
      %swap3A_47 = arith.constant 0 : index
      %swap3A_48 = vector.load %arg6[%swap3A_46, %swap3A_47] : memref<64x128xf32, #tpu.memory_space<vmem>>, vector<64x128xf32>
      tpu.vector_store %arg6[%swap3A_46, %swap3A_47], %max3A_45 {strides = array<i32>} : memref<64x128xf32, #tpu.memory_space<vmem>>, vector<64x128xf32>,
    } else {
    }
    return
  }
  func.func @transform_0(%arg0: i32) -> (i32, i32) {
    %c0_i32 = arith.constant 0 : i32
    %c0_i32_0 = arith.constant 0 : i32
    return %arg0, %c0_i32 : i32, i32
  }
  func.func @transform_1(%arg0: i32) -> (i32, i32) {
    %c0_i32 = arith.constant 0 : i32
    %c0_i32_0 = arith.constant 0 : i32
    return %arg0, %c0_i32 : i32, i32
  }
  func.func @transform_2(%arg0: i32) -> (i32, i32, i32) {
    %c0_i32 = arith.constant 0 : i32
    %c0_i32_0 = arith.constant 0 : i32
    %c0_i32_1 = arith.constant 0 : i32
    return %arg0, %c0_i32, %c0_i32_0 : i32, i32, i32
  }
  func.func @transform_3(%arg0: i32) -> (i32, i32) {
    %c0_i32 = arith.constant 0 : i32
    %c0_i32_0 = arith.constant 0 : i32
    %c0_i32_1 = arith.constant 0 : i32
    return %c0_i32, %c0_i32_0 : i32, i32
  }
  func.func @transform_4(%arg0: i32) -> (i32, i32) {
    %c0_i32 = arith.constant 0 : i32
    %c0_i32_0 = arith.constant 0 : i32
    %c0_i32_1 = arith.constant 0 : i32
    return %c0_i32, %c0_i32_0 : i32, i32
  }
  func.func @transform_5(%arg0: i32) -> (i32, i32) {
    %c0_i32 = arith.constant 0 : i32
    %c0_i32_0 = arith.constant 0 : i32
    %c0_i32_1 = arith.constant 0 : i32
    return %c0_i32, %c0_i32_0 : i32, i32
  }
}

</mosaic_0001>

<sc_bundles>
// kernel: _run.12.cloned.1.call-start
scs
__scs_entry_jumppad:
0x0: {  	(pc) =	sbr.rel $0x88, $3  }
0x1: {  	(tag) =	ssettag $0x0;
	lr =	simm.s32 $0x1  }
0x2: {  	[smem:$0x3F9B] =	sst lr;
	_ =	strace $0xD0000000  }
0x3: {  	_ = 	snop  }
0x4: {  	_ = 	snop  }
0x5: {  	_ = 	snop  }
0x6: {  	_ = 	snop  }
0x7: {  	_ = 	snop  }
__scs_overlays_trampoline_lowered:
0x8: {  	[smem:$0x3FAA] =	sst s0  }
0x9: {  	[smem:$0x3FAB] =	sst s1  }
0xa: {  	[smem:$0x3FAC] =	sst s2  }
0xb: {  	[smem:$0x3FAD] =	sst s3  }
0xc: {  	[smem:$0x3FAE] =	sst s4  }
0xd: {  	[smem:$0x3FAF] =	sst s5  }
0xe: {  	[smem:$0x3FB0] =	sst s6  }
0xf: {  	[smem:$0x3FB1] =	sst s7  }
0x10: {  	[smem:$0x3FB2] =	sst s8  }
0x11: {  	[smem:$0x3FB3] =	sst s9;
	s0 =	simm.s32 @!p0 $0x0  }
0x12: {  	s1 =	sld [smem:$0x3F99];
	s0 =	simm.s32 @p0 $0x1  }
0x13: {  	[smem:$0x3FB4] =	sst s0;
	s0 =	simm.s32 @!p1 $0x0  }
0x14: {  	s2 =	sld [smem:$0x3F98];
	s0 =	simm.s32 @p1 $0x1  }
0x15: {  	[smem:$0x3FB5] =	sst s0;
	s0 =	simm.s32 @!p2 $0x0  }
0x16: {  	s3 =	sld [smem:$0x3FDB];
	s0 =	simm.s32 @p2 $0x1  }
0x17: {  	s4 =	simm.s32 $0x1BF5;
	[smem:$0x3FB7] =	sst s0  }
0x18: {  	s0 =	sld [smem:$0x3F9A];
	_ =	swait.ge [sflag:s4], $0x0  }
0x19: {  	s7 =	sld [smem:$0x3F9B]  }
0x1a: {  	s8 =	sadd.s32 $0xFFFFE003, lr  }
0x1b: {  	s9 =	sadd.s32 $0xFFFFFEF7, lr;
	s5 =	simm.s32 $0xFFFFFFFF;
	p2 =	slt.u32 s8, $0xFFFFF086  }
0x1c: {  	p1 =	slt.u32 s9, $0xF7A;
	s5 =	simm.s32 @!p2 $0x0  }
0x1d: {  	s5 =	simm.s32 @p1 $0x1;
	p0 =	seq.s32 s7, s2  }
0x1e: {  	s7 =	smul.u32 @!p0 $0xF7A, s2;
	p2 =	seq.s32 @!p0 s5, $0x0  }
0x1f: {  	s9 =	smul.u32 $0xF7A, s1;
	s8 =	simm.s32 @!p0 $0x1BF5;
	p2 =	por !p2, p0  }
0x20: {  	[sflag:s8] =	ssyncset.s32 @!p0 $0xFFFFF086;
	s6 =	sadd.s32 @!p0 s3, s7;
	s7 =	simm.s32 @!p0 $0x108  }
0x21: {  	s3 =	sadd.s32 s3, s9;
	s6 =	sadd.s32 @!p0 $0x88, s6;
	s7 =	simm.s32 @p2 $0x1082  }
0x22: {  	[simem:s7], [sflag:s8] =	dma.local @!p0 [hbm:s6], $0xF7A  }
0x23: {  	s9 =	sor.u32 $0xD0000000, s2;
	s6 =	simm.s32 $0x108;
	_ =	swait.ge @!p0 [sflag:s8], $0x0  }
0x24: {  	s3 =	sadd.s32 $0x88, s3;
	s6 =	simm.s32 @!p1 $0x1082;
	[sflag:s4] =	ssyncset.s32 $0xFFFFF086  }
0x25: {  	[simem:s6], [sflag:s4] =	dma.local [hbm:s3], $0xF7A  }
0x26: {  	[smem:$0x3F9B] =	sst s1;
	(tag) =	ssettag s2;
	_ =	strace s9  }
0x27: {  	s1 =	sld [smem:$0x3FAB]  }
0x28: {  	s2 =	sld [smem:$0x3FAC]  }
0x29: {  	s4 =	sld [smem:$0x3FAE]  }
0x2a: {  	p0 =	seq.s32 s5, $0x0;
	s5 =	sld [smem:$0x3FAF]  }
0x2b: {  	s6 =	sld [smem:$0x3FB0]  }
0x2c: {  	s7 =	sld [smem:$0x3FB1]  }
0x2d: {  	s3 =	simm.s32 $0x108;
	s8 =	sld [smem:$0x3FB2]  }
0x2e: {  	s3 =	simm.s32 @!p0 $0x1082;
	s9 =	sld [smem:$0x3FB3]  }
0x2f: {  	lr =	sadd.s32 s0, s3;
	s0 =	sld [smem:$0x3FAA]  }
0x30: {  	s3 =	sld [smem:$0x3FAD]  }
0x31: {  	[smem:$0x3FB6] =	sst s10  }
0x32: {  	s10 =	sld [smem:$0x3FB4];
	_ =	sdelay $0x3  }
0x33: {  	p0 =	seq.s32 s10, $0x1;
	s10 =	sld [smem:$0x3FB6];
	_ =	sdelay $0x3  }
0x34: {  	[smem:$0x3FB6] =	sst s10  }
0x35: {  	s10 =	sld [smem:$0x3FB5];
	_ =	sdelay $0x3  }
0x36: {  	p1 =	seq.s32 s10, $0x1;
	s10 =	sld [smem:$0x3FB6];
	_ =	sdelay $0x3  }
0x37: {  	[smem:$0x3FB6] =	sst s10  }
0x38: {  	s10 =	sld [smem:$0x3FB7]  }
0x39: {  	_ = 	snop;
	(pc) =	sbr.ind lr, $3  }
0x3a: {  	_ = 	snop  }
0x3b: {  	_ = 	snop  }
0x3c: {  	p2 =	seq.s32 s10, $0x1;
	s10 =	sld [smem:$0x3FB6]  }
0x3d: {  	_ =	shalt  }
0x3e: {  	_ =	shalt  }
0x3f: {  	_ =	shalt  }
0x40: {  	_ =	shalt  }
0x41: {  	_ =	shalt  }
0x42: {  	_ =	shalt  }
0x43: {  	_ =	shalt  }
0x44: {  	_ =	shalt  }
0x45: {  	_ =	shalt  }
0x46: {  	_ =	shalt  }
0x47: {  	_ =	shalt  }
0x48: {  	_ =	shalt  }
0x49: {  	_ =	shalt  }
0x4a: {  	_ =	shalt  }
0x4b: {  	_ =	shalt  }
0x4c: {  	_ =	shalt  }
0x4d: {  	_ =	shalt  }
0x4e: {  	_ =	shalt  }
0x4f: {  	_ =	shalt  }
0x50: {  	_ =	shalt  }
0x51: {  	_ =	shalt  }
0x52: {  	_ =	shalt  }
0x53: {  	_ =	shalt  }
0x54: {  	_ =	shalt  }
0x55: {  	_ =	shalt  }
0x56: {  	_ =	shalt  }
0x57: {  	_ =	shalt  }
0x58: {  	_ =	shalt  }
0x59: {  	_ =	shalt  }
0x5a: {  	_ =	shalt  }
0x5b: {  	_ =	shalt  }
0x5c: {  	_ =	shalt  }
0x5d: {  	_ =	shalt  }
0x5e: {  	_ =	shalt  }
0x5f: {  	_ =	shalt  }
0x60: {  	_ =	shalt  }
0x61: {  	_ =	shalt  }
0x62: {  	_ =	shalt  }
0x63: {  	_ =	shalt  }
0x64: {  	_ =	shalt  }
0x65: {  	_ =	shalt  }
0x66: {  	_ =	shalt  }
0x67: {  	_ =	shalt  }
0x68: {  	_ =	shalt  }
0x69: {  	_ =	shalt  }
0x6a: {  	_ =	shalt  }
0x6b: {  	_ =	shalt  }
0x6c: {  	_ =	shalt  }
0x6d: {  	_ =	shalt  }
0x6e: {  	_ =	shalt  }
0x6f: {  	_ =	shalt  }
0x70: {  	_ =	shalt  }
0x71: {  	_ =	shalt  }
0x72: {  	_ =	shalt  }
0x73: {  	_ =	shalt  }
0x74: {  	_ =	shalt  }
0x75: {  	_ =	shalt  }
0x76: {  	_ =	shalt  }
0x77: {  	_ =	shalt  }
0x78: {  	_ =	shalt  }
0x79: {  	_ =	shalt  }
0x7a: {  	_ =	shalt  }
0x7b: {  	_ =	shalt  }
0x7c: {  	_ =	shalt  }
0x7d: {  	_ =	shalt  }
0x7e: {  	_ =	shalt  }
0x7f: {  	_ =	shalt  }
0x80: {  	_ =	shalt  }
0x81: {  	_ =	shalt  }
0x82: {  	_ =	shalt  }
0x83: {  	_ =	shalt  }
0x84: {  	_ =	shalt  }
0x85: {  	_ =	shalt  }
0x86: {  	_ =	shalt  }
0x87: {  	_ =	shalt  }
.Lfunc_end0:
.L_simem_size_0:
called_computation.1_lowered:
.L_overlay_start_0:
0x88: {  	s2 =	sld [smem:$0x3FD9]  }
0x89: {  	s3 =	sld [smem:$0x3FFE];
	_ =	sdelay $0x1  }
0x8a: {  	s1 =	srdreg.scid  }
0x8b: {  	s0 =	sand.u32 $0x1, s1  }
0x8c: {  	s16 =	sshll.u32 s0, $0xA;
	s2 =	sadd.s32 s3, s2  }
0x8d: {  	s2 =	sadd.s32 s2, s16  }
0x8e: {  	[smem:$0x3FC2] =	sst s2  }
0x8f: {  	_ = 	snop  }
0x90: {  	(tm) =	ssettm $0x1  }
0x91: {  	s17 =	sld [smem:$0x3FFB];
	_ =	sdelay $0x3  }
0x92: {  	_ =	strace s17  }
0x93: {  	s2 =	sld [smem:$0x3FFC];
	_ =	sdelay $0x3  }
0x94: {  	_ =	strace s2  }
0x95: {  	s2 =	sld [smem:$0x3FFD];
	_ =	sdelay $0x3  }
0x96: {  	_ =	strace s2  }
0x97: {  	_ =	strace $0x8FFFFFFF  }
0x98: {  	s18 =	sld [smem:$0x3FDB];
	_ =	sdelay $0x1  }
0x99: {  	s19 =	simm.s32 $_scs_section_size  }
0x9a: {  	s4 =	simm.s32 $_size__tile_overlayer_lowered;
	s5 =	simm.s32 $_tile_overlayer_lowered  }
0x9b: {  	s22 =	simm.s32 $0x1BFF;
	s21 =	sshll.u32 s5, $0x1;
	s2 =	sadd.s32 s19, s18  }
0x9c: {  	s6 =	simm.s32 $0x0;
	s20 =	sshll.u32 s4, $0x1;
	s4 =	sadd.s32 s21, s2  }
0x9d: {  	[timem:s6], [sflag:s22] =	dma.local [hbm:s4], s20  }
0x9e: {  	_ =	swait.ge [sflag:s22], s20  }
0x9f: {  	s3 =	ssub.s32 $0x0, s20;
	[sflag:s22] =	ssyncset.done $0x0  }
0xa0: {  	[sflag:s22] =	ssyncadd.s32 s3;
	_ =	sdelay $0x1  }
0xa1: {  	s23 =	simm.s32 $0x1B8B  }
0xa2: {  	_ =	swait.ge [sflag:s23], $0x1  }
0xa3: {  	[sflag:s23] =	ssyncset.done $0x0  }
0xa4: {  	s25 =	simm.s32 $0x1B8E;
	s24 =	sld [smem:$0x3FFE];
	[sflag:s23] =	ssyncadd.s32 $0xFFFFFFFF  }
0xa5: {  	s26 =	simm.s32 $execute0_lowered;
	[smem:$0x3FD2] =	sst s25  }
0xa6: {  	s4 =	sshll.u32 s26, $0x1;
	_ =	strace $0x80000049;
	[dreg:$0x1] =	wrdreg $0xFFFFFFFF  }
0xa7: {  	s28 =	simm.s32 $_size_execute0_lowered;
	s2 =	sadd.s32 s2, s4;
	[dreg:$0x0] =	wrdreg $0x0  }
0xa8: {  	s4 =	sshll.u32 s28, $0x1;
	[dreg:$0x2] =	wrdreg s2  }
0xa9: {  	[dreg:$0x3] =	wrdreg s4  }
0xaa: {  	[dreg:$0x4] =	wrdreg $0xC0  }
0xab: {  	_ =	task [dreg:s6], $0x5FFFF  }
0xac: {  	[dreg:$0x1] =	wrdreg $0xFFFFFFFF  }
0xad: {  	[dreg:$0x0] =	wrdreg $0x60  }
0xae: {  	[dreg:$0x2] =	wrdreg s24  }
0xaf: {  	[dreg:$0x3] =	wrdreg $0x0  }
0xb0: {  	[dreg:$0x4] =	wrdreg $0x9  }
0xb1: {  	_ =	task.clear_ibuf [dreg:s6], $0x5FFFF;
	_ =	strace $0x90000049  }
0xb2: {  	s29 =	simm.s32 $0x9;
	_ =	strace $0x8000004B  }
0xb3: {  	_ =	swait.ge [sflag:s29], $0x1  }
0xb4: {  	[sflag:s29] =	ssyncadd.s32 $0xFFFFFFFF  }
0xb5: {  	_ =	strace $0x9000004B  }
0xb6: {  	_ =	sfence  }
0xb7: {  	s30 =	sld [smem:$0x0];
	_ =	sdelay $0x2  }
0xb8: {  	s31 =	sshll.u32 s1, $0xD;
	s1 =	sshrl.u32 s1, $0x2  }
0xb9: {  	s3 =	sand.u32 $0x4000, s31;
	s1 =	sadd.s32 s1, s30  }
0xba: {  	s0 =	sor.u32 s3, s0;
	s1 =	sshll.u32 s1, $0x11  }
0xbb: {  	s0 =	sor.u32 s1, s0  }
0xbc: {  	s0 =	sadd.s32 $0x8F2B, s0  }
0xbd: {  	[sflag:s0] =	ssyncadd.remote.s32 $0x1  }
0xbe: {  	_ =	sfence.sel $0xFFFF  }
0xbf: {  	[dreg:$0x0] =	wrdreg $0xFFFFFFFF;
	(pc) =	sbr.abs _section_cstart, $3  }
0xc0: {  	[dreg:$0x1] =	wrdreg $0xFFFFFFFF  }
0xc1: {  	_ =	task.clear_ibuf [dreg:s6], $0x2FFFF;
	_ =	strace $0x9FFFFFFF  }
0xc2: {  	(tm) =	ssettm $0x7FFFFFFF  }
0xc3: {  	_ =	shalt  }
tec
execute0_lowered:
.L_overlay_start_1:
0x0: {  	(tag) =	ssettag $0x1  }
0x1: {  	s0 =	rddreg [dreg:$0x0]  }
0x2: {  	s1 =	srdreg.scid;
	s2 =	rddreg [dreg:$0x1]  }
0x3: {  	s9 =	stileid.u32;
	s3 =	simm.s32 $0x0;
	s10 =	simm.s32 $0x9C40  }
0x4: {  	s12 =	simm.s32 $0x19C80;
	s13 =	simm.s32 $0x7;
	s14 =	simm.s32 $0x6  }
0x5: {  	s15 =	simm.s32 $0x50;
	s16 =	simm.s32 $0x13880;
	s18 =	simm.s32 $0x14C80  }
0x6: {  	s20 =	simm.s32 $0x16080;
	s22 =	simm.s32 $0x17480;
	s23 =	simm.s32 $0x1  }
0x7: {  	s28 =	simm.s32 $0x4;
	s29 =	simm.s32 $0x5;
	s5 =	smul.u32 $0x13880, s9  }
0x8: {  	s17 =	simm.s32 $0x137E0;
	s19 =	simm.s32 $0x13830;
	s6 =	smul.u32 $0x9C4, s9  }
0x9: {  	s21 =	simm.s32 $0x10;
	s1 =	sand.u32 $0x1, s1;
	s9 =	smul.u32 $0x27100, s9  }
0xa: {  	s30 =	simm.s32 $0x0;
	[smem:$0x7FF] =	sst s3;
	s4 =	smul.u32 $0x13880, s1  }
0xb: {  	s7 =	sshll.u32 s1, $0x6;
	_ =	strace $0x8000004A;
	s1 =	ssub.s32 $0x2, s1  }
0xc: {  	s24 =	sor.u32 s7, s5;
	s25 =	sadd.s32 s6, s0;
	s26 =	sshrl.u32 s1, $0x1  }
0xd: {  	s31 =	sshrl.u32 s9, $0x2;
	s8 =	sadd.s32 s4, s0;
	s4 =	sshrl.u32 s24, $0x3  }
0xe: {  	s1 =	ssub.s32 s1, s26;
	s5 =	sadd.s32 $0x28A00, s25;
	s24 =	simm.s32 $0x18880  }
0xf: {  	s26 =	simm.s32 $0x3;
	s0 =	sadd.s32 s4, s0;
	s4 =	sadd.s32 $0x32800, s25  }
0x10: {  	s6 =	sadd.s32 $0x1800, s8;
	s8 =	sadd.s32 s31, s2;
	s9 =	smax.u32 s1, $0x1  }
0x11: {  	v0 =	vimm.f32 $0.0e+00;
	s25 =	simm.s32 $0x2;
	s1 =	simm.s32 $0x8;
	s7 =	sadd.s32 $0x3C600, s0  }
.LBB2_1:
0x12: {  	[tilespmem:s10], [sflag:$0x6] =	stream.linear.gather [hbm4b:s4+s3], $0x4E20, $0x38;
	[tilespmem:$0x1A2C0] =	vst v63  }
0x13: {  	s0 =	simm.s32 $0xEA60  }
0x14: {  	[tilespmem:s0], [sflag:$0x6] =	stream.linear.gather [hbm4b:s5+s3], $0x4E20, $0x38;
	[tilespmem:$0x1A2C0] =	vst v63  }
0x15: {  	[tilespmem:$0x19C80] =	vst v0  }
0x16: {  	[tilespmem:$0x19C90] =	vst v0  }
0x17: {  	[tilespmem:$0x19CA0] =	vst v0  }
0x18: {  	[tilespmem:$0x19CB0] =	vst v0  }
0x19: {  	[tilespmem:$0x19CC0] =	vst v0  }
0x1a: {  	[tilespmem:$0x19CD0] =	vst v0  }
0x1b: {  	[tilespmem:$0x19CE0] =	vst v0  }
0x1c: {  	[tilespmem:$0x19CF0] =	vst v0  }
0x1d: {  	[tilespmem:$0x19D00] =	vst v0  }
0x1e: {  	[tilespmem:$0x19D10] =	vst v0  }
0x1f: {  	[tilespmem:$0x19D20] =	vst v0  }
0x20: {  	[tilespmem:$0x19D30] =	vst v0  }
0x21: {  	[tilespmem:$0x19D40] =	vst v0  }
0x22: {  	[tilespmem:$0x19D50] =	vst v0  }
0x23: {  	[tilespmem:$0x19D60] =	vst v0  }
0x24: {  	[tilespmem:$0x19D70] =	vst v0  }
0x25: {  	[tilespmem:$0x19D80] =	vst v0  }
0x26: {  	[tilespmem:$0x19D90] =	vst v0  }
0x27: {  	[tilespmem:$0x19DA0] =	vst v0  }
0x28: {  	[tilespmem:$0x19DB0] =	vst v0  }
0x29: {  	[tilespmem:$0x19DC0] =	vst v0  }
0x2a: {  	[tilespmem:$0x19DD0] =	vst v0  }
0x2b: {  	[tilespmem:$0x19DE0] =	vst v0  }
0x2c: {  	[tilespmem:$0x19DF0] =	vst v0  }
0x2d: {  	[tilespmem:$0x19E00] =	vst v0  }
0x2e: {  	[tilespmem:$0x19E10] =	vst v0  }
0x2f: {  	[tilespmem:$0x19E20] =	vst v0  }
0x30: {  	[tilespmem:$0x19E30] =	vst v0  }
0x31: {  	[tilespmem:$0x19E40] =	vst v0  }
0x32: {  	[tilespmem:$0x19E50] =	vst v0  }
0x33: {  	[tilespmem:$0x19E60] =	vst v0  }
0x34: {  	[tilespmem:$0x19E70] =	vst v0  }
0x35: {  	[tilespmem:$0x19E80] =	vst v0  }
0x36: {  	[tilespmem:$0x19E90] =	vst v0  }
0x37: {  	[tilespmem:$0x19EA0] =	vst v0  }
0x38: {  	[tilespmem:$0x19EB0] =	vst v0  }
0x39: {  	[tilespmem:$0x19EC0] =	vst v0  }
0x3a: {  	[tilespmem:$0x19ED0] =	vst v0  }
0x3b: {  	[tilespmem:$0x19EE0] =	vst v0  }
0x3c: {  	[tilespmem:$0x19EF0] =	vst v0  }
0x3d: {  	[tilespmem:$0x19F00] =	vst v0  }
0x3e: {  	[tilespmem:$0x19F10] =	vst v0  }
0x3f: {  	[tilespmem:$0x19F20] =	vst v0  }
0x40: {  	[tilespmem:$0x19F30] =	vst v0  }
0x41: {  	[tilespmem:$0x19F40] =	vst v0  }
0x42: {  	[tilespmem:$0x19F50] =	vst v0  }
0x43: {  	[tilespmem:$0x19F60] =	vst v0  }
0x44: {  	[tilespmem:$0x19F70] =	vst v0  }
0x45: {  	[tilespmem:$0x19F80] =	vst v0  }
0x46: {  	[tilespmem:$0x19F90] =	vst v0  }
0x47: {  	[tilespmem:$0x19FA0] =	vst v0  }
0x48: {  	[tilespmem:$0x19FB0] =	vst v0  }
0x49: {  	[tilespmem:$0x19FC0] =	vst v0  }
0x4a: {  	[tilespmem:$0x19FD0] =	vst v0  }
0x4b: {  	[tilespmem:$0x19FE0] =	vst v0  }
0x4c: {  	[tilespmem:$0x19FF0] =	vst v0  }
0x4d: {  	[tilespmem:$0x1A000] =	vst v0  }
0x4e: {  	[tilespmem:$0x1A010] =	vst v0  }
0x4f: {  	[tilespmem:$0x1A020] =	vst v0  }
0x50: {  	[tilespmem:$0x1A030] =	vst v0  }
0x51: {  	[tilespmem:$0x1A040] =	vst v0  }
0x52: {  	[tilespmem:$0x1A050] =	vst v0  }
0x53: {  	[tilespmem:$0x1A060] =	vst v0  }
0x54: {  	[tilespmem:$0x1A070] =	vst v0  }
0x55: {  	[tilespmem:$0x1A080] =	vst v0  }
0x56: {  	[tilespmem:$0x1A090] =	vst v0  }
0x57: {  	[tilespmem:$0x1A0A0] =	vst v0  }
0x58: {  	[tilespmem:$0x1A0B0] =	vst v0  }
0x59: {  	[tilespmem:$0x1A0C0] =	vst v0  }
0x5a: {  	[tilespmem:$0x1A0D0] =	vst v0  }
0x5b: {  	[tilespmem:$0x1A0E0] =	vst v0  }
0x5c: {  	[tilespmem:$0x1A0F0] =	vst v0  }
0x5d: {  	[tilespmem:$0x1A100] =	vst v0  }
0x5e: {  	[tilespmem:$0x1A110] =	vst v0  }
0x5f: {  	[tilespmem:$0x1A120] =	vst v0  }
0x60: {  	[tilespmem:$0x1A130] =	vst v0  }
0x61: {  	[tilespmem:$0x1A140] =	vst v0  }
0x62: {  	[tilespmem:$0x1A150] =	vst v0  }
0x63: {  	[tilespmem:$0x1A160] =	vst v0  }
0x64: {  	[tilespmem:$0x1A170] =	vst v0  }
0x65: {  	[tilespmem:$0x1A180] =	vst v0  }
0x66: {  	[tilespmem:$0x1A190] =	vst v0  }
0x67: {  	[tilespmem:$0x1A1A0] =	vst v0  }
0x68: {  	[tilespmem:$0x1A1B0] =	vst v0  }
0x69: {  	[tilespmem:$0x1A1C0] =	vst v0  }
0x6a: {  	[tilespmem:$0x1A1D0] =	vst v0  }
0x6b: {  	[tilespmem:$0x1A1E0] =	vst v0  }
0x6c: {  	[tilespmem:$0x1A1F0] =	vst v0  }
0x6d: {  	[tilespmem:$0x1A200] =	vst v0  }
0x6e: {  	[tilespmem:$0x1A210] =	vst v0  }
0x6f: {  	[tilespmem:$0x1A220] =	vst v0  }
0x70: {  	[tilespmem:$0x1A230] =	vst v0  }
0x71: {  	[tilespmem:$0x1A240] =	vst v0  }
0x72: {  	[tilespmem:$0x1A250] =	vst v0  }
0x73: {  	[tilespmem:$0x1A260] =	vst v0  }
0x74: {  	[tilespmem:$0x1A270] =	vst v0  }
0x75: {  	[tilespmem:$0x1A280] =	vst v0  }
0x76: {  	[tilespmem:$0x1A290] =	vst v0  }
0x77: {  	[tilespmem:$0x1A2A0] =	vst v0  }
0x78: {  	s31 =	sadd.s32 $0x0, s8;
	[tilespmem:$0x1A2B0] =	vst v0  }
0x79: {  	[spmem:s31] =	stream.linear.scatter [tilespmem:s12], [sflag:$0x7], $0x640, $0x38;
	[tilespmem:$0x1A2C0] =	vst v63  }
0x7a: {  	s0 =	simm.s32 $0x1900;
	_ =	swait.ge [sflag:s13], $0x640  }
.LBB2_2:
0x7b: {  	s31 =	sshra.s32 s0, $0x2;
	[sflag:s13] =	ssyncset.done $0x0;
	p0 =	sne.s32 s0, $0x25800  }
.Ltmp0:
0x7c: {  	s31 =	sadd.s32 s31, s8;
	[sflag:s13] =	ssyncadd.s32 $0xFFFFF9C0;
	(pc) =	sbr.rel @p0 .LBB2_2-.Ltmp0, $3  }
0x7d: {  	[spmem:s31] =	stream.linear.scatter [tilespmem:s12], [sflag:$0x7], $0x640, $0x38;
	[tilespmem:$0x1A2C0] =	vst v63  }
0x7e: {  	s0 =	sadd.s32 $0x1900, s0;
	_ =	sdelay $0x1  }
0x7f: {  	_ =	swait.ge [sflag:s13], $0x640  }
0x80: {  	[sflag:s13] =	ssyncset.done $0x0  }
0x81: {  	[sflag:s13] =	ssyncadd.s32 $0xFFFFF9C0  }
0x82: {  	_ =	swait.ge [sflag:s14], $0x4E20  }
0x83: {  	[sflag:s14] =	ssyncset.done $0x0  }
0x84: {  	[sflag:s14] =	ssyncadd.s32 $0xFFFFB1E0  }
0x85: {  	_ =	swait.ge [sflag:s14], $0x4E20  }
0x86: {  	[sflag:s14] =	ssyncset.done $0x0  }
0x87: {  	[sflag:s14] =	ssyncadd.s32 $0xFFFFB1E0  }
0x88: {  	[bflag:$0x0] =	sbarrier.arrive $0xFFFF  }
0x89: {  	[tilespmem:s16], [sflag:$0x1] =	stream.indirect.gather [hbm4b:s6+s15], $0x40, s10, s15, $0xb8;
	[tilespmem:$0x1A2C0] =	vst v63  }
0x8a: {  	s0 =	simm.s32 $0x9C90  }
0x8b: {  	[tilespmem:s18], [sflag:$0x2] =	stream.indirect.gather [hbm4b:s6+s15], $0x40, s0, s15, $0xb8;
	[tilespmem:$0x1A2C0] =	vst v63  }
0x8c: {  	s11 =	simm.s32 $0x9CE0  }
0x8d: {  	[tilespmem:s20], [sflag:$0x3] =	stream.indirect.gather [hbm4b:s6+s15], $0x40, s11, s15, $0xb8;
	[tilespmem:$0x1A2C0] =	vst v63  }
0x8e: {  	s11 =	simm.s32 $0x9D30  }
0x8f: {  	[tilespmem:s22], [sflag:$0x4] =	stream.indirect.gather [hbm4b:s6+s15], $0x40, s11, s15, $0xb8;
	[tilespmem:$0x1A2C0] =	vst v63  }
0x90: {  	_ =	swait.ge [sflag:s23], $0x1400  }
0x91: {  	[sflag:s23] =	ssyncset.done $0x0  }
0x92: {  	s11 =	simm.s32 $0xEA60;
	[sflag:s23] =	ssyncadd.s32 $0xFFFFEC00  }
0x93: {  	[spmem:s2] =	stream.indirect.scatter.add.f32 [tilespmem:s16], [sflag:$0x7], $0x40, s11, s15, $0xb8;
	[tilespmem:$0x1A2C0] =	vst v63  }
0x94: {  	_ =	swait.ge [sflag:s13], $0x1400  }
0x95: {  	[sflag:s13] =	ssyncset.done $0x0  }
0x96: {  	s11 =	simm.s32 $0x9D80;
	[sflag:s13] =	ssyncadd.s32 $0xFFFFEC00  }
0x97: {  	[tilespmem:s24], [sflag:$0x5] =	stream.indirect.gather [hbm4b:s6+s15], $0x40, s11, s15, $0xb8;
	[tilespmem:$0x1A2C0] =	vst v63  }
0x98: {  	_ =	swait.ge [sflag:s25], $0x1400  }
0x99: {  	[sflag:s25] =	ssyncset.done $0x0  }
0x9a: {  	s11 =	simm.s32 $0xEAB0;
	[sflag:s25] =	ssyncadd.s32 $0xFFFFEC00  }
0x9b: {  	[spmem:s2] =	stream.indirect.scatter.add.f32 [tilespmem:s18], [sflag:$0x7], $0x40, s11, s15, $0xb8;
	[tilespmem:$0x1A2C0] =	vst v63  }
0x9c: {  	_ =	swait.ge [sflag:s13], $0x1400  }
0x9d: {  	[sflag:s13] =	ssyncset.done $0x0  }
0x9e: {  	s11 =	simm.s32 $0x9DD0;
	[sflag:s13] =	ssyncadd.s32 $0xFFFFEC00  }
0x9f: {  	[tilespmem:s16], [sflag:$0x1] =	stream.indirect.gather [hbm4b:s6+s15], $0x40, s11, s15, $0xb8;
	[tilespmem:$0x1A2C0] =	vst v63  }
0xa0: {  	_ =	swait.ge [sflag:s26], $0x1400  }
0xa1: {  	[sflag:s26] =	ssyncset.done $0x0  }
0xa2: {  	s11 =	simm.s32 $0xEB00;
	[sflag:s26] =	ssyncadd.s32 $0xFFFFEC00  }
0xa3: {  	[spmem:s2] =	stream.indirect.scatter.add.f32 [tilespmem:s20], [sflag:$0x7], $0x40, s11, s15, $0xb8;
	[tilespmem:$0x1A2C0] =	vst v63  }
0xa4: {  	_ =	swait.ge [sflag:s13], $0x1400  }
0xa5: {  	[sflag:s13] =	ssyncset.done $0x0  }
0xa6: {  	s11 =	simm.s32 $0x9E20;
	[sflag:s13] =	ssyncadd.s32 $0xFFFFEC00  }
0xa7: {  	[tilespmem:s18], [sflag:$0x2] =	stream.indirect.gather [hbm4b:s6+s15], $0x40, s11, s15, $0xb8;
	[tilespmem:$0x1A2C0] =	vst v63  }
0xa8: {  	_ =	swait.ge [sflag:s28], $0x1400  }
0xa9: {  	[sflag:s28] =	ssyncset.done $0x0  }
0xaa: {  	s11 =	simm.s32 $0xEB50;
	[sflag:s28] =	ssyncadd.s32 $0xFFFFEC00  }
0xab: {  	[spmem:s2] =	stream.indirect.scatter.add.f32 [tilespmem:s22], [sflag:$0x7], $0x40, s11, s15, $0xb8;
	[tilespmem:$0x1A2C0] =	vst v63  }
0xac: {  	_ =	swait.ge [sflag:s13], $0x1400  }
0xad: {  	[sflag:s13] =	ssyncset.done $0x0  }
0xae: {  	s11 =	simm.s32 $0x9E70;
	[sflag:s13] =	ssyncadd.s32 $0xFFFFEC00  }
0xaf: {  	[tilespmem:s20], [sflag:$0x3] =	stream.indirect.gather [hbm4b:s6+s15], $0x40, s11, s15, $0xb8;
	[tilespmem:$0x1A2C0] =	vst v63  }
0xb0: {  	_ =	swait.ge [sflag:s29], $0x1400  }
0xb1: {  	[sflag:s29] =	ssyncset.done $0x0  }
0xb2: {  	s11 =	simm.s32 $0xEBA0;
	[sflag:s29] =	ssyncadd.s32 $0xFFFFEC00  }
0xb3: {  	[spmem:s2] =	stream.indirect.scatter.add.f32 [tilespmem:s24], [sflag:$0x7], $0x40, s11, s15, $0xb8;
	[tilespmem:$0x1A2C0] =	vst v63  }
0xb4: {  	_ =	swait.ge [sflag:s13], $0x1400  }
0xb5: {  	[sflag:s13] =	ssyncset.done $0x0  }
0xb6: {  	s31 =	simm.s32 $0x640;
	s0 =	simm.s32 $0x9EC0;
	[sflag:s13] =	ssyncadd.s32 $0xFFFFEC00  }
.LBB2_4:
0xb7: {  	[tilespmem:s22], [sflag:$0x4] =	stream.indirect.gather [hbm4b:s6+s15], $0x40, s0, s15, $0xb8;
	[tilespmem:$0x1A2C0] =	vst v63  }
0xb8: {  	s0 =	smov.u32 s31  }
0xb9: {  	p0 =	sne.s32 s31, $0x12C00;
	s31 =	sadd.s32 $0x640, s31;
	_ =	swait.ge [sflag:s23], $0x1400  }
0xba: {  	s0 =	sshra.s32 s0, $0x2;
	[sflag:s23] =	ssyncset.done $0x0  }
0xbb: {  	s11 =	sadd.s32 $0xEA60, s0;
	[sflag:s23] =	ssyncadd.s32 $0xFFFFEC00  }
0xbc: {  	[spmem:s2] =	stream.indirect.scatter.add.f32 [tilespmem:s16], [sflag:$0x7], $0x40, s11, s15, $0xb8;
	[tilespmem:$0x1A2C0] =	vst v63  }
0xbd: {  	_ =	swait.ge [sflag:s13], $0x1400  }
0xbe: {  	[sflag:s13] =	ssyncset.done $0x0  }
0xbf: {  	s11 =	sadd.s32 $0x9D80, s0;
	[sflag:s13] =	ssyncadd.s32 $0xFFFFEC00  }
0xc0: {  	[tilespmem:s24], [sflag:$0x5] =	stream.indirect.gather [hbm4b:s6+s15], $0x40, s11, s15, $0xb8;
	[tilespmem:$0x1A2C0] =	vst v63  }
0xc1: {  	_ =	swait.ge [sflag:s25], $0x1400  }
0xc2: {  	[sflag:s25] =	ssyncset.done $0x0  }
0xc3: {  	s11 =	sadd.s32 $0xEAB0, s0;
	[sflag:s25] =	ssyncadd.s32 $0xFFFFEC00  }
0xc4: {  	[spmem:s2] =	stream.indirect.scatter.add.f32 [tilespmem:s18], [sflag:$0x7], $0x40, s11, s15, $0xb8;
	[tilespmem:$0x1A2C0] =	vst v63  }
0xc5: {  	_ =	swait.ge [sflag:s13], $0x1400  }
0xc6: {  	[sflag:s13] =	ssyncset.done $0x0  }
0xc7: {  	s11 =	sadd.s32 $0x9DD0, s0;
	[sflag:s13] =	ssyncadd.s32 $0xFFFFEC00  }
0xc8: {  	[tilespmem:s16], [sflag:$0x1] =	stream.indirect.gather [hbm4b:s6+s15], $0x40, s11, s15, $0xb8;
	[tilespmem:$0x1A2C0] =	vst v63  }
0xc9: {  	_ =	swait.ge [sflag:s26], $0x1400  }
0xca: {  	[sflag:s26] =	ssyncset.done $0x0  }
0xcb: {  	s11 =	sadd.s32 $0xEB00, s0;
	[sflag:s26] =	ssyncadd.s32 $0xFFFFEC00  }
0xcc: {  	[spmem:s2] =	stream.indirect.scatter.add.f32 [tilespmem:s20], [sflag:$0x7], $0x40, s11, s15, $0xb8;
	[tilespmem:$0x1A2C0] =	vst v63  }
0xcd: {  	_ =	swait.ge [sflag:s13], $0x1400  }
0xce: {  	[sflag:s13] =	ssyncset.done $0x0  }
0xcf: {  	s11 =	sadd.s32 $0x9E20, s0;
	[sflag:s13] =	ssyncadd.s32 $0xFFFFEC00  }
0xd0: {  	[tilespmem:s18], [sflag:$0x2] =	stream.indirect.gather [hbm4b:s6+s15], $0x40, s11, s15, $0xb8;
	[tilespmem:$0x1A2C0] =	vst v63  }
0xd1: {  	_ =	swait.ge [sflag:s28], $0x1400  }
0xd2: {  	[sflag:s28] =	ssyncset.done $0x0  }
0xd3: {  	s11 =	sadd.s32 $0xEB50, s0;
	[sflag:s28] =	ssyncadd.s32 $0xFFFFEC00  }
0xd4: {  	[spmem:s2] =	stream.indirect.scatter.add.f32 [tilespmem:s22], [sflag:$0x7], $0x40, s11, s15, $0xb8;
	[tilespmem:$0x1A2C0] =	vst v63  }
0xd5: {  	_ =	swait.ge [sflag:s13], $0x1400  }
0xd6: {  	[sflag:s13] =	ssyncset.done $0x0  }
0xd7: {  	s11 =	sadd.s32 $0x9E70, s0;
	[sflag:s13] =	ssyncadd.s32 $0xFFFFEC00  }
0xd8: {  	[tilespmem:s20], [sflag:$0x3] =	stream.indirect.gather [hbm4b:s6+s15], $0x40, s11, s15, $0xb8;
	[tilespmem:$0x1A2C0] =	vst v63  }
0xd9: {  	_ =	swait.ge [sflag:s29], $0x1400  }
0xda: {  	[sflag:s29] =	ssyncset.done $0x0  }
.Ltmp1:
0xdb: {  	s11 =	sadd.s32 $0xEBA0, s0;
	[sflag:s29] =	ssyncadd.s32 $0xFFFFEC00;
	(pc) =	sbr.rel @p0 .LBB2_4-.Ltmp1, $4  }
0xdc: {  	[spmem:s2] =	stream.indirect.scatter.add.f32 [tilespmem:s24], [sflag:$0x7], $0x40, s11, s15, $0xb8;
	[tilespmem:$0x1A2C0] =	vst v63  }
0xdd: {  	_ =	swait.ge [sflag:s13], $0x1400  }
0xde: {  	[sflag:s13] =	ssyncset.done $0x0  }
0xdf: {  	s0 =	sadd.s32 $0x9EC0, s0;
	[sflag:s13] =	ssyncadd.s32 $0xFFFFEC00  }
0xe0: {  	[tilespmem:s22], [sflag:$0x4] =	stream.indirect.gather [hbm4b:s6+s15], $0x40, s0, s15, $0xb8;
	[tilespmem:$0x1A2C0] =	vst v63  }
0xe1: {  	_ =	swait.ge [sflag:s23], $0x1400  }
0xe2: {  	[sflag:s23] =	ssyncset.done $0x0  }
0xe3: {  	s31 =	simm.s32 $0x136F0;
	[sflag:s23] =	ssyncadd.s32 $0xFFFFEC00  }
0xe4: {  	[spmem:s2] =	stream.indirect.scatter.add.f32 [tilespmem:s16], [sflag:$0x7], $0x40, s31, s15, $0xb8;
	[tilespmem:$0x1A2C0] =	vst v63  }
0xe5: {  	_ =	swait.ge [sflag:s13], $0x1400  }
0xe6: {  	[sflag:s13] =	ssyncset.done $0x0  }
0xe7: {  	s11 =	simm.s32 $0xEA10;
	[sflag:s13] =	ssyncadd.s32 $0xFFFFEC00  }
0xe8: {  	[tilespmem:s24], [sflag:$0x5] =	stream.indirect.gather [hbm4b:s6+s15], $0x40, s11, s15, $0xb8;
	[tilespmem:$0x1A2C0] =	vst v63  }
0xe9: {  	_ =	swait.ge [sflag:s25], $0x1400  }
0xea: {  	[sflag:s25] =	ssyncset.done $0x0  }
0xeb: {  	s31 =	simm.s32 $0x13740;
	[sflag:s25] =	ssyncadd.s32 $0xFFFFEC00  }
0xec: {  	[spmem:s2] =	stream.indirect.scatter.add.f32 [tilespmem:s18], [sflag:$0x7], $0x40, s31, s15, $0xb8;
	[tilespmem:$0x1A2C0] =	vst v63  }
0xed: {  	_ =	swait.ge [sflag:s13], $0x1400  }
0xee: {  	[sflag:s13] =	ssyncset.done $0x0  }
0xef: {  	[sflag:s13] =	ssyncadd.s32 $0xFFFFEC00  }
0xf0: {  	_ =	swait.ge [sflag:s26], $0x1400  }
0xf1: {  	[sflag:s26] =	ssyncset.done $0x0  }
0xf2: {  	s11 =	simm.s32 $0x13790;
	[sflag:s26] =	ssyncadd.s32 $0xFFFFEC00  }
0xf3: {  	[spmem:s2] =	stream.indirect.scatter.add.f32 [tilespmem:s20], [sflag:$0x7], $0x40, s11, s15, $0xb8;
	[tilespmem:$0x1A2C0] =	vst v63  }
0xf4: {  	_ =	swait.ge [sflag:s13], $0x1400  }
0xf5: {  	[sflag:s13] =	ssyncset.done $0x0  }
0xf6: {  	[sflag:s13] =	ssyncadd.s32 $0xFFFFEC00  }
0xf7: {  	_ =	swait.ge [sflag:s28], $0x1400  }
0xf8: {  	[sflag:s28] =	ssyncset.done $0x0  }
0xf9: {  	[sflag:s28] =	ssyncadd.s32 $0xFFFFEC00  }
0xfa: {  	[spmem:s2] =	stream.indirect.scatter.add.f32 [tilespmem:s22], [sflag:$0x7], $0x40, s17, s15, $0xb8;
	[tilespmem:$0x1A2C0] =	vst v63  }
0xfb: {  	_ =	swait.ge [sflag:s13], $0x1400  }
0xfc: {  	[sflag:s13] =	ssyncset.done $0x0  }
0xfd: {  	[sflag:s13] =	ssyncadd.s32 $0xFFFFEC00  }
0xfe: {  	_ =	swait.ge [sflag:s29], $0x1400  }
0xff: {  	[sflag:s29] =	ssyncset.done $0x0  }
0x100: {  	[sflag:s29] =	ssyncadd.s32 $0xFFFFEC00  }
0x101: {  	[spmem:s2] =	stream.indirect.scatter.add.f32 [tilespmem:s24], [sflag:$0x7], $0x40, s19, s15, $0xb8;
	[tilespmem:$0x1A2C0] =	vst v63  }
0x102: {  	s31 =	stileid.u32;
	_ =	swait.ge [sflag:s13], $0x1400  }
0x103: {  	s30 =	sadd.s32 $0x1, s30;
	s0 =	sshll.u32 s31, $0x6;
	[sflag:s13] =	ssyncset.done $0x0  }
0x104: {  	p0 =	sne.s32 s30, s9;
	s0 =	sor.u32 $0x1C07, s0;
	[sflag:s13] =	ssyncadd.s32 $0xFFFFEC00  }
.Ltmp2:
0x105: {  	s11 =	sshrl.u32 s8, $0x3;
	[bflag:$0x0] =	sbarrier.arrive $0xFFFF;
	(pc) =	sbr.rel @p0 .LBB2_1-.Ltmp2, $4  }
0x106: {  	[hbm:s7@s21], [sflag:s0] =	dma.strided [spmem:s11@s1], $0x1388, s23, $0x8   }
0x107: {  	_ =	swait.ge [sflag:s13], $0x1388  }
0x108: {  	[sflag:s13] =	ssyncset.done $0x0  }
0x109: {  	[sflag:s13] =	ssyncadd.s32 $0xFFFFEC78  }
0x10a: {  	_ =	sfence.sel $0x180000  }
0x10b: {  	[bflag:$0x0] =	sbarrier.arrive $0xFFFF  }
0x10c: {  	_ =	strace $0x9000004A  }
0x10d: {  	s0 =	stileid.u32;
	[bflag:$0x2] =	sbarrier.arrive $0xFFFF  }
0x10e: {  	p0 =	sne.s32 s0, $0x0;
	s0 =	rddreg [dreg:$0x2]  }
0x10f: {  	s0 =	sadd.s32 @!p0 $0x100000, s0  }
0x110: {  	[sflag:s0] =	ssyncadd.tile.s32 @!p0 $0x1;
	_ =	shalt  }
.Lfunc_end2:
_tile_overlayer_lowered:
.L_overlay_start_2:
0x111: {  	(tag) =	ssettag $0x2  }
0x112: {  	s0 =	rddreg [dreg:$0x0];
	s2 =	stileid.u32  }
0x113: {  	s1 =	rddreg [dreg:$0x1];
	p0 =	sne.s32 s2, $0x0  }
0x114: {  	s3 =	rddreg [dreg:$0x2];
	[bflag:$0x3] =	sbarrier.arrive $0xFFFF;
	s2 =	simm.s32 @!p0 $0x1C07  }
0x115: {  	[timem:s3], [sflag:s2] =	dma.local @!p0 [hbm:s0], s1  }
0x116: {  	s0 =	simm.s32 @!p0 $0x7  }
0x117: {  	_ =	swait.ge @!p0 [sflag:s0], s1  }
0x118: {  	s1 =	ssub.s32 @!p0 $0x0, s1;
	[sflag:s0] =	ssyncset.done @!p0 $0x0  }
0x119: {  	[sflag:s0] =	ssyncadd.s32 @!p0 s1  }
0x11a: {  	[bflag:$0x3] =	sbarrier.arrive $0xFFFF  }
0x11b: {  	_ =	shalt  }

// kernel: _run.15.cloned.1.call-start
scs
__scs_entry_jumppad:
0x0: {  	(pc) =	sbr.rel $0x88, $3  }
0x1: {  	(tag) =	ssettag $0x0;
	lr =	simm.s32 $0x1  }
0x2: {  	[smem:$0x3F9B] =	sst lr;
	_ =	strace $0xD0000000  }
0x3: {  	_ = 	snop  }
0x4: {  	_ = 	snop  }
0x5: {  	_ = 	snop  }
0x6: {  	_ = 	snop  }
0x7: {  	_ = 	snop  }
__scs_overlays_trampoline_lowered:
0x8: {  	[smem:$0x3FAA] =	sst s0  }
0x9: {  	[smem:$0x3FAB] =	sst s1  }
0xa: {  	[smem:$0x3FAC] =	sst s2  }
0xb: {  	[smem:$0x3FAD] =	sst s3  }
0xc: {  	[smem:$0x3FAE] =	sst s4  }
0xd: {  	[smem:$0x3FAF] =	sst s5  }
0xe: {  	[smem:$0x3FB0] =	sst s6  }
0xf: {  	[smem:$0x3FB1] =	sst s7  }
0x10: {  	[smem:$0x3FB2] =	sst s8  }
0x11: {  	[smem:$0x3FB3] =	sst s9;
	s0 =	simm.s32 @!p0 $0x0  }
0x12: {  	s1 =	sld [smem:$0x3F99];
	s0 =	simm.s32 @p0 $0x1  }
0x13: {  	[smem:$0x3FB4] =	sst s0;
	s0 =	simm.s32 @!p1 $0x0  }
0x14: {  	s2 =	sld [smem:$0x3F98];
	s0 =	simm.s32 @p1 $0x1  }
0x15: {  	[smem:$0x3FB5] =	sst s0;
	s0 =	simm.s32 @!p2 $0x0  }
0x16: {  	s3 =	sld [smem:$0x3FDB];
	s0 =	simm.s32 @p2 $0x1  }
0x17: {  	s4 =	simm.s32 $0x1BF5;
	[smem:$0x3FB7] =	sst s0  }
0x18: {  	s0 =	sld [smem:$0x3F9A];
	_ =	swait.ge [sflag:s4], $0x0  }
0x19: {  	s7 =	sld [smem:$0x3F9B]  }
0x1a: {  	s8 =	sadd.s32 $0xFFFFE003, lr  }
0x1b: {  	s9 =	sadd.s32 $0xFFFFFEF7, lr;
	s5 =	simm.s32 $0xFFFFFFFF;
	p2 =	slt.u32 s8, $0xFFFFF086  }
0x1c: {  	p1 =	slt.u32 s9, $0xF7A;
	s5 =	simm.s32 @!p2 $0x0  }
0x1d: {  	s5 =	simm.s32 @p1 $0x1;
	p0 =	seq.s32 s7, s2  }
0x1e: {  	s7 =	smul.u32 @!p0 $0xF7A, s2;
	p2 =	seq.s32 @!p0 s5, $0x0  }
0x1f: {  	s9 =	smul.u32 $0xF7A, s1;
	s8 =	simm.s32 @!p0 $0x1BF5;
	p2 =	por !p2, p0  }
0x20: {  	[sflag:s8] =	ssyncset.s32 @!p0 $0xFFFFF086;
	s6 =	sadd.s32 @!p0 s3, s7;
	s7 =	simm.s32 @!p0 $0x108  }
0x21: {  	s3 =	sadd.s32 s3, s9;
	s6 =	sadd.s32 @!p0 $0x88, s6;
	s7 =	simm.s32 @p2 $0x1082  }
0x22: {  	[simem:s7], [sflag:s8] =	dma.local @!p0 [hbm:s6], $0xF7A  }
0x23: {  	s9 =	sor.u32 $0xD0000000, s2;
	s6 =	simm.s32 $0x108;
	_ =	swait.ge @!p0 [sflag:s8], $0x0  }
0x24: {  	s3 =	sadd.s32 $0x88, s3;
	s6 =	simm.s32 @!p1 $0x1082;
	[sflag:s4] =	ssyncset.s32 $0xFFFFF086  }
0x25: {  	[simem:s6], [sflag:s4] =	dma.local [hbm:s3], $0xF7A  }
0x26: {  	[smem:$0x3F9B] =	sst s1;
	(tag) =	ssettag s2;
	_ =	strace s9  }
0x27: {  	s1 =	sld [smem:$0x3FAB]  }
0x28: {  	s2 =	sld [smem:$0x3FAC]  }
0x29: {  	s4 =	sld [smem:$0x3FAE]  }
0x2a: {  	p0 =	seq.s32 s5, $0x0;
	s5 =	sld [smem:$0x3FAF]  }
0x2b: {  	s6 =	sld [smem:$0x3FB0]  }
0x2c: {  	s7 =	sld [smem:$0x3FB1]  }
0x2d: {  	s3 =	simm.s32 $0x108;
	s8 =	sld [smem:$0x3FB2]  }
0x2e: {  	s3 =	simm.s32 @!p0 $0x1082;
	s9 =	sld [smem:$0x3FB3]  }
0x2f: {  	lr =	sadd.s32 s0, s3;
	s0 =	sld [smem:$0x3FAA]  }
0x30: {  	s3 =	sld [smem:$0x3FAD]  }
0x31: {  	[smem:$0x3FB6] =	sst s10  }
0x32: {  	s10 =	sld [smem:$0x3FB4];
	_ =	sdelay $0x3  }
0x33: {  	p0 =	seq.s32 s10, $0x1;
	s10 =	sld [smem:$0x3FB6];
	_ =	sdelay $0x3  }
0x34: {  	[smem:$0x3FB6] =	sst s10  }
0x35: {  	s10 =	sld [smem:$0x3FB5];
	_ =	sdelay $0x3  }
0x36: {  	p1 =	seq.s32 s10, $0x1;
	s10 =	sld [smem:$0x3FB6];
	_ =	sdelay $0x3  }
0x37: {  	[smem:$0x3FB6] =	sst s10  }
0x38: {  	s10 =	sld [smem:$0x3FB7]  }
0x39: {  	_ = 	snop;
	(pc) =	sbr.ind lr, $3  }
0x3a: {  	_ = 	snop  }
0x3b: {  	_ = 	snop  }
0x3c: {  	p2 =	seq.s32 s10, $0x1;
	s10 =	sld [smem:$0x3FB6]  }
0x3d: {  	_ =	shalt  }
0x3e: {  	_ =	shalt  }
0x3f: {  	_ =	shalt  }
0x40: {  	_ =	shalt  }
0x41: {  	_ =	shalt  }
0x42: {  	_ =	shalt  }
0x43: {  	_ =	shalt  }
0x44: {  	_ =	shalt  }
0x45: {  	_ =	shalt  }
0x46: {  	_ =	shalt  }
0x47: {  	_ =	shalt  }
0x48: {  	_ =	shalt  }
0x49: {  	_ =	shalt  }
0x4a: {  	_ =	shalt  }
0x4b: {  	_ =	shalt  }
0x4c: {  	_ =	shalt  }
0x4d: {  	_ =	shalt  }
0x4e: {  	_ =	shalt  }
0x4f: {  	_ =	shalt  }
0x50: {  	_ =	shalt  }
0x51: {  	_ =	shalt  }
0x52: {  	_ =	shalt  }
0x53: {  	_ =	shalt  }
0x54: {  	_ =	shalt  }
0x55: {  	_ =	shalt  }
0x56: {  	_ =	shalt  }
0x57: {  	_ =	shalt  }
0x58: {  	_ =	shalt  }
0x59: {  	_ =	shalt  }
0x5a: {  	_ =	shalt  }
0x5b: {  	_ =	shalt  }
0x5c: {  	_ =	shalt  }
0x5d: {  	_ =	shalt  }
0x5e: {  	_ =	shalt  }
0x5f: {  	_ =	shalt  }
0x60: {  	_ =	shalt  }
0x61: {  	_ =	shalt  }
0x62: {  	_ =	shalt  }
0x63: {  	_ =	shalt  }
0x64: {  	_ =	shalt  }
0x65: {  	_ =	shalt  }
0x66: {  	_ =	shalt  }
0x67: {  	_ =	shalt  }
0x68: {  	_ =	shalt  }
0x69: {  	_ =	shalt  }
0x6a: {  	_ =	shalt  }
0x6b: {  	_ =	shalt  }
0x6c: {  	_ =	shalt  }
0x6d: {  	_ =	shalt  }
0x6e: {  	_ =	shalt  }
0x6f: {  	_ =	shalt  }
0x70: {  	_ =	shalt  }
0x71: {  	_ =	shalt  }
0x72: {  	_ =	shalt  }
0x73: {  	_ =	shalt  }
0x74: {  	_ =	shalt  }
0x75: {  	_ =	shalt  }
0x76: {  	_ =	shalt  }
0x77: {  	_ =	shalt  }
0x78: {  	_ =	shalt  }
0x79: {  	_ =	shalt  }
0x7a: {  	_ =	shalt  }
0x7b: {  	_ =	shalt  }
0x7c: {  	_ =	shalt  }
0x7d: {  	_ =	shalt  }
0x7e: {  	_ =	shalt  }
0x7f: {  	_ =	shalt  }
0x80: {  	_ =	shalt  }
0x81: {  	_ =	shalt  }
0x82: {  	_ =	shalt  }
0x83: {  	_ =	shalt  }
0x84: {  	_ =	shalt  }
0x85: {  	_ =	shalt  }
0x86: {  	_ =	shalt  }
0x87: {  	_ =	shalt  }
.Lfunc_end0:
.L_simem_size_0:
called_computation.2_lowered:
.L_overlay_start_0:
0x88: {  	s2 =	sld [smem:$0x3FD9]  }
0x89: {  	s3 =	sld [smem:$0x3FFE];
	_ =	sdelay $0x1  }
0x8a: {  	s1 =	srdreg.scid  }
0x8b: {  	s0 =	sand.u32 $0x1, s1  }
0x8c: {  	s16 =	sshll.u32 s0, $0xA;
	s2 =	sadd.s32 s3, s2  }
0x8d: {  	s2 =	sadd.s32 s2, s16  }
0x8e: {  	[smem:$0x3FC2] =	sst s2  }
0x8f: {  	_ = 	snop  }
0x90: {  	(tm) =	ssettm $0x1  }
0x91: {  	s17 =	sld [smem:$0x3FFB];
	_ =	sdelay $0x3  }
0x92: {  	_ =	strace s17  }
0x93: {  	s2 =	sld [smem:$0x3FFC];
	_ =	sdelay $0x3  }
0x94: {  	_ =	strace s2  }
0x95: {  	s2 =	sld [smem:$0x3FFD];
	_ =	sdelay $0x3  }
0x96: {  	_ =	strace s2  }
0x97: {  	_ =	strace $0x8FFFFFFF  }
0x98: {  	s18 =	sld [smem:$0x3FDB];
	_ =	sdelay $0x1  }
0x99: {  	s19 =	simm.s32 $_scs_section_size  }
0x9a: {  	s4 =	simm.s32 $_size__tile_overlayer_lowered;
	s5 =	simm.s32 $_tile_overlayer_lowered  }
0x9b: {  	s22 =	simm.s32 $0x1BFF;
	s21 =	sshll.u32 s5, $0x1;
	s2 =	sadd.s32 s19, s18  }
0x9c: {  	s6 =	simm.s32 $0x0;
	s20 =	sshll.u32 s4, $0x1;
	s4 =	sadd.s32 s21, s2  }
0x9d: {  	[timem:s6], [sflag:s22] =	dma.local [hbm:s4], s20  }
0x9e: {  	_ =	swait.ge [sflag:s22], s20  }
0x9f: {  	s3 =	ssub.s32 $0x0, s20;
	[sflag:s22] =	ssyncset.done $0x0  }
0xa0: {  	[sflag:s22] =	ssyncadd.s32 s3;
	_ =	sdelay $0x1  }
0xa1: {  	s23 =	simm.s32 $0x1B8B  }
0xa2: {  	_ =	swait.ge [sflag:s23], $0x1  }
0xa3: {  	[sflag:s23] =	ssyncset.done $0x0  }
0xa4: {  	s25 =	simm.s32 $0x1B8E;
	s24 =	sld [smem:$0x3FFE];
	[sflag:s23] =	ssyncadd.s32 $0xFFFFFFFF  }
0xa5: {  	s26 =	simm.s32 $execute0_lowered;
	[smem:$0x3FD2] =	sst s25  }
0xa6: {  	s4 =	sshll.u32 s26, $0x1;
	_ =	strace $0x8000004C;
	[dreg:$0x1] =	wrdreg $0xFFFFFFFF  }
0xa7: {  	s28 =	simm.s32 $_size_execute0_lowered;
	s2 =	sadd.s32 s2, s4;
	[dreg:$0x0] =	wrdreg $0x0  }
0xa8: {  	s4 =	sshll.u32 s28, $0x1;
	[dreg:$0x2] =	wrdreg s2  }
0xa9: {  	[dreg:$0x3] =	wrdreg s4  }
0xaa: {  	[dreg:$0x4] =	wrdreg $0xC0  }
0xab: {  	_ =	task [dreg:s6], $0x5FFFF  }
0xac: {  	[dreg:$0x1] =	wrdreg $0xFFFFFFFF  }
0xad: {  	[dreg:$0x0] =	wrdreg $0x60  }
0xae: {  	[dreg:$0x2] =	wrdreg s24  }
0xaf: {  	[dreg:$0x3] =	wrdreg $0x0  }
0xb0: {  	[dreg:$0x4] =	wrdreg $0x9  }
0xb1: {  	_ =	task.clear_ibuf [dreg:s6], $0x5FFFF;
	_ =	strace $0x9000004C  }
0xb2: {  	s29 =	simm.s32 $0x9;
	_ =	strace $0x8000004E  }
0xb3: {  	_ =	swait.ge [sflag:s29], $0x1  }
0xb4: {  	[sflag:s29] =	ssyncadd.s32 $0xFFFFFFFF  }
0xb5: {  	_ =	strace $0x9000004E  }
0xb6: {  	_ =	sfence  }
0xb7: {  	s30 =	sld [smem:$0x0];
	_ =	sdelay $0x2  }
0xb8: {  	s31 =	sshll.u32 s1, $0xD;
	s1 =	sshrl.u32 s1, $0x2  }
0xb9: {  	s3 =	sand.u32 $0x4000, s31;
	s1 =	sadd.s32 s1, s30  }
0xba: {  	s0 =	sor.u32 s3, s0;
	s1 =	sshll.u32 s1, $0x11  }
0xbb: {  	s0 =	sor.u32 s1, s0  }
0xbc: {  	s0 =	sadd.s32 $0x8F2B, s0  }
0xbd: {  	[sflag:s0] =	ssyncadd.remote.s32 $0x1  }
0xbe: {  	_ =	sfence.sel $0xFFFF  }
0xbf: {  	[dreg:$0x0] =	wrdreg $0xFFFFFFFF;
	(pc) =	sbr.abs _section_cstart, $3  }
0xc0: {  	[dreg:$0x1] =	wrdreg $0xFFFFFFFF  }
0xc1: {  	_ =	task.clear_ibuf [dreg:s6], $0x2FFFF;
	_ =	strace $0x9FFFFFFF  }
0xc2: {  	(tm) =	ssettm $0x7FFFFFFF  }
0xc3: {  	_ =	shalt  }
tec
execute0_lowered:
.L_overlay_start_1:
0x0: {  	(tag) =	ssettag $0x1  }
0x1: {  	s0 =	rddreg [dreg:$0x0]  }
0x2: {  	s1 =	srdreg.scid;
	s2 =	rddreg [dreg:$0x1]  }
0x3: {  	s9 =	stileid.u32;
	s3 =	simm.s32 $0x0;
	s10 =	simm.s32 $0x9C40  }
0x4: {  	s12 =	simm.s32 $0x19C80;
	s13 =	simm.s32 $0x7;
	s14 =	simm.s32 $0x6  }
0x5: {  	s15 =	simm.s32 $0x50;
	s16 =	simm.s32 $0x13880;
	s18 =	simm.s32 $0x14C80  }
0x6: {  	s20 =	simm.s32 $0x16080;
	s22 =	simm.s32 $0x17480;
	s23 =	simm.s32 $0x1  }
0x7: {  	s28 =	simm.s32 $0x4;
	s29 =	simm.s32 $0x5;
	s5 =	smul.u32 $0x13880, s9  }
0x8: {  	s17 =	simm.s32 $0x137E0;
	s19 =	simm.s32 $0x13830;
	s6 =	smul.u32 $0x9C4, s9  }
0x9: {  	s21 =	simm.s32 $0x10;
	s1 =	sand.u32 $0x1, s1;
	s9 =	smul.u32 $0x27100, s9  }
0xa: {  	s30 =	simm.s32 $0x0;
	[smem:$0x7FF] =	sst s3;
	s4 =	smul.u32 $0x13880, s1  }
0xb: {  	s7 =	sshll.u32 s1, $0x6;
	_ =	strace $0x8000004D;
	s1 =	ssub.s32 $0x2, s1  }
0xc: {  	s24 =	sor.u32 s7, s5;
	s25 =	sadd.s32 s6, s0;
	s26 =	sshrl.u32 s1, $0x1  }
0xd: {  	s31 =	sshrl.u32 s9, $0x2;
	s8 =	sadd.s32 s4, s0;
	s4 =	sshrl.u32 s24, $0x3  }
0xe: {  	s1 =	ssub.s32 s1, s26;
	s5 =	sadd.s32 $0x28A00, s25;
	s24 =	simm.s32 $0x18880  }
0xf: {  	s26 =	simm.s32 $0x3;
	s0 =	sadd.s32 s4, s0;
	s4 =	sadd.s32 $0x32800, s25  }
0x10: {  	s6 =	sadd.s32 $0x1800, s8;
	s8 =	sadd.s32 s31, s2;
	s9 =	smax.u32 s1, $0x1  }
0x11: {  	v0 =	vimm.f32 $0.0e+00;
	s25 =	simm.s32 $0x2;
	s1 =	simm.s32 $0x8;
	s7 =	sadd.s32 $0x3C600, s0  }
.LBB2_1:
0x12: {  	[tilespmem:s10], [sflag:$0x6] =	stream.linear.gather [hbm4b:s4+s3], $0x4E20, $0x38;
	[tilespmem:$0x1A2C0] =	vst v63  }
0x13: {  	s0 =	simm.s32 $0xEA60  }
0x14: {  	[tilespmem:s0], [sflag:$0x6] =	stream.linear.gather [hbm4b:s5+s3], $0x4E20, $0x38;
	[tilespmem:$0x1A2C0] =	vst v63  }
0x15: {  	[tilespmem:$0x19C80] =	vst v0  }
0x16: {  	[tilespmem:$0x19C90] =	vst v0  }
0x17: {  	[tilespmem:$0x19CA0] =	vst v0  }
0x18: {  	[tilespmem:$0x19CB0] =	vst v0  }
0x19: {  	[tilespmem:$0x19CC0] =	vst v0  }
0x1a: {  	[tilespmem:$0x19CD0] =	vst v0  }
0x1b: {  	[tilespmem:$0x19CE0] =	vst v0  }
0x1c: {  	[tilespmem:$0x19CF0] =	vst v0  }
0x1d: {  	[tilespmem:$0x19D00] =	vst v0  }
0x1e: {  	[tilespmem:$0x19D10] =	vst v0  }
0x1f: {  	[tilespmem:$0x19D20] =	vst v0  }
0x20: {  	[tilespmem:$0x19D30] =	vst v0  }
0x21: {  	[tilespmem:$0x19D40] =	vst v0  }
0x22: {  	[tilespmem:$0x19D50] =	vst v0  }
0x23: {  	[tilespmem:$0x19D60] =	vst v0  }
0x24: {  	[tilespmem:$0x19D70] =	vst v0  }
0x25: {  	[tilespmem:$0x19D80] =	vst v0  }
0x26: {  	[tilespmem:$0x19D90] =	vst v0  }
0x27: {  	[tilespmem:$0x19DA0] =	vst v0  }
0x28: {  	[tilespmem:$0x19DB0] =	vst v0  }
0x29: {  	[tilespmem:$0x19DC0] =	vst v0  }
0x2a: {  	[tilespmem:$0x19DD0] =	vst v0  }
0x2b: {  	[tilespmem:$0x19DE0] =	vst v0  }
0x2c: {  	[tilespmem:$0x19DF0] =	vst v0  }
0x2d: {  	[tilespmem:$0x19E00] =	vst v0  }
0x2e: {  	[tilespmem:$0x19E10] =	vst v0  }
0x2f: {  	[tilespmem:$0x19E20] =	vst v0  }
0x30: {  	[tilespmem:$0x19E30] =	vst v0  }
0x31: {  	[tilespmem:$0x19E40] =	vst v0  }
0x32: {  	[tilespmem:$0x19E50] =	vst v0  }
0x33: {  	[tilespmem:$0x19E60] =	vst v0  }
0x34: {  	[tilespmem:$0x19E70] =	vst v0  }
0x35: {  	[tilespmem:$0x19E80] =	vst v0  }
0x36: {  	[tilespmem:$0x19E90] =	vst v0  }
0x37: {  	[tilespmem:$0x19EA0] =	vst v0  }
0x38: {  	[tilespmem:$0x19EB0] =	vst v0  }
0x39: {  	[tilespmem:$0x19EC0] =	vst v0  }
0x3a: {  	[tilespmem:$0x19ED0] =	vst v0  }
0x3b: {  	[tilespmem:$0x19EE0] =	vst v0  }
0x3c: {  	[tilespmem:$0x19EF0] =	vst v0  }
0x3d: {  	[tilespmem:$0x19F00] =	vst v0  }
0x3e: {  	[tilespmem:$0x19F10] =	vst v0  }
0x3f: {  	[tilespmem:$0x19F20] =	vst v0  }
0x40: {  	[tilespmem:$0x19F30] =	vst v0  }
0x41: {  	[tilespmem:$0x19F40] =	vst v0  }
0x42: {  	[tilespmem:$0x19F50] =	vst v0  }
0x43: {  	[tilespmem:$0x19F60] =	vst v0  }
0x44: {  	[tilespmem:$0x19F70] =	vst v0  }
0x45: {  	[tilespmem:$0x19F80] =	vst v0  }
0x46: {  	[tilespmem:$0x19F90] =	vst v0  }
0x47: {  	[tilespmem:$0x19FA0] =	vst v0  }
0x48: {  	[tilespmem:$0x19FB0] =	vst v0  }
0x49: {  	[tilespmem:$0x19FC0] =	vst v0  }
0x4a: {  	[tilespmem:$0x19FD0] =	vst v0  }
0x4b: {  	[tilespmem:$0x19FE0] =	vst v0  }
0x4c: {  	[tilespmem:$0x19FF0] =	vst v0  }
0x4d: {  	[tilespmem:$0x1A000] =	vst v0  }
0x4e: {  	[tilespmem:$0x1A010] =	vst v0  }
0x4f: {  	[tilespmem:$0x1A020] =	vst v0  }
0x50: {  	[tilespmem:$0x1A030] =	vst v0  }
0x51: {  	[tilespmem:$0x1A040] =	vst v0  }
0x52: {  	[tilespmem:$0x1A050] =	vst v0  }
0x53: {  	[tilespmem:$0x1A060] =	vst v0  }
0x54: {  	[tilespmem:$0x1A070] =	vst v0  }
0x55: {  	[tilespmem:$0x1A080] =	vst v0  }
0x56: {  	[tilespmem:$0x1A090] =	vst v0  }
0x57: {  	[tilespmem:$0x1A0A0] =	vst v0  }
0x58: {  	[tilespmem:$0x1A0B0] =	vst v0  }
0x59: {  	[tilespmem:$0x1A0C0] =	vst v0  }
0x5a: {  	[tilespmem:$0x1A0D0] =	vst v0  }
0x5b: {  	[tilespmem:$0x1A0E0] =	vst v0  }
0x5c: {  	[tilespmem:$0x1A0F0] =	vst v0  }
0x5d: {  	[tilespmem:$0x1A100] =	vst v0  }
0x5e: {  	[tilespmem:$0x1A110] =	vst v0  }
0x5f: {  	[tilespmem:$0x1A120] =	vst v0  }
0x60: {  	[tilespmem:$0x1A130] =	vst v0  }
0x61: {  	[tilespmem:$0x1A140] =	vst v0  }
0x62: {  	[tilespmem:$0x1A150] =	vst v0  }
0x63: {  	[tilespmem:$0x1A160] =	vst v0  }
0x64: {  	[tilespmem:$0x1A170] =	vst v0  }
0x65: {  	[tilespmem:$0x1A180] =	vst v0  }
0x66: {  	[tilespmem:$0x1A190] =	vst v0  }
0x67: {  	[tilespmem:$0x1A1A0] =	vst v0  }
0x68: {  	[tilespmem:$0x1A1B0] =	vst v0  }
0x69: {  	[tilespmem:$0x1A1C0] =	vst v0  }
0x6a: {  	[tilespmem:$0x1A1D0] =	vst v0  }
0x6b: {  	[tilespmem:$0x1A1E0] =	vst v0  }
0x6c: {  	[tilespmem:$0x1A1F0] =	vst v0  }
0x6d: {  	[tilespmem:$0x1A200] =	vst v0  }
0x6e: {  	[tilespmem:$0x1A210] =	vst v0  }
0x6f: {  	[tilespmem:$0x1A220] =	vst v0  }
0x70: {  	[tilespmem:$0x1A230] =	vst v0  }
0x71: {  	[tilespmem:$0x1A240] =	vst v0  }
0x72: {  	[tilespmem:$0x1A250] =	vst v0  }
0x73: {  	[tilespmem:$0x1A260] =	vst v0  }
0x74: {  	[tilespmem:$0x1A270] =	vst v0  }
0x75: {  	[tilespmem:$0x1A280] =	vst v0  }
0x76: {  	[tilespmem:$0x1A290] =	vst v0  }
0x77: {  	[tilespmem:$0x1A2A0] =	vst v0  }
0x78: {  	s31 =	sadd.s32 $0x0, s8;
	[tilespmem:$0x1A2B0] =	vst v0  }
0x79: {  	[spmem:s31] =	stream.linear.scatter [tilespmem:s12], [sflag:$0x7], $0x640, $0x38;
	[tilespmem:$0x1A2C0] =	vst v63  }
0x7a: {  	s0 =	simm.s32 $0x1900;
	_ =	swait.ge [sflag:s13], $0x640  }
.LBB2_2:
0x7b: {  	s31 =	sshra.s32 s0, $0x2;
	[sflag:s13] =	ssyncset.done $0x0;
	p0 =	sne.s32 s0, $0x25800  }
.Ltmp0:
0x7c: {  	s31 =	sadd.s32 s31, s8;
	[sflag:s13] =	ssyncadd.s32 $0xFFFFF9C0;
	(pc) =	sbr.rel @p0 .LBB2_2-.Ltmp0, $3  }
0x7d: {  	[spmem:s31] =	stream.linear.scatter [tilespmem:s12], [sflag:$0x7], $0x640, $0x38;
	[tilespmem:$0x1A2C0] =	vst v63  }
0x7e: {  	s0 =	sadd.s32 $0x1900, s0;
	_ =	sdelay $0x1  }
0x7f: {  	_ =	swait.ge [sflag:s13], $0x640  }
0x80: {  	[sflag:s13] =	ssyncset.done $0x0  }
0x81: {  	[sflag:s13] =	ssyncadd.s32 $0xFFFFF9C0  }
0x82: {  	_ =	swait.ge [sflag:s14], $0x4E20  }
0x83: {  	[sflag:s14] =	ssyncset.done $0x0  }
0x84: {  	[sflag:s14] =	ssyncadd.s32 $0xFFFFB1E0  }
0x85: {  	_ =	swait.ge [sflag:s14], $0x4E20  }
0x86: {  	[sflag:s14] =	ssyncset.done $0x0  }
0x87: {  	[sflag:s14] =	ssyncadd.s32 $0xFFFFB1E0  }
0x88: {  	[bflag:$0x0] =	sbarrier.arrive $0xFFFF  }
0x89: {  	[tilespmem:s16], [sflag:$0x1] =	stream.indirect.gather [hbm4b:s6+s15], $0x40, s10, s15, $0xb8;
	[tilespmem:$0x1A2C0] =	vst v63  }
0x8a: {  	s0 =	simm.s32 $0x9C90  }
0x8b: {  	[tilespmem:s18], [sflag:$0x2] =	stream.indirect.gather [hbm4b:s6+s15], $0x40, s0, s15, $0xb8;
	[tilespmem:$0x1A2C0] =	vst v63  }
0x8c: {  	s11 =	simm.s32 $0x9CE0  }
0x8d: {  	[tilespmem:s20], [sflag:$0x3] =	stream.indirect.gather [hbm4b:s6+s15], $0x40, s11, s15, $0xb8;
	[tilespmem:$0x1A2C0] =	vst v63  }
0x8e: {  	s11 =	simm.s32 $0x9D30  }
0x8f: {  	[tilespmem:s22], [sflag:$0x4] =	stream.indirect.gather [hbm4b:s6+s15], $0x40, s11, s15, $0xb8;
	[tilespmem:$0x1A2C0] =	vst v63  }
0x90: {  	_ =	swait.ge [sflag:s23], $0x1400  }
0x91: {  	[sflag:s23] =	ssyncset.done $0x0  }
0x92: {  	s11 =	simm.s32 $0xEA60;
	[sflag:s23] =	ssyncadd.s32 $0xFFFFEC00  }
0x93: {  	[spmem:s2] =	stream.indirect.scatter.add.f32 [tilespmem:s16], [sflag:$0x7], $0x40, s11, s15, $0xb8;
	[tilespmem:$0x1A2C0] =	vst v63  }
0x94: {  	_ =	swait.ge [sflag:s13], $0x1400  }
0x95: {  	[sflag:s13] =	ssyncset.done $0x0  }
0x96: {  	s11 =	simm.s32 $0x9D80;
	[sflag:s13] =	ssyncadd.s32 $0xFFFFEC00  }
0x97: {  	[tilespmem:s24], [sflag:$0x5] =	stream.indirect.gather [hbm4b:s6+s15], $0x40, s11, s15, $0xb8;
	[tilespmem:$0x1A2C0] =	vst v63  }
0x98: {  	_ =	swait.ge [sflag:s25], $0x1400  }
0x99: {  	[sflag:s25] =	ssyncset.done $0x0  }
0x9a: {  	s11 =	simm.s32 $0xEAB0;
	[sflag:s25] =	ssyncadd.s32 $0xFFFFEC00  }
0x9b: {  	[spmem:s2] =	stream.indirect.scatter.add.f32 [tilespmem:s18], [sflag:$0x7], $0x40, s11, s15, $0xb8;
	[tilespmem:$0x1A2C0] =	vst v63  }
0x9c: {  	_ =	swait.ge [sflag:s13], $0x1400  }
0x9d: {  	[sflag:s13] =	ssyncset.done $0x0  }
0x9e: {  	s11 =	simm.s32 $0x9DD0;
	[sflag:s13] =	ssyncadd.s32 $0xFFFFEC00  }
0x9f: {  	[tilespmem:s16], [sflag:$0x1] =	stream.indirect.gather [hbm4b:s6+s15], $0x40, s11, s15, $0xb8;
	[tilespmem:$0x1A2C0] =	vst v63  }
0xa0: {  	_ =	swait.ge [sflag:s26], $0x1400  }
0xa1: {  	[sflag:s26] =	ssyncset.done $0x0  }
0xa2: {  	s11 =	simm.s32 $0xEB00;
	[sflag:s26] =	ssyncadd.s32 $0xFFFFEC00  }
0xa3: {  	[spmem:s2] =	stream.indirect.scatter.add.f32 [tilespmem:s20], [sflag:$0x7], $0x40, s11, s15, $0xb8;
	[tilespmem:$0x1A2C0] =	vst v63  }
0xa4: {  	_ =	swait.ge [sflag:s13], $0x1400  }
0xa5: {  	[sflag:s13] =	ssyncset.done $0x0  }
0xa6: {  	s11 =	simm.s32 $0x9E20;
	[sflag:s13] =	ssyncadd.s32 $0xFFFFEC00  }
0xa7: {  	[tilespmem:s18], [sflag:$0x2] =	stream.indirect.gather [hbm4b:s6+s15], $0x40, s11, s15, $0xb8;
	[tilespmem:$0x1A2C0] =	vst v63  }
0xa8: {  	_ =	swait.ge [sflag:s28], $0x1400  }
0xa9: {  	[sflag:s28] =	ssyncset.done $0x0  }
0xaa: {  	s11 =	simm.s32 $0xEB50;
	[sflag:s28] =	ssyncadd.s32 $0xFFFFEC00  }
0xab: {  	[spmem:s2] =	stream.indirect.scatter.add.f32 [tilespmem:s22], [sflag:$0x7], $0x40, s11, s15, $0xb8;
	[tilespmem:$0x1A2C0] =	vst v63  }
0xac: {  	_ =	swait.ge [sflag:s13], $0x1400  }
0xad: {  	[sflag:s13] =	ssyncset.done $0x0  }
0xae: {  	s11 =	simm.s32 $0x9E70;
	[sflag:s13] =	ssyncadd.s32 $0xFFFFEC00  }
0xaf: {  	[tilespmem:s20], [sflag:$0x3] =	stream.indirect.gather [hbm4b:s6+s15], $0x40, s11, s15, $0xb8;
	[tilespmem:$0x1A2C0] =	vst v63  }
0xb0: {  	_ =	swait.ge [sflag:s29], $0x1400  }
0xb1: {  	[sflag:s29] =	ssyncset.done $0x0  }
0xb2: {  	s11 =	simm.s32 $0xEBA0;
	[sflag:s29] =	ssyncadd.s32 $0xFFFFEC00  }
0xb3: {  	[spmem:s2] =	stream.indirect.scatter.add.f32 [tilespmem:s24], [sflag:$0x7], $0x40, s11, s15, $0xb8;
	[tilespmem:$0x1A2C0] =	vst v63  }
0xb4: {  	_ =	swait.ge [sflag:s13], $0x1400  }
0xb5: {  	[sflag:s13] =	ssyncset.done $0x0  }
0xb6: {  	s31 =	simm.s32 $0x640;
	s0 =	simm.s32 $0x9EC0;
	[sflag:s13] =	ssyncadd.s32 $0xFFFFEC00  }
.LBB2_4:
0xb7: {  	[tilespmem:s22], [sflag:$0x4] =	stream.indirect.gather [hbm4b:s6+s15], $0x40, s0, s15, $0xb8;
	[tilespmem:$0x1A2C0] =	vst v63  }
0xb8: {  	s0 =	smov.u32 s31  }
0xb9: {  	p0 =	sne.s32 s31, $0x12C00;
	s31 =	sadd.s32 $0x640, s31;
	_ =	swait.ge [sflag:s23], $0x1400  }
0xba: {  	s0 =	sshra.s32 s0, $0x2;
	[sflag:s23] =	ssyncset.done $0x0  }
0xbb: {  	s11 =	sadd.s32 $0xEA60, s0;
	[sflag:s23] =	ssyncadd.s32 $0xFFFFEC00  }
0xbc: {  	[spmem:s2] =	stream.indirect.scatter.add.f32 [tilespmem:s16], [sflag:$0x7], $0x40, s11, s15, $0xb8;
	[tilespmem:$0x1A2C0] =	vst v63  }
0xbd: {  	_ =	swait.ge [sflag:s13], $0x1400  }
0xbe: {  	[sflag:s13] =	ssyncset.done $0x0  }
0xbf: {  	s11 =	sadd.s32 $0x9D80, s0;
	[sflag:s13] =	ssyncadd.s32 $0xFFFFEC00  }
0xc0: {  	[tilespmem:s24], [sflag:$0x5] =	stream.indirect.gather [hbm4b:s6+s15], $0x40, s11, s15, $0xb8;
	[tilespmem:$0x1A2C0] =	vst v63  }
0xc1: {  	_ =	swait.ge [sflag:s25], $0x1400  }
0xc2: {  	[sflag:s25] =	ssyncset.done $0x0  }
0xc3: {  	s11 =	sadd.s32 $0xEAB0, s0;
	[sflag:s25] =	ssyncadd.s32 $0xFFFFEC00  }
0xc4: {  	[spmem:s2] =	stream.indirect.scatter.add.f32 [tilespmem:s18], [sflag:$0x7], $0x40, s11, s15, $0xb8;
	[tilespmem:$0x1A2C0] =	vst v63  }
0xc5: {  	_ =	swait.ge [sflag:s13], $0x1400  }
0xc6: {  	[sflag:s13] =	ssyncset.done $0x0  }
0xc7: {  	s11 =	sadd.s32 $0x9DD0, s0;
	[sflag:s13] =	ssyncadd.s32 $0xFFFFEC00  }
0xc8: {  	[tilespmem:s16], [sflag:$0x1] =	stream.indirect.gather [hbm4b:s6+s15], $0x40, s11, s15, $0xb8;
	[tilespmem:$0x1A2C0] =	vst v63  }
0xc9: {  	_ =	swait.ge [sflag:s26], $0x1400  }
0xca: {  	[sflag:s26] =	ssyncset.done $0x0  }
0xcb: {  	s11 =	sadd.s32 $0xEB00, s0;
	[sflag:s26] =	ssyncadd.s32 $0xFFFFEC00  }
0xcc: {  	[spmem:s2] =	stream.indirect.scatter.add.f32 [tilespmem:s20], [sflag:$0x7], $0x40, s11, s15, $0xb8;
	[tilespmem:$0x1A2C0] =	vst v63  }
0xcd: {  	_ =	swait.ge [sflag:s13], $0x1400  }
0xce: {  	[sflag:s13] =	ssyncset.done $0x0  }
0xcf: {  	s11 =	sadd.s32 $0x9E20, s0;
	[sflag:s13] =	ssyncadd.s32 $0xFFFFEC00  }
0xd0: {  	[tilespmem:s18], [sflag:$0x2] =	stream.indirect.gather [hbm4b:s6+s15], $0x40, s11, s15, $0xb8;
	[tilespmem:$0x1A2C0] =	vst v63  }
0xd1: {  	_ =	swait.ge [sflag:s28], $0x1400  }
0xd2: {  	[sflag:s28] =	ssyncset.done $0x0  }
0xd3: {  	s11 =	sadd.s32 $0xEB50, s0;
	[sflag:s28] =	ssyncadd.s32 $0xFFFFEC00  }
0xd4: {  	[spmem:s2] =	stream.indirect.scatter.add.f32 [tilespmem:s22], [sflag:$0x7], $0x40, s11, s15, $0xb8;
	[tilespmem:$0x1A2C0] =	vst v63  }
0xd5: {  	_ =	swait.ge [sflag:s13], $0x1400  }
0xd6: {  	[sflag:s13] =	ssyncset.done $0x0  }
0xd7: {  	s11 =	sadd.s32 $0x9E70, s0;
	[sflag:s13] =	ssyncadd.s32 $0xFFFFEC00  }
0xd8: {  	[tilespmem:s20], [sflag:$0x3] =	stream.indirect.gather [hbm4b:s6+s15], $0x40, s11, s15, $0xb8;
	[tilespmem:$0x1A2C0] =	vst v63  }
0xd9: {  	_ =	swait.ge [sflag:s29], $0x1400  }
0xda: {  	[sflag:s29] =	ssyncset.done $0x0  }
.Ltmp1:
0xdb: {  	s11 =	sadd.s32 $0xEBA0, s0;
	[sflag:s29] =	ssyncadd.s32 $0xFFFFEC00;
	(pc) =	sbr.rel @p0 .LBB2_4-.Ltmp1, $4  }
0xdc: {  	[spmem:s2] =	stream.indirect.scatter.add.f32 [tilespmem:s24], [sflag:$0x7], $0x40, s11, s15, $0xb8;
	[tilespmem:$0x1A2C0] =	vst v63  }
0xdd: {  	_ =	swait.ge [sflag:s13], $0x1400  }
0xde: {  	[sflag:s13] =	ssyncset.done $0x0  }
0xdf: {  	s0 =	sadd.s32 $0x9EC0, s0;
	[sflag:s13] =	ssyncadd.s32 $0xFFFFEC00  }
0xe0: {  	[tilespmem:s22], [sflag:$0x4] =	stream.indirect.gather [hbm4b:s6+s15], $0x40, s0, s15, $0xb8;
	[tilespmem:$0x1A2C0] =	vst v63  }
0xe1: {  	_ =	swait.ge [sflag:s23], $0x1400  }
0xe2: {  	[sflag:s23] =	ssyncset.done $0x0  }
0xe3: {  	s31 =	simm.s32 $0x136F0;
	[sflag:s23] =	ssyncadd.s32 $0xFFFFEC00  }
0xe4: {  	[spmem:s2] =	stream.indirect.scatter.add.f32 [tilespmem:s16], [sflag:$0x7], $0x40, s31, s15, $0xb8;
	[tilespmem:$0x1A2C0] =	vst v63  }
0xe5: {  	_ =	swait.ge [sflag:s13], $0x1400  }
0xe6: {  	[sflag:s13] =	ssyncset.done $0x0  }
0xe7: {  	s11 =	simm.s32 $0xEA10;
	[sflag:s13] =	ssyncadd.s32 $0xFFFFEC00  }
0xe8: {  	[tilespmem:s24], [sflag:$0x5] =	stream.indirect.gather [hbm4b:s6+s15], $0x40, s11, s15, $0xb8;
	[tilespmem:$0x1A2C0] =	vst v63  }
0xe9: {  	_ =	swait.ge [sflag:s25], $0x1400  }
0xea: {  	[sflag:s25] =	ssyncset.done $0x0  }
0xeb: {  	s31 =	simm.s32 $0x13740;
	[sflag:s25] =	ssyncadd.s32 $0xFFFFEC00  }
0xec: {  	[spmem:s2] =	stream.indirect.scatter.add.f32 [tilespmem:s18], [sflag:$0x7], $0x40, s31, s15, $0xb8;
	[tilespmem:$0x1A2C0] =	vst v63  }
0xed: {  	_ =	swait.ge [sflag:s13], $0x1400  }
0xee: {  	[sflag:s13] =	ssyncset.done $0x0  }
0xef: {  	[sflag:s13] =	ssyncadd.s32 $0xFFFFEC00  }
0xf0: {  	_ =	swait.ge [sflag:s26], $0x1400  }
0xf1: {  	[sflag:s26] =	ssyncset.done $0x0  }
0xf2: {  	s11 =	simm.s32 $0x13790;
	[sflag:s26] =	ssyncadd.s32 $0xFFFFEC00  }
0xf3: {  	[spmem:s2] =	stream.indirect.scatter.add.f32 [tilespmem:s20], [sflag:$0x7], $0x40, s11, s15, $0xb8;
	[tilespmem:$0x1A2C0] =	vst v63  }
0xf4: {  	_ =	swait.ge [sflag:s13], $0x1400  }
0xf5: {  	[sflag:s13] =	ssyncset.done $0x0  }
0xf6: {  	[sflag:s13] =	ssyncadd.s32 $0xFFFFEC00  }
0xf7: {  	_ =	swait.ge [sflag:s28], $0x1400  }
0xf8: {  	[sflag:s28] =	ssyncset.done $0x0  }
0xf9: {  	[sflag:s28] =	ssyncadd.s32 $0xFFFFEC00  }
0xfa: {  	[spmem:s2] =	stream.indirect.scatter.add.f32 [tilespmem:s22], [sflag:$0x7], $0x40, s17, s15, $0xb8;
	[tilespmem:$0x1A2C0] =	vst v63  }
0xfb: {  	_ =	swait.ge [sflag:s13], $0x1400  }
0xfc: {  	[sflag:s13] =	ssyncset.done $0x0  }
0xfd: {  	[sflag:s13] =	ssyncadd.s32 $0xFFFFEC00  }
0xfe: {  	_ =	swait.ge [sflag:s29], $0x1400  }
0xff: {  	[sflag:s29] =	ssyncset.done $0x0  }
0x100: {  	[sflag:s29] =	ssyncadd.s32 $0xFFFFEC00  }
0x101: {  	[spmem:s2] =	stream.indirect.scatter.add.f32 [tilespmem:s24], [sflag:$0x7], $0x40, s19, s15, $0xb8;
	[tilespmem:$0x1A2C0] =	vst v63  }
0x102: {  	s31 =	stileid.u32;
	_ =	swait.ge [sflag:s13], $0x1400  }
0x103: {  	s30 =	sadd.s32 $0x1, s30;
	s0 =	sshll.u32 s31, $0x6;
	[sflag:s13] =	ssyncset.done $0x0  }
0x104: {  	p0 =	sne.s32 s30, s9;
	s0 =	sor.u32 $0x1C07, s0;
	[sflag:s13] =	ssyncadd.s32 $0xFFFFEC00  }
.Ltmp2:
0x105: {  	s11 =	sshrl.u32 s8, $0x3;
	[bflag:$0x0] =	sbarrier.arrive $0xFFFF;
	(pc) =	sbr.rel @p0 .LBB2_1-.Ltmp2, $4  }
0x106: {  	[hbm:s7@s21], [sflag:s0] =	dma.strided [spmem:s11@s1], $0x1388, s23, $0x8   }
0x107: {  	_ =	swait.ge [sflag:s13], $0x1388  }
0x108: {  	[sflag:s13] =	ssyncset.done $0x0  }
0x109: {  	[sflag:s13] =	ssyncadd.s32 $0xFFFFEC78  }
0x10a: {  	_ =	sfence.sel $0x180000  }
0x10b: {  	[bflag:$0x0] =	sbarrier.arrive $0xFFFF  }
0x10c: {  	_ =	strace $0x9000004D  }
0x10d: {  	s0 =	stileid.u32;
	[bflag:$0x2] =	sbarrier.arrive $0xFFFF  }
0x10e: {  	p0 =	sne.s32 s0, $0x0;
	s0 =	rddreg [dreg:$0x2]  }
0x10f: {  	s0 =	sadd.s32 @!p0 $0x100000, s0  }
0x110: {  	[sflag:s0] =	ssyncadd.tile.s32 @!p0 $0x1;
	_ =	shalt  }
.Lfunc_end2:
_tile_overlayer_lowered:
.L_overlay_start_2:
0x111: {  	(tag) =	ssettag $0x2  }
0x112: {  	s0 =	rddreg [dreg:$0x0];
	s2 =	stileid.u32  }
0x113: {  	s1 =	rddreg [dreg:$0x1];
	p0 =	sne.s32 s2, $0x0  }
0x114: {  	s3 =	rddreg [dreg:$0x2];
	[bflag:$0x3] =	sbarrier.arrive $0xFFFF;
	s2 =	simm.s32 @!p0 $0x1C07  }
0x115: {  	[timem:s3], [sflag:s2] =	dma.local @!p0 [hbm:s0], s1  }
0x116: {  	s0 =	simm.s32 @!p0 $0x7  }
0x117: {  	_ =	swait.ge @!p0 [sflag:s0], s1  }
0x118: {  	s1 =	ssub.s32 @!p0 $0x0, s1;
	[sflag:s0] =	ssyncset.done @!p0 $0x0  }
0x119: {  	[sflag:s0] =	ssyncadd.s32 @!p0 s1  }
0x11a: {  	[bflag:$0x3] =	sbarrier.arrive $0xFFFF  }
0x11b: {  	_ =	shalt  }

// kernel: _run.9.cloned.1.call-start
scs
__scs_entry_jumppad:
0x0: {  	(pc) =	sbr.rel $0x88, $3  }
0x1: {  	(tag) =	ssettag $0x0;
	lr =	simm.s32 $0x1  }
0x2: {  	[smem:$0x3F9B] =	sst lr;
	_ =	strace $0xD0000000  }
0x3: {  	_ = 	snop  }
0x4: {  	_ = 	snop  }
0x5: {  	_ = 	snop  }
0x6: {  	_ = 	snop  }
0x7: {  	_ = 	snop  }
__scs_overlays_trampoline_lowered:
0x8: {  	[smem:$0x3FAA] =	sst s0  }
0x9: {  	[smem:$0x3FAB] =	sst s1  }
0xa: {  	[smem:$0x3FAC] =	sst s2  }
0xb: {  	[smem:$0x3FAD] =	sst s3  }
0xc: {  	[smem:$0x3FAE] =	sst s4  }
0xd: {  	[smem:$0x3FAF] =	sst s5  }
0xe: {  	[smem:$0x3FB0] =	sst s6  }
0xf: {  	[smem:$0x3FB1] =	sst s7  }
0x10: {  	[smem:$0x3FB2] =	sst s8  }
0x11: {  	[smem:$0x3FB3] =	sst s9;
	s0 =	simm.s32 @!p0 $0x0  }
0x12: {  	s1 =	sld [smem:$0x3F99];
	s0 =	simm.s32 @p0 $0x1  }
0x13: {  	[smem:$0x3FB4] =	sst s0;
	s0 =	simm.s32 @!p1 $0x0  }
0x14: {  	s2 =	sld [smem:$0x3F98];
	s0 =	simm.s32 @p1 $0x1  }
0x15: {  	[smem:$0x3FB5] =	sst s0;
	s0 =	simm.s32 @!p2 $0x0  }
0x16: {  	s3 =	sld [smem:$0x3FDB];
	s0 =	simm.s32 @p2 $0x1  }
0x17: {  	s4 =	simm.s32 $0x1BF5;
	[smem:$0x3FB7] =	sst s0  }
0x18: {  	s0 =	sld [smem:$0x3F9A];
	_ =	swait.ge [sflag:s4], $0x0  }
0x19: {  	s7 =	sld [smem:$0x3F9B]  }
0x1a: {  	s8 =	sadd.s32 $0xFFFFE003, lr  }
0x1b: {  	s9 =	sadd.s32 $0xFFFFFEF7, lr;
	s5 =	simm.s32 $0xFFFFFFFF;
	p2 =	slt.u32 s8, $0xFFFFF086  }
0x1c: {  	p1 =	slt.u32 s9, $0xF7A;
	s5 =	simm.s32 @!p2 $0x0  }
0x1d: {  	s5 =	simm.s32 @p1 $0x1;
	p0 =	seq.s32 s7, s2  }
0x1e: {  	s7 =	smul.u32 @!p0 $0xF7A, s2;
	p2 =	seq.s32 @!p0 s5, $0x0  }
0x1f: {  	s9 =	smul.u32 $0xF7A, s1;
	s8 =	simm.s32 @!p0 $0x1BF5;
	p2 =	por !p2, p0  }
0x20: {  	[sflag:s8] =	ssyncset.s32 @!p0 $0xFFFFF086;
	s6 =	sadd.s32 @!p0 s3, s7;
	s7 =	simm.s32 @!p0 $0x108  }
0x21: {  	s3 =	sadd.s32 s3, s9;
	s6 =	sadd.s32 @!p0 $0x88, s6;
	s7 =	simm.s32 @p2 $0x1082  }
0x22: {  	[simem:s7], [sflag:s8] =	dma.local @!p0 [hbm:s6], $0xF7A  }
0x23: {  	s9 =	sor.u32 $0xD0000000, s2;
	s6 =	simm.s32 $0x108;
	_ =	swait.ge @!p0 [sflag:s8], $0x0  }
0x24: {  	s3 =	sadd.s32 $0x88, s3;
	s6 =	simm.s32 @!p1 $0x1082;
	[sflag:s4] =	ssyncset.s32 $0xFFFFF086  }
0x25: {  	[simem:s6], [sflag:s4] =	dma.local [hbm:s3], $0xF7A  }
0x26: {  	[smem:$0x3F9B] =	sst s1;
	(tag) =	ssettag s2;
	_ =	strace s9  }
0x27: {  	s1 =	sld [smem:$0x3FAB]  }
0x28: {  	s2 =	sld [smem:$0x3FAC]  }
0x29: {  	s4 =	sld [smem:$0x3FAE]  }
0x2a: {  	p0 =	seq.s32 s5, $0x0;
	s5 =	sld [smem:$0x3FAF]  }
0x2b: {  	s6 =	sld [smem:$0x3FB0]  }
0x2c: {  	s7 =	sld [smem:$0x3FB1]  }
0x2d: {  	s3 =	simm.s32 $0x108;
	s8 =	sld [smem:$0x3FB2]  }
0x2e: {  	s3 =	simm.s32 @!p0 $0x1082;
	s9 =	sld [smem:$0x3FB3]  }
0x2f: {  	lr =	sadd.s32 s0, s3;
	s0 =	sld [smem:$0x3FAA]  }
0x30: {  	s3 =	sld [smem:$0x3FAD]  }
0x31: {  	[smem:$0x3FB6] =	sst s10  }
0x32: {  	s10 =	sld [smem:$0x3FB4];
	_ =	sdelay $0x3  }
0x33: {  	p0 =	seq.s32 s10, $0x1;
	s10 =	sld [smem:$0x3FB6];
	_ =	sdelay $0x3  }
0x34: {  	[smem:$0x3FB6] =	sst s10  }
0x35: {  	s10 =	sld [smem:$0x3FB5];
	_ =	sdelay $0x3  }
0x36: {  	p1 =	seq.s32 s10, $0x1;
	s10 =	sld [smem:$0x3FB6];
	_ =	sdelay $0x3  }
0x37: {  	[smem:$0x3FB6] =	sst s10  }
0x38: {  	s10 =	sld [smem:$0x3FB7]  }
0x39: {  	_ = 	snop;
	(pc) =	sbr.ind lr, $3  }
0x3a: {  	_ = 	snop  }
0x3b: {  	_ = 	snop  }
0x3c: {  	p2 =	seq.s32 s10, $0x1;
	s10 =	sld [smem:$0x3FB6]  }
0x3d: {  	_ =	shalt  }
0x3e: {  	_ =	shalt  }
0x3f: {  	_ =	shalt  }
0x40: {  	_ =	shalt  }
0x41: {  	_ =	shalt  }
0x42: {  	_ =	shalt  }
0x43: {  	_ =	shalt  }
0x44: {  	_ =	shalt  }
0x45: {  	_ =	shalt  }
0x46: {  	_ =	shalt  }
0x47: {  	_ =	shalt  }
0x48: {  	_ =	shalt  }
0x49: {  	_ =	shalt  }
0x4a: {  	_ =	shalt  }
0x4b: {  	_ =	shalt  }
0x4c: {  	_ =	shalt  }
0x4d: {  	_ =	shalt  }
0x4e: {  	_ =	shalt  }
0x4f: {  	_ =	shalt  }
0x50: {  	_ =	shalt  }
0x51: {  	_ =	shalt  }
0x52: {  	_ =	shalt  }
0x53: {  	_ =	shalt  }
0x54: {  	_ =	shalt  }
0x55: {  	_ =	shalt  }
0x56: {  	_ =	shalt  }
0x57: {  	_ =	shalt  }
0x58: {  	_ =	shalt  }
0x59: {  	_ =	shalt  }
0x5a: {  	_ =	shalt  }
0x5b: {  	_ =	shalt  }
0x5c: {  	_ =	shalt  }
0x5d: {  	_ =	shalt  }
0x5e: {  	_ =	shalt  }
0x5f: {  	_ =	shalt  }
0x60: {  	_ =	shalt  }
0x61: {  	_ =	shalt  }
0x62: {  	_ =	shalt  }
0x63: {  	_ =	shalt  }
0x64: {  	_ =	shalt  }
0x65: {  	_ =	shalt  }
0x66: {  	_ =	shalt  }
0x67: {  	_ =	shalt  }
0x68: {  	_ =	shalt  }
0x69: {  	_ =	shalt  }
0x6a: {  	_ =	shalt  }
0x6b: {  	_ =	shalt  }
0x6c: {  	_ =	shalt  }
0x6d: {  	_ =	shalt  }
0x6e: {  	_ =	shalt  }
0x6f: {  	_ =	shalt  }
0x70: {  	_ =	shalt  }
0x71: {  	_ =	shalt  }
0x72: {  	_ =	shalt  }
0x73: {  	_ =	shalt  }
0x74: {  	_ =	shalt  }
0x75: {  	_ =	shalt  }
0x76: {  	_ =	shalt  }
0x77: {  	_ =	shalt  }
0x78: {  	_ =	shalt  }
0x79: {  	_ =	shalt  }
0x7a: {  	_ =	shalt  }
0x7b: {  	_ =	shalt  }
0x7c: {  	_ =	shalt  }
0x7d: {  	_ =	shalt  }
0x7e: {  	_ =	shalt  }
0x7f: {  	_ =	shalt  }
0x80: {  	_ =	shalt  }
0x81: {  	_ =	shalt  }
0x82: {  	_ =	shalt  }
0x83: {  	_ =	shalt  }
0x84: {  	_ =	shalt  }
0x85: {  	_ =	shalt  }
0x86: {  	_ =	shalt  }
0x87: {  	_ =	shalt  }
.Lfunc_end0:
.L_simem_size_0:
called_computation_lowered:
.L_overlay_start_0:
0x88: {  	s2 =	sld [smem:$0x3FD9]  }
0x89: {  	s3 =	sld [smem:$0x3FFE];
	_ =	sdelay $0x1  }
0x8a: {  	s1 =	srdreg.scid  }
0x8b: {  	s0 =	sand.u32 $0x1, s1  }
0x8c: {  	s16 =	sshll.u32 s0, $0xA;
	s2 =	sadd.s32 s3, s2  }
0x8d: {  	s2 =	sadd.s32 s2, s16  }
0x8e: {  	[smem:$0x3FC2] =	sst s2  }
0x8f: {  	_ = 	snop  }
0x90: {  	(tm) =	ssettm $0x1  }
0x91: {  	s17 =	sld [smem:$0x3FFB];
	_ =	sdelay $0x3  }
0x92: {  	_ =	strace s17  }
0x93: {  	s2 =	sld [smem:$0x3FFC];
	_ =	sdelay $0x3  }
0x94: {  	_ =	strace s2  }
0x95: {  	s2 =	sld [smem:$0x3FFD];
	_ =	sdelay $0x3  }
0x96: {  	_ =	strace s2  }
0x97: {  	_ =	strace $0x8FFFFFFF  }
0x98: {  	s18 =	sld [smem:$0x3FDB];
	_ =	sdelay $0x1  }
0x99: {  	s19 =	simm.s32 $_scs_section_size  }
0x9a: {  	s4 =	simm.s32 $_size__tile_overlayer_lowered;
	s5 =	simm.s32 $_tile_overlayer_lowered  }
0x9b: {  	s22 =	simm.s32 $0x1BFF;
	s21 =	sshll.u32 s5, $0x1;
	s2 =	sadd.s32 s19, s18  }
0x9c: {  	s6 =	simm.s32 $0x0;
	s20 =	sshll.u32 s4, $0x1;
	s4 =	sadd.s32 s21, s2  }
0x9d: {  	[timem:s6], [sflag:s22] =	dma.local [hbm:s4], s20  }
0x9e: {  	_ =	swait.ge [sflag:s22], s20  }
0x9f: {  	s3 =	ssub.s32 $0x0, s20;
	[sflag:s22] =	ssyncset.done $0x0  }
0xa0: {  	[sflag:s22] =	ssyncadd.s32 s3;
	_ =	sdelay $0x1  }
0xa1: {  	s23 =	simm.s32 $0x1B8B  }
0xa2: {  	_ =	swait.ge [sflag:s23], $0x1  }
0xa3: {  	[sflag:s23] =	ssyncset.done $0x0  }
0xa4: {  	s25 =	simm.s32 $0x1B8E;
	s24 =	sld [smem:$0x3FFE];
	[sflag:s23] =	ssyncadd.s32 $0xFFFFFFFF  }
0xa5: {  	s26 =	simm.s32 $execute0_lowered;
	[smem:$0x3FD2] =	sst s25  }
0xa6: {  	s4 =	sshll.u32 s26, $0x1;
	_ =	strace $0x80000046;
	[dreg:$0x1] =	wrdreg $0xFFFFFFFF  }
0xa7: {  	s28 =	simm.s32 $_size_execute0_lowered;
	s2 =	sadd.s32 s2, s4;
	[dreg:$0x0] =	wrdreg $0x0  }
0xa8: {  	s4 =	sshll.u32 s28, $0x1;
	[dreg:$0x2] =	wrdreg s2  }
0xa9: {  	[dreg:$0x3] =	wrdreg s4  }
0xaa: {  	[dreg:$0x4] =	wrdreg $0xC0  }
0xab: {  	_ =	task [dreg:s6], $0x5FFFF  }
0xac: {  	[dreg:$0x1] =	wrdreg $0xFFFFFFFF  }
0xad: {  	[dreg:$0x0] =	wrdreg $0x60  }
0xae: {  	[dreg:$0x2] =	wrdreg s24  }
0xaf: {  	[dreg:$0x3] =	wrdreg $0x0  }
0xb0: {  	[dreg:$0x4] =	wrdreg $0x9  }
0xb1: {  	_ =	task.clear_ibuf [dreg:s6], $0x5FFFF;
	_ =	strace $0x90000046  }
0xb2: {  	s29 =	simm.s32 $0x9;
	_ =	strace $0x80000048  }
0xb3: {  	_ =	swait.ge [sflag:s29], $0x1  }
0xb4: {  	[sflag:s29] =	ssyncadd.s32 $0xFFFFFFFF  }
0xb5: {  	_ =	strace $0x90000048  }
0xb6: {  	_ =	sfence  }
0xb7: {  	s30 =	sld [smem:$0x0];
	_ =	sdelay $0x2  }
0xb8: {  	s31 =	sshll.u32 s1, $0xD;
	s1 =	sshrl.u32 s1, $0x2  }
0xb9: {  	s3 =	sand.u32 $0x4000, s31;
	s1 =	sadd.s32 s1, s30  }
0xba: {  	s0 =	sor.u32 s3, s0;
	s1 =	sshll.u32 s1, $0x11  }
0xbb: {  	s0 =	sor.u32 s1, s0  }
0xbc: {  	s0 =	sadd.s32 $0x8F2B, s0  }
0xbd: {  	[sflag:s0] =	ssyncadd.remote.s32 $0x1  }
0xbe: {  	_ =	sfence.sel $0xFFFF  }
0xbf: {  	[dreg:$0x0] =	wrdreg $0xFFFFFFFF;
	(pc) =	sbr.abs _section_cstart, $3  }
0xc0: {  	[dreg:$0x1] =	wrdreg $0xFFFFFFFF  }
0xc1: {  	_ =	task.clear_ibuf [dreg:s6], $0x2FFFF;
	_ =	strace $0x9FFFFFFF  }
0xc2: {  	(tm) =	ssettm $0x7FFFFFFF  }
0xc3: {  	_ =	shalt  }
tec
execute0_lowered:
.L_overlay_start_1:
0x0: {  	(tag) =	ssettag $0x1  }
0x1: {  	s0 =	rddreg [dreg:$0x0]  }
0x2: {  	s1 =	srdreg.scid;
	s2 =	rddreg [dreg:$0x1]  }
0x3: {  	s9 =	stileid.u32;
	s3 =	simm.s32 $0x0;
	s10 =	simm.s32 $0x9C40  }
0x4: {  	s12 =	simm.s32 $0x19C80;
	s13 =	simm.s32 $0x7;
	s14 =	simm.s32 $0x6  }
0x5: {  	s15 =	simm.s32 $0x50;
	s16 =	simm.s32 $0x13880;
	s18 =	simm.s32 $0x14C80  }
0x6: {  	s20 =	simm.s32 $0x16080;
	s22 =	simm.s32 $0x17480;
	s23 =	simm.s32 $0x1  }
0x7: {  	s28 =	simm.s32 $0x4;
	s29 =	simm.s32 $0x5;
	s5 =	smul.u32 $0x13880, s9  }
0x8: {  	s17 =	simm.s32 $0x137E0;
	s19 =	simm.s32 $0x13830;
	s6 =	smul.u32 $0x9C4, s9  }
0x9: {  	s21 =	simm.s32 $0x10;
	s1 =	sand.u32 $0x1, s1;
	s9 =	smul.u32 $0x27100, s9  }
0xa: {  	s30 =	simm.s32 $0x0;
	[smem:$0x7FF] =	sst s3;
	s4 =	smul.u32 $0x13880, s1  }
0xb: {  	s7 =	sshll.u32 s1, $0x6;
	_ =	strace $0x80000047;
	s1 =	ssub.s32 $0x2, s1  }
0xc: {  	s24 =	sor.u32 s7, s5;
	s25 =	sadd.s32 s6, s0;
	s26 =	sshrl.u32 s1, $0x1  }
0xd: {  	s31 =	sshrl.u32 s9, $0x2;
	s8 =	sadd.s32 s4, s0;
	s4 =	sshrl.u32 s24, $0x3  }
0xe: {  	s1 =	ssub.s32 s1, s26;
	s5 =	sadd.s32 $0x28A00, s25;
	s24 =	simm.s32 $0x18880  }
0xf: {  	s26 =	simm.s32 $0x3;
	s0 =	sadd.s32 s4, s0;
	s4 =	sadd.s32 $0x32800, s25  }
0x10: {  	s6 =	sadd.s32 $0x1800, s8;
	s8 =	sadd.s32 s31, s2;
	s9 =	smax.u32 s1, $0x1  }
0x11: {  	v0 =	vimm.f32 $0.0e+00;
	s25 =	simm.s32 $0x2;
	s1 =	simm.s32 $0x8;
	s7 =	sadd.s32 $0x3C600, s0  }
.LBB2_1:
0x12: {  	[tilespmem:s10], [sflag:$0x6] =	stream.linear.gather [hbm4b:s4+s3], $0x4E20, $0x38;
	[tilespmem:$0x1A2C0] =	vst v63  }
0x13: {  	s0 =	simm.s32 $0xEA60  }
0x14: {  	[tilespmem:s0], [sflag:$0x6] =	stream.linear.gather [hbm4b:s5+s3], $0x4E20, $0x38;
	[tilespmem:$0x1A2C0] =	vst v63  }
0x15: {  	[tilespmem:$0x19C80] =	vst v0  }
0x16: {  	[tilespmem:$0x19C90] =	vst v0  }
0x17: {  	[tilespmem:$0x19CA0] =	vst v0  }
0x18: {  	[tilespmem:$0x19CB0] =	vst v0  }
0x19: {  	[tilespmem:$0x19CC0] =	vst v0  }
0x1a: {  	[tilespmem:$0x19CD0] =	vst v0  }
0x1b: {  	[tilespmem:$0x19CE0] =	vst v0  }
0x1c: {  	[tilespmem:$0x19CF0] =	vst v0  }
0x1d: {  	[tilespmem:$0x19D00] =	vst v0  }
0x1e: {  	[tilespmem:$0x19D10] =	vst v0  }
0x1f: {  	[tilespmem:$0x19D20] =	vst v0  }
0x20: {  	[tilespmem:$0x19D30] =	vst v0  }
0x21: {  	[tilespmem:$0x19D40] =	vst v0  }
0x22: {  	[tilespmem:$0x19D50] =	vst v0  }
0x23: {  	[tilespmem:$0x19D60] =	vst v0  }
0x24: {  	[tilespmem:$0x19D70] =	vst v0  }
0x25: {  	[tilespmem:$0x19D80] =	vst v0  }
0x26: {  	[tilespmem:$0x19D90] =	vst v0  }
0x27: {  	[tilespmem:$0x19DA0] =	vst v0  }
0x28: {  	[tilespmem:$0x19DB0] =	vst v0  }
0x29: {  	[tilespmem:$0x19DC0] =	vst v0  }
0x2a: {  	[tilespmem:$0x19DD0] =	vst v0  }
0x2b: {  	[tilespmem:$0x19DE0] =	vst v0  }
0x2c: {  	[tilespmem:$0x19DF0] =	vst v0  }
0x2d: {  	[tilespmem:$0x19E00] =	vst v0  }
0x2e: {  	[tilespmem:$0x19E10] =	vst v0  }
0x2f: {  	[tilespmem:$0x19E20] =	vst v0  }
0x30: {  	[tilespmem:$0x19E30] =	vst v0  }
0x31: {  	[tilespmem:$0x19E40] =	vst v0  }
0x32: {  	[tilespmem:$0x19E50] =	vst v0  }
0x33: {  	[tilespmem:$0x19E60] =	vst v0  }
0x34: {  	[tilespmem:$0x19E70] =	vst v0  }
0x35: {  	[tilespmem:$0x19E80] =	vst v0  }
0x36: {  	[tilespmem:$0x19E90] =	vst v0  }
0x37: {  	[tilespmem:$0x19EA0] =	vst v0  }
0x38: {  	[tilespmem:$0x19EB0] =	vst v0  }
0x39: {  	[tilespmem:$0x19EC0] =	vst v0  }
0x3a: {  	[tilespmem:$0x19ED0] =	vst v0  }
0x3b: {  	[tilespmem:$0x19EE0] =	vst v0  }
0x3c: {  	[tilespmem:$0x19EF0] =	vst v0  }
0x3d: {  	[tilespmem:$0x19F00] =	vst v0  }
0x3e: {  	[tilespmem:$0x19F10] =	vst v0  }
0x3f: {  	[tilespmem:$0x19F20] =	vst v0  }
0x40: {  	[tilespmem:$0x19F30] =	vst v0  }
0x41: {  	[tilespmem:$0x19F40] =	vst v0  }
0x42: {  	[tilespmem:$0x19F50] =	vst v0  }
0x43: {  	[tilespmem:$0x19F60] =	vst v0  }
0x44: {  	[tilespmem:$0x19F70] =	vst v0  }
0x45: {  	[tilespmem:$0x19F80] =	vst v0  }
0x46: {  	[tilespmem:$0x19F90] =	vst v0  }
0x47: {  	[tilespmem:$0x19FA0] =	vst v0  }
0x48: {  	[tilespmem:$0x19FB0] =	vst v0  }
0x49: {  	[tilespmem:$0x19FC0] =	vst v0  }
0x4a: {  	[tilespmem:$0x19FD0] =	vst v0  }
0x4b: {  	[tilespmem:$0x19FE0] =	vst v0  }
0x4c: {  	[tilespmem:$0x19FF0] =	vst v0  }
0x4d: {  	[tilespmem:$0x1A000] =	vst v0  }
0x4e: {  	[tilespmem:$0x1A010] =	vst v0  }
0x4f: {  	[tilespmem:$0x1A020] =	vst v0  }
0x50: {  	[tilespmem:$0x1A030] =	vst v0  }
0x51: {  	[tilespmem:$0x1A040] =	vst v0  }
0x52: {  	[tilespmem:$0x1A050] =	vst v0  }
0x53: {  	[tilespmem:$0x1A060] =	vst v0  }
0x54: {  	[tilespmem:$0x1A070] =	vst v0  }
0x55: {  	[tilespmem:$0x1A080] =	vst v0  }
0x56: {  	[tilespmem:$0x1A090] =	vst v0  }
0x57: {  	[tilespmem:$0x1A0A0] =	vst v0  }
0x58: {  	[tilespmem:$0x1A0B0] =	vst v0  }
0x59: {  	[tilespmem:$0x1A0C0] =	vst v0  }
0x5a: {  	[tilespmem:$0x1A0D0] =	vst v0  }
0x5b: {  	[tilespmem:$0x1A0E0] =	vst v0  }
0x5c: {  	[tilespmem:$0x1A0F0] =	vst v0  }
0x5d: {  	[tilespmem:$0x1A100] =	vst v0  }
0x5e: {  	[tilespmem:$0x1A110] =	vst v0  }
0x5f: {  	[tilespmem:$0x1A120] =	vst v0  }
0x60: {  	[tilespmem:$0x1A130] =	vst v0  }
0x61: {  	[tilespmem:$0x1A140] =	vst v0  }
0x62: {  	[tilespmem:$0x1A150] =	vst v0  }
0x63: {  	[tilespmem:$0x1A160] =	vst v0  }
0x64: {  	[tilespmem:$0x1A170] =	vst v0  }
0x65: {  	[tilespmem:$0x1A180] =	vst v0  }
0x66: {  	[tilespmem:$0x1A190] =	vst v0  }
0x67: {  	[tilespmem:$0x1A1A0] =	vst v0  }
0x68: {  	[tilespmem:$0x1A1B0] =	vst v0  }
0x69: {  	[tilespmem:$0x1A1C0] =	vst v0  }
0x6a: {  	[tilespmem:$0x1A1D0] =	vst v0  }
0x6b: {  	[tilespmem:$0x1A1E0] =	vst v0  }
0x6c: {  	[tilespmem:$0x1A1F0] =	vst v0  }
0x6d: {  	[tilespmem:$0x1A200] =	vst v0  }
0x6e: {  	[tilespmem:$0x1A210] =	vst v0  }
0x6f: {  	[tilespmem:$0x1A220] =	vst v0  }
0x70: {  	[tilespmem:$0x1A230] =	vst v0  }
0x71: {  	[tilespmem:$0x1A240] =	vst v0  }
0x72: {  	[tilespmem:$0x1A250] =	vst v0  }
0x73: {  	[tilespmem:$0x1A260] =	vst v0  }
0x74: {  	[tilespmem:$0x1A270] =	vst v0  }
0x75: {  	[tilespmem:$0x1A280] =	vst v0  }
0x76: {  	[tilespmem:$0x1A290] =	vst v0  }
0x77: {  	[tilespmem:$0x1A2A0] =	vst v0  }
0x78: {  	s31 =	sadd.s32 $0x0, s8;
	[tilespmem:$0x1A2B0] =	vst v0  }
0x79: {  	[spmem:s31] =	stream.linear.scatter [tilespmem:s12], [sflag:$0x7], $0x640, $0x38;
	[tilespmem:$0x1A2C0] =	vst v63  }
0x7a: {  	s0 =	simm.s32 $0x1900;
	_ =	swait.ge [sflag:s13], $0x640  }
.LBB2_2:
0x7b: {  	s31 =	sshra.s32 s0, $0x2;
	[sflag:s13] =	ssyncset.done $0x0;
	p0 =	sne.s32 s0, $0x25800  }
.Ltmp0:
0x7c: {  	s31 =	sadd.s32 s31, s8;
	[sflag:s13] =	ssyncadd.s32 $0xFFFFF9C0;
	(pc) =	sbr.rel @p0 .LBB2_2-.Ltmp0, $3  }
0x7d: {  	[spmem:s31] =	stream.linear.scatter [tilespmem:s12], [sflag:$0x7], $0x640, $0x38;
	[tilespmem:$0x1A2C0] =	vst v63  }
0x7e: {  	s0 =	sadd.s32 $0x1900, s0;
	_ =	sdelay $0x1  }
0x7f: {  	_ =	swait.ge [sflag:s13], $0x640  }
0x80: {  	[sflag:s13] =	ssyncset.done $0x0  }
0x81: {  	[sflag:s13] =	ssyncadd.s32 $0xFFFFF9C0  }
0x82: {  	_ =	swait.ge [sflag:s14], $0x4E20  }
0x83: {  	[sflag:s14] =	ssyncset.done $0x0  }
0x84: {  	[sflag:s14] =	ssyncadd.s32 $0xFFFFB1E0  }
0x85: {  	_ =	swait.ge [sflag:s14], $0x4E20  }
0x86: {  	[sflag:s14] =	ssyncset.done $0x0  }
0x87: {  	[sflag:s14] =	ssyncadd.s32 $0xFFFFB1E0  }
0x88: {  	[bflag:$0x0] =	sbarrier.arrive $0xFFFF  }
0x89: {  	[tilespmem:s16], [sflag:$0x1] =	stream.indirect.gather [hbm4b:s6+s15], $0x40, s10, s15, $0xb8;
	[tilespmem:$0x1A2C0] =	vst v63  }
0x8a: {  	s0 =	simm.s32 $0x9C90  }
0x8b: {  	[tilespmem:s18], [sflag:$0x2] =	stream.indirect.gather [hbm4b:s6+s15], $0x40, s0, s15, $0xb8;
	[tilespmem:$0x1A2C0] =	vst v63  }
0x8c: {  	s11 =	simm.s32 $0x9CE0  }
0x8d: {  	[tilespmem:s20], [sflag:$0x3] =	stream.indirect.gather [hbm4b:s6+s15], $0x40, s11, s15, $0xb8;
	[tilespmem:$0x1A2C0] =	vst v63  }
0x8e: {  	s11 =	simm.s32 $0x9D30  }
0x8f: {  	[tilespmem:s22], [sflag:$0x4] =	stream.indirect.gather [hbm4b:s6+s15], $0x40, s11, s15, $0xb8;
	[tilespmem:$0x1A2C0] =	vst v63  }
0x90: {  	_ =	swait.ge [sflag:s23], $0x1400  }
0x91: {  	[sflag:s23] =	ssyncset.done $0x0  }
0x92: {  	s11 =	simm.s32 $0xEA60;
	[sflag:s23] =	ssyncadd.s32 $0xFFFFEC00  }
0x93: {  	[spmem:s2] =	stream.indirect.scatter.add.f32 [tilespmem:s16], [sflag:$0x7], $0x40, s11, s15, $0xb8;
	[tilespmem:$0x1A2C0] =	vst v63  }
0x94: {  	_ =	swait.ge [sflag:s13], $0x1400  }
0x95: {  	[sflag:s13] =	ssyncset.done $0x0  }
0x96: {  	s11 =	simm.s32 $0x9D80;
	[sflag:s13] =	ssyncadd.s32 $0xFFFFEC00  }
0x97: {  	[tilespmem:s24], [sflag:$0x5] =	stream.indirect.gather [hbm4b:s6+s15], $0x40, s11, s15, $0xb8;
	[tilespmem:$0x1A2C0] =	vst v63  }
0x98: {  	_ =	swait.ge [sflag:s25], $0x1400  }
0x99: {  	[sflag:s25] =	ssyncset.done $0x0  }
0x9a: {  	s11 =	simm.s32 $0xEAB0;
	[sflag:s25] =	ssyncadd.s32 $0xFFFFEC00  }
0x9b: {  	[spmem:s2] =	stream.indirect.scatter.add.f32 [tilespmem:s18], [sflag:$0x7], $0x40, s11, s15, $0xb8;
	[tilespmem:$0x1A2C0] =	vst v63  }
0x9c: {  	_ =	swait.ge [sflag:s13], $0x1400  }
0x9d: {  	[sflag:s13] =	ssyncset.done $0x0  }
0x9e: {  	s11 =	simm.s32 $0x9DD0;
	[sflag:s13] =	ssyncadd.s32 $0xFFFFEC00  }
0x9f: {  	[tilespmem:s16], [sflag:$0x1] =	stream.indirect.gather [hbm4b:s6+s15], $0x40, s11, s15, $0xb8;
	[tilespmem:$0x1A2C0] =	vst v63  }
0xa0: {  	_ =	swait.ge [sflag:s26], $0x1400  }
0xa1: {  	[sflag:s26] =	ssyncset.done $0x0  }
0xa2: {  	s11 =	simm.s32 $0xEB00;
	[sflag:s26] =	ssyncadd.s32 $0xFFFFEC00  }
0xa3: {  	[spmem:s2] =	stream.indirect.scatter.add.f32 [tilespmem:s20], [sflag:$0x7], $0x40, s11, s15, $0xb8;
	[tilespmem:$0x1A2C0] =	vst v63  }
0xa4: {  	_ =	swait.ge [sflag:s13], $0x1400  }
0xa5: {  	[sflag:s13] =	ssyncset.done $0x0  }
0xa6: {  	s11 =	simm.s32 $0x9E20;
	[sflag:s13] =	ssyncadd.s32 $0xFFFFEC00  }
0xa7: {  	[tilespmem:s18], [sflag:$0x2] =	stream.indirect.gather [hbm4b:s6+s15], $0x40, s11, s15, $0xb8;
	[tilespmem:$0x1A2C0] =	vst v63  }
0xa8: {  	_ =	swait.ge [sflag:s28], $0x1400  }
0xa9: {  	[sflag:s28] =	ssyncset.done $0x0  }
0xaa: {  	s11 =	simm.s32 $0xEB50;
	[sflag:s28] =	ssyncadd.s32 $0xFFFFEC00  }
0xab: {  	[spmem:s2] =	stream.indirect.scatter.add.f32 [tilespmem:s22], [sflag:$0x7], $0x40, s11, s15, $0xb8;
	[tilespmem:$0x1A2C0] =	vst v63  }
0xac: {  	_ =	swait.ge [sflag:s13], $0x1400  }
0xad: {  	[sflag:s13] =	ssyncset.done $0x0  }
0xae: {  	s11 =	simm.s32 $0x9E70;
	[sflag:s13] =	ssyncadd.s32 $0xFFFFEC00  }
0xaf: {  	[tilespmem:s20], [sflag:$0x3] =	stream.indirect.gather [hbm4b:s6+s15], $0x40, s11, s15, $0xb8;
	[tilespmem:$0x1A2C0] =	vst v63  }
0xb0: {  	_ =	swait.ge [sflag:s29], $0x1400  }
0xb1: {  	[sflag:s29] =	ssyncset.done $0x0  }
0xb2: {  	s11 =	simm.s32 $0xEBA0;
	[sflag:s29] =	ssyncadd.s32 $0xFFFFEC00  }
0xb3: {  	[spmem:s2] =	stream.indirect.scatter.add.f32 [tilespmem:s24], [sflag:$0x7], $0x40, s11, s15, $0xb8;
	[tilespmem:$0x1A2C0] =	vst v63  }
0xb4: {  	_ =	swait.ge [sflag:s13], $0x1400  }
0xb5: {  	[sflag:s13] =	ssyncset.done $0x0  }
0xb6: {  	s31 =	simm.s32 $0x640;
	s0 =	simm.s32 $0x9EC0;
	[sflag:s13] =	ssyncadd.s32 $0xFFFFEC00  }
.LBB2_4:
0xb7: {  	[tilespmem:s22], [sflag:$0x4] =	stream.indirect.gather [hbm4b:s6+s15], $0x40, s0, s15, $0xb8;
	[tilespmem:$0x1A2C0] =	vst v63  }
0xb8: {  	s0 =	smov.u32 s31  }
0xb9: {  	p0 =	sne.s32 s31, $0x12C00;
	s31 =	sadd.s32 $0x640, s31;
	_ =	swait.ge [sflag:s23], $0x1400  }
0xba: {  	s0 =	sshra.s32 s0, $0x2;
	[sflag:s23] =	ssyncset.done $0x0  }
0xbb: {  	s11 =	sadd.s32 $0xEA60, s0;
	[sflag:s23] =	ssyncadd.s32 $0xFFFFEC00  }
0xbc: {  	[spmem:s2] =	stream.indirect.scatter.add.f32 [tilespmem:s16], [sflag:$0x7], $0x40, s11, s15, $0xb8;
	[tilespmem:$0x1A2C0] =	vst v63  }
0xbd: {  	_ =	swait.ge [sflag:s13], $0x1400  }
0xbe: {  	[sflag:s13] =	ssyncset.done $0x0  }
0xbf: {  	s11 =	sadd.s32 $0x9D80, s0;
	[sflag:s13] =	ssyncadd.s32 $0xFFFFEC00  }
0xc0: {  	[tilespmem:s24], [sflag:$0x5] =	stream.indirect.gather [hbm4b:s6+s15], $0x40, s11, s15, $0xb8;
	[tilespmem:$0x1A2C0] =	vst v63  }
0xc1: {  	_ =	swait.ge [sflag:s25], $0x1400  }
0xc2: {  	[sflag:s25] =	ssyncset.done $0x0  }
0xc3: {  	s11 =	sadd.s32 $0xEAB0, s0;
	[sflag:s25] =	ssyncadd.s32 $0xFFFFEC00  }
0xc4: {  	[spmem:s2] =	stream.indirect.scatter.add.f32 [tilespmem:s18], [sflag:$0x7], $0x40, s11, s15, $0xb8;
	[tilespmem:$0x1A2C0] =	vst v63  }
0xc5: {  	_ =	swait.ge [sflag:s13], $0x1400  }
0xc6: {  	[sflag:s13] =	ssyncset.done $0x0  }
0xc7: {  	s11 =	sadd.s32 $0x9DD0, s0;
	[sflag:s13] =	ssyncadd.s32 $0xFFFFEC00  }
0xc8: {  	[tilespmem:s16], [sflag:$0x1] =	stream.indirect.gather [hbm4b:s6+s15], $0x40, s11, s15, $0xb8;
	[tilespmem:$0x1A2C0] =	vst v63  }
0xc9: {  	_ =	swait.ge [sflag:s26], $0x1400  }
0xca: {  	[sflag:s26] =	ssyncset.done $0x0  }
0xcb: {  	s11 =	sadd.s32 $0xEB00, s0;
	[sflag:s26] =	ssyncadd.s32 $0xFFFFEC00  }
0xcc: {  	[spmem:s2] =	stream.indirect.scatter.add.f32 [tilespmem:s20], [sflag:$0x7], $0x40, s11, s15, $0xb8;
	[tilespmem:$0x1A2C0] =	vst v63  }
0xcd: {  	_ =	swait.ge [sflag:s13], $0x1400  }
0xce: {  	[sflag:s13] =	ssyncset.done $0x0  }
0xcf: {  	s11 =	sadd.s32 $0x9E20, s0;
	[sflag:s13] =	ssyncadd.s32 $0xFFFFEC00  }
0xd0: {  	[tilespmem:s18], [sflag:$0x2] =	stream.indirect.gather [hbm4b:s6+s15], $0x40, s11, s15, $0xb8;
	[tilespmem:$0x1A2C0] =	vst v63  }
0xd1: {  	_ =	swait.ge [sflag:s28], $0x1400  }
0xd2: {  	[sflag:s28] =	ssyncset.done $0x0  }
0xd3: {  	s11 =	sadd.s32 $0xEB50, s0;
	[sflag:s28] =	ssyncadd.s32 $0xFFFFEC00  }
0xd4: {  	[spmem:s2] =	stream.indirect.scatter.add.f32 [tilespmem:s22], [sflag:$0x7], $0x40, s11, s15, $0xb8;
	[tilespmem:$0x1A2C0] =	vst v63  }
0xd5: {  	_ =	swait.ge [sflag:s13], $0x1400  }
0xd6: {  	[sflag:s13] =	ssyncset.done $0x0  }
0xd7: {  	s11 =	sadd.s32 $0x9E70, s0;
	[sflag:s13] =	ssyncadd.s32 $0xFFFFEC00  }
0xd8: {  	[tilespmem:s20], [sflag:$0x3] =	stream.indirect.gather [hbm4b:s6+s15], $0x40, s11, s15, $0xb8;
	[tilespmem:$0x1A2C0] =	vst v63  }
0xd9: {  	_ =	swait.ge [sflag:s29], $0x1400  }
0xda: {  	[sflag:s29] =	ssyncset.done $0x0  }
.Ltmp1:
0xdb: {  	s11 =	sadd.s32 $0xEBA0, s0;
	[sflag:s29] =	ssyncadd.s32 $0xFFFFEC00;
	(pc) =	sbr.rel @p0 .LBB2_4-.Ltmp1, $4  }
0xdc: {  	[spmem:s2] =	stream.indirect.scatter.add.f32 [tilespmem:s24], [sflag:$0x7], $0x40, s11, s15, $0xb8;
	[tilespmem:$0x1A2C0] =	vst v63  }
0xdd: {  	_ =	swait.ge [sflag:s13], $0x1400  }
0xde: {  	[sflag:s13] =	ssyncset.done $0x0  }
0xdf: {  	s0 =	sadd.s32 $0x9EC0, s0;
	[sflag:s13] =	ssyncadd.s32 $0xFFFFEC00  }
0xe0: {  	[tilespmem:s22], [sflag:$0x4] =	stream.indirect.gather [hbm4b:s6+s15], $0x40, s0, s15, $0xb8;
	[tilespmem:$0x1A2C0] =	vst v63  }
0xe1: {  	_ =	swait.ge [sflag:s23], $0x1400  }
0xe2: {  	[sflag:s23] =	ssyncset.done $0x0  }
0xe3: {  	s31 =	simm.s32 $0x136F0;
	[sflag:s23] =	ssyncadd.s32 $0xFFFFEC00  }
0xe4: {  	[spmem:s2] =	stream.indirect.scatter.add.f32 [tilespmem:s16], [sflag:$0x7], $0x40, s31, s15, $0xb8;
	[tilespmem:$0x1A2C0] =	vst v63  }
0xe5: {  	_ =	swait.ge [sflag:s13], $0x1400  }
0xe6: {  	[sflag:s13] =	ssyncset.done $0x0  }
0xe7: {  	s11 =	simm.s32 $0xEA10;
	[sflag:s13] =	ssyncadd.s32 $0xFFFFEC00  }
0xe8: {  	[tilespmem:s24], [sflag:$0x5] =	stream.indirect.gather [hbm4b:s6+s15], $0x40, s11, s15, $0xb8;
	[tilespmem:$0x1A2C0] =	vst v63  }
0xe9: {  	_ =	swait.ge [sflag:s25], $0x1400  }
0xea: {  	[sflag:s25] =	ssyncset.done $0x0  }
0xeb: {  	s31 =	simm.s32 $0x13740;
	[sflag:s25] =	ssyncadd.s32 $0xFFFFEC00  }
0xec: {  	[spmem:s2] =	stream.indirect.scatter.add.f32 [tilespmem:s18], [sflag:$0x7], $0x40, s31, s15, $0xb8;
	[tilespmem:$0x1A2C0] =	vst v63  }
0xed: {  	_ =	swait.ge [sflag:s13], $0x1400  }
0xee: {  	[sflag:s13] =	ssyncset.done $0x0  }
0xef: {  	[sflag:s13] =	ssyncadd.s32 $0xFFFFEC00  }
0xf0: {  	_ =	swait.ge [sflag:s26], $0x1400  }
0xf1: {  	[sflag:s26] =	ssyncset.done $0x0  }
0xf2: {  	s11 =	simm.s32 $0x13790;
	[sflag:s26] =	ssyncadd.s32 $0xFFFFEC00  }
0xf3: {  	[spmem:s2] =	stream.indirect.scatter.add.f32 [tilespmem:s20], [sflag:$0x7], $0x40, s11, s15, $0xb8;
	[tilespmem:$0x1A2C0] =	vst v63  }
0xf4: {  	_ =	swait.ge [sflag:s13], $0x1400  }
0xf5: {  	[sflag:s13] =	ssyncset.done $0x0  }
0xf6: {  	[sflag:s13] =	ssyncadd.s32 $0xFFFFEC00  }
0xf7: {  	_ =	swait.ge [sflag:s28], $0x1400  }
0xf8: {  	[sflag:s28] =	ssyncset.done $0x0  }
0xf9: {  	[sflag:s28] =	ssyncadd.s32 $0xFFFFEC00  }
0xfa: {  	[spmem:s2] =	stream.indirect.scatter.add.f32 [tilespmem:s22], [sflag:$0x7], $0x40, s17, s15, $0xb8;
	[tilespmem:$0x1A2C0] =	vst v63  }
0xfb: {  	_ =	swait.ge [sflag:s13], $0x1400  }
0xfc: {  	[sflag:s13] =	ssyncset.done $0x0  }
0xfd: {  	[sflag:s13] =	ssyncadd.s32 $0xFFFFEC00  }
0xfe: {  	_ =	swait.ge [sflag:s29], $0x1400  }
0xff: {  	[sflag:s29] =	ssyncset.done $0x0  }
0x100: {  	[sflag:s29] =	ssyncadd.s32 $0xFFFFEC00  }
0x101: {  	[spmem:s2] =	stream.indirect.scatter.add.f32 [tilespmem:s24], [sflag:$0x7], $0x40, s19, s15, $0xb8;
	[tilespmem:$0x1A2C0] =	vst v63  }
0x102: {  	s31 =	stileid.u32;
	_ =	swait.ge [sflag:s13], $0x1400  }
0x103: {  	s30 =	sadd.s32 $0x1, s30;
	s0 =	sshll.u32 s31, $0x6;
	[sflag:s13] =	ssyncset.done $0x0  }
0x104: {  	p0 =	sne.s32 s30, s9;
	s0 =	sor.u32 $0x1C07, s0;
	[sflag:s13] =	ssyncadd.s32 $0xFFFFEC00  }
.Ltmp2:
0x105: {  	s11 =	sshrl.u32 s8, $0x3;
	[bflag:$0x0] =	sbarrier.arrive $0xFFFF;
	(pc) =	sbr.rel @p0 .LBB2_1-.Ltmp2, $4  }
0x106: {  	[hbm:s7@s21], [sflag:s0] =	dma.strided [spmem:s11@s1], $0x1388, s23, $0x8   }
0x107: {  	_ =	swait.ge [sflag:s13], $0x1388  }
0x108: {  	[sflag:s13] =	ssyncset.done $0x0  }
0x109: {  	[sflag:s13] =	ssyncadd.s32 $0xFFFFEC78  }
0x10a: {  	_ =	sfence.sel $0x180000  }
0x10b: {  	[bflag:$0x0] =	sbarrier.arrive $0xFFFF  }
0x10c: {  	_ =	strace $0x90000047  }
0x10d: {  	s0 =	stileid.u32;
	[bflag:$0x2] =	sbarrier.arrive $0xFFFF  }
0x10e: {  	p0 =	sne.s32 s0, $0x0;
	s0 =	rddreg [dreg:$0x2]  }
0x10f: {  	s0 =	sadd.s32 @!p0 $0x100000, s0  }
0x110: {  	[sflag:s0] =	ssyncadd.tile.s32 @!p0 $0x1;
	_ =	shalt  }
.Lfunc_end2:
_tile_overlayer_lowered:
.L_overlay_start_2:
0x111: {  	(tag) =	ssettag $0x2  }
0x112: {  	s0 =	rddreg [dreg:$0x0];
	s2 =	stileid.u32  }
0x113: {  	s1 =	rddreg [dreg:$0x1];
	p0 =	sne.s32 s2, $0x0  }
0x114: {  	s3 =	rddreg [dreg:$0x2];
	[bflag:$0x3] =	sbarrier.arrive $0xFFFF;
	s2 =	simm.s32 @!p0 $0x1C07  }
0x115: {  	[timem:s3], [sflag:s2] =	dma.local @!p0 [hbm:s0], s1  }
0x116: {  	s0 =	simm.s32 @!p0 $0x7  }
0x117: {  	_ =	swait.ge @!p0 [sflag:s0], s1  }
0x118: {  	s1 =	ssub.s32 @!p0 $0x0, s1;
	[sflag:s0] =	ssyncset.done @!p0 $0x0  }
0x119: {  	[sflag:s0] =	ssyncadd.s32 @!p0 s1  }
0x11a: {  	[bflag:$0x3] =	sbarrier.arrive $0xFFFF  }
0x11b: {  	_ =	shalt  }

</sc_bundles>
